<compile_context>
chip_gen: v7x
topology: tpu7x:2x2x1
jax: 0.10.2.dev20260603
libtpu: 0.0.44.dev20260713+nightly
codegen_flags: <defaults>
</compile_context>

<pallas_src>
import functools
import math

import numpy as np
import jax
import jax.numpy as jnp
from jax import lax
from jax.experimental import pallas as pl
from jax.experimental.pallas import tpu as pltpu
from jax.experimental.pallas import tpu_sc as plsc

NC = 2
NS = 16
NW = NC * NS

_PERM_NP = np.zeros((96, 96), np.float32)
for _u in range(32):
    for _i in range(3):
        _PERM_NP[3 * _u + _i, 32 * _i + _u] = 1.0

_LOG2 = math.log(2.0)
_C_IP = 1.0 / (3.0 * math.sqrt(3.0))
_C0 = math.sqrt(0.5)
_C1 = math.sqrt(1.5)


def _ssp(v):
    return jnp.maximum(v, 0.0) + jnp.log1p(jnp.exp(-jnp.abs(v))) - _LOG2


def _dot(a, b):
    return jax.lax.dot_general(a, b, (((1,), (0,)), ((), ())),
                               preferred_element_type=jnp.float32,
                               precision=jax.lax.Precision.HIGHEST)


def _node_a_body(x_ref, perm_ref, wpre0_ref, bpre0_ref, mpre1_ref, wp_ref,
                 t1_ref):
    x = x_ref[...]
    x0 = x[:, :32]
    x1u = x[:, 32:]
    pre0 = _dot(x0, wpre0_ref[...]) + bpre0_ref[...]
    pre1im = _dot(x1u, mpre1_ref[...])
    p = _dot(pre0, wp_ref[...])
    t1_ref[...] = jnp.concatenate([p, pre1im], axis=1)


def _node_b_body(x_ref, perm_ref, wg1_ref, bg1_ref, wg2_ref, bg2_ref,
                 wnode0_ref, bnode0_ref, mnode1_ref, t3_ref):
    x = x_ref[...]
    x0 = x[:, :32]
    x1u = x[:, 32:]
    x1im = _dot(x1u, perm_ref[...])
    n1 = jnp.sqrt(x1im[:, :32] ** 2 + x1im[:, 32:64] ** 2
                  + x1im[:, 64:96] ** 2 + 1e-12)
    f0 = jnp.concatenate([x0, n1], axis=1)
    h = _dot(f0, wg1_ref[...]) + bg1_ref[...]
    g = _dot(h * jax.nn.sigmoid(h), wg2_ref[...]) + bg2_ref[...]
    g1 = g[:, 32:64]
    g1t = jnp.concatenate([g1, g1, g1], axis=1)
    xg1im = x1im * g1t
    xl0 = _dot(g[:, :32], wnode0_ref[...]) + bnode0_ref[...]
    xl1im = _dot(xg1im, mnode1_ref[...])
    t3_ref[...] = jnp.concatenate([xl0, xl1im], axis=1)


def _edge_body(g1d_ref, g1s_ref, attrt_ref, sht_ref, wa_ref, wb_ref, w_ref):
    g1d = g1d_ref[...]
    g1s = g1s_ref[...]
    ip1 = (g1d[:, 32:64] * g1s[:, 32:64]
           + g1d[:, 64:96] * g1s[:, 64:96]
           + g1d[:, 96:128] * g1s[:, 96:128]) * _C_IP
    u = jnp.concatenate([ip1, attrt_ref[...].T], axis=1)
    huv = _dot(u, wa_ref[...])
    hs = _ssp(huv[:, :32] + g1d[:, :32])
    hf = _ssp(huv[:, 32:64])
    z = jnp.concatenate([hs, hf], axis=1)
    wz = _dot(z, wb_ref[...])
    w_ref[...] = wz[:, :64] * wz[:, 64:128] * sht_ref[...].T


def _final_body(pa_ref, pb_ref, pc_ref, t3_ref, wo0_ref, bo0_ref,
                mout_ref, o_ref):
    pa = pa_ref[...]
    pb = pb_ref[...]
    pc = pc_ref[...]
    t3 = t3_ref[...]
    p0 = pa[0] + pa[1] + pc[0]
    p1 = pb[0] + pb[1] + pc[1]
    acc0 = p0[:, :32] + p1[:, :32] + t3[:, :32]
    acc1 = p0[:, 32:] + p1[:, 32:] + t3[:, 32:128]
    o0 = _dot(acc0, wo0_ref[...]) + bo0_ref[...]
    o1 = _dot(acc1, mout_ref[...])
    o_ref[...] = jnp.concatenate([o0, o1], axis=1)


def _make_gather(n, es, ch, si):
    nch = (es // NW) // ch
    epw = es // NW
    mesh = plsc.VectorSubcoreMesh(core_axis_name="c", subcore_axis_name="s")

    @functools.partial(
        pl.kernel,
        out_type=[jax.ShapeDtypeStruct((es, 128), jnp.float32),
                  jax.ShapeDtypeStruct((es, 128), jnp.float32)],
        mesh=mesh,
        scratch_types=[
            pltpu.VMEM((nch, ch), jnp.int32),
            pltpu.VMEM((nch, ch), jnp.int32),
            pltpu.VMEM((ch, 128), jnp.float32),
            pltpu.VMEM((ch, 128), jnp.float32),
            pltpu.SemaphoreType.DMA,
            pltpu.SemaphoreType.DMA,
        ],
    )
    def gather(t1, dsti, srci, g1d, g1s, idxd, idxs, b1, b2, sem1, sem2):
        c = lax.axis_index("c")
        s = lax.axis_index("s")
        wid = s * NC + c
        base = wid * epw
        pltpu.sync_copy(dsti.at[si * NW + wid], idxd)
        pltpu.sync_copy(srci.at[si * NW + wid], idxs)

        def body(j, carry):
            cp1 = pltpu.async_copy(t1.at[idxd.at[j]], b1, sem1)
            cp2 = pltpu.async_copy(t1.at[idxs.at[j]], b2, sem2)
            cp1.wait()
            cp2.wait()
            pltpu.sync_copy(b1, g1d.at[pl.ds(base + j * ch, ch)])
            pltpu.sync_copy(b2, g1s.at[pl.ds(base + j * ch, ch)])
            return carry

        lax.fori_loop(0, nch, body, 0)

    return gather


def _make_scatter(n_pad, es, ch, slabs):
    nch = (es // NW) // ch
    epw = es // NW
    npt = n_pad // NS
    nslab = len(slabs)
    mesh = plsc.VectorSubcoreMesh(core_axis_name="c", subcore_axis_name="s")

    @functools.partial(
        pl.kernel,
        out_type=jax.ShapeDtypeStruct((NC, n_pad, 128), jnp.float32),
        mesh=mesh,
        scratch_types=[
            pltpu.VMEM((nch, ch), jnp.int32),
            pltpu.VMEM((nch, ch), jnp.int32),
            pltpu.VMEM((ch, 64), jnp.float32),
            pltpu.VMEM((ch, 128), jnp.float32),
            pltpu.VMEM((ch, 128), jnp.float32),
            pltpu.VMEM_SHARED((n_pad, 128), jnp.float32),
            pltpu.SemaphoreType.DMA,
        ],
    )
    def scatter(*refs):
        ws = refs[:nslab]
        t3 = refs[nslab]
        dsti = refs[nslab + 1]
        srci = refs[nslab + 2]
        zeros = refs[nslab + 3]
        out = refs[nslab + 4]
        idxd, idxs, bufw, bufx, bufe, shared, sem = refs[nslab + 5:]
        c = lax.axis_index("c")
        s = lax.axis_index("s")
        wid = s * NC + c
        base = wid * epw
        pltpu.sync_copy(zeros.at[pl.ds(s * npt, npt)],
                        shared.at[pl.ds(s * npt, npt)])
        plsc.subcore_barrier()

        for wslab, si in zip(ws, slabs):
            pltpu.sync_copy(dsti.at[si * NW + wid], idxd)
            pltpu.sync_copy(srci.at[si * NW + wid], idxs)

            def body(j, carry):
                cpx = pltpu.async_copy(t3.at[idxs.at[j]], bufx, sem)
                pltpu.sync_copy(wslab.at[pl.ds(base + j * ch, ch)], bufw)
                cpx.wait()

                def edge(p, carry2):
                    wv = [bufw[p, pl.ds(16 * k, 16)] for k in range(4)]
                    sel = [0, 1, 2, 3, 2, 3, 2, 3]
                    for k in range(8):
                        bufe[p, pl.ds(16 * k, 16)] = (
                            bufx[p, pl.ds(16 * k, 16)] * wv[sel[k]])
                    return carry2

                lax.fori_loop(0, ch, edge, 0)
                pltpu.sync_copy(bufe, shared.at[idxd.at[j]], add=True)
                return carry

            lax.fori_loop(0, nch, body, 0)
        plsc.subcore_barrier()
        pltpu.sync_copy(shared.at[pl.ds(s * npt, npt)],
                        out.at[c].at[pl.ds(s * npt, npt)])

    return scatter


def kernel(x, edge_index, edge_sh, edge_attr, W_pre0, b_pre0, W_pre1,
           W_node0, b_node0, W_node1, Wg1, bg1, Wg2, bg2, Wf1, Wf2,
           Wl1, Wl2, Wo0, bo0, Wo1):
    n = x.shape[0]
    e = edge_index.shape[1]
    ch = 80
    n_pad = ((n + 8 * NS - 1) // (8 * NS)) * 8 * NS
    assert e % NW == 0 and (e // NW) % ch == 0

    f32 = jnp.float32
    perm = jnp.asarray(_PERM_NP)
    i3 = jnp.eye(3, dtype=f32)
    s32 = 1.0 / math.sqrt(32.0)

    m_pre1 = (W_pre1[:, None, None, :] * i3[None, :, :, None]
              * s32).reshape(96, 96)
    m_node1 = (i3[:, None, :, None] * W_node1[None, :, None, :]
               * s32).reshape(96, 96)
    wp = (Wl1[:32] + Wl1[32:64]) / math.sqrt(96.0)
    wc = Wl1[64:96] / math.sqrt(96.0)
    wl2 = Wl2 / math.sqrt(32.0)
    wf1 = Wf1 / math.sqrt(16.0)
    wf2 = Wf2 / math.sqrt(32.0)
    m_out = (i3[:, None, None, :] * Wo1[None, :, :, None]
             * s32).reshape(96, 96)
    wo0 = Wo0 * s32
    bpre0 = b_pre0.reshape(1, 32)
    bnode0 = b_node0.reshape(1, 32)
    bg1r = bg1.reshape(1, 64)
    bg2r = bg2.reshape(1, 64)
    bo0r = bo0.reshape(1, 32)

    wa = jnp.zeros((48, 64), f32)
    wa = wa.at[:32, :32].set(wc).at[32:48, 32:64].set(wf1)
    col_scale = jnp.concatenate([jnp.full((32,), _C0, f32),
                                 jnp.full((32,), _C1, f32)])
    wb = jnp.zeros((64, 128), f32)
    wb = wb.at[:32, :64].set(wl2 * col_scale[None, :]).at[32:64, 64:128].set(wf2)

    bn = 2000
    gn = n // bn
    be = 6400

    def full(shape):
        return pl.BlockSpec(shape, lambda i: (0,) * len(shape))

    t1 = pl.pallas_call(
        _node_a_body,
        grid=(gn,),
        in_specs=[
            pl.BlockSpec((bn, 128), lambda i: (i, 0)),
            full((96, 96)), full((32, 32)), full((1, 32)), full((96, 96)),
            full((32, 32)),
        ],
        out_specs=pl.BlockSpec((bn, 128), lambda i: (i, 0)),
        out_shape=jax.ShapeDtypeStruct((n, 128), f32),
        compiler_params=pltpu.CompilerParams(
            dimension_semantics=("arbitrary",)),
    )(x, perm, W_pre0 * s32, bpre0, m_pre1, wp)
    t3 = pl.pallas_call(
        _node_b_body,
        grid=(gn,),
        in_specs=[
            pl.BlockSpec((bn, 128), lambda i: (i, 0)),
            full((96, 96)), full((64, 64)), full((1, 64)), full((64, 64)),
            full((1, 64)), full((32, 32)), full((1, 32)), full((96, 96)),
        ],
        out_specs=pl.BlockSpec((bn, 128), lambda i: (i, 0)),
        out_shape=jax.ShapeDtypeStruct((n, 128), f32),
        compiler_params=pltpu.CompilerParams(
            dimension_semantics=("arbitrary",)),
    )(x, perm, Wg1, bg1r, Wg2, bg2r, W_node0 * s32, bnode0, m_node1)

    nslab = 5
    es = e // nslab
    epw = es // NW
    nch = epw // ch
    assert es % NW == 0 and epw % ch == 0 and es % be == 0
    ges = es // be
    dst3 = edge_index[0].reshape(nslab * NW, nch, ch)
    src3 = edge_index[1].reshape(nslab * NW, nch, ch)
    attr_t = edge_attr.T
    sh_t = edge_sh.reshape(1, e)
    w_slabs = []
    for si in range(nslab):
        g1d, g1s = _make_gather(n, es, ch, si)(t1, dst3, src3)
        base_blk = si * ges
        ws = pl.pallas_call(
            _edge_body,
            grid=(ges,),
            in_specs=[
                pl.BlockSpec((be, 128), lambda i: (i, 0)),
                pl.BlockSpec((be, 128), lambda i: (i, 0)),
                pl.BlockSpec((16, be), lambda i, b=base_blk: (0, b + i)),
                pl.BlockSpec((1, be), lambda i, b=base_blk: (0, b + i)),
                full((48, 64)), full((64, 128)),
            ],
            out_specs=pl.BlockSpec((be, 64), lambda i: (i, 0)),
            out_shape=jax.ShapeDtypeStruct((es, 64), f32),
            compiler_params=pltpu.CompilerParams(
                dimension_semantics=("arbitrary",)),
        )(g1d, g1s, attr_t, sh_t, wa, wb)
        w_slabs.append(ws)

    zeros = jnp.zeros((n_pad, 128), f32)
    pacc_a = _make_scatter(n_pad, es, ch, (0, 1))(
        w_slabs[0], w_slabs[1], t3, dst3, src3, zeros)
    pacc_b = _make_scatter(n_pad, es, ch, (2, 3))(
        w_slabs[2], w_slabs[3], t3, dst3, src3, zeros)
    pacc_c = _make_scatter(n_pad, es, ch, (4,))(
        w_slabs[4], t3, dst3, src3, zeros)

    out = pl.pallas_call(
        _final_body,
        grid=(gn,),
        in_specs=[
            pl.BlockSpec((NC, bn, 128), lambda i: (0, i, 0)),
            pl.BlockSpec((NC, bn, 128), lambda i: (0, i, 0)),
            pl.BlockSpec((NC, bn, 128), lambda i: (0, i, 0)),
            pl.BlockSpec((bn, 128), lambda i: (i, 0)),
            full((32, 32)), full((1, 32)), full((96, 96)),
        ],
        out_specs=pl.BlockSpec((bn, 128), lambda i: (i, 0)),
        out_shape=jax.ShapeDtypeStruct((n, 128), f32),
        compiler_params=pltpu.CompilerParams(
            dimension_semantics=("arbitrary",)),
    )(pacc_a, pacc_b, pacc_c, t3, wo0, bo0r, m_out)

    return out

# --- scband reference (transcript-rebuilt; emitter-appended) ---
"""Pipeline reference for scband-conv-layer-20839181320724 (READ-ONLY COPY).

The authoritative reference and input builder live on the scoring server;
editing this copy changes nothing except your own understanding.
"""

import jax, jax.numpy as jnp
import numpy as np
import math

N = 10000
E = 320000


def ssp(x):
    return jax.nn.softplus(x) - math.log(2.0)


def _mlp(x, W1, W2):
    # e3nn FullyConnectedNet([d_in, 32, d_out], ssp): variance-scaled linear -> act -> variance-scaled linear
    h = ssp(x @ W1 / math.sqrt(W1.shape[0]))
    return h @ W2 / math.sqrt(W2.shape[0])


def _lin_irrep(x, W0, b0, W1):
    # o3.Linear on 32x0e+32x1o: per-l channel mixing, bias only on scalars, 1/sqrt(fan_in) norm
    x0 = x[:, :32]
    x1 = x[:, 32:].reshape(-1, 32, 3)
    s = 1.0 / math.sqrt(32.0)
    y0 = x0 @ W0 * s + b0
    y1 = jnp.einsum('nui,uv->nvi', x1, W1) * s
    return jnp.concatenate([y0, y1.reshape(-1, 96)], axis=-1)


def _inner_product(a, b):
    # InnerProduct: uuu TP to scalars with path weight 1/ir.dim (component normalization)
    out0 = a[:, :32] * b[:, :32]
    a1 = a[:, 32:].reshape(-1, 32, 3)
    b1 = b[:, 32:].reshape(-1, 32, 3)
    out1 = jnp.sum(a1 * b1, axis=-1) * (1.0 / (3.0 * math.sqrt(3.0)))
    return jnp.concatenate([out0, out1], axis=-1)


def _norm_gate(x, Wg1, bg1, Wg2, bg2):
    x0 = x[:, :32]
    x1 = x[:, 32:].reshape(-1, 32, 3)
    n1 = jnp.sqrt(jnp.sum(x1 ** 2, axis=-1) + 1e-12)
    f0 = jnp.concatenate([x0, n1], axis=-1)
    g = jax.nn.silu(f0 @ Wg1 + bg1) @ Wg2 + bg2
    gated = x1 * g[:, 32:64][:, :, None]
    return jnp.concatenate([g[:, :32], gated.reshape(-1, 96)], axis=-1)


def setup_inputs(seed: int = 0):
    key = jax.random.key(seed)
    ks = jax.random.split(key, 24)

    def rn(i, shape, scale=1.0):
        return jax.random.normal(ks[i], shape, dtype=jnp.float32) * scale

    inp = {}
    inp['x'] = rn(0, (N, 128))
    inp['edge_index'] = jax.random.randint(ks[1], (2, E), 0, N, dtype=jnp.int32)
    inp['edge_sh'] = rn(2, (E, 1))
    inp['edge_attr'] = rn(3, (E, 16))
    inp['W_pre0'] = rn(4, (32, 32))
    inp['b_pre0'] = jnp.zeros((32,), jnp.float32)
    inp['W_pre1'] = rn(5, (32, 32))
    inp['W_node0'] = rn(6, (32, 32))
    inp['b_node0'] = jnp.zeros((32,), jnp.float32)
    inp['W_node1'] = rn(7, (32, 32))
    inp['Wg1'] = rn(8, (64, 64), 0.125)
    inp['bg1'] = jnp.zeros((64,), jnp.float32)
    inp['Wg2'] = rn(9, (64, 64), 0.125)
    inp['bg2'] = jnp.zeros((64,), jnp.float32)
    inp['Wf1'] = rn(10, (16, 32))
    inp['Wf2'] = rn(11, (32, 64))
    inp['Wl1'] = rn(12, (96, 32))
    inp['Wl2'] = rn(13, (32, 64))
    inp['Wo0'] = rn(14, (32, 32))
    inp['bo0'] = jnp.zeros((32,), jnp.float32)
    inp['Wo1'] = rn(15, (32, 32))
    return inp


def reference(x, edge_index, edge_sh, edge_attr, W_pre0, b_pre0, W_pre1, W_node0, b_node0, W_node1, Wg1, bg1, Wg2, bg2, Wf1, Wf2, Wl1, Wl2, Wo0, bo0, Wo1):
    edge_dst = edge_index[0]
    edge_src = edge_index[1]
    # use_norm_gate branch
    pre_x = _lin_irrep(x, W_pre0, b_pre0, W_pre1)
    pd = pre_x[edge_dst]
    ps = pre_x[edge_src]
    ip = _inner_product(pd, ps)
    s0 = jnp.concatenate([pd[:, :32], pd[:, :32], ip[:, 32:]], axis=-1)  # [E, 96]
    xg = _norm_gate(x, Wg1, bg1, Wg2, bg2)
    xl = _lin_irrep(xg, W_node0, b_node0, W_node1)
    self_x = xl
    # external tensor-product weights from edge invariants
    w_edge = _mlp(edge_attr, Wf1, Wf2) * _mlp(s0, Wl1, Wl2)  # [E, 64]
    xs = xl[edge_src]
    x0s = xs[:, :32]
    x1s = xs[:, 32:].reshape(-1, 32, 3)
    sh0 = edge_sh[:, 0:1]
    # uvu TP with sh irrep 1x0e: scalar gating per path, e3nn path weights sqrt(dim/sum)
    ef0 = math.sqrt(0.5) * x0s * sh0 * w_edge[:, :32]
    ef1 = math.sqrt(1.5) * x1s * sh0[:, :, None] * w_edge[:, 32:64][:, :, None]
    edge_features = jnp.concatenate([ef0, ef1.reshape(-1, 96)], axis=-1)
    out = jnp.zeros((x.shape[0], 128), x.dtype).at[edge_dst].add(edge_features)
    # irrep_in_node == irrep_out -> residual
    out = out + self_x
    # linear_out
    o0 = out[:, :32] @ Wo0 / math.sqrt(32.0) + bo0
    o1 = jnp.einsum('nui,uv->nvi', out[:, 32:].reshape(-1, 32, 3), Wo1) / math.sqrt(32.0)
    return jnp.concatenate([o0, o1.reshape(-1, 96)], axis=-1)

if __name__ == "__main__":
    import jax
    _d = setup_inputs()
    print(jax.jit(kernel)(*tuple(_d.values())))

</pallas_src>

<mosaic_0001>
#map = affine_map<(d0, d1) -> (0, 0)>
#map1 = affine_map<(d0, d1) -> (0, 0, 0)>
module attributes {stable_mosaic.version = 14 : i64} {
  func.func @gather(%arg0: i32, %arg1: i32, %arg2: memref<10000x128xf32, #tpu.memory_space<hbm>>, %arg3: memref<160x25x80xi32, #tpu.memory_space<hbm>>, %arg4: memref<160x25x80xi32, #tpu.memory_space<hbm>>, %arg5: memref<64000x128xf32, #tpu.memory_space<hbm>>, %arg6: memref<64000x128xf32, #tpu.memory_space<hbm>>, %arg7: memref<25x80xi32, #tpu.memory_space<vmem>>, %arg8: memref<25x80xi32, #tpu.memory_space<vmem>>, %arg9: memref<80x128xf32, #tpu.memory_space<vmem>>, %arg10: memref<80x128xf32, #tpu.memory_space<vmem>>, %arg11: memref<!tpu.dma_semaphore, #tpu.memory_space<semaphore_mem>>, %arg12: memref<!tpu.dma_semaphore, #tpu.memory_space<semaphore_mem>>) attributes {dimension_semantics = [#tpu.dimension_semantics<core_parallel>, #tpu.dimension_semantics<subcore_parallel>], iteration_bounds = array<i64: 2, 16>, scalar_prefetch = 0 : i64, scratch_operands = 6 : i64, tpu.core_type = #tpu.core_type<sc_vector_subcore>, window_params = [{transform_indices = #map}, {transform_indices = #map1}, {transform_indices = #map1}, {transform_indices = #map}, {transform_indices = #map}]} {
    %mul3A = arith.constant 2 : i32
    %mul3A_0 = arith.muli %arg1, %mul3A : i32
    %add3A = arith.addi %mul3A_0, %arg0 : i32
    %mul3A_1 = arith.constant 2000 : i32
    %mul3A_2 = arith.muli %add3A, %mul3A_1 : i32
    %add3A_3 = arith.constant 0 : i32
    %add3A_4 = arith.addi %add3A_3, %add3A : i32
    "tpu.region"() ({
      %run_scoped3A = tpu.sem_alloc : memref<!tpu.dma_semaphore, #tpu.memory_space<semaphore_mem>>
      %dma_start3A = arith.constant 0 : i32
      %dma_start3A_12 = arith.constant 0 : i32
      %dma_start3A_13 = tpu.memref_slice %arg3[%add3A_4, %dma_start3A, %dma_start3A_12] : memref<160x25x80xi32, #tpu.memory_space<hbm>> -> memref<1x25x80xi32, #tpu.memory_space<hbm>>
      %dma_start3A_14 = tpu.memref_squeeze %dma_start3A_13 : memref<1x25x80xi32, #tpu.memory_space<hbm>> -> memref<25x80xi32, #tpu.memory_space<hbm>>
      %dma_start3A_15 = arith.constant 0 : i32
      %dma_start3A_16 = arith.constant 0 : i32
      %dma_start3A_17 = tpu.memref_slice %arg3[%add3A_4, %dma_start3A_15, %dma_start3A_16] : memref<160x25x80xi32, #tpu.memory_space<hbm>> -> memref<1x25x80xi32, #tpu.memory_space<hbm>>
      %dma_start3A_18 = tpu.memref_squeeze %dma_start3A_17 : memref<1x25x80xi32, #tpu.memory_space<hbm>> -> memref<25x80xi32, #tpu.memory_space<hbm>>
      tpu.enqueue_dma source(%dma_start3A_18 : memref<25x80xi32, #tpu.memory_space<hbm>>) target(%arg7 : memref<25x80xi32, #tpu.memory_space<vmem>>) target_semaphore(%run_scoped3A : memref<!tpu.dma_semaphore, #tpu.memory_space<semaphore_mem>>)
      %dma_wait3A = arith.constant 0 : i32
      %dma_wait3A_19 = arith.constant 0 : i32
      %dma_wait3A_20 = tpu.memref_slice %arg3[%add3A_4, %dma_wait3A, %dma_wait3A_19] : memref<160x25x80xi32, #tpu.memory_space<hbm>> -> memref<1x25x80xi32, #tpu.memory_space<hbm>>
      %dma_wait3A_21 = tpu.memref_squeeze %dma_wait3A_20 : memref<1x25x80xi32, #tpu.memory_space<hbm>> -> memref<25x80xi32, #tpu.memory_space<hbm>>
      %dma_wait3A_22 = arith.constant 0 : i32
      %dma_wait3A_23 = arith.constant 0 : i32
      %dma_wait3A_24 = tpu.memref_slice %arg3[%add3A_4, %dma_wait3A_22, %dma_wait3A_23] : memref<160x25x80xi32, #tpu.memory_space<hbm>> -> memref<1x25x80xi32, #tpu.memory_space<hbm>>
      %dma_wait3A_25 = tpu.memref_squeeze %dma_wait3A_24 : memref<1x25x80xi32, #tpu.memory_space<hbm>> -> memref<25x80xi32, #tpu.memory_space<hbm>>
      tpu.wait_dma2 semaphore(%run_scoped3A : memref<!tpu.dma_semaphore, #tpu.memory_space<semaphore_mem>>) src(%dma_wait3A_25 : memref<25x80xi32, #tpu.memory_space<hbm>>) dst(%arg7 : memref<25x80xi32, #tpu.memory_space<vmem>>)
      tpu.yield
    }) : () -> ()
    %add3A_5 = arith.constant 0 : i32
    %add3A_6 = arith.addi %add3A_5, %add3A : i32
    "tpu.region"() ({
      %run_scoped3A = tpu.sem_alloc : memref<!tpu.dma_semaphore, #tpu.memory_space<semaphore_mem>>
      %dma_start3A = arith.constant 0 : i32
      %dma_start3A_12 = arith.constant 0 : i32
      %dma_start3A_13 = tpu.memref_slice %arg4[%add3A_6, %dma_start3A, %dma_start3A_12] : memref<160x25x80xi32, #tpu.memory_space<hbm>> -> memref<1x25x80xi32, #tpu.memory_space<hbm>>
      %dma_start3A_14 = tpu.memref_squeeze %dma_start3A_13 : memref<1x25x80xi32, #tpu.memory_space<hbm>> -> memref<25x80xi32, #tpu.memory_space<hbm>>
      %dma_start3A_15 = arith.constant 0 : i32
      %dma_start3A_16 = arith.constant 0 : i32
      %dma_start3A_17 = tpu.memref_slice %arg4[%add3A_6, %dma_start3A_15, %dma_start3A_16] : memref<160x25x80xi32, #tpu.memory_space<hbm>> -> memref<1x25x80xi32, #tpu.memory_space<hbm>>
      %dma_start3A_18 = tpu.memref_squeeze %dma_start3A_17 : memref<1x25x80xi32, #tpu.memory_space<hbm>> -> memref<25x80xi32, #tpu.memory_space<hbm>>
      tpu.enqueue_dma source(%dma_start3A_18 : memref<25x80xi32, #tpu.memory_space<hbm>>) target(%arg8 : memref<25x80xi32, #tpu.memory_space<vmem>>) target_semaphore(%run_scoped3A : memref<!tpu.dma_semaphore, #tpu.memory_space<semaphore_mem>>)
      %dma_wait3A = arith.constant 0 : i32
      %dma_wait3A_19 = arith.constant 0 : i32
      %dma_wait3A_20 = tpu.memref_slice %arg4[%add3A_6, %dma_wait3A, %dma_wait3A_19] : memref<160x25x80xi32, #tpu.memory_space<hbm>> -> memref<1x25x80xi32, #tpu.memory_space<hbm>>
      %dma_wait3A_21 = tpu.memref_squeeze %dma_wait3A_20 : memref<1x25x80xi32, #tpu.memory_space<hbm>> -> memref<25x80xi32, #tpu.memory_space<hbm>>
      %dma_wait3A_22 = arith.constant 0 : i32
      %dma_wait3A_23 = arith.constant 0 : i32
      %dma_wait3A_24 = tpu.memref_slice %arg4[%add3A_6, %dma_wait3A_22, %dma_wait3A_23] : memref<160x25x80xi32, #tpu.memory_space<hbm>> -> memref<1x25x80xi32, #tpu.memory_space<hbm>>
      %dma_wait3A_25 = tpu.memref_squeeze %dma_wait3A_24 : memref<1x25x80xi32, #tpu.memory_space<hbm>> -> memref<25x80xi32, #tpu.memory_space<hbm>>
      tpu.wait_dma2 semaphore(%run_scoped3A : memref<!tpu.dma_semaphore, #tpu.memory_space<semaphore_mem>>) src(%dma_wait3A_25 : memref<25x80xi32, #tpu.memory_space<hbm>>) dst(%arg8 : memref<25x80xi32, #tpu.memory_space<vmem>>)
      tpu.yield
    }) : () -> ()
    %scan3A = arith.constant 0 : i32
    %scan3A_7 = arith.constant 0 : i32
    %scan3A_8 = arith.constant 25 : i32
    %scan3A_9 = arith.addi %scan3A_7, %scan3A_8 : i32
    %scan3A_10 = arith.constant 1 : i32
    scf.for %scan3A_12 = %scan3A_7 to %scan3A_9 step %scan3A_10  : i32 {
      %dma_start3A = arith.constant 0 : i32
      %dma_start3A_13 = tpu.memref_slice %arg7[%scan3A_12, %dma_start3A] : memref<25x80xi32, #tpu.memory_space<vmem>> -> memref<1x80xi32, #tpu.memory_space<vmem>>
      %dma_start3A_14 = tpu.memref_squeeze %dma_start3A_13 : memref<1x80xi32, #tpu.memory_space<vmem>> -> memref<80xi32, #tpu.memory_space<vmem>>
      %dma_start3A_15 = arith.constant 0 : i32
      %dma_start3A_16 = arith.constant 0 : i32
      %dma_start3A_17 = tpu.memref_slice %arg2[%dma_start3A_15, %dma_start3A_16] : memref<10000x128xf32, #tpu.memory_space<hbm>> -> memref<10000x128xf32, #tpu.memory_space<hbm>>
      tpu.enqueue_indirect_dma source(%dma_start3A_17 : memref<10000x128xf32, #tpu.memory_space<hbm>>) target(%arg9 : memref<80x128xf32, #tpu.memory_space<vmem>>) offsets(%dma_start3A_14 : memref<80xi32, #tpu.memory_space<vmem>>) semaphore(%arg11 : memref<!tpu.dma_semaphore, #tpu.memory_space<semaphore_mem>>)
      %dma_start3A_18 = arith.constant 0 : i32
      %dma_start3A_19 = tpu.memref_slice %arg8[%scan3A_12, %dma_start3A_18] : memref<25x80xi32, #tpu.memory_space<vmem>> -> memref<1x80xi32, #tpu.memory_space<vmem>>
      %dma_start3A_20 = tpu.memref_squeeze %dma_start3A_19 : memref<1x80xi32, #tpu.memory_space<vmem>> -> memref<80xi32, #tpu.memory_space<vmem>>
      %dma_start3A_21 = arith.constant 0 : i32
      %dma_start3A_22 = arith.constant 0 : i32
      %dma_start3A_23 = tpu.memref_slice %arg2[%dma_start3A_21, %dma_start3A_22] : memref<10000x128xf32, #tpu.memory_space<hbm>> -> memref<10000x128xf32, #tpu.memory_space<hbm>>
      tpu.enqueue_indirect_dma source(%dma_start3A_23 : memref<10000x128xf32, #tpu.memory_space<hbm>>) target(%arg10 : memref<80x128xf32, #tpu.memory_space<vmem>>) offsets(%dma_start3A_20 : memref<80xi32, #tpu.memory_space<vmem>>) semaphore(%arg12 : memref<!tpu.dma_semaphore, #tpu.memory_space<semaphore_mem>>)
      %dma_wait3A = arith.constant 0 : i32
      %dma_wait3A_24 = tpu.memref_slice %arg7[%scan3A_12, %dma_wait3A] : memref<25x80xi32, #tpu.memory_space<vmem>> -> memref<1x80xi32, #tpu.memory_space<vmem>>
      %dma_wait3A_25 = tpu.memref_squeeze %dma_wait3A_24 : memref<1x80xi32, #tpu.memory_space<vmem>> -> memref<80xi32, #tpu.memory_space<vmem>>
      %dma_wait3A_26 = arith.constant 0 : i32
      %dma_wait3A_27 = arith.constant 0 : i32
      %dma_wait3A_28 = tpu.memref_slice %arg2[%dma_wait3A_26, %dma_wait3A_27] : memref<10000x128xf32, #tpu.memory_space<hbm>> -> memref<10000x128xf32, #tpu.memory_space<hbm>>
      tpu.wait_indirect_dma semaphore(%arg11 : memref<!tpu.dma_semaphore, #tpu.memory_space<semaphore_mem>>) src(%dma_wait3A_28 : memref<10000x128xf32, #tpu.memory_space<hbm>>) dst(%arg9 : memref<80x128xf32, #tpu.memory_space<vmem>>)
      %dma_wait3A_29 = arith.constant 0 : i32
      %dma_wait3A_30 = tpu.memref_slice %arg8[%scan3A_12, %dma_wait3A_29] : memref<25x80xi32, #tpu.memory_space<vmem>> -> memref<1x80xi32, #tpu.memory_space<vmem>>
      %dma_wait3A_31 = tpu.memref_squeeze %dma_wait3A_30 : memref<1x80xi32, #tpu.memory_space<vmem>> -> memref<80xi32, #tpu.memory_space<vmem>>
      %dma_wait3A_32 = arith.constant 0 : i32
      %dma_wait3A_33 = arith.constant 0 : i32
      %dma_wait3A_34 = tpu.memref_slice %arg2[%dma_wait3A_32, %dma_wait3A_33] : memref<10000x128xf32, #tpu.memory_space<hbm>> -> memref<10000x128xf32, #tpu.memory_space<hbm>>
      tpu.wait_indirect_dma semaphore(%arg12 : memref<!tpu.dma_semaphore, #tpu.memory_space<semaphore_mem>>) src(%dma_wait3A_34 : memref<10000x128xf32, #tpu.memory_space<hbm>>) dst(%arg10 : memref<80x128xf32, #tpu.memory_space<vmem>>)
      %mul3A_35 = arith.constant 80 : i32
      %mul3A_36 = arith.muli %scan3A_12, %mul3A_35 : i32
      %add3A_37 = arith.addi %mul3A_2, %mul3A_36 : i32
      "tpu.region"() ({
        %run_scoped3A = tpu.sem_alloc : memref<!tpu.dma_semaphore, #tpu.memory_space<semaphore_mem>>
        %dma_start3A_41 = arith.constant 0 : i32
        %dma_start3A_42 = tpu.memref_slice %arg5[%add3A_37, %dma_start3A_41] : memref<64000x128xf32, #tpu.memory_space<hbm>> -> memref<80x128xf32, #tpu.memory_space<hbm>>
        %dma_start3A_43 = arith.constant 0 : i32
        %dma_start3A_44 = tpu.memref_slice %arg5[%add3A_37, %dma_start3A_43] : memref<64000x128xf32, #tpu.memory_space<hbm>> -> memref<80x128xf32, #tpu.memory_space<hbm>>
        tpu.enqueue_dma source(%arg9 : memref<80x128xf32, #tpu.memory_space<vmem>>) target(%dma_start3A_44 : memref<80x128xf32, #tpu.memory_space<hbm>>) target_semaphore(%run_scoped3A : memref<!tpu.dma_semaphore, #tpu.memory_space<semaphore_mem>>)
        %dma_wait3A_45 = arith.constant 0 : i32
        %dma_wait3A_46 = tpu.memref_slice %arg5[%add3A_37, %dma_wait3A_45] : memref<64000x128xf32, #tpu.memory_space<hbm>> -> memref<80x128xf32, #tpu.memory_space<hbm>>
        %dma_wait3A_47 = arith.constant 0 : i32
        %dma_wait3A_48 = tpu.memref_slice %arg5[%add3A_37, %dma_wait3A_47] : memref<64000x128xf32, #tpu.memory_space<hbm>> -> memref<80x128xf32, #tpu.memory_space<hbm>>
        tpu.wait_dma2 semaphore(%run_scoped3A : memref<!tpu.dma_semaphore, #tpu.memory_space<semaphore_mem>>) src(%arg9 : memref<80x128xf32, #tpu.memory_space<vmem>>) dst(%dma_wait3A_48 : memref<80x128xf32, #tpu.memory_space<hbm>>)
        tpu.yield
      }) : () -> ()
      %mul3A_38 = arith.constant 80 : i32
      %mul3A_39 = arith.muli %scan3A_12, %mul3A_38 : i32
      %add3A_40 = arith.addi %mul3A_2, %mul3A_39 : i32
      "tpu.region"() ({
        %run_scoped3A = tpu.sem_alloc : memref<!tpu.dma_semaphore, #tpu.memory_space<semaphore_mem>>
        %dma_start3A_41 = arith.constant 0 : i32
        %dma_start3A_42 = tpu.memref_slice %arg6[%add3A_40, %dma_start3A_41] : memref<64000x128xf32, #tpu.memory_space<hbm>> -> memref<80x128xf32, #tpu.memory_space<hbm>>
        %dma_start3A_43 = arith.constant 0 : i32
        %dma_start3A_44 = tpu.memref_slice %arg6[%add3A_40, %dma_start3A_43] : memref<64000x128xf32, #tpu.memory_space<hbm>> -> memref<80x128xf32, #tpu.memory_space<hbm>>
        tpu.enqueue_dma source(%arg10 : memref<80x128xf32, #tpu.memory_space<vmem>>) target(%dma_start3A_44 : memref<80x128xf32, #tpu.memory_space<hbm>>) target_semaphore(%run_scoped3A : memref<!tpu.dma_semaphore, #tpu.memory_space<semaphore_mem>>)
        %dma_wait3A_45 = arith.constant 0 : i32
        %dma_wait3A_46 = tpu.memref_slice %arg6[%add3A_40, %dma_wait3A_45] : memref<64000x128xf32, #tpu.memory_space<hbm>> -> memref<80x128xf32, #tpu.memory_space<hbm>>
        %dma_wait3A_47 = arith.constant 0 : i32
        %dma_wait3A_48 = tpu.memref_slice %arg6[%add3A_40, %dma_wait3A_47] : memref<64000x128xf32, #tpu.memory_space<hbm>> -> memref<80x128xf32, #tpu.memory_space<hbm>>
        tpu.wait_dma2 semaphore(%run_scoped3A : memref<!tpu.dma_semaphore, #tpu.memory_space<semaphore_mem>>) src(%arg10 : memref<80x128xf32, #tpu.memory_space<vmem>>) dst(%dma_wait3A_48 : memref<80x128xf32, #tpu.memory_space<hbm>>)
        tpu.yield
      }) : () -> ()
    }
    %scan3A_11 = arith.constant 25 : i32
    return
  }
}

#map = affine_map<(d0, d1) -> (0, 0)>
#map1 = affine_map<(d0, d1) -> (0, 0, 0)>
module attributes {stable_mosaic.version = 14 : i64} {
  func.func @gather(%arg0: i32, %arg1: i32, %arg2: memref<10000x128xf32, #tpu.memory_space<hbm>>, %arg3: memref<160x25x80xi32, #tpu.memory_space<hbm>>, %arg4: memref<160x25x80xi32, #tpu.memory_space<hbm>>, %arg5: memref<64000x128xf32, #tpu.memory_space<hbm>>, %arg6: memref<64000x128xf32, #tpu.memory_space<hbm>>, %arg7: memref<25x80xi32, #tpu.memory_space<vmem>>, %arg8: memref<25x80xi32, #tpu.memory_space<vmem>>, %arg9: memref<80x128xf32, #tpu.memory_space<vmem>>, %arg10: memref<80x128xf32, #tpu.memory_space<vmem>>, %arg11: memref<!tpu.dma_semaphore, #tpu.memory_space<semaphore_mem>>, %arg12: memref<!tpu.dma_semaphore, #tpu.memory_space<semaphore_mem>>) attributes {dimension_semantics = [#tpu.dimension_semantics<core_parallel>, #tpu.dimension_semantics<subcore_parallel>], iteration_bounds = array<i64: 2, 16>, scalar_prefetch = 0 : i64, scratch_operands = 6 : i64, tpu.core_type = #tpu.core_type<sc_vector_subcore>, window_params = [{transform_indices = #map}, {transform_indices = #map1}, {transform_indices = #map1}, {transform_indices = #map}, {transform_indices = #map}]} {
    %mul3A = arith.constant 2 : i32
    %mul3A_0 = arith.muli %arg1, %mul3A : i32
    %add3A = arith.addi %mul3A_0, %arg0 : i32
    %mul3A_1 = arith.constant 2000 : i32
    %mul3A_2 = arith.muli %add3A, %mul3A_1 : i32
    %add3A_3 = arith.constant 96 : i32
    %add3A_4 = arith.addi %add3A_3, %add3A : i32
    "tpu.region"() ({
      %run_scoped3A = tpu.sem_alloc : memref<!tpu.dma_semaphore, #tpu.memory_space<semaphore_mem>>
      %dma_start3A = arith.constant 0 : i32
      %dma_start3A_12 = arith.constant 0 : i32
      %dma_start3A_13 = tpu.memref_slice %arg3[%add3A_4, %dma_start3A, %dma_start3A_12] : memref<160x25x80xi32, #tpu.memory_space<hbm>> -> memref<1x25x80xi32, #tpu.memory_space<hbm>>
      %dma_start3A_14 = tpu.memref_squeeze %dma_start3A_13 : memref<1x25x80xi32, #tpu.memory_space<hbm>> -> memref<25x80xi32, #tpu.memory_space<hbm>>
      %dma_start3A_15 = arith.constant 0 : i32
      %dma_start3A_16 = arith.constant 0 : i32
      %dma_start3A_17 = tpu.memref_slice %arg3[%add3A_4, %dma_start3A_15, %dma_start3A_16] : memref<160x25x80xi32, #tpu.memory_space<hbm>> -> memref<1x25x80xi32, #tpu.memory_space<hbm>>
      %dma_start3A_18 = tpu.memref_squeeze %dma_start3A_17 : memref<1x25x80xi32, #tpu.memory_space<hbm>> -> memref<25x80xi32, #tpu.memory_space<hbm>>
      tpu.enqueue_dma source(%dma_start3A_18 : memref<25x80xi32, #tpu.memory_space<hbm>>) target(%arg7 : memref<25x80xi32, #tpu.memory_space<vmem>>) target_semaphore(%run_scoped3A : memref<!tpu.dma_semaphore, #tpu.memory_space<semaphore_mem>>)
      %dma_wait3A = arith.constant 0 : i32
      %dma_wait3A_19 = arith.constant 0 : i32
      %dma_wait3A_20 = tpu.memref_slice %arg3[%add3A_4, %dma_wait3A, %dma_wait3A_19] : memref<160x25x80xi32, #tpu.memory_space<hbm>> -> memref<1x25x80xi32, #tpu.memory_space<hbm>>
      %dma_wait3A_21 = tpu.memref_squeeze %dma_wait3A_20 : memref<1x25x80xi32, #tpu.memory_space<hbm>> -> memref<25x80xi32, #tpu.memory_space<hbm>>
      %dma_wait3A_22 = arith.constant 0 : i32
      %dma_wait3A_23 = arith.constant 0 : i32
      %dma_wait3A_24 = tpu.memref_slice %arg3[%add3A_4, %dma_wait3A_22, %dma_wait3A_23] : memref<160x25x80xi32, #tpu.memory_space<hbm>> -> memref<1x25x80xi32, #tpu.memory_space<hbm>>
      %dma_wait3A_25 = tpu.memref_squeeze %dma_wait3A_24 : memref<1x25x80xi32, #tpu.memory_space<hbm>> -> memref<25x80xi32, #tpu.memory_space<hbm>>
      tpu.wait_dma2 semaphore(%run_scoped3A : memref<!tpu.dma_semaphore, #tpu.memory_space<semaphore_mem>>) src(%dma_wait3A_25 : memref<25x80xi32, #tpu.memory_space<hbm>>) dst(%arg7 : memref<25x80xi32, #tpu.memory_space<vmem>>)
      tpu.yield
    }) : () -> ()
    %add3A_5 = arith.constant 96 : i32
    %add3A_6 = arith.addi %add3A_5, %add3A : i32
    "tpu.region"() ({
      %run_scoped3A = tpu.sem_alloc : memref<!tpu.dma_semaphore, #tpu.memory_space<semaphore_mem>>
      %dma_start3A = arith.constant 0 : i32
      %dma_start3A_12 = arith.constant 0 : i32
      %dma_start3A_13 = tpu.memref_slice %arg4[%add3A_6, %dma_start3A, %dma_start3A_12] : memref<160x25x80xi32, #tpu.memory_space<hbm>> -> memref<1x25x80xi32, #tpu.memory_space<hbm>>
      %dma_start3A_14 = tpu.memref_squeeze %dma_start3A_13 : memref<1x25x80xi32, #tpu.memory_space<hbm>> -> memref<25x80xi32, #tpu.memory_space<hbm>>
      %dma_start3A_15 = arith.constant 0 : i32
      %dma_start3A_16 = arith.constant 0 : i32
      %dma_start3A_17 = tpu.memref_slice %arg4[%add3A_6, %dma_start3A_15, %dma_start3A_16] : memref<160x25x80xi32, #tpu.memory_space<hbm>> -> memref<1x25x80xi32, #tpu.memory_space<hbm>>
      %dma_start3A_18 = tpu.memref_squeeze %dma_start3A_17 : memref<1x25x80xi32, #tpu.memory_space<hbm>> -> memref<25x80xi32, #tpu.memory_space<hbm>>
      tpu.enqueue_dma source(%dma_start3A_18 : memref<25x80xi32, #tpu.memory_space<hbm>>) target(%arg8 : memref<25x80xi32, #tpu.memory_space<vmem>>) target_semaphore(%run_scoped3A : memref<!tpu.dma_semaphore, #tpu.memory_space<semaphore_mem>>)
      %dma_wait3A = arith.constant 0 : i32
      %dma_wait3A_19 = arith.constant 0 : i32
      %dma_wait3A_20 = tpu.memref_slice %arg4[%add3A_6, %dma_wait3A, %dma_wait3A_19] : memref<160x25x80xi32, #tpu.memory_space<hbm>> -> memref<1x25x80xi32, #tpu.memory_space<hbm>>
      %dma_wait3A_21 = tpu.memref_squeeze %dma_wait3A_20 : memref<1x25x80xi32, #tpu.memory_space<hbm>> -> memref<25x80xi32, #tpu.memory_space<hbm>>
      %dma_wait3A_22 = arith.constant 0 : i32
      %dma_wait3A_23 = arith.constant 0 : i32
      %dma_wait3A_24 = tpu.memref_slice %arg4[%add3A_6, %dma_wait3A_22, %dma_wait3A_23] : memref<160x25x80xi32, #tpu.memory_space<hbm>> -> memref<1x25x80xi32, #tpu.memory_space<hbm>>
      %dma_wait3A_25 = tpu.memref_squeeze %dma_wait3A_24 : memref<1x25x80xi32, #tpu.memory_space<hbm>> -> memref<25x80xi32, #tpu.memory_space<hbm>>
      tpu.wait_dma2 semaphore(%run_scoped3A : memref<!tpu.dma_semaphore, #tpu.memory_space<semaphore_mem>>) src(%dma_wait3A_25 : memref<25x80xi32, #tpu.memory_space<hbm>>) dst(%arg8 : memref<25x80xi32, #tpu.memory_space<vmem>>)
      tpu.yield
    }) : () -> ()
    %scan3A = arith.constant 0 : i32
    %scan3A_7 = arith.constant 0 : i32
    %scan3A_8 = arith.constant 25 : i32
    %scan3A_9 = arith.addi %scan3A_7, %scan3A_8 : i32
    %scan3A_10 = arith.constant 1 : i32
    scf.for %scan3A_12 = %scan3A_7 to %scan3A_9 step %scan3A_10  : i32 {
      %dma_start3A = arith.constant 0 : i32
      %dma_start3A_13 = tpu.memref_slice %arg7[%scan3A_12, %dma_start3A] : memref<25x80xi32, #tpu.memory_space<vmem>> -> memref<1x80xi32, #tpu.memory_space<vmem>>
      %dma_start3A_14 = tpu.memref_squeeze %dma_start3A_13 : memref<1x80xi32, #tpu.memory_space<vmem>> -> memref<80xi32, #tpu.memory_space<vmem>>
      %dma_start3A_15 = arith.constant 0 : i32
      %dma_start3A_16 = arith.constant 0 : i32
      %dma_start3A_17 = tpu.memref_slice %arg2[%dma_start3A_15, %dma_start3A_16] : memref<10000x128xf32, #tpu.memory_space<hbm>> -> memref<10000x128xf32, #tpu.memory_space<hbm>>
      tpu.enqueue_indirect_dma source(%dma_start3A_17 : memref<10000x128xf32, #tpu.memory_space<hbm>>) target(%arg9 : memref<80x128xf32, #tpu.memory_space<vmem>>) offsets(%dma_start3A_14 : memref<80xi32, #tpu.memory_space<vmem>>) semaphore(%arg11 : memref<!tpu.dma_semaphore, #tpu.memory_space<semaphore_mem>>)
      %dma_start3A_18 = arith.constant 0 : i32
      %dma_start3A_19 = tpu.memref_slice %arg8[%scan3A_12, %dma_start3A_18] : memref<25x80xi32, #tpu.memory_space<vmem>> -> memref<1x80xi32, #tpu.memory_space<vmem>>
      %dma_start3A_20 = tpu.memref_squeeze %dma_start3A_19 : memref<1x80xi32, #tpu.memory_space<vmem>> -> memref<80xi32, #tpu.memory_space<vmem>>
      %dma_start3A_21 = arith.constant 0 : i32
      %dma_start3A_22 = arith.constant 0 : i32
      %dma_start3A_23 = tpu.memref_slice %arg2[%dma_start3A_21, %dma_start3A_22] : memref<10000x128xf32, #tpu.memory_space<hbm>> -> memref<10000x128xf32, #tpu.memory_space<hbm>>
      tpu.enqueue_indirect_dma source(%dma_start3A_23 : memref<10000x128xf32, #tpu.memory_space<hbm>>) target(%arg10 : memref<80x128xf32, #tpu.memory_space<vmem>>) offsets(%dma_start3A_20 : memref<80xi32, #tpu.memory_space<vmem>>) semaphore(%arg12 : memref<!tpu.dma_semaphore, #tpu.memory_space<semaphore_mem>>)
      %dma_wait3A = arith.constant 0 : i32
      %dma_wait3A_24 = tpu.memref_slice %arg7[%scan3A_12, %dma_wait3A] : memref<25x80xi32, #tpu.memory_space<vmem>> -> memref<1x80xi32, #tpu.memory_space<vmem>>
      %dma_wait3A_25 = tpu.memref_squeeze %dma_wait3A_24 : memref<1x80xi32, #tpu.memory_space<vmem>> -> memref<80xi32, #tpu.memory_space<vmem>>
      %dma_wait3A_26 = arith.constant 0 : i32
      %dma_wait3A_27 = arith.constant 0 : i32
      %dma_wait3A_28 = tpu.memref_slice %arg2[%dma_wait3A_26, %dma_wait3A_27] : memref<10000x128xf32, #tpu.memory_space<hbm>> -> memref<10000x128xf32, #tpu.memory_space<hbm>>
      tpu.wait_indirect_dma semaphore(%arg11 : memref<!tpu.dma_semaphore, #tpu.memory_space<semaphore_mem>>) src(%dma_wait3A_28 : memref<10000x128xf32, #tpu.memory_space<hbm>>) dst(%arg9 : memref<80x128xf32, #tpu.memory_space<vmem>>)
      %dma_wait3A_29 = arith.constant 0 : i32
      %dma_wait3A_30 = tpu.memref_slice %arg8[%scan3A_12, %dma_wait3A_29] : memref<25x80xi32, #tpu.memory_space<vmem>> -> memref<1x80xi32, #tpu.memory_space<vmem>>
      %dma_wait3A_31 = tpu.memref_squeeze %dma_wait3A_30 : memref<1x80xi32, #tpu.memory_space<vmem>> -> memref<80xi32, #tpu.memory_space<vmem>>
      %dma_wait3A_32 = arith.constant 0 : i32
      %dma_wait3A_33 = arith.constant 0 : i32
      %dma_wait3A_34 = tpu.memref_slice %arg2[%dma_wait3A_32, %dma_wait3A_33] : memref<10000x128xf32, #tpu.memory_space<hbm>> -> memref<10000x128xf32, #tpu.memory_space<hbm>>
      tpu.wait_indirect_dma semaphore(%arg12 : memref<!tpu.dma_semaphore, #tpu.memory_space<semaphore_mem>>) src(%dma_wait3A_34 : memref<10000x128xf32, #tpu.memory_space<hbm>>) dst(%arg10 : memref<80x128xf32, #tpu.memory_space<vmem>>)
      %mul3A_35 = arith.constant 80 : i32
      %mul3A_36 = arith.muli %scan3A_12, %mul3A_35 : i32
      %add3A_37 = arith.addi %mul3A_2, %mul3A_36 : i32
      "tpu.region"() ({
        %run_scoped3A = tpu.sem_alloc : memref<!tpu.dma_semaphore, #tpu.memory_space<semaphore_mem>>
        %dma_start3A_41 = arith.constant 0 : i32
        %dma_start3A_42 = tpu.memref_slice %arg5[%add3A_37, %dma_start3A_41] : memref<64000x128xf32, #tpu.memory_space<hbm>> -> memref<80x128xf32, #tpu.memory_space<hbm>>
        %dma_start3A_43 = arith.constant 0 : i32
        %dma_start3A_44 = tpu.memref_slice %arg5[%add3A_37, %dma_start3A_43] : memref<64000x128xf32, #tpu.memory_space<hbm>> -> memref<80x128xf32, #tpu.memory_space<hbm>>
        tpu.enqueue_dma source(%arg9 : memref<80x128xf32, #tpu.memory_space<vmem>>) target(%dma_start3A_44 : memref<80x128xf32, #tpu.memory_space<hbm>>) target_semaphore(%run_scoped3A : memref<!tpu.dma_semaphore, #tpu.memory_space<semaphore_mem>>)
        %dma_wait3A_45 = arith.constant 0 : i32
        %dma_wait3A_46 = tpu.memref_slice %arg5[%add3A_37, %dma_wait3A_45] : memref<64000x128xf32, #tpu.memory_space<hbm>> -> memref<80x128xf32, #tpu.memory_space<hbm>>
        %dma_wait3A_47 = arith.constant 0 : i32
        %dma_wait3A_48 = tpu.memref_slice %arg5[%add3A_37, %dma_wait3A_47] : memref<64000x128xf32, #tpu.memory_space<hbm>> -> memref<80x128xf32, #tpu.memory_space<hbm>>
        tpu.wait_dma2 semaphore(%run_scoped3A : memref<!tpu.dma_semaphore, #tpu.memory_space<semaphore_mem>>) src(%arg9 : memref<80x128xf32, #tpu.memory_space<vmem>>) dst(%dma_wait3A_48 : memref<80x128xf32, #tpu.memory_space<hbm>>)
        tpu.yield
      }) : () -> ()
      %mul3A_38 = arith.constant 80 : i32
      %mul3A_39 = arith.muli %scan3A_12, %mul3A_38 : i32
      %add3A_40 = arith.addi %mul3A_2, %mul3A_39 : i32
      "tpu.region"() ({
        %run_scoped3A = tpu.sem_alloc : memref<!tpu.dma_semaphore, #tpu.memory_space<semaphore_mem>>
        %dma_start3A_41 = arith.constant 0 : i32
        %dma_start3A_42 = tpu.memref_slice %arg6[%add3A_40, %dma_start3A_41] : memref<64000x128xf32, #tpu.memory_space<hbm>> -> memref<80x128xf32, #tpu.memory_space<hbm>>
        %dma_start3A_43 = arith.constant 0 : i32
        %dma_start3A_44 = tpu.memref_slice %arg6[%add3A_40, %dma_start3A_43] : memref<64000x128xf32, #tpu.memory_space<hbm>> -> memref<80x128xf32, #tpu.memory_space<hbm>>
        tpu.enqueue_dma source(%arg10 : memref<80x128xf32, #tpu.memory_space<vmem>>) target(%dma_start3A_44 : memref<80x128xf32, #tpu.memory_space<hbm>>) target_semaphore(%run_scoped3A : memref<!tpu.dma_semaphore, #tpu.memory_space<semaphore_mem>>)
        %dma_wait3A_45 = arith.constant 0 : i32
        %dma_wait3A_46 = tpu.memref_slice %arg6[%add3A_40, %dma_wait3A_45] : memref<64000x128xf32, #tpu.memory_space<hbm>> -> memref<80x128xf32, #tpu.memory_space<hbm>>
        %dma_wait3A_47 = arith.constant 0 : i32
        %dma_wait3A_48 = tpu.memref_slice %arg6[%add3A_40, %dma_wait3A_47] : memref<64000x128xf32, #tpu.memory_space<hbm>> -> memref<80x128xf32, #tpu.memory_space<hbm>>
        tpu.wait_dma2 semaphore(%run_scoped3A : memref<!tpu.dma_semaphore, #tpu.memory_space<semaphore_mem>>) src(%arg10 : memref<80x128xf32, #tpu.memory_space<vmem>>) dst(%dma_wait3A_48 : memref<80x128xf32, #tpu.memory_space<hbm>>)
        tpu.yield
      }) : () -> ()
    }
    %scan3A_11 = arith.constant 25 : i32
    return
  }
}

#map = affine_map<(d0, d1) -> (0, 0)>
#map1 = affine_map<(d0, d1) -> (0, 0, 0)>
module attributes {stable_mosaic.version = 14 : i64} {
  func.func @gather(%arg0: i32, %arg1: i32, %arg2: memref<10000x128xf32, #tpu.memory_space<hbm>>, %arg3: memref<160x25x80xi32, #tpu.memory_space<hbm>>, %arg4: memref<160x25x80xi32, #tpu.memory_space<hbm>>, %arg5: memref<64000x128xf32, #tpu.memory_space<hbm>>, %arg6: memref<64000x128xf32, #tpu.memory_space<hbm>>, %arg7: memref<25x80xi32, #tpu.memory_space<vmem>>, %arg8: memref<25x80xi32, #tpu.memory_space<vmem>>, %arg9: memref<80x128xf32, #tpu.memory_space<vmem>>, %arg10: memref<80x128xf32, #tpu.memory_space<vmem>>, %arg11: memref<!tpu.dma_semaphore, #tpu.memory_space<semaphore_mem>>, %arg12: memref<!tpu.dma_semaphore, #tpu.memory_space<semaphore_mem>>) attributes {dimension_semantics = [#tpu.dimension_semantics<core_parallel>, #tpu.dimension_semantics<subcore_parallel>], iteration_bounds = array<i64: 2, 16>, scalar_prefetch = 0 : i64, scratch_operands = 6 : i64, tpu.core_type = #tpu.core_type<sc_vector_subcore>, window_params = [{transform_indices = #map}, {transform_indices = #map1}, {transform_indices = #map1}, {transform_indices = #map}, {transform_indices = #map}]} {
    %mul3A = arith.constant 2 : i32
    %mul3A_0 = arith.muli %arg1, %mul3A : i32
    %add3A = arith.addi %mul3A_0, %arg0 : i32
    %mul3A_1 = arith.constant 2000 : i32
    %mul3A_2 = arith.muli %add3A, %mul3A_1 : i32
    %add3A_3 = arith.constant 64 : i32
    %add3A_4 = arith.addi %add3A_3, %add3A : i32
    "tpu.region"() ({
      %run_scoped3A = tpu.sem_alloc : memref<!tpu.dma_semaphore, #tpu.memory_space<semaphore_mem>>
      %dma_start3A = arith.constant 0 : i32
      %dma_start3A_12 = arith.constant 0 : i32
      %dma_start3A_13 = tpu.memref_slice %arg3[%add3A_4, %dma_start3A, %dma_start3A_12] : memref<160x25x80xi32, #tpu.memory_space<hbm>> -> memref<1x25x80xi32, #tpu.memory_space<hbm>>
      %dma_start3A_14 = tpu.memref_squeeze %dma_start3A_13 : memref<1x25x80xi32, #tpu.memory_space<hbm>> -> memref<25x80xi32, #tpu.memory_space<hbm>>
      %dma_start3A_15 = arith.constant 0 : i32
      %dma_start3A_16 = arith.constant 0 : i32
      %dma_start3A_17 = tpu.memref_slice %arg3[%add3A_4, %dma_start3A_15, %dma_start3A_16] : memref<160x25x80xi32, #tpu.memory_space<hbm>> -> memref<1x25x80xi32, #tpu.memory_space<hbm>>
      %dma_start3A_18 = tpu.memref_squeeze %dma_start3A_17 : memref<1x25x80xi32, #tpu.memory_space<hbm>> -> memref<25x80xi32, #tpu.memory_space<hbm>>
      tpu.enqueue_dma source(%dma_start3A_18 : memref<25x80xi32, #tpu.memory_space<hbm>>) target(%arg7 : memref<25x80xi32, #tpu.memory_space<vmem>>) target_semaphore(%run_scoped3A : memref<!tpu.dma_semaphore, #tpu.memory_space<semaphore_mem>>)
      %dma_wait3A = arith.constant 0 : i32
      %dma_wait3A_19 = arith.constant 0 : i32
      %dma_wait3A_20 = tpu.memref_slice %arg3[%add3A_4, %dma_wait3A, %dma_wait3A_19] : memref<160x25x80xi32, #tpu.memory_space<hbm>> -> memref<1x25x80xi32, #tpu.memory_space<hbm>>
      %dma_wait3A_21 = tpu.memref_squeeze %dma_wait3A_20 : memref<1x25x80xi32, #tpu.memory_space<hbm>> -> memref<25x80xi32, #tpu.memory_space<hbm>>
      %dma_wait3A_22 = arith.constant 0 : i32
      %dma_wait3A_23 = arith.constant 0 : i32
      %dma_wait3A_24 = tpu.memref_slice %arg3[%add3A_4, %dma_wait3A_22, %dma_wait3A_23] : memref<160x25x80xi32, #tpu.memory_space<hbm>> -> memref<1x25x80xi32, #tpu.memory_space<hbm>>
      %dma_wait3A_25 = tpu.memref_squeeze %dma_wait3A_24 : memref<1x25x80xi32, #tpu.memory_space<hbm>> -> memref<25x80xi32, #tpu.memory_space<hbm>>
      tpu.wait_dma2 semaphore(%run_scoped3A : memref<!tpu.dma_semaphore, #tpu.memory_space<semaphore_mem>>) src(%dma_wait3A_25 : memref<25x80xi32, #tpu.memory_space<hbm>>) dst(%arg7 : memref<25x80xi32, #tpu.memory_space<vmem>>)
      tpu.yield
    }) : () -> ()
    %add3A_5 = arith.constant 64 : i32
    %add3A_6 = arith.addi %add3A_5, %add3A : i32
    "tpu.region"() ({
      %run_scoped3A = tpu.sem_alloc : memref<!tpu.dma_semaphore, #tpu.memory_space<semaphore_mem>>
      %dma_start3A = arith.constant 0 : i32
      %dma_start3A_12 = arith.constant 0 : i32
      %dma_start3A_13 = tpu.memref_slice %arg4[%add3A_6, %dma_start3A, %dma_start3A_12] : memref<160x25x80xi32, #tpu.memory_space<hbm>> -> memref<1x25x80xi32, #tpu.memory_space<hbm>>
      %dma_start3A_14 = tpu.memref_squeeze %dma_start3A_13 : memref<1x25x80xi32, #tpu.memory_space<hbm>> -> memref<25x80xi32, #tpu.memory_space<hbm>>
      %dma_start3A_15 = arith.constant 0 : i32
      %dma_start3A_16 = arith.constant 0 : i32
      %dma_start3A_17 = tpu.memref_slice %arg4[%add3A_6, %dma_start3A_15, %dma_start3A_16] : memref<160x25x80xi32, #tpu.memory_space<hbm>> -> memref<1x25x80xi32, #tpu.memory_space<hbm>>
      %dma_start3A_18 = tpu.memref_squeeze %dma_start3A_17 : memref<1x25x80xi32, #tpu.memory_space<hbm>> -> memref<25x80xi32, #tpu.memory_space<hbm>>
      tpu.enqueue_dma source(%dma_start3A_18 : memref<25x80xi32, #tpu.memory_space<hbm>>) target(%arg8 : memref<25x80xi32, #tpu.memory_space<vmem>>) target_semaphore(%run_scoped3A : memref<!tpu.dma_semaphore, #tpu.memory_space<semaphore_mem>>)
      %dma_wait3A = arith.constant 0 : i32
      %dma_wait3A_19 = arith.constant 0 : i32
      %dma_wait3A_20 = tpu.memref_slice %arg4[%add3A_6, %dma_wait3A, %dma_wait3A_19] : memref<160x25x80xi32, #tpu.memory_space<hbm>> -> memref<1x25x80xi32, #tpu.memory_space<hbm>>
      %dma_wait3A_21 = tpu.memref_squeeze %dma_wait3A_20 : memref<1x25x80xi32, #tpu.memory_space<hbm>> -> memref<25x80xi32, #tpu.memory_space<hbm>>
      %dma_wait3A_22 = arith.constant 0 : i32
      %dma_wait3A_23 = arith.constant 0 : i32
      %dma_wait3A_24 = tpu.memref_slice %arg4[%add3A_6, %dma_wait3A_22, %dma_wait3A_23] : memref<160x25x80xi32, #tpu.memory_space<hbm>> -> memref<1x25x80xi32, #tpu.memory_space<hbm>>
      %dma_wait3A_25 = tpu.memref_squeeze %dma_wait3A_24 : memref<1x25x80xi32, #tpu.memory_space<hbm>> -> memref<25x80xi32, #tpu.memory_space<hbm>>
      tpu.wait_dma2 semaphore(%run_scoped3A : memref<!tpu.dma_semaphore, #tpu.memory_space<semaphore_mem>>) src(%dma_wait3A_25 : memref<25x80xi32, #tpu.memory_space<hbm>>) dst(%arg8 : memref<25x80xi32, #tpu.memory_space<vmem>>)
      tpu.yield
    }) : () -> ()
    %scan3A = arith.constant 0 : i32
    %scan3A_7 = arith.constant 0 : i32
    %scan3A_8 = arith.constant 25 : i32
    %scan3A_9 = arith.addi %scan3A_7, %scan3A_8 : i32
    %scan3A_10 = arith.constant 1 : i32
    scf.for %scan3A_12 = %scan3A_7 to %scan3A_9 step %scan3A_10  : i32 {
      %dma_start3A = arith.constant 0 : i32
      %dma_start3A_13 = tpu.memref_slice %arg7[%scan3A_12, %dma_start3A] : memref<25x80xi32, #tpu.memory_space<vmem>> -> memref<1x80xi32, #tpu.memory_space<vmem>>
      %dma_start3A_14 = tpu.memref_squeeze %dma_start3A_13 : memref<1x80xi32, #tpu.memory_space<vmem>> -> memref<80xi32, #tpu.memory_space<vmem>>
      %dma_start3A_15 = arith.constant 0 : i32
      %dma_start3A_16 = arith.constant 0 : i32
      %dma_start3A_17 = tpu.memref_slice %arg2[%dma_start3A_15, %dma_start3A_16] : memref<10000x128xf32, #tpu.memory_space<hbm>> -> memref<10000x128xf32, #tpu.memory_space<hbm>>
      tpu.enqueue_indirect_dma source(%dma_start3A_17 : memref<10000x128xf32, #tpu.memory_space<hbm>>) target(%arg9 : memref<80x128xf32, #tpu.memory_space<vmem>>) offsets(%dma_start3A_14 : memref<80xi32, #tpu.memory_space<vmem>>) semaphore(%arg11 : memref<!tpu.dma_semaphore, #tpu.memory_space<semaphore_mem>>)
      %dma_start3A_18 = arith.constant 0 : i32
      %dma_start3A_19 = tpu.memref_slice %arg8[%scan3A_12, %dma_start3A_18] : memref<25x80xi32, #tpu.memory_space<vmem>> -> memref<1x80xi32, #tpu.memory_space<vmem>>
      %dma_start3A_20 = tpu.memref_squeeze %dma_start3A_19 : memref<1x80xi32, #tpu.memory_space<vmem>> -> memref<80xi32, #tpu.memory_space<vmem>>
      %dma_start3A_21 = arith.constant 0 : i32
      %dma_start3A_22 = arith.constant 0 : i32
      %dma_start3A_23 = tpu.memref_slice %arg2[%dma_start3A_21, %dma_start3A_22] : memref<10000x128xf32, #tpu.memory_space<hbm>> -> memref<10000x128xf32, #tpu.memory_space<hbm>>
      tpu.enqueue_indirect_dma source(%dma_start3A_23 : memref<10000x128xf32, #tpu.memory_space<hbm>>) target(%arg10 : memref<80x128xf32, #tpu.memory_space<vmem>>) offsets(%dma_start3A_20 : memref<80xi32, #tpu.memory_space<vmem>>) semaphore(%arg12 : memref<!tpu.dma_semaphore, #tpu.memory_space<semaphore_mem>>)
      %dma_wait3A = arith.constant 0 : i32
      %dma_wait3A_24 = tpu.memref_slice %arg7[%scan3A_12, %dma_wait3A] : memref<25x80xi32, #tpu.memory_space<vmem>> -> memref<1x80xi32, #tpu.memory_space<vmem>>
      %dma_wait3A_25 = tpu.memref_squeeze %dma_wait3A_24 : memref<1x80xi32, #tpu.memory_space<vmem>> -> memref<80xi32, #tpu.memory_space<vmem>>
      %dma_wait3A_26 = arith.constant 0 : i32
      %dma_wait3A_27 = arith.constant 0 : i32
      %dma_wait3A_28 = tpu.memref_slice %arg2[%dma_wait3A_26, %dma_wait3A_27] : memref<10000x128xf32, #tpu.memory_space<hbm>> -> memref<10000x128xf32, #tpu.memory_space<hbm>>
      tpu.wait_indirect_dma semaphore(%arg11 : memref<!tpu.dma_semaphore, #tpu.memory_space<semaphore_mem>>) src(%dma_wait3A_28 : memref<10000x128xf32, #tpu.memory_space<hbm>>) dst(%arg9 : memref<80x128xf32, #tpu.memory_space<vmem>>)
      %dma_wait3A_29 = arith.constant 0 : i32
      %dma_wait3A_30 = tpu.memref_slice %arg8[%scan3A_12, %dma_wait3A_29] : memref<25x80xi32, #tpu.memory_space<vmem>> -> memref<1x80xi32, #tpu.memory_space<vmem>>
      %dma_wait3A_31 = tpu.memref_squeeze %dma_wait3A_30 : memref<1x80xi32, #tpu.memory_space<vmem>> -> memref<80xi32, #tpu.memory_space<vmem>>
      %dma_wait3A_32 = arith.constant 0 : i32
      %dma_wait3A_33 = arith.constant 0 : i32
      %dma_wait3A_34 = tpu.memref_slice %arg2[%dma_wait3A_32, %dma_wait3A_33] : memref<10000x128xf32, #tpu.memory_space<hbm>> -> memref<10000x128xf32, #tpu.memory_space<hbm>>
      tpu.wait_indirect_dma semaphore(%arg12 : memref<!tpu.dma_semaphore, #tpu.memory_space<semaphore_mem>>) src(%dma_wait3A_34 : memref<10000x128xf32, #tpu.memory_space<hbm>>) dst(%arg10 : memref<80x128xf32, #tpu.memory_space<vmem>>)
      %mul3A_35 = arith.constant 80 : i32
      %mul3A_36 = arith.muli %scan3A_12, %mul3A_35 : i32
      %add3A_37 = arith.addi %mul3A_2, %mul3A_36 : i32
      "tpu.region"() ({
        %run_scoped3A = tpu.sem_alloc : memref<!tpu.dma_semaphore, #tpu.memory_space<semaphore_mem>>
        %dma_start3A_41 = arith.constant 0 : i32
        %dma_start3A_42 = tpu.memref_slice %arg5[%add3A_37, %dma_start3A_41] : memref<64000x128xf32, #tpu.memory_space<hbm>> -> memref<80x128xf32, #tpu.memory_space<hbm>>
        %dma_start3A_43 = arith.constant 0 : i32
        %dma_start3A_44 = tpu.memref_slice %arg5[%add3A_37, %dma_start3A_43] : memref<64000x128xf32, #tpu.memory_space<hbm>> -> memref<80x128xf32, #tpu.memory_space<hbm>>
        tpu.enqueue_dma source(%arg9 : memref<80x128xf32, #tpu.memory_space<vmem>>) target(%dma_start3A_44 : memref<80x128xf32, #tpu.memory_space<hbm>>) target_semaphore(%run_scoped3A : memref<!tpu.dma_semaphore, #tpu.memory_space<semaphore_mem>>)
        %dma_wait3A_45 = arith.constant 0 : i32
        %dma_wait3A_46 = tpu.memref_slice %arg5[%add3A_37, %dma_wait3A_45] : memref<64000x128xf32, #tpu.memory_space<hbm>> -> memref<80x128xf32, #tpu.memory_space<hbm>>
        %dma_wait3A_47 = arith.constant 0 : i32
        %dma_wait3A_48 = tpu.memref_slice %arg5[%add3A_37, %dma_wait3A_47] : memref<64000x128xf32, #tpu.memory_space<hbm>> -> memref<80x128xf32, #tpu.memory_space<hbm>>
        tpu.wait_dma2 semaphore(%run_scoped3A : memref<!tpu.dma_semaphore, #tpu.memory_space<semaphore_mem>>) src(%arg9 : memref<80x128xf32, #tpu.memory_space<vmem>>) dst(%dma_wait3A_48 : memref<80x128xf32, #tpu.memory_space<hbm>>)
        tpu.yield
      }) : () -> ()
      %mul3A_38 = arith.constant 80 : i32
      %mul3A_39 = arith.muli %scan3A_12, %mul3A_38 : i32
      %add3A_40 = arith.addi %mul3A_2, %mul3A_39 : i32
      "tpu.region"() ({
        %run_scoped3A = tpu.sem_alloc : memref<!tpu.dma_semaphore, #tpu.memory_space<semaphore_mem>>
        %dma_start3A_41 = arith.constant 0 : i32
        %dma_start3A_42 = tpu.memref_slice %arg6[%add3A_40, %dma_start3A_41] : memref<64000x128xf32, #tpu.memory_space<hbm>> -> memref<80x128xf32, #tpu.memory_space<hbm>>
        %dma_start3A_43 = arith.constant 0 : i32
        %dma_start3A_44 = tpu.memref_slice %arg6[%add3A_40, %dma_start3A_43] : memref<64000x128xf32, #tpu.memory_space<hbm>> -> memref<80x128xf32, #tpu.memory_space<hbm>>
        tpu.enqueue_dma source(%arg10 : memref<80x128xf32, #tpu.memory_space<vmem>>) target(%dma_start3A_44 : memref<80x128xf32, #tpu.memory_space<hbm>>) target_semaphore(%run_scoped3A : memref<!tpu.dma_semaphore, #tpu.memory_space<semaphore_mem>>)
        %dma_wait3A_45 = arith.constant 0 : i32
        %dma_wait3A_46 = tpu.memref_slice %arg6[%add3A_40, %dma_wait3A_45] : memref<64000x128xf32, #tpu.memory_space<hbm>> -> memref<80x128xf32, #tpu.memory_space<hbm>>
        %dma_wait3A_47 = arith.constant 0 : i32
        %dma_wait3A_48 = tpu.memref_slice %arg6[%add3A_40, %dma_wait3A_47] : memref<64000x128xf32, #tpu.memory_space<hbm>> -> memref<80x128xf32, #tpu.memory_space<hbm>>
        tpu.wait_dma2 semaphore(%run_scoped3A : memref<!tpu.dma_semaphore, #tpu.memory_space<semaphore_mem>>) src(%arg10 : memref<80x128xf32, #tpu.memory_space<vmem>>) dst(%dma_wait3A_48 : memref<80x128xf32, #tpu.memory_space<hbm>>)
        tpu.yield
      }) : () -> ()
    }
    %scan3A_11 = arith.constant 25 : i32
    return
  }
}

#map = affine_map<(d0, d1) -> (0, 0)>
#map1 = affine_map<(d0, d1) -> (0, 0, 0)>
module attributes {stable_mosaic.version = 14 : i64} {
  func.func @gather(%arg0: i32, %arg1: i32, %arg2: memref<10000x128xf32, #tpu.memory_space<hbm>>, %arg3: memref<160x25x80xi32, #tpu.memory_space<hbm>>, %arg4: memref<160x25x80xi32, #tpu.memory_space<hbm>>, %arg5: memref<64000x128xf32, #tpu.memory_space<hbm>>, %arg6: memref<64000x128xf32, #tpu.memory_space<hbm>>, %arg7: memref<25x80xi32, #tpu.memory_space<vmem>>, %arg8: memref<25x80xi32, #tpu.memory_space<vmem>>, %arg9: memref<80x128xf32, #tpu.memory_space<vmem>>, %arg10: memref<80x128xf32, #tpu.memory_space<vmem>>, %arg11: memref<!tpu.dma_semaphore, #tpu.memory_space<semaphore_mem>>, %arg12: memref<!tpu.dma_semaphore, #tpu.memory_space<semaphore_mem>>) attributes {dimension_semantics = [#tpu.dimension_semantics<core_parallel>, #tpu.dimension_semantics<subcore_parallel>], iteration_bounds = array<i64: 2, 16>, scalar_prefetch = 0 : i64, scratch_operands = 6 : i64, tpu.core_type = #tpu.core_type<sc_vector_subcore>, window_params = [{transform_indices = #map}, {transform_indices = #map1}, {transform_indices = #map1}, {transform_indices = #map}, {transform_indices = #map}]} {
    %mul3A = arith.constant 2 : i32
    %mul3A_0 = arith.muli %arg1, %mul3A : i32
    %add3A = arith.addi %mul3A_0, %arg0 : i32
    %mul3A_1 = arith.constant 2000 : i32
    %mul3A_2 = arith.muli %add3A, %mul3A_1 : i32
    %add3A_3 = arith.constant 32 : i32
    %add3A_4 = arith.addi %add3A_3, %add3A : i32
    "tpu.region"() ({
      %run_scoped3A = tpu.sem_alloc : memref<!tpu.dma_semaphore, #tpu.memory_space<semaphore_mem>>
      %dma_start3A = arith.constant 0 : i32
      %dma_start3A_12 = arith.constant 0 : i32
      %dma_start3A_13 = tpu.memref_slice %arg3[%add3A_4, %dma_start3A, %dma_start3A_12] : memref<160x25x80xi32, #tpu.memory_space<hbm>> -> memref<1x25x80xi32, #tpu.memory_space<hbm>>
      %dma_start3A_14 = tpu.memref_squeeze %dma_start3A_13 : memref<1x25x80xi32, #tpu.memory_space<hbm>> -> memref<25x80xi32, #tpu.memory_space<hbm>>
      %dma_start3A_15 = arith.constant 0 : i32
      %dma_start3A_16 = arith.constant 0 : i32
      %dma_start3A_17 = tpu.memref_slice %arg3[%add3A_4, %dma_start3A_15, %dma_start3A_16] : memref<160x25x80xi32, #tpu.memory_space<hbm>> -> memref<1x25x80xi32, #tpu.memory_space<hbm>>
      %dma_start3A_18 = tpu.memref_squeeze %dma_start3A_17 : memref<1x25x80xi32, #tpu.memory_space<hbm>> -> memref<25x80xi32, #tpu.memory_space<hbm>>
      tpu.enqueue_dma source(%dma_start3A_18 : memref<25x80xi32, #tpu.memory_space<hbm>>) target(%arg7 : memref<25x80xi32, #tpu.memory_space<vmem>>) target_semaphore(%run_scoped3A : memref<!tpu.dma_semaphore, #tpu.memory_space<semaphore_mem>>)
      %dma_wait3A = arith.constant 0 : i32
      %dma_wait3A_19 = arith.constant 0 : i32
      %dma_wait3A_20 = tpu.memref_slice %arg3[%add3A_4, %dma_wait3A, %dma_wait3A_19] : memref<160x25x80xi32, #tpu.memory_space<hbm>> -> memref<1x25x80xi32, #tpu.memory_space<hbm>>
      %dma_wait3A_21 = tpu.memref_squeeze %dma_wait3A_20 : memref<1x25x80xi32, #tpu.memory_space<hbm>> -> memref<25x80xi32, #tpu.memory_space<hbm>>
      %dma_wait3A_22 = arith.constant 0 : i32
      %dma_wait3A_23 = arith.constant 0 : i32
      %dma_wait3A_24 = tpu.memref_slice %arg3[%add3A_4, %dma_wait3A_22, %dma_wait3A_23] : memref<160x25x80xi32, #tpu.memory_space<hbm>> -> memref<1x25x80xi32, #tpu.memory_space<hbm>>
      %dma_wait3A_25 = tpu.memref_squeeze %dma_wait3A_24 : memref<1x25x80xi32, #tpu.memory_space<hbm>> -> memref<25x80xi32, #tpu.memory_space<hbm>>
      tpu.wait_dma2 semaphore(%run_scoped3A : memref<!tpu.dma_semaphore, #tpu.memory_space<semaphore_mem>>) src(%dma_wait3A_25 : memref<25x80xi32, #tpu.memory_space<hbm>>) dst(%arg7 : memref<25x80xi32, #tpu.memory_space<vmem>>)
      tpu.yield
    }) : () -> ()
    %add3A_5 = arith.constant 32 : i32
    %add3A_6 = arith.addi %add3A_5, %add3A : i32
    "tpu.region"() ({
      %run_scoped3A = tpu.sem_alloc : memref<!tpu.dma_semaphore, #tpu.memory_space<semaphore_mem>>
      %dma_start3A = arith.constant 0 : i32
      %dma_start3A_12 = arith.constant 0 : i32
      %dma_start3A_13 = tpu.memref_slice %arg4[%add3A_6, %dma_start3A, %dma_start3A_12] : memref<160x25x80xi32, #tpu.memory_space<hbm>> -> memref<1x25x80xi32, #tpu.memory_space<hbm>>
      %dma_start3A_14 = tpu.memref_squeeze %dma_start3A_13 : memref<1x25x80xi32, #tpu.memory_space<hbm>> -> memref<25x80xi32, #tpu.memory_space<hbm>>
      %dma_start3A_15 = arith.constant 0 : i32
      %dma_start3A_16 = arith.constant 0 : i32
      %dma_start3A_17 = tpu.memref_slice %arg4[%add3A_6, %dma_start3A_15, %dma_start3A_16] : memref<160x25x80xi32, #tpu.memory_space<hbm>> -> memref<1x25x80xi32, #tpu.memory_space<hbm>>
      %dma_start3A_18 = tpu.memref_squeeze %dma_start3A_17 : memref<1x25x80xi32, #tpu.memory_space<hbm>> -> memref<25x80xi32, #tpu.memory_space<hbm>>
      tpu.enqueue_dma source(%dma_start3A_18 : memref<25x80xi32, #tpu.memory_space<hbm>>) target(%arg8 : memref<25x80xi32, #tpu.memory_space<vmem>>) target_semaphore(%run_scoped3A : memref<!tpu.dma_semaphore, #tpu.memory_space<semaphore_mem>>)
      %dma_wait3A = arith.constant 0 : i32
      %dma_wait3A_19 = arith.constant 0 : i32
      %dma_wait3A_20 = tpu.memref_slice %arg4[%add3A_6, %dma_wait3A, %dma_wait3A_19] : memref<160x25x80xi32, #tpu.memory_space<hbm>> -> memref<1x25x80xi32, #tpu.memory_space<hbm>>
      %dma_wait3A_21 = tpu.memref_squeeze %dma_wait3A_20 : memref<1x25x80xi32, #tpu.memory_space<hbm>> -> memref<25x80xi32, #tpu.memory_space<hbm>>
      %dma_wait3A_22 = arith.constant 0 : i32
      %dma_wait3A_23 = arith.constant 0 : i32
      %dma_wait3A_24 = tpu.memref_slice %arg4[%add3A_6, %dma_wait3A_22, %dma_wait3A_23] : memref<160x25x80xi32, #tpu.memory_space<hbm>> -> memref<1x25x80xi32, #tpu.memory_space<hbm>>
      %dma_wait3A_25 = tpu.memref_squeeze %dma_wait3A_24 : memref<1x25x80xi32, #tpu.memory_space<hbm>> -> memref<25x80xi32, #tpu.memory_space<hbm>>
      tpu.wait_dma2 semaphore(%run_scoped3A : memref<!tpu.dma_semaphore, #tpu.memory_space<semaphore_mem>>) src(%dma_wait3A_25 : memref<25x80xi32, #tpu.memory_space<hbm>>) dst(%arg8 : memref<25x80xi32, #tpu.memory_space<vmem>>)
      tpu.yield
    }) : () -> ()
    %scan3A = arith.constant 0 : i32
    %scan3A_7 = arith.constant 0 : i32
    %scan3A_8 = arith.constant 25 : i32
    %scan3A_9 = arith.addi %scan3A_7, %scan3A_8 : i32
    %scan3A_10 = arith.constant 1 : i32
    scf.for %scan3A_12 = %scan3A_7 to %scan3A_9 step %scan3A_10  : i32 {
      %dma_start3A = arith.constant 0 : i32
      %dma_start3A_13 = tpu.memref_slice %arg7[%scan3A_12, %dma_start3A] : memref<25x80xi32, #tpu.memory_space<vmem>> -> memref<1x80xi32, #tpu.memory_space<vmem>>
      %dma_start3A_14 = tpu.memref_squeeze %dma_start3A_13 : memref<1x80xi32, #tpu.memory_space<vmem>> -> memref<80xi32, #tpu.memory_space<vmem>>
      %dma_start3A_15 = arith.constant 0 : i32
      %dma_start3A_16 = arith.constant 0 : i32
      %dma_start3A_17 = tpu.memref_slice %arg2[%dma_start3A_15, %dma_start3A_16] : memref<10000x128xf32, #tpu.memory_space<hbm>> -> memref<10000x128xf32, #tpu.memory_space<hbm>>
      tpu.enqueue_indirect_dma source(%dma_start3A_17 : memref<10000x128xf32, #tpu.memory_space<hbm>>) target(%arg9 : memref<80x128xf32, #tpu.memory_space<vmem>>) offsets(%dma_start3A_14 : memref<80xi32, #tpu.memory_space<vmem>>) semaphore(%arg11 : memref<!tpu.dma_semaphore, #tpu.memory_space<semaphore_mem>>)
      %dma_start3A_18 = arith.constant 0 : i32
      %dma_start3A_19 = tpu.memref_slice %arg8[%scan3A_12, %dma_start3A_18] : memref<25x80xi32, #tpu.memory_space<vmem>> -> memref<1x80xi32, #tpu.memory_space<vmem>>
      %dma_start3A_20 = tpu.memref_squeeze %dma_start3A_19 : memref<1x80xi32, #tpu.memory_space<vmem>> -> memref<80xi32, #tpu.memory_space<vmem>>
      %dma_start3A_21 = arith.constant 0 : i32
      %dma_start3A_22 = arith.constant 0 : i32
      %dma_start3A_23 = tpu.memref_slice %arg2[%dma_start3A_21, %dma_start3A_22] : memref<10000x128xf32, #tpu.memory_space<hbm>> -> memref<10000x128xf32, #tpu.memory_space<hbm>>
      tpu.enqueue_indirect_dma source(%dma_start3A_23 : memref<10000x128xf32, #tpu.memory_space<hbm>>) target(%arg10 : memref<80x128xf32, #tpu.memory_space<vmem>>) offsets(%dma_start3A_20 : memref<80xi32, #tpu.memory_space<vmem>>) semaphore(%arg12 : memref<!tpu.dma_semaphore, #tpu.memory_space<semaphore_mem>>)
      %dma_wait3A = arith.constant 0 : i32
      %dma_wait3A_24 = tpu.memref_slice %arg7[%scan3A_12, %dma_wait3A] : memref<25x80xi32, #tpu.memory_space<vmem>> -> memref<1x80xi32, #tpu.memory_space<vmem>>
      %dma_wait3A_25 = tpu.memref_squeeze %dma_wait3A_24 : memref<1x80xi32, #tpu.memory_space<vmem>> -> memref<80xi32, #tpu.memory_space<vmem>>
      %dma_wait3A_26 = arith.constant 0 : i32
      %dma_wait3A_27 = arith.constant 0 : i32
      %dma_wait3A_28 = tpu.memref_slice %arg2[%dma_wait3A_26, %dma_wait3A_27] : memref<10000x128xf32, #tpu.memory_space<hbm>> -> memref<10000x128xf32, #tpu.memory_space<hbm>>
      tpu.wait_indirect_dma semaphore(%arg11 : memref<!tpu.dma_semaphore, #tpu.memory_space<semaphore_mem>>) src(%dma_wait3A_28 : memref<10000x128xf32, #tpu.memory_space<hbm>>) dst(%arg9 : memref<80x128xf32, #tpu.memory_space<vmem>>)
      %dma_wait3A_29 = arith.constant 0 : i32
      %dma_wait3A_30 = tpu.memref_slice %arg8[%scan3A_12, %dma_wait3A_29] : memref<25x80xi32, #tpu.memory_space<vmem>> -> memref<1x80xi32, #tpu.memory_space<vmem>>
      %dma_wait3A_31 = tpu.memref_squeeze %dma_wait3A_30 : memref<1x80xi32, #tpu.memory_space<vmem>> -> memref<80xi32, #tpu.memory_space<vmem>>
      %dma_wait3A_32 = arith.constant 0 : i32
      %dma_wait3A_33 = arith.constant 0 : i32
      %dma_wait3A_34 = tpu.memref_slice %arg2[%dma_wait3A_32, %dma_wait3A_33] : memref<10000x128xf32, #tpu.memory_space<hbm>> -> memref<10000x128xf32, #tpu.memory_space<hbm>>
      tpu.wait_indirect_dma semaphore(%arg12 : memref<!tpu.dma_semaphore, #tpu.memory_space<semaphore_mem>>) src(%dma_wait3A_34 : memref<10000x128xf32, #tpu.memory_space<hbm>>) dst(%arg10 : memref<80x128xf32, #tpu.memory_space<vmem>>)
      %mul3A_35 = arith.constant 80 : i32
      %mul3A_36 = arith.muli %scan3A_12, %mul3A_35 : i32
      %add3A_37 = arith.addi %mul3A_2, %mul3A_36 : i32
      "tpu.region"() ({
        %run_scoped3A = tpu.sem_alloc : memref<!tpu.dma_semaphore, #tpu.memory_space<semaphore_mem>>
        %dma_start3A_41 = arith.constant 0 : i32
        %dma_start3A_42 = tpu.memref_slice %arg5[%add3A_37, %dma_start3A_41] : memref<64000x128xf32, #tpu.memory_space<hbm>> -> memref<80x128xf32, #tpu.memory_space<hbm>>
        %dma_start3A_43 = arith.constant 0 : i32
        %dma_start3A_44 = tpu.memref_slice %arg5[%add3A_37, %dma_start3A_43] : memref<64000x128xf32, #tpu.memory_space<hbm>> -> memref<80x128xf32, #tpu.memory_space<hbm>>
        tpu.enqueue_dma source(%arg9 : memref<80x128xf32, #tpu.memory_space<vmem>>) target(%dma_start3A_44 : memref<80x128xf32, #tpu.memory_space<hbm>>) target_semaphore(%run_scoped3A : memref<!tpu.dma_semaphore, #tpu.memory_space<semaphore_mem>>)
        %dma_wait3A_45 = arith.constant 0 : i32
        %dma_wait3A_46 = tpu.memref_slice %arg5[%add3A_37, %dma_wait3A_45] : memref<64000x128xf32, #tpu.memory_space<hbm>> -> memref<80x128xf32, #tpu.memory_space<hbm>>
        %dma_wait3A_47 = arith.constant 0 : i32
        %dma_wait3A_48 = tpu.memref_slice %arg5[%add3A_37, %dma_wait3A_47] : memref<64000x128xf32, #tpu.memory_space<hbm>> -> memref<80x128xf32, #tpu.memory_space<hbm>>
        tpu.wait_dma2 semaphore(%run_scoped3A : memref<!tpu.dma_semaphore, #tpu.memory_space<semaphore_mem>>) src(%arg9 : memref<80x128xf32, #tpu.memory_space<vmem>>) dst(%dma_wait3A_48 : memref<80x128xf32, #tpu.memory_space<hbm>>)
        tpu.yield
      }) : () -> ()
      %mul3A_38 = arith.constant 80 : i32
      %mul3A_39 = arith.muli %scan3A_12, %mul3A_38 : i32
      %add3A_40 = arith.addi %mul3A_2, %mul3A_39 : i32
      "tpu.region"() ({
        %run_scoped3A = tpu.sem_alloc : memref<!tpu.dma_semaphore, #tpu.memory_space<semaphore_mem>>
        %dma_start3A_41 = arith.constant 0 : i32
        %dma_start3A_42 = tpu.memref_slice %arg6[%add3A_40, %dma_start3A_41] : memref<64000x128xf32, #tpu.memory_space<hbm>> -> memref<80x128xf32, #tpu.memory_space<hbm>>
        %dma_start3A_43 = arith.constant 0 : i32
        %dma_start3A_44 = tpu.memref_slice %arg6[%add3A_40, %dma_start3A_43] : memref<64000x128xf32, #tpu.memory_space<hbm>> -> memref<80x128xf32, #tpu.memory_space<hbm>>
        tpu.enqueue_dma source(%arg10 : memref<80x128xf32, #tpu.memory_space<vmem>>) target(%dma_start3A_44 : memref<80x128xf32, #tpu.memory_space<hbm>>) target_semaphore(%run_scoped3A : memref<!tpu.dma_semaphore, #tpu.memory_space<semaphore_mem>>)
        %dma_wait3A_45 = arith.constant 0 : i32
        %dma_wait3A_46 = tpu.memref_slice %arg6[%add3A_40, %dma_wait3A_45] : memref<64000x128xf32, #tpu.memory_space<hbm>> -> memref<80x128xf32, #tpu.memory_space<hbm>>
        %dma_wait3A_47 = arith.constant 0 : i32
        %dma_wait3A_48 = tpu.memref_slice %arg6[%add3A_40, %dma_wait3A_47] : memref<64000x128xf32, #tpu.memory_space<hbm>> -> memref<80x128xf32, #tpu.memory_space<hbm>>
        tpu.wait_dma2 semaphore(%run_scoped3A : memref<!tpu.dma_semaphore, #tpu.memory_space<semaphore_mem>>) src(%arg10 : memref<80x128xf32, #tpu.memory_space<vmem>>) dst(%dma_wait3A_48 : memref<80x128xf32, #tpu.memory_space<hbm>>)
        tpu.yield
      }) : () -> ()
    }
    %scan3A_11 = arith.constant 25 : i32
    return
  }
}

#map = affine_map<(d0, d1) -> (0, 0)>
#map1 = affine_map<(d0, d1) -> (0, 0, 0)>
module attributes {stable_mosaic.version = 14 : i64} {
  func.func @gather(%arg0: i32, %arg1: i32, %arg2: memref<10000x128xf32, #tpu.memory_space<hbm>>, %arg3: memref<160x25x80xi32, #tpu.memory_space<hbm>>, %arg4: memref<160x25x80xi32, #tpu.memory_space<hbm>>, %arg5: memref<64000x128xf32, #tpu.memory_space<hbm>>, %arg6: memref<64000x128xf32, #tpu.memory_space<hbm>>, %arg7: memref<25x80xi32, #tpu.memory_space<vmem>>, %arg8: memref<25x80xi32, #tpu.memory_space<vmem>>, %arg9: memref<80x128xf32, #tpu.memory_space<vmem>>, %arg10: memref<80x128xf32, #tpu.memory_space<vmem>>, %arg11: memref<!tpu.dma_semaphore, #tpu.memory_space<semaphore_mem>>, %arg12: memref<!tpu.dma_semaphore, #tpu.memory_space<semaphore_mem>>) attributes {dimension_semantics = [#tpu.dimension_semantics<core_parallel>, #tpu.dimension_semantics<subcore_parallel>], iteration_bounds = array<i64: 2, 16>, scalar_prefetch = 0 : i64, scratch_operands = 6 : i64, tpu.core_type = #tpu.core_type<sc_vector_subcore>, window_params = [{transform_indices = #map}, {transform_indices = #map1}, {transform_indices = #map1}, {transform_indices = #map}, {transform_indices = #map}]} {
    %mul3A = arith.constant 2 : i32
    %mul3A_0 = arith.muli %arg1, %mul3A : i32
    %add3A = arith.addi %mul3A_0, %arg0 : i32
    %mul3A_1 = arith.constant 2000 : i32
    %mul3A_2 = arith.muli %add3A, %mul3A_1 : i32
    %add3A_3 = arith.constant 128 : i32
    %add3A_4 = arith.addi %add3A_3, %add3A : i32
    "tpu.region"() ({
      %run_scoped3A = tpu.sem_alloc : memref<!tpu.dma_semaphore, #tpu.memory_space<semaphore_mem>>
      %dma_start3A = arith.constant 0 : i32
      %dma_start3A_12 = arith.constant 0 : i32
      %dma_start3A_13 = tpu.memref_slice %arg3[%add3A_4, %dma_start3A, %dma_start3A_12] : memref<160x25x80xi32, #tpu.memory_space<hbm>> -> memref<1x25x80xi32, #tpu.memory_space<hbm>>
      %dma_start3A_14 = tpu.memref_squeeze %dma_start3A_13 : memref<1x25x80xi32, #tpu.memory_space<hbm>> -> memref<25x80xi32, #tpu.memory_space<hbm>>
      %dma_start3A_15 = arith.constant 0 : i32
      %dma_start3A_16 = arith.constant 0 : i32
      %dma_start3A_17 = tpu.memref_slice %arg3[%add3A_4, %dma_start3A_15, %dma_start3A_16] : memref<160x25x80xi32, #tpu.memory_space<hbm>> -> memref<1x25x80xi32, #tpu.memory_space<hbm>>
      %dma_start3A_18 = tpu.memref_squeeze %dma_start3A_17 : memref<1x25x80xi32, #tpu.memory_space<hbm>> -> memref<25x80xi32, #tpu.memory_space<hbm>>
      tpu.enqueue_dma source(%dma_start3A_18 : memref<25x80xi32, #tpu.memory_space<hbm>>) target(%arg7 : memref<25x80xi32, #tpu.memory_space<vmem>>) target_semaphore(%run_scoped3A : memref<!tpu.dma_semaphore, #tpu.memory_space<semaphore_mem>>)
      %dma_wait3A = arith.constant 0 : i32
      %dma_wait3A_19 = arith.constant 0 : i32
      %dma_wait3A_20 = tpu.memref_slice %arg3[%add3A_4, %dma_wait3A, %dma_wait3A_19] : memref<160x25x80xi32, #tpu.memory_space<hbm>> -> memref<1x25x80xi32, #tpu.memory_space<hbm>>
      %dma_wait3A_21 = tpu.memref_squeeze %dma_wait3A_20 : memref<1x25x80xi32, #tpu.memory_space<hbm>> -> memref<25x80xi32, #tpu.memory_space<hbm>>
      %dma_wait3A_22 = arith.constant 0 : i32
      %dma_wait3A_23 = arith.constant 0 : i32
      %dma_wait3A_24 = tpu.memref_slice %arg3[%add3A_4, %dma_wait3A_22, %dma_wait3A_23] : memref<160x25x80xi32, #tpu.memory_space<hbm>> -> memref<1x25x80xi32, #tpu.memory_space<hbm>>
      %dma_wait3A_25 = tpu.memref_squeeze %dma_wait3A_24 : memref<1x25x80xi32, #tpu.memory_space<hbm>> -> memref<25x80xi32, #tpu.memory_space<hbm>>
      tpu.wait_dma2 semaphore(%run_scoped3A : memref<!tpu.dma_semaphore, #tpu.memory_space<semaphore_mem>>) src(%dma_wait3A_25 : memref<25x80xi32, #tpu.memory_space<hbm>>) dst(%arg7 : memref<25x80xi32, #tpu.memory_space<vmem>>)
      tpu.yield
    }) : () -> ()
    %add3A_5 = arith.constant 128 : i32
    %add3A_6 = arith.addi %add3A_5, %add3A : i32
    "tpu.region"() ({
      %run_scoped3A = tpu.sem_alloc : memref<!tpu.dma_semaphore, #tpu.memory_space<semaphore_mem>>
      %dma_start3A = arith.constant 0 : i32
      %dma_start3A_12 = arith.constant 0 : i32
      %dma_start3A_13 = tpu.memref_slice %arg4[%add3A_6, %dma_start3A, %dma_start3A_12] : memref<160x25x80xi32, #tpu.memory_space<hbm>> -> memref<1x25x80xi32, #tpu.memory_space<hbm>>
      %dma_start3A_14 = tpu.memref_squeeze %dma_start3A_13 : memref<1x25x80xi32, #tpu.memory_space<hbm>> -> memref<25x80xi32, #tpu.memory_space<hbm>>
      %dma_start3A_15 = arith.constant 0 : i32
      %dma_start3A_16 = arith.constant 0 : i32
      %dma_start3A_17 = tpu.memref_slice %arg4[%add3A_6, %dma_start3A_15, %dma_start3A_16] : memref<160x25x80xi32, #tpu.memory_space<hbm>> -> memref<1x25x80xi32, #tpu.memory_space<hbm>>
      %dma_start3A_18 = tpu.memref_squeeze %dma_start3A_17 : memref<1x25x80xi32, #tpu.memory_space<hbm>> -> memref<25x80xi32, #tpu.memory_space<hbm>>
      tpu.enqueue_dma source(%dma_start3A_18 : memref<25x80xi32, #tpu.memory_space<hbm>>) target(%arg8 : memref<25x80xi32, #tpu.memory_space<vmem>>) target_semaphore(%run_scoped3A : memref<!tpu.dma_semaphore, #tpu.memory_space<semaphore_mem>>)
      %dma_wait3A = arith.constant 0 : i32
      %dma_wait3A_19 = arith.constant 0 : i32
      %dma_wait3A_20 = tpu.memref_slice %arg4[%add3A_6, %dma_wait3A, %dma_wait3A_19] : memref<160x25x80xi32, #tpu.memory_space<hbm>> -> memref<1x25x80xi32, #tpu.memory_space<hbm>>
      %dma_wait3A_21 = tpu.memref_squeeze %dma_wait3A_20 : memref<1x25x80xi32, #tpu.memory_space<hbm>> -> memref<25x80xi32, #tpu.memory_space<hbm>>
      %dma_wait3A_22 = arith.constant 0 : i32
      %dma_wait3A_23 = arith.constant 0 : i32
      %dma_wait3A_24 = tpu.memref_slice %arg4[%add3A_6, %dma_wait3A_22, %dma_wait3A_23] : memref<160x25x80xi32, #tpu.memory_space<hbm>> -> memref<1x25x80xi32, #tpu.memory_space<hbm>>
      %dma_wait3A_25 = tpu.memref_squeeze %dma_wait3A_24 : memref<1x25x80xi32, #tpu.memory_space<hbm>> -> memref<25x80xi32, #tpu.memory_space<hbm>>
      tpu.wait_dma2 semaphore(%run_scoped3A : memref<!tpu.dma_semaphore, #tpu.memory_space<semaphore_mem>>) src(%dma_wait3A_25 : memref<25x80xi32, #tpu.memory_space<hbm>>) dst(%arg8 : memref<25x80xi32, #tpu.memory_space<vmem>>)
      tpu.yield
    }) : () -> ()
    %scan3A = arith.constant 0 : i32
    %scan3A_7 = arith.constant 0 : i32
    %scan3A_8 = arith.constant 25 : i32
    %scan3A_9 = arith.addi %scan3A_7, %scan3A_8 : i32
    %scan3A_10 = arith.constant 1 : i32
    scf.for %scan3A_12 = %scan3A_7 to %scan3A_9 step %scan3A_10  : i32 {
      %dma_start3A = arith.constant 0 : i32
      %dma_start3A_13 = tpu.memref_slice %arg7[%scan3A_12, %dma_start3A] : memref<25x80xi32, #tpu.memory_space<vmem>> -> memref<1x80xi32, #tpu.memory_space<vmem>>
      %dma_start3A_14 = tpu.memref_squeeze %dma_start3A_13 : memref<1x80xi32, #tpu.memory_space<vmem>> -> memref<80xi32, #tpu.memory_space<vmem>>
      %dma_start3A_15 = arith.constant 0 : i32
      %dma_start3A_16 = arith.constant 0 : i32
      %dma_start3A_17 = tpu.memref_slice %arg2[%dma_start3A_15, %dma_start3A_16] : memref<10000x128xf32, #tpu.memory_space<hbm>> -> memref<10000x128xf32, #tpu.memory_space<hbm>>
      tpu.enqueue_indirect_dma source(%dma_start3A_17 : memref<10000x128xf32, #tpu.memory_space<hbm>>) target(%arg9 : memref<80x128xf32, #tpu.memory_space<vmem>>) offsets(%dma_start3A_14 : memref<80xi32, #tpu.memory_space<vmem>>) semaphore(%arg11 : memref<!tpu.dma_semaphore, #tpu.memory_space<semaphore_mem>>)
      %dma_start3A_18 = arith.constant 0 : i32
      %dma_start3A_19 = tpu.memref_slice %arg8[%scan3A_12, %dma_start3A_18] : memref<25x80xi32, #tpu.memory_space<vmem>> -> memref<1x80xi32, #tpu.memory_space<vmem>>
      %dma_start3A_20 = tpu.memref_squeeze %dma_start3A_19 : memref<1x80xi32, #tpu.memory_space<vmem>> -> memref<80xi32, #tpu.memory_space<vmem>>
      %dma_start3A_21 = arith.constant 0 : i32
      %dma_start3A_22 = arith.constant 0 : i32
      %dma_start3A_23 = tpu.memref_slice %arg2[%dma_start3A_21, %dma_start3A_22] : memref<10000x128xf32, #tpu.memory_space<hbm>> -> memref<10000x128xf32, #tpu.memory_space<hbm>>
      tpu.enqueue_indirect_dma source(%dma_start3A_23 : memref<10000x128xf32, #tpu.memory_space<hbm>>) target(%arg10 : memref<80x128xf32, #tpu.memory_space<vmem>>) offsets(%dma_start3A_20 : memref<80xi32, #tpu.memory_space<vmem>>) semaphore(%arg12 : memref<!tpu.dma_semaphore, #tpu.memory_space<semaphore_mem>>)
      %dma_wait3A = arith.constant 0 : i32
      %dma_wait3A_24 = tpu.memref_slice %arg7[%scan3A_12, %dma_wait3A] : memref<25x80xi32, #tpu.memory_space<vmem>> -> memref<1x80xi32, #tpu.memory_space<vmem>>
      %dma_wait3A_25 = tpu.memref_squeeze %dma_wait3A_24 : memref<1x80xi32, #tpu.memory_space<vmem>> -> memref<80xi32, #tpu.memory_space<vmem>>
      %dma_wait3A_26 = arith.constant 0 : i32
      %dma_wait3A_27 = arith.constant 0 : i32
      %dma_wait3A_28 = tpu.memref_slice %arg2[%dma_wait3A_26, %dma_wait3A_27] : memref<10000x128xf32, #tpu.memory_space<hbm>> -> memref<10000x128xf32, #tpu.memory_space<hbm>>
      tpu.wait_indirect_dma semaphore(%arg11 : memref<!tpu.dma_semaphore, #tpu.memory_space<semaphore_mem>>) src(%dma_wait3A_28 : memref<10000x128xf32, #tpu.memory_space<hbm>>) dst(%arg9 : memref<80x128xf32, #tpu.memory_space<vmem>>)
      %dma_wait3A_29 = arith.constant 0 : i32
      %dma_wait3A_30 = tpu.memref_slice %arg8[%scan3A_12, %dma_wait3A_29] : memref<25x80xi32, #tpu.memory_space<vmem>> -> memref<1x80xi32, #tpu.memory_space<vmem>>
      %dma_wait3A_31 = tpu.memref_squeeze %dma_wait3A_30 : memref<1x80xi32, #tpu.memory_space<vmem>> -> memref<80xi32, #tpu.memory_space<vmem>>
      %dma_wait3A_32 = arith.constant 0 : i32
      %dma_wait3A_33 = arith.constant 0 : i32
      %dma_wait3A_34 = tpu.memref_slice %arg2[%dma_wait3A_32, %dma_wait3A_33] : memref<10000x128xf32, #tpu.memory_space<hbm>> -> memref<10000x128xf32, #tpu.memory_space<hbm>>
      tpu.wait_indirect_dma semaphore(%arg12 : memref<!tpu.dma_semaphore, #tpu.memory_space<semaphore_mem>>) src(%dma_wait3A_34 : memref<10000x128xf32, #tpu.memory_space<hbm>>) dst(%arg10 : memref<80x128xf32, #tpu.memory_space<vmem>>)
      %mul3A_35 = arith.constant 80 : i32
      %mul3A_36 = arith.muli %scan3A_12, %mul3A_35 : i32
      %add3A_37 = arith.addi %mul3A_2, %mul3A_36 : i32
      "tpu.region"() ({
        %run_scoped3A = tpu.sem_alloc : memref<!tpu.dma_semaphore, #tpu.memory_space<semaphore_mem>>
        %dma_start3A_41 = arith.constant 0 : i32
        %dma_start3A_42 = tpu.memref_slice %arg5[%add3A_37, %dma_start3A_41] : memref<64000x128xf32, #tpu.memory_space<hbm>> -> memref<80x128xf32, #tpu.memory_space<hbm>>
        %dma_start3A_43 = arith.constant 0 : i32
        %dma_start3A_44 = tpu.memref_slice %arg5[%add3A_37, %dma_start3A_43] : memref<64000x128xf32, #tpu.memory_space<hbm>> -> memref<80x128xf32, #tpu.memory_space<hbm>>
        tpu.enqueue_dma source(%arg9 : memref<80x128xf32, #tpu.memory_space<vmem>>) target(%dma_start3A_44 : memref<80x128xf32, #tpu.memory_space<hbm>>) target_semaphore(%run_scoped3A : memref<!tpu.dma_semaphore, #tpu.memory_space<semaphore_mem>>)
        %dma_wait3A_45 = arith.constant 0 : i32
        %dma_wait3A_46 = tpu.memref_slice %arg5[%add3A_37, %dma_wait3A_45] : memref<64000x128xf32, #tpu.memory_space<hbm>> -> memref<80x128xf32, #tpu.memory_space<hbm>>
        %dma_wait3A_47 = arith.constant 0 : i32
        %dma_wait3A_48 = tpu.memref_slice %arg5[%add3A_37, %dma_wait3A_47] : memref<64000x128xf32, #tpu.memory_space<hbm>> -> memref<80x128xf32, #tpu.memory_space<hbm>>
        tpu.wait_dma2 semaphore(%run_scoped3A : memref<!tpu.dma_semaphore, #tpu.memory_space<semaphore_mem>>) src(%arg9 : memref<80x128xf32, #tpu.memory_space<vmem>>) dst(%dma_wait3A_48 : memref<80x128xf32, #tpu.memory_space<hbm>>)
        tpu.yield
      }) : () -> ()
      %mul3A_38 = arith.constant 80 : i32
      %mul3A_39 = arith.muli %scan3A_12, %mul3A_38 : i32
      %add3A_40 = arith.addi %mul3A_2, %mul3A_39 : i32
      "tpu.region"() ({
        %run_scoped3A = tpu.sem_alloc : memref<!tpu.dma_semaphore, #tpu.memory_space<semaphore_mem>>
        %dma_start3A_41 = arith.constant 0 : i32
        %dma_start3A_42 = tpu.memref_slice %arg6[%add3A_40, %dma_start3A_41] : memref<64000x128xf32, #tpu.memory_space<hbm>> -> memref<80x128xf32, #tpu.memory_space<hbm>>
        %dma_start3A_43 = arith.constant 0 : i32
        %dma_start3A_44 = tpu.memref_slice %arg6[%add3A_40, %dma_start3A_43] : memref<64000x128xf32, #tpu.memory_space<hbm>> -> memref<80x128xf32, #tpu.memory_space<hbm>>
        tpu.enqueue_dma source(%arg10 : memref<80x128xf32, #tpu.memory_space<vmem>>) target(%dma_start3A_44 : memref<80x128xf32, #tpu.memory_space<hbm>>) target_semaphore(%run_scoped3A : memref<!tpu.dma_semaphore, #tpu.memory_space<semaphore_mem>>)
        %dma_wait3A_45 = arith.constant 0 : i32
        %dma_wait3A_46 = tpu.memref_slice %arg6[%add3A_40, %dma_wait3A_45] : memref<64000x128xf32, #tpu.memory_space<hbm>> -> memref<80x128xf32, #tpu.memory_space<hbm>>
        %dma_wait3A_47 = arith.constant 0 : i32
        %dma_wait3A_48 = tpu.memref_slice %arg6[%add3A_40, %dma_wait3A_47] : memref<64000x128xf32, #tpu.memory_space<hbm>> -> memref<80x128xf32, #tpu.memory_space<hbm>>
        tpu.wait_dma2 semaphore(%run_scoped3A : memref<!tpu.dma_semaphore, #tpu.memory_space<semaphore_mem>>) src(%arg10 : memref<80x128xf32, #tpu.memory_space<vmem>>) dst(%dma_wait3A_48 : memref<80x128xf32, #tpu.memory_space<hbm>>)
        tpu.yield
      }) : () -> ()
    }
    %scan3A_11 = arith.constant 25 : i32
    return
  }
}

#map = affine_map<(d0, d1) -> (0, 0)>
#map1 = affine_map<(d0, d1) -> (0, 0, 0)>
module attributes {stable_mosaic.version = 14 : i64} {
  func.func @scatter(%arg0: i32, %arg1: i32, %arg2: memref<64000x64xf32, #tpu.memory_space<hbm>>, %arg3: memref<64000x64xf32, #tpu.memory_space<hbm>>, %arg4: memref<10000x128xf32, #tpu.memory_space<hbm>>, %arg5: memref<160x25x80xi32, #tpu.memory_space<hbm>>, %arg6: memref<160x25x80xi32, #tpu.memory_space<hbm>>, %arg7: memref<10112x128xf32, #tpu.memory_space<hbm>>, %arg8: memref<2x10112x128xf32, #tpu.memory_space<hbm>>, %arg9: memref<25x80xi32, #tpu.memory_space<vmem>>, %arg10: memref<25x80xi32, #tpu.memory_space<vmem>>, %arg11: memref<80x64xf32, #tpu.memory_space<vmem>>, %arg12: memref<80x128xf32, #tpu.memory_space<vmem>>, %arg13: memref<80x128xf32, #tpu.memory_space<vmem>>, %arg14: memref<10112x128xf32, #tpu.memory_space<vmem_shared>>, %arg15: memref<!tpu.dma_semaphore, #tpu.memory_space<semaphore_mem>>) attributes {dimension_semantics = [#tpu.dimension_semantics<core_parallel>, #tpu.dimension_semantics<subcore_parallel>], iteration_bounds = array<i64: 2, 16>, scalar_prefetch = 0 : i64, scratch_operands = 7 : i64, tpu.core_type = #tpu.core_type<sc_vector_subcore>, window_params = [{transform_indices = #map}, {transform_indices = #map}, {transform_indices = #map}, {transform_indices = #map1}, {transform_indices = #map1}, {transform_indices = #map}, {transform_indices = #map1}]} {
    %mul3A = arith.constant 2 : i32
    %mul3A_0 = arith.muli %arg1, %mul3A : i32
    %add3A = arith.addi %mul3A_0, %arg0 : i32
    %mul3A_1 = arith.constant 2000 : i32
    %mul3A_2 = arith.muli %add3A, %mul3A_1 : i32
    %mul3A_3 = arith.constant 632 : i32
    %mul3A_4 = arith.muli %arg1, %mul3A_3 : i32
    %mul3A_5 = arith.constant 632 : i32
    %mul3A_6 = arith.muli %arg1, %mul3A_5 : i32
    "tpu.region"() ({
      %run_scoped3A = tpu.sem_alloc : memref<!tpu.dma_semaphore, #tpu.memory_space<semaphore_mem>>
      %dma_start3A = arith.constant 0 : i32
      %dma_start3A_31 = tpu.memref_slice %arg14[%mul3A_6, %dma_start3A] : memref<10112x128xf32, #tpu.memory_space<vmem_shared>> -> memref<632x128xf32, #tpu.memory_space<vmem_shared>>
      %dma_start3A_32 = arith.constant 0 : i32
      %dma_start3A_33 = tpu.memref_slice %arg7[%mul3A_4, %dma_start3A_32] : memref<10112x128xf32, #tpu.memory_space<hbm>> -> memref<632x128xf32, #tpu.memory_space<hbm>>
      tpu.enqueue_dma source(%dma_start3A_33 : memref<632x128xf32, #tpu.memory_space<hbm>>) target(%dma_start3A_31 : memref<632x128xf32, #tpu.memory_space<vmem_shared>>) target_semaphore(%run_scoped3A : memref<!tpu.dma_semaphore, #tpu.memory_space<semaphore_mem>>)
      %dma_wait3A = arith.constant 0 : i32
      %dma_wait3A_34 = tpu.memref_slice %arg14[%mul3A_6, %dma_wait3A] : memref<10112x128xf32, #tpu.memory_space<vmem_shared>> -> memref<632x128xf32, #tpu.memory_space<vmem_shared>>
      %dma_wait3A_35 = arith.constant 0 : i32
      %dma_wait3A_36 = tpu.memref_slice %arg7[%mul3A_4, %dma_wait3A_35] : memref<10112x128xf32, #tpu.memory_space<hbm>> -> memref<632x128xf32, #tpu.memory_space<hbm>>
      tpu.wait_dma2 semaphore(%run_scoped3A : memref<!tpu.dma_semaphore, #tpu.memory_space<semaphore_mem>>) src(%dma_wait3A_36 : memref<632x128xf32, #tpu.memory_space<hbm>>) dst(%dma_wait3A_34 : memref<632x128xf32, #tpu.memory_space<vmem_shared>>)
      tpu.yield
    }) : () -> ()
    %barrier3A = arith.constant 0 : index
    tpu.barrier barrier_id(%barrier3A)
    %add3A_7 = arith.constant 64 : i32
    %add3A_8 = arith.addi %add3A_7, %add3A : i32
    "tpu.region"() ({
      %run_scoped3A = tpu.sem_alloc : memref<!tpu.dma_semaphore, #tpu.memory_space<semaphore_mem>>
      %dma_start3A = arith.constant 0 : i32
      %dma_start3A_31 = arith.constant 0 : i32
      %dma_start3A_32 = tpu.memref_slice %arg5[%add3A_8, %dma_start3A, %dma_start3A_31] : memref<160x25x80xi32, #tpu.memory_space<hbm>> -> memref<1x25x80xi32, #tpu.memory_space<hbm>>
      %dma_start3A_33 = tpu.memref_squeeze %dma_start3A_32 : memref<1x25x80xi32, #tpu.memory_space<hbm>> -> memref<25x80xi32, #tpu.memory_space<hbm>>
      %dma_start3A_34 = arith.constant 0 : i32
      %dma_start3A_35 = arith.constant 0 : i32
      %dma_start3A_36 = tpu.memref_slice %arg5[%add3A_8, %dma_start3A_34, %dma_start3A_35] : memref<160x25x80xi32, #tpu.memory_space<hbm>> -> memref<1x25x80xi32, #tpu.memory_space<hbm>>
      %dma_start3A_37 = tpu.memref_squeeze %dma_start3A_36 : memref<1x25x80xi32, #tpu.memory_space<hbm>> -> memref<25x80xi32, #tpu.memory_space<hbm>>
      tpu.enqueue_dma source(%dma_start3A_37 : memref<25x80xi32, #tpu.memory_space<hbm>>) target(%arg9 : memref<25x80xi32, #tpu.memory_space<vmem>>) target_semaphore(%run_scoped3A : memref<!tpu.dma_semaphore, #tpu.memory_space<semaphore_mem>>)
      %dma_wait3A = arith.constant 0 : i32
      %dma_wait3A_38 = arith.constant 0 : i32
      %dma_wait3A_39 = tpu.memref_slice %arg5[%add3A_8, %dma_wait3A, %dma_wait3A_38] : memref<160x25x80xi32, #tpu.memory_space<hbm>> -> memref<1x25x80xi32, #tpu.memory_space<hbm>>
      %dma_wait3A_40 = tpu.memref_squeeze %dma_wait3A_39 : memref<1x25x80xi32, #tpu.memory_space<hbm>> -> memref<25x80xi32, #tpu.memory_space<hbm>>
      %dma_wait3A_41 = arith.constant 0 : i32
      %dma_wait3A_42 = arith.constant 0 : i32
      %dma_wait3A_43 = tpu.memref_slice %arg5[%add3A_8, %dma_wait3A_41, %dma_wait3A_42] : memref<160x25x80xi32, #tpu.memory_space<hbm>> -> memref<1x25x80xi32, #tpu.memory_space<hbm>>
      %dma_wait3A_44 = tpu.memref_squeeze %dma_wait3A_43 : memref<1x25x80xi32, #tpu.memory_space<hbm>> -> memref<25x80xi32, #tpu.memory_space<hbm>>
      tpu.wait_dma2 semaphore(%run_scoped3A : memref<!tpu.dma_semaphore, #tpu.memory_space<semaphore_mem>>) src(%dma_wait3A_44 : memref<25x80xi32, #tpu.memory_space<hbm>>) dst(%arg9 : memref<25x80xi32, #tpu.memory_space<vmem>>)
      tpu.yield
    }) : () -> ()
    %add3A_9 = arith.constant 64 : i32
    %add3A_10 = arith.addi %add3A_9, %add3A : i32
    "tpu.region"() ({
      %run_scoped3A = tpu.sem_alloc : memref<!tpu.dma_semaphore, #tpu.memory_space<semaphore_mem>>
      %dma_start3A = arith.constant 0 : i32
      %dma_start3A_31 = arith.constant 0 : i32
      %dma_start3A_32 = tpu.memref_slice %arg6[%add3A_10, %dma_start3A, %dma_start3A_31] : memref<160x25x80xi32, #tpu.memory_space<hbm>> -> memref<1x25x80xi32, #tpu.memory_space<hbm>>
      %dma_start3A_33 = tpu.memref_squeeze %dma_start3A_32 : memref<1x25x80xi32, #tpu.memory_space<hbm>> -> memref<25x80xi32, #tpu.memory_space<hbm>>
      %dma_start3A_34 = arith.constant 0 : i32
      %dma_start3A_35 = arith.constant 0 : i32
      %dma_start3A_36 = tpu.memref_slice %arg6[%add3A_10, %dma_start3A_34, %dma_start3A_35] : memref<160x25x80xi32, #tpu.memory_space<hbm>> -> memref<1x25x80xi32, #tpu.memory_space<hbm>>
      %dma_start3A_37 = tpu.memref_squeeze %dma_start3A_36 : memref<1x25x80xi32, #tpu.memory_space<hbm>> -> memref<25x80xi32, #tpu.memory_space<hbm>>
      tpu.enqueue_dma source(%dma_start3A_37 : memref<25x80xi32, #tpu.memory_space<hbm>>) target(%arg10 : memref<25x80xi32, #tpu.memory_space<vmem>>) target_semaphore(%run_scoped3A : memref<!tpu.dma_semaphore, #tpu.memory_space<semaphore_mem>>)
      %dma_wait3A = arith.constant 0 : i32
      %dma_wait3A_38 = arith.constant 0 : i32
      %dma_wait3A_39 = tpu.memref_slice %arg6[%add3A_10, %dma_wait3A, %dma_wait3A_38] : memref<160x25x80xi32, #tpu.memory_space<hbm>> -> memref<1x25x80xi32, #tpu.memory_space<hbm>>
      %dma_wait3A_40 = tpu.memref_squeeze %dma_wait3A_39 : memref<1x25x80xi32, #tpu.memory_space<hbm>> -> memref<25x80xi32, #tpu.memory_space<hbm>>
      %dma_wait3A_41 = arith.constant 0 : i32
      %dma_wait3A_42 = arith.constant 0 : i32
      %dma_wait3A_43 = tpu.memref_slice %arg6[%add3A_10, %dma_wait3A_41, %dma_wait3A_42] : memref<160x25x80xi32, #tpu.memory_space<hbm>> -> memref<1x25x80xi32, #tpu.memory_space<hbm>>
      %dma_wait3A_44 = tpu.memref_squeeze %dma_wait3A_43 : memref<1x25x80xi32, #tpu.memory_space<hbm>> -> memref<25x80xi32, #tpu.memory_space<hbm>>
      tpu.wait_dma2 semaphore(%run_scoped3A : memref<!tpu.dma_semaphore, #tpu.memory_space<semaphore_mem>>) src(%dma_wait3A_44 : memref<25x80xi32, #tpu.memory_space<hbm>>) dst(%arg10 : memref<25x80xi32, #tpu.memory_space<vmem>>)
      tpu.yield
    }) : () -> ()
    %scan3A = arith.constant 0 : i32
    %scan3A_11 = arith.constant 0 : i32
    %scan3A_12 = arith.constant 25 : i32
    %scan3A_13 = arith.addi %scan3A_11, %scan3A_12 : i32
    %scan3A_14 = arith.constant 1 : i32
    scf.for %scan3A_31 = %scan3A_11 to %scan3A_13 step %scan3A_14  : i32 {
      %dma_start3A = arith.constant 0 : i32
      %dma_start3A_32 = tpu.memref_slice %arg10[%scan3A_31, %dma_start3A] : memref<25x80xi32, #tpu.memory_space<vmem>> -> memref<1x80xi32, #tpu.memory_space<vmem>>
      %dma_start3A_33 = tpu.memref_squeeze %dma_start3A_32 : memref<1x80xi32, #tpu.memory_space<vmem>> -> memref<80xi32, #tpu.memory_space<vmem>>
      %dma_start3A_34 = arith.constant 0 : i32
      %dma_start3A_35 = arith.constant 0 : i32
      %dma_start3A_36 = tpu.memref_slice %arg4[%dma_start3A_34, %dma_start3A_35] : memref<10000x128xf32, #tpu.memory_space<hbm>> -> memref<10000x128xf32, #tpu.memory_space<hbm>>
      tpu.enqueue_indirect_dma source(%dma_start3A_36 : memref<10000x128xf32, #tpu.memory_space<hbm>>) target(%arg12 : memref<80x128xf32, #tpu.memory_space<vmem>>) offsets(%dma_start3A_33 : memref<80xi32, #tpu.memory_space<vmem>>) semaphore(%arg15 : memref<!tpu.dma_semaphore, #tpu.memory_space<semaphore_mem>>)
      %mul3A_37 = arith.constant 80 : i32
      %mul3A_38 = arith.muli %scan3A_31, %mul3A_37 : i32
      %add3A_39 = arith.addi %mul3A_2, %mul3A_38 : i32
      "tpu.region"() ({
        %run_scoped3A = tpu.sem_alloc : memref<!tpu.dma_semaphore, #tpu.memory_space<semaphore_mem>>
        %dma_start3A_51 = arith.constant 0 : i32
        %dma_start3A_52 = tpu.memref_slice %arg2[%add3A_39, %dma_start3A_51] : memref<64000x64xf32, #tpu.memory_space<hbm>> -> memref<80x64xf32, #tpu.memory_space<hbm>>
        %dma_start3A_53 = arith.constant 0 : i32
        %dma_start3A_54 = tpu.memref_slice %arg2[%add3A_39, %dma_start3A_53] : memref<64000x64xf32, #tpu.memory_space<hbm>> -> memref<80x64xf32, #tpu.memory_space<hbm>>
        tpu.enqueue_dma source(%dma_start3A_54 : memref<80x64xf32, #tpu.memory_space<hbm>>) target(%arg11 : memref<80x64xf32, #tpu.memory_space<vmem>>) target_semaphore(%run_scoped3A : memref<!tpu.dma_semaphore, #tpu.memory_space<semaphore_mem>>)
        %dma_wait3A_55 = arith.constant 0 : i32
        %dma_wait3A_56 = tpu.memref_slice %arg2[%add3A_39, %dma_wait3A_55] : memref<64000x64xf32, #tpu.memory_space<hbm>> -> memref<80x64xf32, #tpu.memory_space<hbm>>
        %dma_wait3A_57 = arith.constant 0 : i32
        %dma_wait3A_58 = tpu.memref_slice %arg2[%add3A_39, %dma_wait3A_57] : memref<64000x64xf32, #tpu.memory_space<hbm>> -> memref<80x64xf32, #tpu.memory_space<hbm>>
        tpu.wait_dma2 semaphore(%run_scoped3A : memref<!tpu.dma_semaphore, #tpu.memory_space<semaphore_mem>>) src(%dma_wait3A_58 : memref<80x64xf32, #tpu.memory_space<hbm>>) dst(%arg11 : memref<80x64xf32, #tpu.memory_space<vmem>>)
        tpu.yield
      }) : () -> ()
      %dma_wait3A = arith.constant 0 : i32
      %dma_wait3A_40 = tpu.memref_slice %arg10[%scan3A_31, %dma_wait3A] : memref<25x80xi32, #tpu.memory_space<vmem>> -> memref<1x80xi32, #tpu.memory_space<vmem>>
      %dma_wait3A_41 = tpu.memref_squeeze %dma_wait3A_40 : memref<1x80xi32, #tpu.memory_space<vmem>> -> memref<80xi32, #tpu.memory_space<vmem>>
      %dma_wait3A_42 = arith.constant 0 : i32
      %dma_wait3A_43 = arith.constant 0 : i32
      %dma_wait3A_44 = tpu.memref_slice %arg4[%dma_wait3A_42, %dma_wait3A_43] : memref<10000x128xf32, #tpu.memory_space<hbm>> -> memref<10000x128xf32, #tpu.memory_space<hbm>>
      tpu.wait_indirect_dma semaphore(%arg15 : memref<!tpu.dma_semaphore, #tpu.memory_space<semaphore_mem>>) src(%dma_wait3A_44 : memref<10000x128xf32, #tpu.memory_space<hbm>>) dst(%arg12 : memref<80x128xf32, #tpu.memory_space<vmem>>)
      %scan3A_45 = arith.constant 0 : i32
      %scan3A_46 = arith.constant 0 : i32
      %scan3A_47 = arith.constant 80 : i32
      %scan3A_48 = arith.addi %scan3A_46, %scan3A_47 : i32
      %scan3A_49 = arith.constant 1 : i32
      scf.for %scan3A_51 = %scan3A_46 to %scan3A_48 step %scan3A_49  : i32 {
        %get3A = arith.index_cast %scan3A_51 : i32 to index
        %get3A_52 = arith.constant 0 : index
        %get3A_53 = tpu.vector_load %arg11[%get3A, %get3A_52] {strides = array<i32>} : memref<80x64xf32, #tpu.memory_space<vmem>>, vector<1x16xf32>,
        %get3A_54 = vector.shape_cast %get3A_53 : vector<1x16xf32> to vector<16xf32>
        %get3A_55 = arith.index_cast %scan3A_51 : i32 to index
        %get3A_56 = arith.constant 16 : index
        %get3A_57 = tpu.vector_load %arg11[%get3A_55, %get3A_56] {strides = array<i32>} : memref<80x64xf32, #tpu.memory_space<vmem>>, vector<1x16xf32>,
        %get3A_58 = vector.shape_cast %get3A_57 : vector<1x16xf32> to vector<16xf32>
        %get3A_59 = arith.index_cast %scan3A_51 : i32 to index
        %get3A_60 = arith.constant 32 : index
        %get3A_61 = tpu.vector_load %arg11[%get3A_59, %get3A_60] {strides = array<i32>} : memref<80x64xf32, #tpu.memory_space<vmem>>, vector<1x16xf32>,
        %get3A_62 = vector.shape_cast %get3A_61 : vector<1x16xf32> to vector<16xf32>
        %get3A_63 = arith.index_cast %scan3A_51 : i32 to index
        %get3A_64 = arith.constant 48 : index
        %get3A_65 = tpu.vector_load %arg11[%get3A_63, %get3A_64] {strides = array<i32>} : memref<80x64xf32, #tpu.memory_space<vmem>>, vector<1x16xf32>,
        %get3A_66 = vector.shape_cast %get3A_65 : vector<1x16xf32> to vector<16xf32>
        %get3A_67 = arith.index_cast %scan3A_51 : i32 to index
        %get3A_68 = arith.constant 0 : index
        %get3A_69 = tpu.vector_load %arg12[%get3A_67, %get3A_68] {strides = array<i32>} : memref<80x128xf32, #tpu.memory_space<vmem>>, vector<1x16xf32>,
        %get3A_70 = vector.shape_cast %get3A_69 : vector<1x16xf32> to vector<16xf32>
        %mul3A_71 = arith.mulf %get3A_70, %get3A_54 : vector<16xf32>
        %swap3A = arith.index_cast %scan3A_51 : i32 to index
        %swap3A_72 = arith.constant 0 : index
        %swap3A_73 = tpu.vector_load %arg13[%swap3A, %swap3A_72] {strides = array<i32>} : memref<80x128xf32, #tpu.memory_space<vmem>>, vector<1x16xf32>,
        %swap3A_74 = vector.shape_cast %swap3A_73 : vector<1x16xf32> to vector<16xf32>
        %swap3A_75 = vector.shape_cast %mul3A_71 : vector<16xf32> to vector<1x16xf32>
        tpu.vector_store %arg13[%swap3A, %swap3A_72], %swap3A_75 {strides = array<i32>} : memref<80x128xf32, #tpu.memory_space<vmem>>, vector<1x16xf32>,
        %get3A_76 = arith.index_cast %scan3A_51 : i32 to index
        %get3A_77 = arith.constant 16 : index
        %get3A_78 = tpu.vector_load %arg12[%get3A_76, %get3A_77] {strides = array<i32>} : memref<80x128xf32, #tpu.memory_space<vmem>>, vector<1x16xf32>,
        %get3A_79 = vector.shape_cast %get3A_78 : vector<1x16xf32> to vector<16xf32>
        %mul3A_80 = arith.mulf %get3A_79, %get3A_58 : vector<16xf32>
        %swap3A_81 = arith.index_cast %scan3A_51 : i32 to index
        %swap3A_82 = arith.constant 16 : index
        %swap3A_83 = tpu.vector_load %arg13[%swap3A_81, %swap3A_82] {strides = array<i32>} : memref<80x128xf32, #tpu.memory_space<vmem>>, vector<1x16xf32>,
        %swap3A_84 = vector.shape_cast %swap3A_83 : vector<1x16xf32> to vector<16xf32>
        %swap3A_85 = vector.shape_cast %mul3A_80 : vector<16xf32> to vector<1x16xf32>
        tpu.vector_store %arg13[%swap3A_81, %swap3A_82], %swap3A_85 {strides = array<i32>} : memref<80x128xf32, #tpu.memory_space<vmem>>, vector<1x16xf32>,
        %get3A_86 = arith.index_cast %scan3A_51 : i32 to index
        %get3A_87 = arith.constant 32 : index
        %get3A_88 = tpu.vector_load %arg12[%get3A_86, %get3A_87] {strides = array<i32>} : memref<80x128xf32, #tpu.memory_space<vmem>>, vector<1x16xf32>,
        %get3A_89 = vector.shape_cast %get3A_88 : vector<1x16xf32> to vector<16xf32>
        %mul3A_90 = arith.mulf %get3A_89, %get3A_62 : vector<16xf32>
        %swap3A_91 = arith.index_cast %scan3A_51 : i32 to index
        %swap3A_92 = arith.constant 32 : index
        %swap3A_93 = tpu.vector_load %arg13[%swap3A_91, %swap3A_92] {strides = array<i32>} : memref<80x128xf32, #tpu.memory_space<vmem>>, vector<1x16xf32>,
        %swap3A_94 = vector.shape_cast %swap3A_93 : vector<1x16xf32> to vector<16xf32>
        %swap3A_95 = vector.shape_cast %mul3A_90 : vector<16xf32> to vector<1x16xf32>
        tpu.vector_store %arg13[%swap3A_91, %swap3A_92], %swap3A_95 {strides = array<i32>} : memref<80x128xf32, #tpu.memory_space<vmem>>, vector<1x16xf32>,
        %get3A_96 = arith.index_cast %scan3A_51 : i32 to index
        %get3A_97 = arith.constant 48 : index
        %get3A_98 = tpu.vector_load %arg12[%get3A_96, %get3A_97] {strides = array<i32>} : memref<80x128xf32, #tpu.memory_space<vmem>>, vector<1x16xf32>,
        %get3A_99 = vector.shape_cast %get3A_98 : vector<1x16xf32> to vector<16xf32>
        %mul3A_100 = arith.mulf %get3A_99, %get3A_66 : vector<16xf32>
        %swap3A_101 = arith.index_cast %scan3A_51 : i32 to index
        %swap3A_102 = arith.constant 48 : index
        %swap3A_103 = tpu.vector_load %arg13[%swap3A_101, %swap3A_102] {strides = array<i32>} : memref<80x128xf32, #tpu.memory_space<vmem>>, vector<1x16xf32>,
        %swap3A_104 = vector.shape_cast %swap3A_103 : vector<1x16xf32> to vector<16xf32>
        %swap3A_105 = vector.shape_cast %mul3A_100 : vector<16xf32> to vector<1x16xf32>
        tpu.vector_store %arg13[%swap3A_101, %swap3A_102], %swap3A_105 {strides = array<i32>} : memref<80x128xf32, #tpu.memory_space<vmem>>, vector<1x16xf32>,
        %get3A_106 = arith.index_cast %scan3A_51 : i32 to index
        %get3A_107 = arith.constant 64 : index
        %get3A_108 = tpu.vector_load %arg12[%get3A_106, %get3A_107] {strides = array<i32>} : memref<80x128xf32, #tpu.memory_space<vmem>>, vector<1x16xf32>,
        %get3A_109 = vector.shape_cast %get3A_108 : vector<1x16xf32> to vector<16xf32>
        %mul3A_110 = arith.mulf %get3A_109, %get3A_62 : vector<16xf32>
        %swap3A_111 = arith.index_cast %scan3A_51 : i32 to index
        %swap3A_112 = arith.constant 64 : index
        %swap3A_113 = tpu.vector_load %arg13[%swap3A_111, %swap3A_112] {strides = array<i32>} : memref<80x128xf32, #tpu.memory_space<vmem>>, vector<1x16xf32>,
        %swap3A_114 = vector.shape_cast %swap3A_113 : vector<1x16xf32> to vector<16xf32>
        %swap3A_115 = vector.shape_cast %mul3A_110 : vector<16xf32> to vector<1x16xf32>
        tpu.vector_store %arg13[%swap3A_111, %swap3A_112], %swap3A_115 {strides = array<i32>} : memref<80x128xf32, #tpu.memory_space<vmem>>, vector<1x16xf32>,
        %get3A_116 = arith.index_cast %scan3A_51 : i32 to index
        %get3A_117 = arith.constant 80 : index
        %get3A_118 = tpu.vector_load %arg12[%get3A_116, %get3A_117] {strides = array<i32>} : memref<80x128xf32, #tpu.memory_space<vmem>>, vector<1x16xf32>,
        %get3A_119 = vector.shape_cast %get3A_118 : vector<1x16xf32> to vector<16xf32>
        %mul3A_120 = arith.mulf %get3A_119, %get3A_66 : vector<16xf32>
        %swap3A_121 = arith.index_cast %scan3A_51 : i32 to index
        %swap3A_122 = arith.constant 80 : index
        %swap3A_123 = tpu.vector_load %arg13[%swap3A_121, %swap3A_122] {strides = array<i32>} : memref<80x128xf32, #tpu.memory_space<vmem>>, vector<1x16xf32>,
        %swap3A_124 = vector.shape_cast %swap3A_123 : vector<1x16xf32> to vector<16xf32>
        %swap3A_125 = vector.shape_cast %mul3A_120 : vector<16xf32> to vector<1x16xf32>
        tpu.vector_store %arg13[%swap3A_121, %swap3A_122], %swap3A_125 {strides = array<i32>} : memref<80x128xf32, #tpu.memory_space<vmem>>, vector<1x16xf32>,
        %get3A_126 = arith.index_cast %scan3A_51 : i32 to index
        %get3A_127 = arith.constant 96 : index
        %get3A_128 = tpu.vector_load %arg12[%get3A_126, %get3A_127] {strides = array<i32>} : memref<80x128xf32, #tpu.memory_space<vmem>>, vector<1x16xf32>,
        %get3A_129 = vector.shape_cast %get3A_128 : vector<1x16xf32> to vector<16xf32>
        %mul3A_130 = arith.mulf %get3A_129, %get3A_62 : vector<16xf32>
        %swap3A_131 = arith.index_cast %scan3A_51 : i32 to index
        %swap3A_132 = arith.constant 96 : index
        %swap3A_133 = tpu.vector_load %arg13[%swap3A_131, %swap3A_132] {strides = array<i32>} : memref<80x128xf32, #tpu.memory_space<vmem>>, vector<1x16xf32>,
        %swap3A_134 = vector.shape_cast %swap3A_133 : vector<1x16xf32> to vector<16xf32>
        %swap3A_135 = vector.shape_cast %mul3A_130 : vector<16xf32> to vector<1x16xf32>
        tpu.vector_store %arg13[%swap3A_131, %swap3A_132], %swap3A_135 {strides = array<i32>} : memref<80x128xf32, #tpu.memory_space<vmem>>, vector<1x16xf32>,
        %get3A_136 = arith.index_cast %scan3A_51 : i32 to index
        %get3A_137 = arith.constant 112 : index
        %get3A_138 = tpu.vector_load %arg12[%get3A_136, %get3A_137] {strides = array<i32>} : memref<80x128xf32, #tpu.memory_space<vmem>>, vector<1x16xf32>,
        %get3A_139 = vector.shape_cast %get3A_138 : vector<1x16xf32> to vector<16xf32>
        %mul3A_140 = arith.mulf %get3A_139, %get3A_66 : vector<16xf32>
        %swap3A_141 = arith.index_cast %scan3A_51 : i32 to index
        %swap3A_142 = arith.constant 112 : index
        %swap3A_143 = tpu.vector_load %arg13[%swap3A_141, %swap3A_142] {strides = array<i32>} : memref<80x128xf32, #tpu.memory_space<vmem>>, vector<1x16xf32>,
        %swap3A_144 = vector.shape_cast %swap3A_143 : vector<1x16xf32> to vector<16xf32>
        %swap3A_145 = vector.shape_cast %mul3A_140 : vector<16xf32> to vector<1x16xf32>
        tpu.vector_store %arg13[%swap3A_141, %swap3A_142], %swap3A_145 {strides = array<i32>} : memref<80x128xf32, #tpu.memory_space<vmem>>, vector<1x16xf32>,
      }
      %scan3A_50 = arith.constant 80 : i32
      "tpu.region"() ({
        %run_scoped3A = tpu.sem_alloc : memref<!tpu.dma_semaphore, #tpu.memory_space<semaphore_mem>>
        %dma_start3A_51 = arith.constant 0 : i32
        %dma_start3A_52 = tpu.memref_slice %arg9[%scan3A_31, %dma_start3A_51] : memref<25x80xi32, #tpu.memory_space<vmem>> -> memref<1x80xi32, #tpu.memory_space<vmem>>
        %dma_start3A_53 = tpu.memref_squeeze %dma_start3A_52 : memref<1x80xi32, #tpu.memory_space<vmem>> -> memref<80xi32, #tpu.memory_space<vmem>>
        %dma_start3A_54 = arith.constant 0 : i32
        %dma_start3A_55 = arith.constant 0 : i32
        %dma_start3A_56 = tpu.memref_slice %arg14[%dma_start3A_54, %dma_start3A_55] : memref<10112x128xf32, #tpu.memory_space<vmem_shared>> -> memref<10112x128xf32, #tpu.memory_space<vmem_shared>>
        tpu.enqueue_indirect_dma source(%arg13 : memref<80x128xf32, #tpu.memory_space<vmem>>) target(%dma_start3A_56 : memref<10112x128xf32, #tpu.memory_space<vmem_shared>>) offsets(%dma_start3A_53 : memref<80xi32, #tpu.memory_space<vmem>>) semaphore(%run_scoped3A : memref<!tpu.dma_semaphore, #tpu.memory_space<semaphore_mem>>) {add = true}
        %dma_wait3A_57 = arith.constant 0 : i32
        %dma_wait3A_58 = tpu.memref_slice %arg9[%scan3A_31, %dma_wait3A_57] : memref<25x80xi32, #tpu.memory_space<vmem>> -> memref<1x80xi32, #tpu.memory_space<vmem>>
        %dma_wait3A_59 = tpu.memref_squeeze %dma_wait3A_58 : memref<1x80xi32, #tpu.memory_space<vmem>> -> memref<80xi32, #tpu.memory_space<vmem>>
        %dma_wait3A_60 = arith.constant 0 : i32
        %dma_wait3A_61 = arith.constant 0 : i32
        %dma_wait3A_62 = tpu.memref_slice %arg14[%dma_wait3A_60, %dma_wait3A_61] : memref<10112x128xf32, #tpu.memory_space<vmem_shared>> -> memref<10112x128xf32, #tpu.memory_space<vmem_shared>>
        tpu.wait_indirect_dma semaphore(%run_scoped3A : memref<!tpu.dma_semaphore, #tpu.memory_space<semaphore_mem>>) src(%arg13 : memref<80x128xf32, #tpu.memory_space<vmem>>) dst(%dma_wait3A_62 : memref<10112x128xf32, #tpu.memory_space<vmem_shared>>)
        tpu.yield
      }) : () -> ()
    }
    %scan3A_15 = arith.constant 25 : i32
    %add3A_16 = arith.constant 96 : i32
    %add3A_17 = arith.addi %add3A_16, %add3A : i32
    "tpu.region"() ({
      %run_scoped3A = tpu.sem_alloc : memref<!tpu.dma_semaphore, #tpu.memory_space<semaphore_mem>>
      %dma_start3A = arith.constant 0 : i32
      %dma_start3A_31 = arith.constant 0 : i32
      %dma_start3A_32 = tpu.memref_slice %arg5[%add3A_17, %dma_start3A, %dma_start3A_31] : memref<160x25x80xi32, #tpu.memory_space<hbm>> -> memref<1x25x80xi32, #tpu.memory_space<hbm>>
      %dma_start3A_33 = tpu.memref_squeeze %dma_start3A_32 : memref<1x25x80xi32, #tpu.memory_space<hbm>> -> memref<25x80xi32, #tpu.memory_space<hbm>>
      %dma_start3A_34 = arith.constant 0 : i32
      %dma_start3A_35 = arith.constant 0 : i32
      %dma_start3A_36 = tpu.memref_slice %arg5[%add3A_17, %dma_start3A_34, %dma_start3A_35] : memref<160x25x80xi32, #tpu.memory_space<hbm>> -> memref<1x25x80xi32, #tpu.memory_space<hbm>>
      %dma_start3A_37 = tpu.memref_squeeze %dma_start3A_36 : memref<1x25x80xi32, #tpu.memory_space<hbm>> -> memref<25x80xi32, #tpu.memory_space<hbm>>
      tpu.enqueue_dma source(%dma_start3A_37 : memref<25x80xi32, #tpu.memory_space<hbm>>) target(%arg9 : memref<25x80xi32, #tpu.memory_space<vmem>>) target_semaphore(%run_scoped3A : memref<!tpu.dma_semaphore, #tpu.memory_space<semaphore_mem>>)
      %dma_wait3A = arith.constant 0 : i32
      %dma_wait3A_38 = arith.constant 0 : i32
      %dma_wait3A_39 = tpu.memref_slice %arg5[%add3A_17, %dma_wait3A, %dma_wait3A_38] : memref<160x25x80xi32, #tpu.memory_space<hbm>> -> memref<1x25x80xi32, #tpu.memory_space<hbm>>
      %dma_wait3A_40 = tpu.memref_squeeze %dma_wait3A_39 : memref<1x25x80xi32, #tpu.memory_space<hbm>> -> memref<25x80xi32, #tpu.memory_space<hbm>>
      %dma_wait3A_41 = arith.constant 0 : i32
      %dma_wait3A_42 = arith.constant 0 : i32
      %dma_wait3A_43 = tpu.memref_slice %arg5[%add3A_17, %dma_wait3A_41, %dma_wait3A_42] : memref<160x25x80xi32, #tpu.memory_space<hbm>> -> memref<1x25x80xi32, #tpu.memory_space<hbm>>
      %dma_wait3A_44 = tpu.memref_squeeze %dma_wait3A_43 : memref<1x25x80xi32, #tpu.memory_space<hbm>> -> memref<25x80xi32, #tpu.memory_space<hbm>>
      tpu.wait_dma2 semaphore(%run_scoped3A : memref<!tpu.dma_semaphore, #tpu.memory_space<semaphore_mem>>) src(%dma_wait3A_44 : memref<25x80xi32, #tpu.memory_space<hbm>>) dst(%arg9 : memref<25x80xi32, #tpu.memory_space<vmem>>)
      tpu.yield
    }) : () -> ()
    %add3A_18 = arith.constant 96 : i32
    %add3A_19 = arith.addi %add3A_18, %add3A : i32
    "tpu.region"() ({
      %run_scoped3A = tpu.sem_alloc : memref<!tpu.dma_semaphore, #tpu.memory_space<semaphore_mem>>
      %dma_start3A = arith.constant 0 : i32
      %dma_start3A_31 = arith.constant 0 : i32
      %dma_start3A_32 = tpu.memref_slice %arg6[%add3A_19, %dma_start3A, %dma_start3A_31] : memref<160x25x80xi32, #tpu.memory_space<hbm>> -> memref<1x25x80xi32, #tpu.memory_space<hbm>>
      %dma_start3A_33 = tpu.memref_squeeze %dma_start3A_32 : memref<1x25x80xi32, #tpu.memory_space<hbm>> -> memref<25x80xi32, #tpu.memory_space<hbm>>
      %dma_start3A_34 = arith.constant 0 : i32
      %dma_start3A_35 = arith.constant 0 : i32
      %dma_start3A_36 = tpu.memref_slice %arg6[%add3A_19, %dma_start3A_34, %dma_start3A_35] : memref<160x25x80xi32, #tpu.memory_space<hbm>> -> memref<1x25x80xi32, #tpu.memory_space<hbm>>
      %dma_start3A_37 = tpu.memref_squeeze %dma_start3A_36 : memref<1x25x80xi32, #tpu.memory_space<hbm>> -> memref<25x80xi32, #tpu.memory_space<hbm>>
      tpu.enqueue_dma source(%dma_start3A_37 : memref<25x80xi32, #tpu.memory_space<hbm>>) target(%arg10 : memref<25x80xi32, #tpu.memory_space<vmem>>) target_semaphore(%run_scoped3A : memref<!tpu.dma_semaphore, #tpu.memory_space<semaphore_mem>>)
      %dma_wait3A = arith.constant 0 : i32
      %dma_wait3A_38 = arith.constant 0 : i32
      %dma_wait3A_39 = tpu.memref_slice %arg6[%add3A_19, %dma_wait3A, %dma_wait3A_38] : memref<160x25x80xi32, #tpu.memory_space<hbm>> -> memref<1x25x80xi32, #tpu.memory_space<hbm>>
      %dma_wait3A_40 = tpu.memref_squeeze %dma_wait3A_39 : memref<1x25x80xi32, #tpu.memory_space<hbm>> -> memref<25x80xi32, #tpu.memory_space<hbm>>
      %dma_wait3A_41 = arith.constant 0 : i32
      %dma_wait3A_42 = arith.constant 0 : i32
      %dma_wait3A_43 = tpu.memref_slice %arg6[%add3A_19, %dma_wait3A_41, %dma_wait3A_42] : memref<160x25x80xi32, #tpu.memory_space<hbm>> -> memref<1x25x80xi32, #tpu.memory_space<hbm>>
      %dma_wait3A_44 = tpu.memref_squeeze %dma_wait3A_43 : memref<1x25x80xi32, #tpu.memory_space<hbm>> -> memref<25x80xi32, #tpu.memory_space<hbm>>
      tpu.wait_dma2 semaphore(%run_scoped3A : memref<!tpu.dma_semaphore, #tpu.memory_space<semaphore_mem>>) src(%dma_wait3A_44 : memref<25x80xi32, #tpu.memory_space<hbm>>) dst(%arg10 : memref<25x80xi32, #tpu.memory_space<vmem>>)
      tpu.yield
    }) : () -> ()
    %scan3A_20 = arith.constant 0 : i32
    %scan3A_21 = arith.constant 0 : i32
    %scan3A_22 = arith.constant 25 : i32
    %scan3A_23 = arith.addi %scan3A_21, %scan3A_22 : i32
    %scan3A_24 = arith.constant 1 : i32
    scf.for %scan3A_31 = %scan3A_21 to %scan3A_23 step %scan3A_24  : i32 {
      %dma_start3A = arith.constant 0 : i32
      %dma_start3A_32 = tpu.memref_slice %arg10[%scan3A_31, %dma_start3A] : memref<25x80xi32, #tpu.memory_space<vmem>> -> memref<1x80xi32, #tpu.memory_space<vmem>>
      %dma_start3A_33 = tpu.memref_squeeze %dma_start3A_32 : memref<1x80xi32, #tpu.memory_space<vmem>> -> memref<80xi32, #tpu.memory_space<vmem>>
      %dma_start3A_34 = arith.constant 0 : i32
      %dma_start3A_35 = arith.constant 0 : i32
      %dma_start3A_36 = tpu.memref_slice %arg4[%dma_start3A_34, %dma_start3A_35] : memref<10000x128xf32, #tpu.memory_space<hbm>> -> memref<10000x128xf32, #tpu.memory_space<hbm>>
      tpu.enqueue_indirect_dma source(%dma_start3A_36 : memref<10000x128xf32, #tpu.memory_space<hbm>>) target(%arg12 : memref<80x128xf32, #tpu.memory_space<vmem>>) offsets(%dma_start3A_33 : memref<80xi32, #tpu.memory_space<vmem>>) semaphore(%arg15 : memref<!tpu.dma_semaphore, #tpu.memory_space<semaphore_mem>>)
      %mul3A_37 = arith.constant 80 : i32
      %mul3A_38 = arith.muli %scan3A_31, %mul3A_37 : i32
      %add3A_39 = arith.addi %mul3A_2, %mul3A_38 : i32
      "tpu.region"() ({
        %run_scoped3A = tpu.sem_alloc : memref<!tpu.dma_semaphore, #tpu.memory_space<semaphore_mem>>
        %dma_start3A_51 = arith.constant 0 : i32
        %dma_start3A_52 = tpu.memref_slice %arg3[%add3A_39, %dma_start3A_51] : memref<64000x64xf32, #tpu.memory_space<hbm>> -> memref<80x64xf32, #tpu.memory_space<hbm>>
        %dma_start3A_53 = arith.constant 0 : i32
        %dma_start3A_54 = tpu.memref_slice %arg3[%add3A_39, %dma_start3A_53] : memref<64000x64xf32, #tpu.memory_space<hbm>> -> memref<80x64xf32, #tpu.memory_space<hbm>>
        tpu.enqueue_dma source(%dma_start3A_54 : memref<80x64xf32, #tpu.memory_space<hbm>>) target(%arg11 : memref<80x64xf32, #tpu.memory_space<vmem>>) target_semaphore(%run_scoped3A : memref<!tpu.dma_semaphore, #tpu.memory_space<semaphore_mem>>)
        %dma_wait3A_55 = arith.constant 0 : i32
        %dma_wait3A_56 = tpu.memref_slice %arg3[%add3A_39, %dma_wait3A_55] : memref<64000x64xf32, #tpu.memory_space<hbm>> -> memref<80x64xf32, #tpu.memory_space<hbm>>
        %dma_wait3A_57 = arith.constant 0 : i32
        %dma_wait3A_58 = tpu.memref_slice %arg3[%add3A_39, %dma_wait3A_57] : memref<64000x64xf32, #tpu.memory_space<hbm>> -> memref<80x64xf32, #tpu.memory_space<hbm>>
        tpu.wait_dma2 semaphore(%run_scoped3A : memref<!tpu.dma_semaphore, #tpu.memory_space<semaphore_mem>>) src(%dma_wait3A_58 : memref<80x64xf32, #tpu.memory_space<hbm>>) dst(%arg11 : memref<80x64xf32, #tpu.memory_space<vmem>>)
        tpu.yield
      }) : () -> ()
      %dma_wait3A = arith.constant 0 : i32
      %dma_wait3A_40 = tpu.memref_slice %arg10[%scan3A_31, %dma_wait3A] : memref<25x80xi32, #tpu.memory_space<vmem>> -> memref<1x80xi32, #tpu.memory_space<vmem>>
      %dma_wait3A_41 = tpu.memref_squeeze %dma_wait3A_40 : memref<1x80xi32, #tpu.memory_space<vmem>> -> memref<80xi32, #tpu.memory_space<vmem>>
      %dma_wait3A_42 = arith.constant 0 : i32
      %dma_wait3A_43 = arith.constant 0 : i32
      %dma_wait3A_44 = tpu.memref_slice %arg4[%dma_wait3A_42, %dma_wait3A_43] : memref<10000x128xf32, #tpu.memory_space<hbm>> -> memref<10000x128xf32, #tpu.memory_space<hbm>>
      tpu.wait_indirect_dma semaphore(%arg15 : memref<!tpu.dma_semaphore, #tpu.memory_space<semaphore_mem>>) src(%dma_wait3A_44 : memref<10000x128xf32, #tpu.memory_space<hbm>>) dst(%arg12 : memref<80x128xf32, #tpu.memory_space<vmem>>)
      %scan3A_45 = arith.constant 0 : i32
      %scan3A_46 = arith.constant 0 : i32
      %scan3A_47 = arith.constant 80 : i32
      %scan3A_48 = arith.addi %scan3A_46, %scan3A_47 : i32
      %scan3A_49 = arith.constant 1 : i32
      scf.for %scan3A_51 = %scan3A_46 to %scan3A_48 step %scan3A_49  : i32 {
        %get3A = arith.index_cast %scan3A_51 : i32 to index
        %get3A_52 = arith.constant 0 : index
        %get3A_53 = tpu.vector_load %arg11[%get3A, %get3A_52] {strides = array<i32>} : memref<80x64xf32, #tpu.memory_space<vmem>>, vector<1x16xf32>,
        %get3A_54 = vector.shape_cast %get3A_53 : vector<1x16xf32> to vector<16xf32>
        %get3A_55 = arith.index_cast %scan3A_51 : i32 to index
        %get3A_56 = arith.constant 16 : index
        %get3A_57 = tpu.vector_load %arg11[%get3A_55, %get3A_56] {strides = array<i32>} : memref<80x64xf32, #tpu.memory_space<vmem>>, vector<1x16xf32>,
        %get3A_58 = vector.shape_cast %get3A_57 : vector<1x16xf32> to vector<16xf32>
        %get3A_59 = arith.index_cast %scan3A_51 : i32 to index
        %get3A_60 = arith.constant 32 : index
        %get3A_61 = tpu.vector_load %arg11[%get3A_59, %get3A_60] {strides = array<i32>} : memref<80x64xf32, #tpu.memory_space<vmem>>, vector<1x16xf32>,
        %get3A_62 = vector.shape_cast %get3A_61 : vector<1x16xf32> to vector<16xf32>
        %get3A_63 = arith.index_cast %scan3A_51 : i32 to index
        %get3A_64 = arith.constant 48 : index
        %get3A_65 = tpu.vector_load %arg11[%get3A_63, %get3A_64] {strides = array<i32>} : memref<80x64xf32, #tpu.memory_space<vmem>>, vector<1x16xf32>,
        %get3A_66 = vector.shape_cast %get3A_65 : vector<1x16xf32> to vector<16xf32>
        %get3A_67 = arith.index_cast %scan3A_51 : i32 to index
        %get3A_68 = arith.constant 0 : index
        %get3A_69 = tpu.vector_load %arg12[%get3A_67, %get3A_68] {strides = array<i32>} : memref<80x128xf32, #tpu.memory_space<vmem>>, vector<1x16xf32>,
        %get3A_70 = vector.shape_cast %get3A_69 : vector<1x16xf32> to vector<16xf32>
        %mul3A_71 = arith.mulf %get3A_70, %get3A_54 : vector<16xf32>
        %swap3A = arith.index_cast %scan3A_51 : i32 to index
        %swap3A_72 = arith.constant 0 : index
        %swap3A_73 = tpu.vector_load %arg13[%swap3A, %swap3A_72] {strides = array<i32>} : memref<80x128xf32, #tpu.memory_space<vmem>>, vector<1x16xf32>,
        %swap3A_74 = vector.shape_cast %swap3A_73 : vector<1x16xf32> to vector<16xf32>
        %swap3A_75 = vector.shape_cast %mul3A_71 : vector<16xf32> to vector<1x16xf32>
        tpu.vector_store %arg13[%swap3A, %swap3A_72], %swap3A_75 {strides = array<i32>} : memref<80x128xf32, #tpu.memory_space<vmem>>, vector<1x16xf32>,
        %get3A_76 = arith.index_cast %scan3A_51 : i32 to index
        %get3A_77 = arith.constant 16 : index
        %get3A_78 = tpu.vector_load %arg12[%get3A_76, %get3A_77] {strides = array<i32>} : memref<80x128xf32, #tpu.memory_space<vmem>>, vector<1x16xf32>,
        %get3A_79 = vector.shape_cast %get3A_78 : vector<1x16xf32> to vector<16xf32>
        %mul3A_80 = arith.mulf %get3A_79, %get3A_58 : vector<16xf32>
        %swap3A_81 = arith.index_cast %scan3A_51 : i32 to index
        %swap3A_82 = arith.constant 16 : index
        %swap3A_83 = tpu.vector_load %arg13[%swap3A_81, %swap3A_82] {strides = array<i32>} : memref<80x128xf32, #tpu.memory_space<vmem>>, vector<1x16xf32>,
        %swap3A_84 = vector.shape_cast %swap3A_83 : vector<1x16xf32> to vector<16xf32>
        %swap3A_85 = vector.shape_cast %mul3A_80 : vector<16xf32> to vector<1x16xf32>
        tpu.vector_store %arg13[%swap3A_81, %swap3A_82], %swap3A_85 {strides = array<i32>} : memref<80x128xf32, #tpu.memory_space<vmem>>, vector<1x16xf32>,
        %get3A_86 = arith.index_cast %scan3A_51 : i32 to index
        %get3A_87 = arith.constant 32 : index
        %get3A_88 = tpu.vector_load %arg12[%get3A_86, %get3A_87] {strides = array<i32>} : memref<80x128xf32, #tpu.memory_space<vmem>>, vector<1x16xf32>,
        %get3A_89 = vector.shape_cast %get3A_88 : vector<1x16xf32> to vector<16xf32>
        %mul3A_90 = arith.mulf %get3A_89, %get3A_62 : vector<16xf32>
        %swap3A_91 = arith.index_cast %scan3A_51 : i32 to index
        %swap3A_92 = arith.constant 32 : index
        %swap3A_93 = tpu.vector_load %arg13[%swap3A_91, %swap3A_92] {strides = array<i32>} : memref<80x128xf32, #tpu.memory_space<vmem>>, vector<1x16xf32>,
        %swap3A_94 = vector.shape_cast %swap3A_93 : vector<1x16xf32> to vector<16xf32>
        %swap3A_95 = vector.shape_cast %mul3A_90 : vector<16xf32> to vector<1x16xf32>
        tpu.vector_store %arg13[%swap3A_91, %swap3A_92], %swap3A_95 {strides = array<i32>} : memref<80x128xf32, #tpu.memory_space<vmem>>, vector<1x16xf32>,
        %get3A_96 = arith.index_cast %scan3A_51 : i32 to index
        %get3A_97 = arith.constant 48 : index
        %get3A_98 = tpu.vector_load %arg12[%get3A_96, %get3A_97] {strides = array<i32>} : memref<80x128xf32, #tpu.memory_space<vmem>>, vector<1x16xf32>,
        %get3A_99 = vector.shape_cast %get3A_98 : vector<1x16xf32> to vector<16xf32>
        %mul3A_100 = arith.mulf %get3A_99, %get3A_66 : vector<16xf32>
        %swap3A_101 = arith.index_cast %scan3A_51 : i32 to index
        %swap3A_102 = arith.constant 48 : index
        %swap3A_103 = tpu.vector_load %arg13[%swap3A_101, %swap3A_102] {strides = array<i32>} : memref<80x128xf32, #tpu.memory_space<vmem>>, vector<1x16xf32>,
        %swap3A_104 = vector.shape_cast %swap3A_103 : vector<1x16xf32> to vector<16xf32>
        %swap3A_105 = vector.shape_cast %mul3A_100 : vector<16xf32> to vector<1x16xf32>
        tpu.vector_store %arg13[%swap3A_101, %swap3A_102], %swap3A_105 {strides = array<i32>} : memref<80x128xf32, #tpu.memory_space<vmem>>, vector<1x16xf32>,
        %get3A_106 = arith.index_cast %scan3A_51 : i32 to index
        %get3A_107 = arith.constant 64 : index
        %get3A_108 = tpu.vector_load %arg12[%get3A_106, %get3A_107] {strides = array<i32>} : memref<80x128xf32, #tpu.memory_space<vmem>>, vector<1x16xf32>,
        %get3A_109 = vector.shape_cast %get3A_108 : vector<1x16xf32> to vector<16xf32>
        %mul3A_110 = arith.mulf %get3A_109, %get3A_62 : vector<16xf32>
        %swap3A_111 = arith.index_cast %scan3A_51 : i32 to index
        %swap3A_112 = arith.constant 64 : index
        %swap3A_113 = tpu.vector_load %arg13[%swap3A_111, %swap3A_112] {strides = array<i32>} : memref<80x128xf32, #tpu.memory_space<vmem>>, vector<1x16xf32>,
        %swap3A_114 = vector.shape_cast %swap3A_113 : vector<1x16xf32> to vector<16xf32>
        %swap3A_115 = vector.shape_cast %mul3A_110 : vector<16xf32> to vector<1x16xf32>
        tpu.vector_store %arg13[%swap3A_111, %swap3A_112], %swap3A_115 {strides = array<i32>} : memref<80x128xf32, #tpu.memory_space<vmem>>, vector<1x16xf32>,
        %get3A_116 = arith.index_cast %scan3A_51 : i32 to index
        %get3A_117 = arith.constant 80 : index
        %get3A_118 = tpu.vector_load %arg12[%get3A_116, %get3A_117] {strides = array<i32>} : memref<80x128xf32, #tpu.memory_space<vmem>>, vector<1x16xf32>,
        %get3A_119 = vector.shape_cast %get3A_118 : vector<1x16xf32> to vector<16xf32>
        %mul3A_120 = arith.mulf %get3A_119, %get3A_66 : vector<16xf32>
        %swap3A_121 = arith.index_cast %scan3A_51 : i32 to index
        %swap3A_122 = arith.constant 80 : index
        %swap3A_123 = tpu.vector_load %arg13[%swap3A_121, %swap3A_122] {strides = array<i32>} : memref<80x128xf32, #tpu.memory_space<vmem>>, vector<1x16xf32>,
        %swap3A_124 = vector.shape_cast %swap3A_123 : vector<1x16xf32> to vector<16xf32>
        %swap3A_125 = vector.shape_cast %mul3A_120 : vector<16xf32> to vector<1x16xf32>
        tpu.vector_store %arg13[%swap3A_121, %swap3A_122], %swap3A_125 {strides = array<i32>} : memref<80x128xf32, #tpu.memory_space<vmem>>, vector<1x16xf32>,
        %get3A_126 = arith.index_cast %scan3A_51 : i32 to index
        %get3A_127 = arith.constant 96 : index
        %get3A_128 = tpu.vector_load %arg12[%get3A_126, %get3A_127] {strides = array<i32>} : memref<80x128xf32, #tpu.memory_space<vmem>>, vector<1x16xf32>,
        %get3A_129 = vector.shape_cast %get3A_128 : vector<1x16xf32> to vector<16xf32>
        %mul3A_130 = arith.mulf %get3A_129, %get3A_62 : vector<16xf32>
        %swap3A_131 = arith.index_cast %scan3A_51 : i32 to index
        %swap3A_132 = arith.constant 96 : index
        %swap3A_133 = tpu.vector_load %arg13[%swap3A_131, %swap3A_132] {strides = array<i32>} : memref<80x128xf32, #tpu.memory_space<vmem>>, vector<1x16xf32>,
        %swap3A_134 = vector.shape_cast %swap3A_133 : vector<1x16xf32> to vector<16xf32>
        %swap3A_135 = vector.shape_cast %mul3A_130 : vector<16xf32> to vector<1x16xf32>
        tpu.vector_store %arg13[%swap3A_131, %swap3A_132], %swap3A_135 {strides = array<i32>} : memref<80x128xf32, #tpu.memory_space<vmem>>, vector<1x16xf32>,
        %get3A_136 = arith.index_cast %scan3A_51 : i32 to index
        %get3A_137 = arith.constant 112 : index
        %get3A_138 = tpu.vector_load %arg12[%get3A_136, %get3A_137] {strides = array<i32>} : memref<80x128xf32, #tpu.memory_space<vmem>>, vector<1x16xf32>,
        %get3A_139 = vector.shape_cast %get3A_138 : vector<1x16xf32> to vector<16xf32>
        %mul3A_140 = arith.mulf %get3A_139, %get3A_66 : vector<16xf32>
        %swap3A_141 = arith.index_cast %scan3A_51 : i32 to index
        %swap3A_142 = arith.constant 112 : index
        %swap3A_143 = tpu.vector_load %arg13[%swap3A_141, %swap3A_142] {strides = array<i32>} : memref<80x128xf32, #tpu.memory_space<vmem>>, vector<1x16xf32>,
        %swap3A_144 = vector.shape_cast %swap3A_143 : vector<1x16xf32> to vector<16xf32>
        %swap3A_145 = vector.shape_cast %mul3A_140 : vector<16xf32> to vector<1x16xf32>
        tpu.vector_store %arg13[%swap3A_141, %swap3A_142], %swap3A_145 {strides = array<i32>} : memref<80x128xf32, #tpu.memory_space<vmem>>, vector<1x16xf32>,
      }
      %scan3A_50 = arith.constant 80 : i32
      "tpu.region"() ({
        %run_scoped3A = tpu.sem_alloc : memref<!tpu.dma_semaphore, #tpu.memory_space<semaphore_mem>>
        %dma_start3A_51 = arith.constant 0 : i32
        %dma_start3A_52 = tpu.memref_slice %arg9[%scan3A_31, %dma_start3A_51] : memref<25x80xi32, #tpu.memory_space<vmem>> -> memref<1x80xi32, #tpu.memory_space<vmem>>
        %dma_start3A_53 = tpu.memref_squeeze %dma_start3A_52 : memref<1x80xi32, #tpu.memory_space<vmem>> -> memref<80xi32, #tpu.memory_space<vmem>>
        %dma_start3A_54 = arith.constant 0 : i32
        %dma_start3A_55 = arith.constant 0 : i32
        %dma_start3A_56 = tpu.memref_slice %arg14[%dma_start3A_54, %dma_start3A_55] : memref<10112x128xf32, #tpu.memory_space<vmem_shared>> -> memref<10112x128xf32, #tpu.memory_space<vmem_shared>>
        tpu.enqueue_indirect_dma source(%arg13 : memref<80x128xf32, #tpu.memory_space<vmem>>) target(%dma_start3A_56 : memref<10112x128xf32, #tpu.memory_space<vmem_shared>>) offsets(%dma_start3A_53 : memref<80xi32, #tpu.memory_space<vmem>>) semaphore(%run_scoped3A : memref<!tpu.dma_semaphore, #tpu.memory_space<semaphore_mem>>) {add = true}
        %dma_wait3A_57 = arith.constant 0 : i32
        %dma_wait3A_58 = tpu.memref_slice %arg9[%scan3A_31, %dma_wait3A_57] : memref<25x80xi32, #tpu.memory_space<vmem>> -> memref<1x80xi32, #tpu.memory_space<vmem>>
        %dma_wait3A_59 = tpu.memref_squeeze %dma_wait3A_58 : memref<1x80xi32, #tpu.memory_space<vmem>> -> memref<80xi32, #tpu.memory_space<vmem>>
        %dma_wait3A_60 = arith.constant 0 : i32
        %dma_wait3A_61 = arith.constant 0 : i32
        %dma_wait3A_62 = tpu.memref_slice %arg14[%dma_wait3A_60, %dma_wait3A_61] : memref<10112x128xf32, #tpu.memory_space<vmem_shared>> -> memref<10112x128xf32, #tpu.memory_space<vmem_shared>>
        tpu.wait_indirect_dma semaphore(%run_scoped3A : memref<!tpu.dma_semaphore, #tpu.memory_space<semaphore_mem>>) src(%arg13 : memref<80x128xf32, #tpu.memory_space<vmem>>) dst(%dma_wait3A_62 : memref<10112x128xf32, #tpu.memory_space<vmem_shared>>)
        tpu.yield
      }) : () -> ()
    }
    %scan3A_25 = arith.constant 25 : i32
    %barrier3A_26 = arith.constant 0 : index
    tpu.barrier barrier_id(%barrier3A_26)
    %mul3A_27 = arith.constant 632 : i32
    %mul3A_28 = arith.muli %arg1, %mul3A_27 : i32
    %mul3A_29 = arith.constant 632 : i32
    %mul3A_30 = arith.muli %arg1, %mul3A_29 : i32
    "tpu.region"() ({
      %run_scoped3A = tpu.sem_alloc : memref<!tpu.dma_semaphore, #tpu.memory_space<semaphore_mem>>
      %dma_start3A = arith.constant 0 : i32
      %dma_start3A_31 = arith.constant 0 : i32
      %dma_start3A_32 = tpu.memref_slice %arg8[%arg0, %dma_start3A, %dma_start3A_31] : memref<2x10112x128xf32, #tpu.memory_space<hbm>> -> memref<1x10112x128xf32, #tpu.memory_space<hbm>>
      %dma_start3A_33 = tpu.memref_squeeze %dma_start3A_32 : memref<1x10112x128xf32, #tpu.memory_space<hbm>> -> memref<10112x128xf32, #tpu.memory_space<hbm>>
      %dma_start3A_34 = arith.constant 0 : i32
      %dma_start3A_35 = tpu.memref_slice %dma_start3A_33[%mul3A_30, %dma_start3A_34] : memref<10112x128xf32, #tpu.memory_space<hbm>> -> memref<632x128xf32, #tpu.memory_space<hbm>>
      %dma_start3A_36 = arith.constant 0 : i32
      %dma_start3A_37 = tpu.memref_slice %arg14[%mul3A_28, %dma_start3A_36] : memref<10112x128xf32, #tpu.memory_space<vmem_shared>> -> memref<632x128xf32, #tpu.memory_space<vmem_shared>>
      tpu.enqueue_dma source(%dma_start3A_37 : memref<632x128xf32, #tpu.memory_space<vmem_shared>>) target(%dma_start3A_35 : memref<632x128xf32, #tpu.memory_space<hbm>>) target_semaphore(%run_scoped3A : memref<!tpu.dma_semaphore, #tpu.memory_space<semaphore_mem>>)
      %dma_wait3A = arith.constant 0 : i32
      %dma_wait3A_38 = arith.constant 0 : i32
      %dma_wait3A_39 = tpu.memref_slice %arg8[%arg0, %dma_wait3A, %dma_wait3A_38] : memref<2x10112x128xf32, #tpu.memory_space<hbm>> -> memref<1x10112x128xf32, #tpu.memory_space<hbm>>
      %dma_wait3A_40 = tpu.memref_squeeze %dma_wait3A_39 : memref<1x10112x128xf32, #tpu.memory_space<hbm>> -> memref<10112x128xf32, #tpu.memory_space<hbm>>
      %dma_wait3A_41 = arith.constant 0 : i32
      %dma_wait3A_42 = tpu.memref_slice %dma_wait3A_40[%mul3A_30, %dma_wait3A_41] : memref<10112x128xf32, #tpu.memory_space<hbm>> -> memref<632x128xf32, #tpu.memory_space<hbm>>
      %dma_wait3A_43 = arith.constant 0 : i32
      %dma_wait3A_44 = tpu.memref_slice %arg14[%mul3A_28, %dma_wait3A_43] : memref<10112x128xf32, #tpu.memory_space<vmem_shared>> -> memref<632x128xf32, #tpu.memory_space<vmem_shared>>
      tpu.wait_dma2 semaphore(%run_scoped3A : memref<!tpu.dma_semaphore, #tpu.memory_space<semaphore_mem>>) src(%dma_wait3A_44 : memref<632x128xf32, #tpu.memory_space<vmem_shared>>) dst(%dma_wait3A_42 : memref<632x128xf32, #tpu.memory_space<hbm>>)
      tpu.yield
    }) : () -> ()
    return
  }
}

#map = affine_map<(d0, d1) -> (0, 0)>
#map1 = affine_map<(d0, d1) -> (0, 0, 0)>
module attributes {stable_mosaic.version = 14 : i64} {
  func.func @scatter(%arg0: i32, %arg1: i32, %arg2: memref<64000x64xf32, #tpu.memory_space<hbm>>, %arg3: memref<64000x64xf32, #tpu.memory_space<hbm>>, %arg4: memref<10000x128xf32, #tpu.memory_space<hbm>>, %arg5: memref<160x25x80xi32, #tpu.memory_space<hbm>>, %arg6: memref<160x25x80xi32, #tpu.memory_space<hbm>>, %arg7: memref<10112x128xf32, #tpu.memory_space<hbm>>, %arg8: memref<2x10112x128xf32, #tpu.memory_space<hbm>>, %arg9: memref<25x80xi32, #tpu.memory_space<vmem>>, %arg10: memref<25x80xi32, #tpu.memory_space<vmem>>, %arg11: memref<80x64xf32, #tpu.memory_space<vmem>>, %arg12: memref<80x128xf32, #tpu.memory_space<vmem>>, %arg13: memref<80x128xf32, #tpu.memory_space<vmem>>, %arg14: memref<10112x128xf32, #tpu.memory_space<vmem_shared>>, %arg15: memref<!tpu.dma_semaphore, #tpu.memory_space<semaphore_mem>>) attributes {dimension_semantics = [#tpu.dimension_semantics<core_parallel>, #tpu.dimension_semantics<subcore_parallel>], iteration_bounds = array<i64: 2, 16>, scalar_prefetch = 0 : i64, scratch_operands = 7 : i64, tpu.core_type = #tpu.core_type<sc_vector_subcore>, window_params = [{transform_indices = #map}, {transform_indices = #map}, {transform_indices = #map}, {transform_indices = #map1}, {transform_indices = #map1}, {transform_indices = #map}, {transform_indices = #map1}]} {
    %mul3A = arith.constant 2 : i32
    %mul3A_0 = arith.muli %arg1, %mul3A : i32
    %add3A = arith.addi %mul3A_0, %arg0 : i32
    %mul3A_1 = arith.constant 2000 : i32
    %mul3A_2 = arith.muli %add3A, %mul3A_1 : i32
    %mul3A_3 = arith.constant 632 : i32
    %mul3A_4 = arith.muli %arg1, %mul3A_3 : i32
    %mul3A_5 = arith.constant 632 : i32
    %mul3A_6 = arith.muli %arg1, %mul3A_5 : i32
    "tpu.region"() ({
      %run_scoped3A = tpu.sem_alloc : memref<!tpu.dma_semaphore, #tpu.memory_space<semaphore_mem>>
      %dma_start3A = arith.constant 0 : i32
      %dma_start3A_31 = tpu.memref_slice %arg14[%mul3A_6, %dma_start3A] : memref<10112x128xf32, #tpu.memory_space<vmem_shared>> -> memref<632x128xf32, #tpu.memory_space<vmem_shared>>
      %dma_start3A_32 = arith.constant 0 : i32
      %dma_start3A_33 = tpu.memref_slice %arg7[%mul3A_4, %dma_start3A_32] : memref<10112x128xf32, #tpu.memory_space<hbm>> -> memref<632x128xf32, #tpu.memory_space<hbm>>
      tpu.enqueue_dma source(%dma_start3A_33 : memref<632x128xf32, #tpu.memory_space<hbm>>) target(%dma_start3A_31 : memref<632x128xf32, #tpu.memory_space<vmem_shared>>) target_semaphore(%run_scoped3A : memref<!tpu.dma_semaphore, #tpu.memory_space<semaphore_mem>>)
      %dma_wait3A = arith.constant 0 : i32
      %dma_wait3A_34 = tpu.memref_slice %arg14[%mul3A_6, %dma_wait3A] : memref<10112x128xf32, #tpu.memory_space<vmem_shared>> -> memref<632x128xf32, #tpu.memory_space<vmem_shared>>
      %dma_wait3A_35 = arith.constant 0 : i32
      %dma_wait3A_36 = tpu.memref_slice %arg7[%mul3A_4, %dma_wait3A_35] : memref<10112x128xf32, #tpu.memory_space<hbm>> -> memref<632x128xf32, #tpu.memory_space<hbm>>
      tpu.wait_dma2 semaphore(%run_scoped3A : memref<!tpu.dma_semaphore, #tpu.memory_space<semaphore_mem>>) src(%dma_wait3A_36 : memref<632x128xf32, #tpu.memory_space<hbm>>) dst(%dma_wait3A_34 : memref<632x128xf32, #tpu.memory_space<vmem_shared>>)
      tpu.yield
    }) : () -> ()
    %barrier3A = arith.constant 0 : index
    tpu.barrier barrier_id(%barrier3A)
    %add3A_7 = arith.constant 0 : i32
    %add3A_8 = arith.addi %add3A_7, %add3A : i32
    "tpu.region"() ({
      %run_scoped3A = tpu.sem_alloc : memref<!tpu.dma_semaphore, #tpu.memory_space<semaphore_mem>>
      %dma_start3A = arith.constant 0 : i32
      %dma_start3A_31 = arith.constant 0 : i32
      %dma_start3A_32 = tpu.memref_slice %arg5[%add3A_8, %dma_start3A, %dma_start3A_31] : memref<160x25x80xi32, #tpu.memory_space<hbm>> -> memref<1x25x80xi32, #tpu.memory_space<hbm>>
      %dma_start3A_33 = tpu.memref_squeeze %dma_start3A_32 : memref<1x25x80xi32, #tpu.memory_space<hbm>> -> memref<25x80xi32, #tpu.memory_space<hbm>>
      %dma_start3A_34 = arith.constant 0 : i32
      %dma_start3A_35 = arith.constant 0 : i32
      %dma_start3A_36 = tpu.memref_slice %arg5[%add3A_8, %dma_start3A_34, %dma_start3A_35] : memref<160x25x80xi32, #tpu.memory_space<hbm>> -> memref<1x25x80xi32, #tpu.memory_space<hbm>>
      %dma_start3A_37 = tpu.memref_squeeze %dma_start3A_36 : memref<1x25x80xi32, #tpu.memory_space<hbm>> -> memref<25x80xi32, #tpu.memory_space<hbm>>
      tpu.enqueue_dma source(%dma_start3A_37 : memref<25x80xi32, #tpu.memory_space<hbm>>) target(%arg9 : memref<25x80xi32, #tpu.memory_space<vmem>>) target_semaphore(%run_scoped3A : memref<!tpu.dma_semaphore, #tpu.memory_space<semaphore_mem>>)
      %dma_wait3A = arith.constant 0 : i32
      %dma_wait3A_38 = arith.constant 0 : i32
      %dma_wait3A_39 = tpu.memref_slice %arg5[%add3A_8, %dma_wait3A, %dma_wait3A_38] : memref<160x25x80xi32, #tpu.memory_space<hbm>> -> memref<1x25x80xi32, #tpu.memory_space<hbm>>
      %dma_wait3A_40 = tpu.memref_squeeze %dma_wait3A_39 : memref<1x25x80xi32, #tpu.memory_space<hbm>> -> memref<25x80xi32, #tpu.memory_space<hbm>>
      %dma_wait3A_41 = arith.constant 0 : i32
      %dma_wait3A_42 = arith.constant 0 : i32
      %dma_wait3A_43 = tpu.memref_slice %arg5[%add3A_8, %dma_wait3A_41, %dma_wait3A_42] : memref<160x25x80xi32, #tpu.memory_space<hbm>> -> memref<1x25x80xi32, #tpu.memory_space<hbm>>
      %dma_wait3A_44 = tpu.memref_squeeze %dma_wait3A_43 : memref<1x25x80xi32, #tpu.memory_space<hbm>> -> memref<25x80xi32, #tpu.memory_space<hbm>>
      tpu.wait_dma2 semaphore(%run_scoped3A : memref<!tpu.dma_semaphore, #tpu.memory_space<semaphore_mem>>) src(%dma_wait3A_44 : memref<25x80xi32, #tpu.memory_space<hbm>>) dst(%arg9 : memref<25x80xi32, #tpu.memory_space<vmem>>)
      tpu.yield
    }) : () -> ()
    %add3A_9 = arith.constant 0 : i32
    %add3A_10 = arith.addi %add3A_9, %add3A : i32
    "tpu.region"() ({
      %run_scoped3A = tpu.sem_alloc : memref<!tpu.dma_semaphore, #tpu.memory_space<semaphore_mem>>
      %dma_start3A = arith.constant 0 : i32
      %dma_start3A_31 = arith.constant 0 : i32
      %dma_start3A_32 = tpu.memref_slice %arg6[%add3A_10, %dma_start3A, %dma_start3A_31] : memref<160x25x80xi32, #tpu.memory_space<hbm>> -> memref<1x25x80xi32, #tpu.memory_space<hbm>>
      %dma_start3A_33 = tpu.memref_squeeze %dma_start3A_32 : memref<1x25x80xi32, #tpu.memory_space<hbm>> -> memref<25x80xi32, #tpu.memory_space<hbm>>
      %dma_start3A_34 = arith.constant 0 : i32
      %dma_start3A_35 = arith.constant 0 : i32
      %dma_start3A_36 = tpu.memref_slice %arg6[%add3A_10, %dma_start3A_34, %dma_start3A_35] : memref<160x25x80xi32, #tpu.memory_space<hbm>> -> memref<1x25x80xi32, #tpu.memory_space<hbm>>
      %dma_start3A_37 = tpu.memref_squeeze %dma_start3A_36 : memref<1x25x80xi32, #tpu.memory_space<hbm>> -> memref<25x80xi32, #tpu.memory_space<hbm>>
      tpu.enqueue_dma source(%dma_start3A_37 : memref<25x80xi32, #tpu.memory_space<hbm>>) target(%arg10 : memref<25x80xi32, #tpu.memory_space<vmem>>) target_semaphore(%run_scoped3A : memref<!tpu.dma_semaphore, #tpu.memory_space<semaphore_mem>>)
      %dma_wait3A = arith.constant 0 : i32
      %dma_wait3A_38 = arith.constant 0 : i32
      %dma_wait3A_39 = tpu.memref_slice %arg6[%add3A_10, %dma_wait3A, %dma_wait3A_38] : memref<160x25x80xi32, #tpu.memory_space<hbm>> -> memref<1x25x80xi32, #tpu.memory_space<hbm>>
      %dma_wait3A_40 = tpu.memref_squeeze %dma_wait3A_39 : memref<1x25x80xi32, #tpu.memory_space<hbm>> -> memref<25x80xi32, #tpu.memory_space<hbm>>
      %dma_wait3A_41 = arith.constant 0 : i32
      %dma_wait3A_42 = arith.constant 0 : i32
      %dma_wait3A_43 = tpu.memref_slice %arg6[%add3A_10, %dma_wait3A_41, %dma_wait3A_42] : memref<160x25x80xi32, #tpu.memory_space<hbm>> -> memref<1x25x80xi32, #tpu.memory_space<hbm>>
      %dma_wait3A_44 = tpu.memref_squeeze %dma_wait3A_43 : memref<1x25x80xi32, #tpu.memory_space<hbm>> -> memref<25x80xi32, #tpu.memory_space<hbm>>
      tpu.wait_dma2 semaphore(%run_scoped3A : memref<!tpu.dma_semaphore, #tpu.memory_space<semaphore_mem>>) src(%dma_wait3A_44 : memref<25x80xi32, #tpu.memory_space<hbm>>) dst(%arg10 : memref<25x80xi32, #tpu.memory_space<vmem>>)
      tpu.yield
    }) : () -> ()
    %scan3A = arith.constant 0 : i32
    %scan3A_11 = arith.constant 0 : i32
    %scan3A_12 = arith.constant 25 : i32
    %scan3A_13 = arith.addi %scan3A_11, %scan3A_12 : i32
    %scan3A_14 = arith.constant 1 : i32
    scf.for %scan3A_31 = %scan3A_11 to %scan3A_13 step %scan3A_14  : i32 {
      %dma_start3A = arith.constant 0 : i32
      %dma_start3A_32 = tpu.memref_slice %arg10[%scan3A_31, %dma_start3A] : memref<25x80xi32, #tpu.memory_space<vmem>> -> memref<1x80xi32, #tpu.memory_space<vmem>>
      %dma_start3A_33 = tpu.memref_squeeze %dma_start3A_32 : memref<1x80xi32, #tpu.memory_space<vmem>> -> memref<80xi32, #tpu.memory_space<vmem>>
      %dma_start3A_34 = arith.constant 0 : i32
      %dma_start3A_35 = arith.constant 0 : i32
      %dma_start3A_36 = tpu.memref_slice %arg4[%dma_start3A_34, %dma_start3A_35] : memref<10000x128xf32, #tpu.memory_space<hbm>> -> memref<10000x128xf32, #tpu.memory_space<hbm>>
      tpu.enqueue_indirect_dma source(%dma_start3A_36 : memref<10000x128xf32, #tpu.memory_space<hbm>>) target(%arg12 : memref<80x128xf32, #tpu.memory_space<vmem>>) offsets(%dma_start3A_33 : memref<80xi32, #tpu.memory_space<vmem>>) semaphore(%arg15 : memref<!tpu.dma_semaphore, #tpu.memory_space<semaphore_mem>>)
      %mul3A_37 = arith.constant 80 : i32
      %mul3A_38 = arith.muli %scan3A_31, %mul3A_37 : i32
      %add3A_39 = arith.addi %mul3A_2, %mul3A_38 : i32
      "tpu.region"() ({
        %run_scoped3A = tpu.sem_alloc : memref<!tpu.dma_semaphore, #tpu.memory_space<semaphore_mem>>
        %dma_start3A_51 = arith.constant 0 : i32
        %dma_start3A_52 = tpu.memref_slice %arg2[%add3A_39, %dma_start3A_51] : memref<64000x64xf32, #tpu.memory_space<hbm>> -> memref<80x64xf32, #tpu.memory_space<hbm>>
        %dma_start3A_53 = arith.constant 0 : i32
        %dma_start3A_54 = tpu.memref_slice %arg2[%add3A_39, %dma_start3A_53] : memref<64000x64xf32, #tpu.memory_space<hbm>> -> memref<80x64xf32, #tpu.memory_space<hbm>>
        tpu.enqueue_dma source(%dma_start3A_54 : memref<80x64xf32, #tpu.memory_space<hbm>>) target(%arg11 : memref<80x64xf32, #tpu.memory_space<vmem>>) target_semaphore(%run_scoped3A : memref<!tpu.dma_semaphore, #tpu.memory_space<semaphore_mem>>)
        %dma_wait3A_55 = arith.constant 0 : i32
        %dma_wait3A_56 = tpu.memref_slice %arg2[%add3A_39, %dma_wait3A_55] : memref<64000x64xf32, #tpu.memory_space<hbm>> -> memref<80x64xf32, #tpu.memory_space<hbm>>
        %dma_wait3A_57 = arith.constant 0 : i32
        %dma_wait3A_58 = tpu.memref_slice %arg2[%add3A_39, %dma_wait3A_57] : memref<64000x64xf32, #tpu.memory_space<hbm>> -> memref<80x64xf32, #tpu.memory_space<hbm>>
        tpu.wait_dma2 semaphore(%run_scoped3A : memref<!tpu.dma_semaphore, #tpu.memory_space<semaphore_mem>>) src(%dma_wait3A_58 : memref<80x64xf32, #tpu.memory_space<hbm>>) dst(%arg11 : memref<80x64xf32, #tpu.memory_space<vmem>>)
        tpu.yield
      }) : () -> ()
      %dma_wait3A = arith.constant 0 : i32
      %dma_wait3A_40 = tpu.memref_slice %arg10[%scan3A_31, %dma_wait3A] : memref<25x80xi32, #tpu.memory_space<vmem>> -> memref<1x80xi32, #tpu.memory_space<vmem>>
      %dma_wait3A_41 = tpu.memref_squeeze %dma_wait3A_40 : memref<1x80xi32, #tpu.memory_space<vmem>> -> memref<80xi32, #tpu.memory_space<vmem>>
      %dma_wait3A_42 = arith.constant 0 : i32
      %dma_wait3A_43 = arith.constant 0 : i32
      %dma_wait3A_44 = tpu.memref_slice %arg4[%dma_wait3A_42, %dma_wait3A_43] : memref<10000x128xf32, #tpu.memory_space<hbm>> -> memref<10000x128xf32, #tpu.memory_space<hbm>>
      tpu.wait_indirect_dma semaphore(%arg15 : memref<!tpu.dma_semaphore, #tpu.memory_space<semaphore_mem>>) src(%dma_wait3A_44 : memref<10000x128xf32, #tpu.memory_space<hbm>>) dst(%arg12 : memref<80x128xf32, #tpu.memory_space<vmem>>)
      %scan3A_45 = arith.constant 0 : i32
      %scan3A_46 = arith.constant 0 : i32
      %scan3A_47 = arith.constant 80 : i32
      %scan3A_48 = arith.addi %scan3A_46, %scan3A_47 : i32
      %scan3A_49 = arith.constant 1 : i32
      scf.for %scan3A_51 = %scan3A_46 to %scan3A_48 step %scan3A_49  : i32 {
        %get3A = arith.index_cast %scan3A_51 : i32 to index
        %get3A_52 = arith.constant 0 : index
        %get3A_53 = tpu.vector_load %arg11[%get3A, %get3A_52] {strides = array<i32>} : memref<80x64xf32, #tpu.memory_space<vmem>>, vector<1x16xf32>,
        %get3A_54 = vector.shape_cast %get3A_53 : vector<1x16xf32> to vector<16xf32>
        %get3A_55 = arith.index_cast %scan3A_51 : i32 to index
        %get3A_56 = arith.constant 16 : index
        %get3A_57 = tpu.vector_load %arg11[%get3A_55, %get3A_56] {strides = array<i32>} : memref<80x64xf32, #tpu.memory_space<vmem>>, vector<1x16xf32>,
        %get3A_58 = vector.shape_cast %get3A_57 : vector<1x16xf32> to vector<16xf32>
        %get3A_59 = arith.index_cast %scan3A_51 : i32 to index
        %get3A_60 = arith.constant 32 : index
        %get3A_61 = tpu.vector_load %arg11[%get3A_59, %get3A_60] {strides = array<i32>} : memref<80x64xf32, #tpu.memory_space<vmem>>, vector<1x16xf32>,
        %get3A_62 = vector.shape_cast %get3A_61 : vector<1x16xf32> to vector<16xf32>
        %get3A_63 = arith.index_cast %scan3A_51 : i32 to index
        %get3A_64 = arith.constant 48 : index
        %get3A_65 = tpu.vector_load %arg11[%get3A_63, %get3A_64] {strides = array<i32>} : memref<80x64xf32, #tpu.memory_space<vmem>>, vector<1x16xf32>,
        %get3A_66 = vector.shape_cast %get3A_65 : vector<1x16xf32> to vector<16xf32>
        %get3A_67 = arith.index_cast %scan3A_51 : i32 to index
        %get3A_68 = arith.constant 0 : index
        %get3A_69 = tpu.vector_load %arg12[%get3A_67, %get3A_68] {strides = array<i32>} : memref<80x128xf32, #tpu.memory_space<vmem>>, vector<1x16xf32>,
        %get3A_70 = vector.shape_cast %get3A_69 : vector<1x16xf32> to vector<16xf32>
        %mul3A_71 = arith.mulf %get3A_70, %get3A_54 : vector<16xf32>
        %swap3A = arith.index_cast %scan3A_51 : i32 to index
        %swap3A_72 = arith.constant 0 : index
        %swap3A_73 = tpu.vector_load %arg13[%swap3A, %swap3A_72] {strides = array<i32>} : memref<80x128xf32, #tpu.memory_space<vmem>>, vector<1x16xf32>,
        %swap3A_74 = vector.shape_cast %swap3A_73 : vector<1x16xf32> to vector<16xf32>
        %swap3A_75 = vector.shape_cast %mul3A_71 : vector<16xf32> to vector<1x16xf32>
        tpu.vector_store %arg13[%swap3A, %swap3A_72], %swap3A_75 {strides = array<i32>} : memref<80x128xf32, #tpu.memory_space<vmem>>, vector<1x16xf32>,
        %get3A_76 = arith.index_cast %scan3A_51 : i32 to index
        %get3A_77 = arith.constant 16 : index
        %get3A_78 = tpu.vector_load %arg12[%get3A_76, %get3A_77] {strides = array<i32>} : memref<80x128xf32, #tpu.memory_space<vmem>>, vector<1x16xf32>,
        %get3A_79 = vector.shape_cast %get3A_78 : vector<1x16xf32> to vector<16xf32>
        %mul3A_80 = arith.mulf %get3A_79, %get3A_58 : vector<16xf32>
        %swap3A_81 = arith.index_cast %scan3A_51 : i32 to index
        %swap3A_82 = arith.constant 16 : index
        %swap3A_83 = tpu.vector_load %arg13[%swap3A_81, %swap3A_82] {strides = array<i32>} : memref<80x128xf32, #tpu.memory_space<vmem>>, vector<1x16xf32>,
        %swap3A_84 = vector.shape_cast %swap3A_83 : vector<1x16xf32> to vector<16xf32>
        %swap3A_85 = vector.shape_cast %mul3A_80 : vector<16xf32> to vector<1x16xf32>
        tpu.vector_store %arg13[%swap3A_81, %swap3A_82], %swap3A_85 {strides = array<i32>} : memref<80x128xf32, #tpu.memory_space<vmem>>, vector<1x16xf32>,
        %get3A_86 = arith.index_cast %scan3A_51 : i32 to index
        %get3A_87 = arith.constant 32 : index
        %get3A_88 = tpu.vector_load %arg12[%get3A_86, %get3A_87] {strides = array<i32>} : memref<80x128xf32, #tpu.memory_space<vmem>>, vector<1x16xf32>,
        %get3A_89 = vector.shape_cast %get3A_88 : vector<1x16xf32> to vector<16xf32>
        %mul3A_90 = arith.mulf %get3A_89, %get3A_62 : vector<16xf32>
        %swap3A_91 = arith.index_cast %scan3A_51 : i32 to index
        %swap3A_92 = arith.constant 32 : index
        %swap3A_93 = tpu.vector_load %arg13[%swap3A_91, %swap3A_92] {strides = array<i32>} : memref<80x128xf32, #tpu.memory_space<vmem>>, vector<1x16xf32>,
        %swap3A_94 = vector.shape_cast %swap3A_93 : vector<1x16xf32> to vector<16xf32>
        %swap3A_95 = vector.shape_cast %mul3A_90 : vector<16xf32> to vector<1x16xf32>
        tpu.vector_store %arg13[%swap3A_91, %swap3A_92], %swap3A_95 {strides = array<i32>} : memref<80x128xf32, #tpu.memory_space<vmem>>, vector<1x16xf32>,
        %get3A_96 = arith.index_cast %scan3A_51 : i32 to index
        %get3A_97 = arith.constant 48 : index
        %get3A_98 = tpu.vector_load %arg12[%get3A_96, %get3A_97] {strides = array<i32>} : memref<80x128xf32, #tpu.memory_space<vmem>>, vector<1x16xf32>,
        %get3A_99 = vector.shape_cast %get3A_98 : vector<1x16xf32> to vector<16xf32>
        %mul3A_100 = arith.mulf %get3A_99, %get3A_66 : vector<16xf32>
        %swap3A_101 = arith.index_cast %scan3A_51 : i32 to index
        %swap3A_102 = arith.constant 48 : index
        %swap3A_103 = tpu.vector_load %arg13[%swap3A_101, %swap3A_102] {strides = array<i32>} : memref<80x128xf32, #tpu.memory_space<vmem>>, vector<1x16xf32>,
        %swap3A_104 = vector.shape_cast %swap3A_103 : vector<1x16xf32> to vector<16xf32>
        %swap3A_105 = vector.shape_cast %mul3A_100 : vector<16xf32> to vector<1x16xf32>
        tpu.vector_store %arg13[%swap3A_101, %swap3A_102], %swap3A_105 {strides = array<i32>} : memref<80x128xf32, #tpu.memory_space<vmem>>, vector<1x16xf32>,
        %get3A_106 = arith.index_cast %scan3A_51 : i32 to index
        %get3A_107 = arith.constant 64 : index
        %get3A_108 = tpu.vector_load %arg12[%get3A_106, %get3A_107] {strides = array<i32>} : memref<80x128xf32, #tpu.memory_space<vmem>>, vector<1x16xf32>,
        %get3A_109 = vector.shape_cast %get3A_108 : vector<1x16xf32> to vector<16xf32>
        %mul3A_110 = arith.mulf %get3A_109, %get3A_62 : vector<16xf32>
        %swap3A_111 = arith.index_cast %scan3A_51 : i32 to index
        %swap3A_112 = arith.constant 64 : index
        %swap3A_113 = tpu.vector_load %arg13[%swap3A_111, %swap3A_112] {strides = array<i32>} : memref<80x128xf32, #tpu.memory_space<vmem>>, vector<1x16xf32>,
        %swap3A_114 = vector.shape_cast %swap3A_113 : vector<1x16xf32> to vector<16xf32>
        %swap3A_115 = vector.shape_cast %mul3A_110 : vector<16xf32> to vector<1x16xf32>
        tpu.vector_store %arg13[%swap3A_111, %swap3A_112], %swap3A_115 {strides = array<i32>} : memref<80x128xf32, #tpu.memory_space<vmem>>, vector<1x16xf32>,
        %get3A_116 = arith.index_cast %scan3A_51 : i32 to index
        %get3A_117 = arith.constant 80 : index
        %get3A_118 = tpu.vector_load %arg12[%get3A_116, %get3A_117] {strides = array<i32>} : memref<80x128xf32, #tpu.memory_space<vmem>>, vector<1x16xf32>,
        %get3A_119 = vector.shape_cast %get3A_118 : vector<1x16xf32> to vector<16xf32>
        %mul3A_120 = arith.mulf %get3A_119, %get3A_66 : vector<16xf32>
        %swap3A_121 = arith.index_cast %scan3A_51 : i32 to index
        %swap3A_122 = arith.constant 80 : index
        %swap3A_123 = tpu.vector_load %arg13[%swap3A_121, %swap3A_122] {strides = array<i32>} : memref<80x128xf32, #tpu.memory_space<vmem>>, vector<1x16xf32>,
        %swap3A_124 = vector.shape_cast %swap3A_123 : vector<1x16xf32> to vector<16xf32>
        %swap3A_125 = vector.shape_cast %mul3A_120 : vector<16xf32> to vector<1x16xf32>
        tpu.vector_store %arg13[%swap3A_121, %swap3A_122], %swap3A_125 {strides = array<i32>} : memref<80x128xf32, #tpu.memory_space<vmem>>, vector<1x16xf32>,
        %get3A_126 = arith.index_cast %scan3A_51 : i32 to index
        %get3A_127 = arith.constant 96 : index
        %get3A_128 = tpu.vector_load %arg12[%get3A_126, %get3A_127] {strides = array<i32>} : memref<80x128xf32, #tpu.memory_space<vmem>>, vector<1x16xf32>,
        %get3A_129 = vector.shape_cast %get3A_128 : vector<1x16xf32> to vector<16xf32>
        %mul3A_130 = arith.mulf %get3A_129, %get3A_62 : vector<16xf32>
        %swap3A_131 = arith.index_cast %scan3A_51 : i32 to index
        %swap3A_132 = arith.constant 96 : index
        %swap3A_133 = tpu.vector_load %arg13[%swap3A_131, %swap3A_132] {strides = array<i32>} : memref<80x128xf32, #tpu.memory_space<vmem>>, vector<1x16xf32>,
        %swap3A_134 = vector.shape_cast %swap3A_133 : vector<1x16xf32> to vector<16xf32>
        %swap3A_135 = vector.shape_cast %mul3A_130 : vector<16xf32> to vector<1x16xf32>
        tpu.vector_store %arg13[%swap3A_131, %swap3A_132], %swap3A_135 {strides = array<i32>} : memref<80x128xf32, #tpu.memory_space<vmem>>, vector<1x16xf32>,
        %get3A_136 = arith.index_cast %scan3A_51 : i32 to index
        %get3A_137 = arith.constant 112 : index
        %get3A_138 = tpu.vector_load %arg12[%get3A_136, %get3A_137] {strides = array<i32>} : memref<80x128xf32, #tpu.memory_space<vmem>>, vector<1x16xf32>,
        %get3A_139 = vector.shape_cast %get3A_138 : vector<1x16xf32> to vector<16xf32>
        %mul3A_140 = arith.mulf %get3A_139, %get3A_66 : vector<16xf32>
        %swap3A_141 = arith.index_cast %scan3A_51 : i32 to index
        %swap3A_142 = arith.constant 112 : index
        %swap3A_143 = tpu.vector_load %arg13[%swap3A_141, %swap3A_142] {strides = array<i32>} : memref<80x128xf32, #tpu.memory_space<vmem>>, vector<1x16xf32>,
        %swap3A_144 = vector.shape_cast %swap3A_143 : vector<1x16xf32> to vector<16xf32>
        %swap3A_145 = vector.shape_cast %mul3A_140 : vector<16xf32> to vector<1x16xf32>
        tpu.vector_store %arg13[%swap3A_141, %swap3A_142], %swap3A_145 {strides = array<i32>} : memref<80x128xf32, #tpu.memory_space<vmem>>, vector<1x16xf32>,
      }
      %scan3A_50 = arith.constant 80 : i32
      "tpu.region"() ({
        %run_scoped3A = tpu.sem_alloc : memref<!tpu.dma_semaphore, #tpu.memory_space<semaphore_mem>>
        %dma_start3A_51 = arith.constant 0 : i32
        %dma_start3A_52 = tpu.memref_slice %arg9[%scan3A_31, %dma_start3A_51] : memref<25x80xi32, #tpu.memory_space<vmem>> -> memref<1x80xi32, #tpu.memory_space<vmem>>
        %dma_start3A_53 = tpu.memref_squeeze %dma_start3A_52 : memref<1x80xi32, #tpu.memory_space<vmem>> -> memref<80xi32, #tpu.memory_space<vmem>>
        %dma_start3A_54 = arith.constant 0 : i32
        %dma_start3A_55 = arith.constant 0 : i32
        %dma_start3A_56 = tpu.memref_slice %arg14[%dma_start3A_54, %dma_start3A_55] : memref<10112x128xf32, #tpu.memory_space<vmem_shared>> -> memref<10112x128xf32, #tpu.memory_space<vmem_shared>>
        tpu.enqueue_indirect_dma source(%arg13 : memref<80x128xf32, #tpu.memory_space<vmem>>) target(%dma_start3A_56 : memref<10112x128xf32, #tpu.memory_space<vmem_shared>>) offsets(%dma_start3A_53 : memref<80xi32, #tpu.memory_space<vmem>>) semaphore(%run_scoped3A : memref<!tpu.dma_semaphore, #tpu.memory_space<semaphore_mem>>) {add = true}
        %dma_wait3A_57 = arith.constant 0 : i32
        %dma_wait3A_58 = tpu.memref_slice %arg9[%scan3A_31, %dma_wait3A_57] : memref<25x80xi32, #tpu.memory_space<vmem>> -> memref<1x80xi32, #tpu.memory_space<vmem>>
        %dma_wait3A_59 = tpu.memref_squeeze %dma_wait3A_58 : memref<1x80xi32, #tpu.memory_space<vmem>> -> memref<80xi32, #tpu.memory_space<vmem>>
        %dma_wait3A_60 = arith.constant 0 : i32
        %dma_wait3A_61 = arith.constant 0 : i32
        %dma_wait3A_62 = tpu.memref_slice %arg14[%dma_wait3A_60, %dma_wait3A_61] : memref<10112x128xf32, #tpu.memory_space<vmem_shared>> -> memref<10112x128xf32, #tpu.memory_space<vmem_shared>>
        tpu.wait_indirect_dma semaphore(%run_scoped3A : memref<!tpu.dma_semaphore, #tpu.memory_space<semaphore_mem>>) src(%arg13 : memref<80x128xf32, #tpu.memory_space<vmem>>) dst(%dma_wait3A_62 : memref<10112x128xf32, #tpu.memory_space<vmem_shared>>)
        tpu.yield
      }) : () -> ()
    }
    %scan3A_15 = arith.constant 25 : i32
    %add3A_16 = arith.constant 32 : i32
    %add3A_17 = arith.addi %add3A_16, %add3A : i32
    "tpu.region"() ({
      %run_scoped3A = tpu.sem_alloc : memref<!tpu.dma_semaphore, #tpu.memory_space<semaphore_mem>>
      %dma_start3A = arith.constant 0 : i32
      %dma_start3A_31 = arith.constant 0 : i32
      %dma_start3A_32 = tpu.memref_slice %arg5[%add3A_17, %dma_start3A, %dma_start3A_31] : memref<160x25x80xi32, #tpu.memory_space<hbm>> -> memref<1x25x80xi32, #tpu.memory_space<hbm>>
      %dma_start3A_33 = tpu.memref_squeeze %dma_start3A_32 : memref<1x25x80xi32, #tpu.memory_space<hbm>> -> memref<25x80xi32, #tpu.memory_space<hbm>>
      %dma_start3A_34 = arith.constant 0 : i32
      %dma_start3A_35 = arith.constant 0 : i32
      %dma_start3A_36 = tpu.memref_slice %arg5[%add3A_17, %dma_start3A_34, %dma_start3A_35] : memref<160x25x80xi32, #tpu.memory_space<hbm>> -> memref<1x25x80xi32, #tpu.memory_space<hbm>>
      %dma_start3A_37 = tpu.memref_squeeze %dma_start3A_36 : memref<1x25x80xi32, #tpu.memory_space<hbm>> -> memref<25x80xi32, #tpu.memory_space<hbm>>
      tpu.enqueue_dma source(%dma_start3A_37 : memref<25x80xi32, #tpu.memory_space<hbm>>) target(%arg9 : memref<25x80xi32, #tpu.memory_space<vmem>>) target_semaphore(%run_scoped3A : memref<!tpu.dma_semaphore, #tpu.memory_space<semaphore_mem>>)
      %dma_wait3A = arith.constant 0 : i32
      %dma_wait3A_38 = arith.constant 0 : i32
      %dma_wait3A_39 = tpu.memref_slice %arg5[%add3A_17, %dma_wait3A, %dma_wait3A_38] : memref<160x25x80xi32, #tpu.memory_space<hbm>> -> memref<1x25x80xi32, #tpu.memory_space<hbm>>
      %dma_wait3A_40 = tpu.memref_squeeze %dma_wait3A_39 : memref<1x25x80xi32, #tpu.memory_space<hbm>> -> memref<25x80xi32, #tpu.memory_space<hbm>>
      %dma_wait3A_41 = arith.constant 0 : i32
      %dma_wait3A_42 = arith.constant 0 : i32
      %dma_wait3A_43 = tpu.memref_slice %arg5[%add3A_17, %dma_wait3A_41, %dma_wait3A_42] : memref<160x25x80xi32, #tpu.memory_space<hbm>> -> memref<1x25x80xi32, #tpu.memory_space<hbm>>
      %dma_wait3A_44 = tpu.memref_squeeze %dma_wait3A_43 : memref<1x25x80xi32, #tpu.memory_space<hbm>> -> memref<25x80xi32, #tpu.memory_space<hbm>>
      tpu.wait_dma2 semaphore(%run_scoped3A : memref<!tpu.dma_semaphore, #tpu.memory_space<semaphore_mem>>) src(%dma_wait3A_44 : memref<25x80xi32, #tpu.memory_space<hbm>>) dst(%arg9 : memref<25x80xi32, #tpu.memory_space<vmem>>)
      tpu.yield
    }) : () -> ()
    %add3A_18 = arith.constant 32 : i32
    %add3A_19 = arith.addi %add3A_18, %add3A : i32
    "tpu.region"() ({
      %run_scoped3A = tpu.sem_alloc : memref<!tpu.dma_semaphore, #tpu.memory_space<semaphore_mem>>
      %dma_start3A = arith.constant 0 : i32
      %dma_start3A_31 = arith.constant 0 : i32
      %dma_start3A_32 = tpu.memref_slice %arg6[%add3A_19, %dma_start3A, %dma_start3A_31] : memref<160x25x80xi32, #tpu.memory_space<hbm>> -> memref<1x25x80xi32, #tpu.memory_space<hbm>>
      %dma_start3A_33 = tpu.memref_squeeze %dma_start3A_32 : memref<1x25x80xi32, #tpu.memory_space<hbm>> -> memref<25x80xi32, #tpu.memory_space<hbm>>
      %dma_start3A_34 = arith.constant 0 : i32
      %dma_start3A_35 = arith.constant 0 : i32
      %dma_start3A_36 = tpu.memref_slice %arg6[%add3A_19, %dma_start3A_34, %dma_start3A_35] : memref<160x25x80xi32, #tpu.memory_space<hbm>> -> memref<1x25x80xi32, #tpu.memory_space<hbm>>
      %dma_start3A_37 = tpu.memref_squeeze %dma_start3A_36 : memref<1x25x80xi32, #tpu.memory_space<hbm>> -> memref<25x80xi32, #tpu.memory_space<hbm>>
      tpu.enqueue_dma source(%dma_start3A_37 : memref<25x80xi32, #tpu.memory_space<hbm>>) target(%arg10 : memref<25x80xi32, #tpu.memory_space<vmem>>) target_semaphore(%run_scoped3A : memref<!tpu.dma_semaphore, #tpu.memory_space<semaphore_mem>>)
      %dma_wait3A = arith.constant 0 : i32
      %dma_wait3A_38 = arith.constant 0 : i32
      %dma_wait3A_39 = tpu.memref_slice %arg6[%add3A_19, %dma_wait3A, %dma_wait3A_38] : memref<160x25x80xi32, #tpu.memory_space<hbm>> -> memref<1x25x80xi32, #tpu.memory_space<hbm>>
      %dma_wait3A_40 = tpu.memref_squeeze %dma_wait3A_39 : memref<1x25x80xi32, #tpu.memory_space<hbm>> -> memref<25x80xi32, #tpu.memory_space<hbm>>
      %dma_wait3A_41 = arith.constant 0 : i32
      %dma_wait3A_42 = arith.constant 0 : i32
      %dma_wait3A_43 = tpu.memref_slice %arg6[%add3A_19, %dma_wait3A_41, %dma_wait3A_42] : memref<160x25x80xi32, #tpu.memory_space<hbm>> -> memref<1x25x80xi32, #tpu.memory_space<hbm>>
      %dma_wait3A_44 = tpu.memref_squeeze %dma_wait3A_43 : memref<1x25x80xi32, #tpu.memory_space<hbm>> -> memref<25x80xi32, #tpu.memory_space<hbm>>
      tpu.wait_dma2 semaphore(%run_scoped3A : memref<!tpu.dma_semaphore, #tpu.memory_space<semaphore_mem>>) src(%dma_wait3A_44 : memref<25x80xi32, #tpu.memory_space<hbm>>) dst(%arg10 : memref<25x80xi32, #tpu.memory_space<vmem>>)
      tpu.yield
    }) : () -> ()
    %scan3A_20 = arith.constant 0 : i32
    %scan3A_21 = arith.constant 0 : i32
    %scan3A_22 = arith.constant 25 : i32
    %scan3A_23 = arith.addi %scan3A_21, %scan3A_22 : i32
    %scan3A_24 = arith.constant 1 : i32
    scf.for %scan3A_31 = %scan3A_21 to %scan3A_23 step %scan3A_24  : i32 {
      %dma_start3A = arith.constant 0 : i32
      %dma_start3A_32 = tpu.memref_slice %arg10[%scan3A_31, %dma_start3A] : memref<25x80xi32, #tpu.memory_space<vmem>> -> memref<1x80xi32, #tpu.memory_space<vmem>>
      %dma_start3A_33 = tpu.memref_squeeze %dma_start3A_32 : memref<1x80xi32, #tpu.memory_space<vmem>> -> memref<80xi32, #tpu.memory_space<vmem>>
      %dma_start3A_34 = arith.constant 0 : i32
      %dma_start3A_35 = arith.constant 0 : i32
      %dma_start3A_36 = tpu.memref_slice %arg4[%dma_start3A_34, %dma_start3A_35] : memref<10000x128xf32, #tpu.memory_space<hbm>> -> memref<10000x128xf32, #tpu.memory_space<hbm>>
      tpu.enqueue_indirect_dma source(%dma_start3A_36 : memref<10000x128xf32, #tpu.memory_space<hbm>>) target(%arg12 : memref<80x128xf32, #tpu.memory_space<vmem>>) offsets(%dma_start3A_33 : memref<80xi32, #tpu.memory_space<vmem>>) semaphore(%arg15 : memref<!tpu.dma_semaphore, #tpu.memory_space<semaphore_mem>>)
      %mul3A_37 = arith.constant 80 : i32
      %mul3A_38 = arith.muli %scan3A_31, %mul3A_37 : i32
      %add3A_39 = arith.addi %mul3A_2, %mul3A_38 : i32
      "tpu.region"() ({
        %run_scoped3A = tpu.sem_alloc : memref<!tpu.dma_semaphore, #tpu.memory_space<semaphore_mem>>
        %dma_start3A_51 = arith.constant 0 : i32
        %dma_start3A_52 = tpu.memref_slice %arg3[%add3A_39, %dma_start3A_51] : memref<64000x64xf32, #tpu.memory_space<hbm>> -> memref<80x64xf32, #tpu.memory_space<hbm>>
        %dma_start3A_53 = arith.constant 0 : i32
        %dma_start3A_54 = tpu.memref_slice %arg3[%add3A_39, %dma_start3A_53] : memref<64000x64xf32, #tpu.memory_space<hbm>> -> memref<80x64xf32, #tpu.memory_space<hbm>>
        tpu.enqueue_dma source(%dma_start3A_54 : memref<80x64xf32, #tpu.memory_space<hbm>>) target(%arg11 : memref<80x64xf32, #tpu.memory_space<vmem>>) target_semaphore(%run_scoped3A : memref<!tpu.dma_semaphore, #tpu.memory_space<semaphore_mem>>)
        %dma_wait3A_55 = arith.constant 0 : i32
        %dma_wait3A_56 = tpu.memref_slice %arg3[%add3A_39, %dma_wait3A_55] : memref<64000x64xf32, #tpu.memory_space<hbm>> -> memref<80x64xf32, #tpu.memory_space<hbm>>
        %dma_wait3A_57 = arith.constant 0 : i32
        %dma_wait3A_58 = tpu.memref_slice %arg3[%add3A_39, %dma_wait3A_57] : memref<64000x64xf32, #tpu.memory_space<hbm>> -> memref<80x64xf32, #tpu.memory_space<hbm>>
        tpu.wait_dma2 semaphore(%run_scoped3A : memref<!tpu.dma_semaphore, #tpu.memory_space<semaphore_mem>>) src(%dma_wait3A_58 : memref<80x64xf32, #tpu.memory_space<hbm>>) dst(%arg11 : memref<80x64xf32, #tpu.memory_space<vmem>>)
        tpu.yield
      }) : () -> ()
      %dma_wait3A = arith.constant 0 : i32
      %dma_wait3A_40 = tpu.memref_slice %arg10[%scan3A_31, %dma_wait3A] : memref<25x80xi32, #tpu.memory_space<vmem>> -> memref<1x80xi32, #tpu.memory_space<vmem>>
      %dma_wait3A_41 = tpu.memref_squeeze %dma_wait3A_40 : memref<1x80xi32, #tpu.memory_space<vmem>> -> memref<80xi32, #tpu.memory_space<vmem>>
      %dma_wait3A_42 = arith.constant 0 : i32
      %dma_wait3A_43 = arith.constant 0 : i32
      %dma_wait3A_44 = tpu.memref_slice %arg4[%dma_wait3A_42, %dma_wait3A_43] : memref<10000x128xf32, #tpu.memory_space<hbm>> -> memref<10000x128xf32, #tpu.memory_space<hbm>>
      tpu.wait_indirect_dma semaphore(%arg15 : memref<!tpu.dma_semaphore, #tpu.memory_space<semaphore_mem>>) src(%dma_wait3A_44 : memref<10000x128xf32, #tpu.memory_space<hbm>>) dst(%arg12 : memref<80x128xf32, #tpu.memory_space<vmem>>)
      %scan3A_45 = arith.constant 0 : i32
      %scan3A_46 = arith.constant 0 : i32
      %scan3A_47 = arith.constant 80 : i32
      %scan3A_48 = arith.addi %scan3A_46, %scan3A_47 : i32
      %scan3A_49 = arith.constant 1 : i32
      scf.for %scan3A_51 = %scan3A_46 to %scan3A_48 step %scan3A_49  : i32 {
        %get3A = arith.index_cast %scan3A_51 : i32 to index
        %get3A_52 = arith.constant 0 : index
        %get3A_53 = tpu.vector_load %arg11[%get3A, %get3A_52] {strides = array<i32>} : memref<80x64xf32, #tpu.memory_space<vmem>>, vector<1x16xf32>,
        %get3A_54 = vector.shape_cast %get3A_53 : vector<1x16xf32> to vector<16xf32>
        %get3A_55 = arith.index_cast %scan3A_51 : i32 to index
        %get3A_56 = arith.constant 16 : index
        %get3A_57 = tpu.vector_load %arg11[%get3A_55, %get3A_56] {strides = array<i32>} : memref<80x64xf32, #tpu.memory_space<vmem>>, vector<1x16xf32>,
        %get3A_58 = vector.shape_cast %get3A_57 : vector<1x16xf32> to vector<16xf32>
        %get3A_59 = arith.index_cast %scan3A_51 : i32 to index
        %get3A_60 = arith.constant 32 : index
        %get3A_61 = tpu.vector_load %arg11[%get3A_59, %get3A_60] {strides = array<i32>} : memref<80x64xf32, #tpu.memory_space<vmem>>, vector<1x16xf32>,
        %get3A_62 = vector.shape_cast %get3A_61 : vector<1x16xf32> to vector<16xf32>
        %get3A_63 = arith.index_cast %scan3A_51 : i32 to index
        %get3A_64 = arith.constant 48 : index
        %get3A_65 = tpu.vector_load %arg11[%get3A_63, %get3A_64] {strides = array<i32>} : memref<80x64xf32, #tpu.memory_space<vmem>>, vector<1x16xf32>,
        %get3A_66 = vector.shape_cast %get3A_65 : vector<1x16xf32> to vector<16xf32>
        %get3A_67 = arith.index_cast %scan3A_51 : i32 to index
        %get3A_68 = arith.constant 0 : index
        %get3A_69 = tpu.vector_load %arg12[%get3A_67, %get3A_68] {strides = array<i32>} : memref<80x128xf32, #tpu.memory_space<vmem>>, vector<1x16xf32>,
        %get3A_70 = vector.shape_cast %get3A_69 : vector<1x16xf32> to vector<16xf32>
        %mul3A_71 = arith.mulf %get3A_70, %get3A_54 : vector<16xf32>
        %swap3A = arith.index_cast %scan3A_51 : i32 to index
        %swap3A_72 = arith.constant 0 : index
        %swap3A_73 = tpu.vector_load %arg13[%swap3A, %swap3A_72] {strides = array<i32>} : memref<80x128xf32, #tpu.memory_space<vmem>>, vector<1x16xf32>,
        %swap3A_74 = vector.shape_cast %swap3A_73 : vector<1x16xf32> to vector<16xf32>
        %swap3A_75 = vector.shape_cast %mul3A_71 : vector<16xf32> to vector<1x16xf32>
        tpu.vector_store %arg13[%swap3A, %swap3A_72], %swap3A_75 {strides = array<i32>} : memref<80x128xf32, #tpu.memory_space<vmem>>, vector<1x16xf32>,
        %get3A_76 = arith.index_cast %scan3A_51 : i32 to index
        %get3A_77 = arith.constant 16 : index
        %get3A_78 = tpu.vector_load %arg12[%get3A_76, %get3A_77] {strides = array<i32>} : memref<80x128xf32, #tpu.memory_space<vmem>>, vector<1x16xf32>,
        %get3A_79 = vector.shape_cast %get3A_78 : vector<1x16xf32> to vector<16xf32>
        %mul3A_80 = arith.mulf %get3A_79, %get3A_58 : vector<16xf32>
        %swap3A_81 = arith.index_cast %scan3A_51 : i32 to index
        %swap3A_82 = arith.constant 16 : index
        %swap3A_83 = tpu.vector_load %arg13[%swap3A_81, %swap3A_82] {strides = array<i32>} : memref<80x128xf32, #tpu.memory_space<vmem>>, vector<1x16xf32>,
        %swap3A_84 = vector.shape_cast %swap3A_83 : vector<1x16xf32> to vector<16xf32>
        %swap3A_85 = vector.shape_cast %mul3A_80 : vector<16xf32> to vector<1x16xf32>
        tpu.vector_store %arg13[%swap3A_81, %swap3A_82], %swap3A_85 {strides = array<i32>} : memref<80x128xf32, #tpu.memory_space<vmem>>, vector<1x16xf32>,
        %get3A_86 = arith.index_cast %scan3A_51 : i32 to index
        %get3A_87 = arith.constant 32 : index
        %get3A_88 = tpu.vector_load %arg12[%get3A_86, %get3A_87] {strides = array<i32>} : memref<80x128xf32, #tpu.memory_space<vmem>>, vector<1x16xf32>,
        %get3A_89 = vector.shape_cast %get3A_88 : vector<1x16xf32> to vector<16xf32>
        %mul3A_90 = arith.mulf %get3A_89, %get3A_62 : vector<16xf32>
        %swap3A_91 = arith.index_cast %scan3A_51 : i32 to index
        %swap3A_92 = arith.constant 32 : index
        %swap3A_93 = tpu.vector_load %arg13[%swap3A_91, %swap3A_92] {strides = array<i32>} : memref<80x128xf32, #tpu.memory_space<vmem>>, vector<1x16xf32>,
        %swap3A_94 = vector.shape_cast %swap3A_93 : vector<1x16xf32> to vector<16xf32>
        %swap3A_95 = vector.shape_cast %mul3A_90 : vector<16xf32> to vector<1x16xf32>
        tpu.vector_store %arg13[%swap3A_91, %swap3A_92], %swap3A_95 {strides = array<i32>} : memref<80x128xf32, #tpu.memory_space<vmem>>, vector<1x16xf32>,
        %get3A_96 = arith.index_cast %scan3A_51 : i32 to index
        %get3A_97 = arith.constant 48 : index
        %get3A_98 = tpu.vector_load %arg12[%get3A_96, %get3A_97] {strides = array<i32>} : memref<80x128xf32, #tpu.memory_space<vmem>>, vector<1x16xf32>,
        %get3A_99 = vector.shape_cast %get3A_98 : vector<1x16xf32> to vector<16xf32>
        %mul3A_100 = arith.mulf %get3A_99, %get3A_66 : vector<16xf32>
        %swap3A_101 = arith.index_cast %scan3A_51 : i32 to index
        %swap3A_102 = arith.constant 48 : index
        %swap3A_103 = tpu.vector_load %arg13[%swap3A_101, %swap3A_102] {strides = array<i32>} : memref<80x128xf32, #tpu.memory_space<vmem>>, vector<1x16xf32>,
        %swap3A_104 = vector.shape_cast %swap3A_103 : vector<1x16xf32> to vector<16xf32>
        %swap3A_105 = vector.shape_cast %mul3A_100 : vector<16xf32> to vector<1x16xf32>
        tpu.vector_store %arg13[%swap3A_101, %swap3A_102], %swap3A_105 {strides = array<i32>} : memref<80x128xf32, #tpu.memory_space<vmem>>, vector<1x16xf32>,
        %get3A_106 = arith.index_cast %scan3A_51 : i32 to index
        %get3A_107 = arith.constant 64 : index
        %get3A_108 = tpu.vector_load %arg12[%get3A_106, %get3A_107] {strides = array<i32>} : memref<80x128xf32, #tpu.memory_space<vmem>>, vector<1x16xf32>,
        %get3A_109 = vector.shape_cast %get3A_108 : vector<1x16xf32> to vector<16xf32>
        %mul3A_110 = arith.mulf %get3A_109, %get3A_62 : vector<16xf32>
        %swap3A_111 = arith.index_cast %scan3A_51 : i32 to index
        %swap3A_112 = arith.constant 64 : index
        %swap3A_113 = tpu.vector_load %arg13[%swap3A_111, %swap3A_112] {strides = array<i32>} : memref<80x128xf32, #tpu.memory_space<vmem>>, vector<1x16xf32>,
        %swap3A_114 = vector.shape_cast %swap3A_113 : vector<1x16xf32> to vector<16xf32>
        %swap3A_115 = vector.shape_cast %mul3A_110 : vector<16xf32> to vector<1x16xf32>
        tpu.vector_store %arg13[%swap3A_111, %swap3A_112], %swap3A_115 {strides = array<i32>} : memref<80x128xf32, #tpu.memory_space<vmem>>, vector<1x16xf32>,
        %get3A_116 = arith.index_cast %scan3A_51 : i32 to index
        %get3A_117 = arith.constant 80 : index
        %get3A_118 = tpu.vector_load %arg12[%get3A_116, %get3A_117] {strides = array<i32>} : memref<80x128xf32, #tpu.memory_space<vmem>>, vector<1x16xf32>,
        %get3A_119 = vector.shape_cast %get3A_118 : vector<1x16xf32> to vector<16xf32>
        %mul3A_120 = arith.mulf %get3A_119, %get3A_66 : vector<16xf32>
        %swap3A_121 = arith.index_cast %scan3A_51 : i32 to index
        %swap3A_122 = arith.constant 80 : index
        %swap3A_123 = tpu.vector_load %arg13[%swap3A_121, %swap3A_122] {strides = array<i32>} : memref<80x128xf32, #tpu.memory_space<vmem>>, vector<1x16xf32>,
        %swap3A_124 = vector.shape_cast %swap3A_123 : vector<1x16xf32> to vector<16xf32>
        %swap3A_125 = vector.shape_cast %mul3A_120 : vector<16xf32> to vector<1x16xf32>
        tpu.vector_store %arg13[%swap3A_121, %swap3A_122], %swap3A_125 {strides = array<i32>} : memref<80x128xf32, #tpu.memory_space<vmem>>, vector<1x16xf32>,
        %get3A_126 = arith.index_cast %scan3A_51 : i32 to index
        %get3A_127 = arith.constant 96 : index
        %get3A_128 = tpu.vector_load %arg12[%get3A_126, %get3A_127] {strides = array<i32>} : memref<80x128xf32, #tpu.memory_space<vmem>>, vector<1x16xf32>,
        %get3A_129 = vector.shape_cast %get3A_128 : vector<1x16xf32> to vector<16xf32>
        %mul3A_130 = arith.mulf %get3A_129, %get3A_62 : vector<16xf32>
        %swap3A_131 = arith.index_cast %scan3A_51 : i32 to index
        %swap3A_132 = arith.constant 96 : index
        %swap3A_133 = tpu.vector_load %arg13[%swap3A_131, %swap3A_132] {strides = array<i32>} : memref<80x128xf32, #tpu.memory_space<vmem>>, vector<1x16xf32>,
        %swap3A_134 = vector.shape_cast %swap3A_133 : vector<1x16xf32> to vector<16xf32>
        %swap3A_135 = vector.shape_cast %mul3A_130 : vector<16xf32> to vector<1x16xf32>
        tpu.vector_store %arg13[%swap3A_131, %swap3A_132], %swap3A_135 {strides = array<i32>} : memref<80x128xf32, #tpu.memory_space<vmem>>, vector<1x16xf32>,
        %get3A_136 = arith.index_cast %scan3A_51 : i32 to index
        %get3A_137 = arith.constant 112 : index
        %get3A_138 = tpu.vector_load %arg12[%get3A_136, %get3A_137] {strides = array<i32>} : memref<80x128xf32, #tpu.memory_space<vmem>>, vector<1x16xf32>,
        %get3A_139 = vector.shape_cast %get3A_138 : vector<1x16xf32> to vector<16xf32>
        %mul3A_140 = arith.mulf %get3A_139, %get3A_66 : vector<16xf32>
        %swap3A_141 = arith.index_cast %scan3A_51 : i32 to index
        %swap3A_142 = arith.constant 112 : index
        %swap3A_143 = tpu.vector_load %arg13[%swap3A_141, %swap3A_142] {strides = array<i32>} : memref<80x128xf32, #tpu.memory_space<vmem>>, vector<1x16xf32>,
        %swap3A_144 = vector.shape_cast %swap3A_143 : vector<1x16xf32> to vector<16xf32>
        %swap3A_145 = vector.shape_cast %mul3A_140 : vector<16xf32> to vector<1x16xf32>
        tpu.vector_store %arg13[%swap3A_141, %swap3A_142], %swap3A_145 {strides = array<i32>} : memref<80x128xf32, #tpu.memory_space<vmem>>, vector<1x16xf32>,
      }
      %scan3A_50 = arith.constant 80 : i32
      "tpu.region"() ({
        %run_scoped3A = tpu.sem_alloc : memref<!tpu.dma_semaphore, #tpu.memory_space<semaphore_mem>>
        %dma_start3A_51 = arith.constant 0 : i32
        %dma_start3A_52 = tpu.memref_slice %arg9[%scan3A_31, %dma_start3A_51] : memref<25x80xi32, #tpu.memory_space<vmem>> -> memref<1x80xi32, #tpu.memory_space<vmem>>
        %dma_start3A_53 = tpu.memref_squeeze %dma_start3A_52 : memref<1x80xi32, #tpu.memory_space<vmem>> -> memref<80xi32, #tpu.memory_space<vmem>>
        %dma_start3A_54 = arith.constant 0 : i32
        %dma_start3A_55 = arith.constant 0 : i32
        %dma_start3A_56 = tpu.memref_slice %arg14[%dma_start3A_54, %dma_start3A_55] : memref<10112x128xf32, #tpu.memory_space<vmem_shared>> -> memref<10112x128xf32, #tpu.memory_space<vmem_shared>>
        tpu.enqueue_indirect_dma source(%arg13 : memref<80x128xf32, #tpu.memory_space<vmem>>) target(%dma_start3A_56 : memref<10112x128xf32, #tpu.memory_space<vmem_shared>>) offsets(%dma_start3A_53 : memref<80xi32, #tpu.memory_space<vmem>>) semaphore(%run_scoped3A : memref<!tpu.dma_semaphore, #tpu.memory_space<semaphore_mem>>) {add = true}
        %dma_wait3A_57 = arith.constant 0 : i32
        %dma_wait3A_58 = tpu.memref_slice %arg9[%scan3A_31, %dma_wait3A_57] : memref<25x80xi32, #tpu.memory_space<vmem>> -> memref<1x80xi32, #tpu.memory_space<vmem>>
        %dma_wait3A_59 = tpu.memref_squeeze %dma_wait3A_58 : memref<1x80xi32, #tpu.memory_space<vmem>> -> memref<80xi32, #tpu.memory_space<vmem>>
        %dma_wait3A_60 = arith.constant 0 : i32
        %dma_wait3A_61 = arith.constant 0 : i32
        %dma_wait3A_62 = tpu.memref_slice %arg14[%dma_wait3A_60, %dma_wait3A_61] : memref<10112x128xf32, #tpu.memory_space<vmem_shared>> -> memref<10112x128xf32, #tpu.memory_space<vmem_shared>>
        tpu.wait_indirect_dma semaphore(%run_scoped3A : memref<!tpu.dma_semaphore, #tpu.memory_space<semaphore_mem>>) src(%arg13 : memref<80x128xf32, #tpu.memory_space<vmem>>) dst(%dma_wait3A_62 : memref<10112x128xf32, #tpu.memory_space<vmem_shared>>)
        tpu.yield
      }) : () -> ()
    }
    %scan3A_25 = arith.constant 25 : i32
    %barrier3A_26 = arith.constant 0 : index
    tpu.barrier barrier_id(%barrier3A_26)
    %mul3A_27 = arith.constant 632 : i32
    %mul3A_28 = arith.muli %arg1, %mul3A_27 : i32
    %mul3A_29 = arith.constant 632 : i32
    %mul3A_30 = arith.muli %arg1, %mul3A_29 : i32
    "tpu.region"() ({
      %run_scoped3A = tpu.sem_alloc : memref<!tpu.dma_semaphore, #tpu.memory_space<semaphore_mem>>
      %dma_start3A = arith.constant 0 : i32
      %dma_start3A_31 = arith.constant 0 : i32
      %dma_start3A_32 = tpu.memref_slice %arg8[%arg0, %dma_start3A, %dma_start3A_31] : memref<2x10112x128xf32, #tpu.memory_space<hbm>> -> memref<1x10112x128xf32, #tpu.memory_space<hbm>>
      %dma_start3A_33 = tpu.memref_squeeze %dma_start3A_32 : memref<1x10112x128xf32, #tpu.memory_space<hbm>> -> memref<10112x128xf32, #tpu.memory_space<hbm>>
      %dma_start3A_34 = arith.constant 0 : i32
      %dma_start3A_35 = tpu.memref_slice %dma_start3A_33[%mul3A_30, %dma_start3A_34] : memref<10112x128xf32, #tpu.memory_space<hbm>> -> memref<632x128xf32, #tpu.memory_space<hbm>>
      %dma_start3A_36 = arith.constant 0 : i32
      %dma_start3A_37 = tpu.memref_slice %arg14[%mul3A_28, %dma_start3A_36] : memref<10112x128xf32, #tpu.memory_space<vmem_shared>> -> memref<632x128xf32, #tpu.memory_space<vmem_shared>>
      tpu.enqueue_dma source(%dma_start3A_37 : memref<632x128xf32, #tpu.memory_space<vmem_shared>>) target(%dma_start3A_35 : memref<632x128xf32, #tpu.memory_space<hbm>>) target_semaphore(%run_scoped3A : memref<!tpu.dma_semaphore, #tpu.memory_space<semaphore_mem>>)
      %dma_wait3A = arith.constant 0 : i32
      %dma_wait3A_38 = arith.constant 0 : i32
      %dma_wait3A_39 = tpu.memref_slice %arg8[%arg0, %dma_wait3A, %dma_wait3A_38] : memref<2x10112x128xf32, #tpu.memory_space<hbm>> -> memref<1x10112x128xf32, #tpu.memory_space<hbm>>
      %dma_wait3A_40 = tpu.memref_squeeze %dma_wait3A_39 : memref<1x10112x128xf32, #tpu.memory_space<hbm>> -> memref<10112x128xf32, #tpu.memory_space<hbm>>
      %dma_wait3A_41 = arith.constant 0 : i32
      %dma_wait3A_42 = tpu.memref_slice %dma_wait3A_40[%mul3A_30, %dma_wait3A_41] : memref<10112x128xf32, #tpu.memory_space<hbm>> -> memref<632x128xf32, #tpu.memory_space<hbm>>
      %dma_wait3A_43 = arith.constant 0 : i32
      %dma_wait3A_44 = tpu.memref_slice %arg14[%mul3A_28, %dma_wait3A_43] : memref<10112x128xf32, #tpu.memory_space<vmem_shared>> -> memref<632x128xf32, #tpu.memory_space<vmem_shared>>
      tpu.wait_dma2 semaphore(%run_scoped3A : memref<!tpu.dma_semaphore, #tpu.memory_space<semaphore_mem>>) src(%dma_wait3A_44 : memref<632x128xf32, #tpu.memory_space<vmem_shared>>) dst(%dma_wait3A_42 : memref<632x128xf32, #tpu.memory_space<hbm>>)
      tpu.yield
    }) : () -> ()
    return
  }
}

#map = affine_map<(d0, d1) -> (0, 0)>
#map1 = affine_map<(d0, d1) -> (0, 0, 0)>
module attributes {stable_mosaic.version = 14 : i64} {
  func.func @scatter(%arg0: i32, %arg1: i32, %arg2: memref<64000x64xf32, #tpu.memory_space<hbm>>, %arg3: memref<10000x128xf32, #tpu.memory_space<hbm>>, %arg4: memref<160x25x80xi32, #tpu.memory_space<hbm>>, %arg5: memref<160x25x80xi32, #tpu.memory_space<hbm>>, %arg6: memref<10112x128xf32, #tpu.memory_space<hbm>>, %arg7: memref<2x10112x128xf32, #tpu.memory_space<hbm>>, %arg8: memref<25x80xi32, #tpu.memory_space<vmem>>, %arg9: memref<25x80xi32, #tpu.memory_space<vmem>>, %arg10: memref<80x64xf32, #tpu.memory_space<vmem>>, %arg11: memref<80x128xf32, #tpu.memory_space<vmem>>, %arg12: memref<80x128xf32, #tpu.memory_space<vmem>>, %arg13: memref<10112x128xf32, #tpu.memory_space<vmem_shared>>, %arg14: memref<!tpu.dma_semaphore, #tpu.memory_space<semaphore_mem>>) attributes {dimension_semantics = [#tpu.dimension_semantics<core_parallel>, #tpu.dimension_semantics<subcore_parallel>], iteration_bounds = array<i64: 2, 16>, scalar_prefetch = 0 : i64, scratch_operands = 7 : i64, tpu.core_type = #tpu.core_type<sc_vector_subcore>, window_params = [{transform_indices = #map}, {transform_indices = #map}, {transform_indices = #map1}, {transform_indices = #map1}, {transform_indices = #map}, {transform_indices = #map1}]} {
    %mul3A = arith.constant 2 : i32
    %mul3A_0 = arith.muli %arg1, %mul3A : i32
    %add3A = arith.addi %mul3A_0, %arg0 : i32
    %mul3A_1 = arith.constant 2000 : i32
    %mul3A_2 = arith.muli %add3A, %mul3A_1 : i32
    %mul3A_3 = arith.constant 632 : i32
    %mul3A_4 = arith.muli %arg1, %mul3A_3 : i32
    %mul3A_5 = arith.constant 632 : i32
    %mul3A_6 = arith.muli %arg1, %mul3A_5 : i32
    "tpu.region"() ({
      %run_scoped3A = tpu.sem_alloc : memref<!tpu.dma_semaphore, #tpu.memory_space<semaphore_mem>>
      %dma_start3A = arith.constant 0 : i32
      %dma_start3A_21 = tpu.memref_slice %arg13[%mul3A_6, %dma_start3A] : memref<10112x128xf32, #tpu.memory_space<vmem_shared>> -> memref<632x128xf32, #tpu.memory_space<vmem_shared>>
      %dma_start3A_22 = arith.constant 0 : i32
      %dma_start3A_23 = tpu.memref_slice %arg6[%mul3A_4, %dma_start3A_22] : memref<10112x128xf32, #tpu.memory_space<hbm>> -> memref<632x128xf32, #tpu.memory_space<hbm>>
      tpu.enqueue_dma source(%dma_start3A_23 : memref<632x128xf32, #tpu.memory_space<hbm>>) target(%dma_start3A_21 : memref<632x128xf32, #tpu.memory_space<vmem_shared>>) target_semaphore(%run_scoped3A : memref<!tpu.dma_semaphore, #tpu.memory_space<semaphore_mem>>)
      %dma_wait3A = arith.constant 0 : i32
      %dma_wait3A_24 = tpu.memref_slice %arg13[%mul3A_6, %dma_wait3A] : memref<10112x128xf32, #tpu.memory_space<vmem_shared>> -> memref<632x128xf32, #tpu.memory_space<vmem_shared>>
      %dma_wait3A_25 = arith.constant 0 : i32
      %dma_wait3A_26 = tpu.memref_slice %arg6[%mul3A_4, %dma_wait3A_25] : memref<10112x128xf32, #tpu.memory_space<hbm>> -> memref<632x128xf32, #tpu.memory_space<hbm>>
      tpu.wait_dma2 semaphore(%run_scoped3A : memref<!tpu.dma_semaphore, #tpu.memory_space<semaphore_mem>>) src(%dma_wait3A_26 : memref<632x128xf32, #tpu.memory_space<hbm>>) dst(%dma_wait3A_24 : memref<632x128xf32, #tpu.memory_space<vmem_shared>>)
      tpu.yield
    }) : () -> ()
    %barrier3A = arith.constant 0 : index
    tpu.barrier barrier_id(%barrier3A)
    %add3A_7 = arith.constant 128 : i32
    %add3A_8 = arith.addi %add3A_7, %add3A : i32
    "tpu.region"() ({
      %run_scoped3A = tpu.sem_alloc : memref<!tpu.dma_semaphore, #tpu.memory_space<semaphore_mem>>
      %dma_start3A = arith.constant 0 : i32
      %dma_start3A_21 = arith.constant 0 : i32
      %dma_start3A_22 = tpu.memref_slice %arg4[%add3A_8, %dma_start3A, %dma_start3A_21] : memref<160x25x80xi32, #tpu.memory_space<hbm>> -> memref<1x25x80xi32, #tpu.memory_space<hbm>>
      %dma_start3A_23 = tpu.memref_squeeze %dma_start3A_22 : memref<1x25x80xi32, #tpu.memory_space<hbm>> -> memref<25x80xi32, #tpu.memory_space<hbm>>
      %dma_start3A_24 = arith.constant 0 : i32
      %dma_start3A_25 = arith.constant 0 : i32
      %dma_start3A_26 = tpu.memref_slice %arg4[%add3A_8, %dma_start3A_24, %dma_start3A_25] : memref<160x25x80xi32, #tpu.memory_space<hbm>> -> memref<1x25x80xi32, #tpu.memory_space<hbm>>
      %dma_start3A_27 = tpu.memref_squeeze %dma_start3A_26 : memref<1x25x80xi32, #tpu.memory_space<hbm>> -> memref<25x80xi32, #tpu.memory_space<hbm>>
      tpu.enqueue_dma source(%dma_start3A_27 : memref<25x80xi32, #tpu.memory_space<hbm>>) target(%arg8 : memref<25x80xi32, #tpu.memory_space<vmem>>) target_semaphore(%run_scoped3A : memref<!tpu.dma_semaphore, #tpu.memory_space<semaphore_mem>>)
      %dma_wait3A = arith.constant 0 : i32
      %dma_wait3A_28 = arith.constant 0 : i32
      %dma_wait3A_29 = tpu.memref_slice %arg4[%add3A_8, %dma_wait3A, %dma_wait3A_28] : memref<160x25x80xi32, #tpu.memory_space<hbm>> -> memref<1x25x80xi32, #tpu.memory_space<hbm>>
      %dma_wait3A_30 = tpu.memref_squeeze %dma_wait3A_29 : memref<1x25x80xi32, #tpu.memory_space<hbm>> -> memref<25x80xi32, #tpu.memory_space<hbm>>
      %dma_wait3A_31 = arith.constant 0 : i32
      %dma_wait3A_32 = arith.constant 0 : i32
      %dma_wait3A_33 = tpu.memref_slice %arg4[%add3A_8, %dma_wait3A_31, %dma_wait3A_32] : memref<160x25x80xi32, #tpu.memory_space<hbm>> -> memref<1x25x80xi32, #tpu.memory_space<hbm>>
      %dma_wait3A_34 = tpu.memref_squeeze %dma_wait3A_33 : memref<1x25x80xi32, #tpu.memory_space<hbm>> -> memref<25x80xi32, #tpu.memory_space<hbm>>
      tpu.wait_dma2 semaphore(%run_scoped3A : memref<!tpu.dma_semaphore, #tpu.memory_space<semaphore_mem>>) src(%dma_wait3A_34 : memref<25x80xi32, #tpu.memory_space<hbm>>) dst(%arg8 : memref<25x80xi32, #tpu.memory_space<vmem>>)
      tpu.yield
    }) : () -> ()
    %add3A_9 = arith.constant 128 : i32
    %add3A_10 = arith.addi %add3A_9, %add3A : i32
    "tpu.region"() ({
      %run_scoped3A = tpu.sem_alloc : memref<!tpu.dma_semaphore, #tpu.memory_space<semaphore_mem>>
      %dma_start3A = arith.constant 0 : i32
      %dma_start3A_21 = arith.constant 0 : i32
      %dma_start3A_22 = tpu.memref_slice %arg5[%add3A_10, %dma_start3A, %dma_start3A_21] : memref<160x25x80xi32, #tpu.memory_space<hbm>> -> memref<1x25x80xi32, #tpu.memory_space<hbm>>
      %dma_start3A_23 = tpu.memref_squeeze %dma_start3A_22 : memref<1x25x80xi32, #tpu.memory_space<hbm>> -> memref<25x80xi32, #tpu.memory_space<hbm>>
      %dma_start3A_24 = arith.constant 0 : i32
      %dma_start3A_25 = arith.constant 0 : i32
      %dma_start3A_26 = tpu.memref_slice %arg5[%add3A_10, %dma_start3A_24, %dma_start3A_25] : memref<160x25x80xi32, #tpu.memory_space<hbm>> -> memref<1x25x80xi32, #tpu.memory_space<hbm>>
      %dma_start3A_27 = tpu.memref_squeeze %dma_start3A_26 : memref<1x25x80xi32, #tpu.memory_space<hbm>> -> memref<25x80xi32, #tpu.memory_space<hbm>>
      tpu.enqueue_dma source(%dma_start3A_27 : memref<25x80xi32, #tpu.memory_space<hbm>>) target(%arg9 : memref<25x80xi32, #tpu.memory_space<vmem>>) target_semaphore(%run_scoped3A : memref<!tpu.dma_semaphore, #tpu.memory_space<semaphore_mem>>)
      %dma_wait3A = arith.constant 0 : i32
      %dma_wait3A_28 = arith.constant 0 : i32
      %dma_wait3A_29 = tpu.memref_slice %arg5[%add3A_10, %dma_wait3A, %dma_wait3A_28] : memref<160x25x80xi32, #tpu.memory_space<hbm>> -> memref<1x25x80xi32, #tpu.memory_space<hbm>>
      %dma_wait3A_30 = tpu.memref_squeeze %dma_wait3A_29 : memref<1x25x80xi32, #tpu.memory_space<hbm>> -> memref<25x80xi32, #tpu.memory_space<hbm>>
      %dma_wait3A_31 = arith.constant 0 : i32
      %dma_wait3A_32 = arith.constant 0 : i32
      %dma_wait3A_33 = tpu.memref_slice %arg5[%add3A_10, %dma_wait3A_31, %dma_wait3A_32] : memref<160x25x80xi32, #tpu.memory_space<hbm>> -> memref<1x25x80xi32, #tpu.memory_space<hbm>>
      %dma_wait3A_34 = tpu.memref_squeeze %dma_wait3A_33 : memref<1x25x80xi32, #tpu.memory_space<hbm>> -> memref<25x80xi32, #tpu.memory_space<hbm>>
      tpu.wait_dma2 semaphore(%run_scoped3A : memref<!tpu.dma_semaphore, #tpu.memory_space<semaphore_mem>>) src(%dma_wait3A_34 : memref<25x80xi32, #tpu.memory_space<hbm>>) dst(%arg9 : memref<25x80xi32, #tpu.memory_space<vmem>>)
      tpu.yield
    }) : () -> ()
    %scan3A = arith.constant 0 : i32
    %scan3A_11 = arith.constant 0 : i32
    %scan3A_12 = arith.constant 25 : i32
    %scan3A_13 = arith.addi %scan3A_11, %scan3A_12 : i32
    %scan3A_14 = arith.constant 1 : i32
    scf.for %scan3A_21 = %scan3A_11 to %scan3A_13 step %scan3A_14  : i32 {
      %dma_start3A = arith.constant 0 : i32
      %dma_start3A_22 = tpu.memref_slice %arg9[%scan3A_21, %dma_start3A] : memref<25x80xi32, #tpu.memory_space<vmem>> -> memref<1x80xi32, #tpu.memory_space<vmem>>
      %dma_start3A_23 = tpu.memref_squeeze %dma_start3A_22 : memref<1x80xi32, #tpu.memory_space<vmem>> -> memref<80xi32, #tpu.memory_space<vmem>>
      %dma_start3A_24 = arith.constant 0 : i32
      %dma_start3A_25 = arith.constant 0 : i32
      %dma_start3A_26 = tpu.memref_slice %arg3[%dma_start3A_24, %dma_start3A_25] : memref<10000x128xf32, #tpu.memory_space<hbm>> -> memref<10000x128xf32, #tpu.memory_space<hbm>>
      tpu.enqueue_indirect_dma source(%dma_start3A_26 : memref<10000x128xf32, #tpu.memory_space<hbm>>) target(%arg11 : memref<80x128xf32, #tpu.memory_space<vmem>>) offsets(%dma_start3A_23 : memref<80xi32, #tpu.memory_space<vmem>>) semaphore(%arg14 : memref<!tpu.dma_semaphore, #tpu.memory_space<semaphore_mem>>)
      %mul3A_27 = arith.constant 80 : i32
      %mul3A_28 = arith.muli %scan3A_21, %mul3A_27 : i32
      %add3A_29 = arith.addi %mul3A_2, %mul3A_28 : i32
      "tpu.region"() ({
        %run_scoped3A = tpu.sem_alloc : memref<!tpu.dma_semaphore, #tpu.memory_space<semaphore_mem>>
        %dma_start3A_41 = arith.constant 0 : i32
        %dma_start3A_42 = tpu.memref_slice %arg2[%add3A_29, %dma_start3A_41] : memref<64000x64xf32, #tpu.memory_space<hbm>> -> memref<80x64xf32, #tpu.memory_space<hbm>>
        %dma_start3A_43 = arith.constant 0 : i32
        %dma_start3A_44 = tpu.memref_slice %arg2[%add3A_29, %dma_start3A_43] : memref<64000x64xf32, #tpu.memory_space<hbm>> -> memref<80x64xf32, #tpu.memory_space<hbm>>
        tpu.enqueue_dma source(%dma_start3A_44 : memref<80x64xf32, #tpu.memory_space<hbm>>) target(%arg10 : memref<80x64xf32, #tpu.memory_space<vmem>>) target_semaphore(%run_scoped3A : memref<!tpu.dma_semaphore, #tpu.memory_space<semaphore_mem>>)
        %dma_wait3A_45 = arith.constant 0 : i32
        %dma_wait3A_46 = tpu.memref_slice %arg2[%add3A_29, %dma_wait3A_45] : memref<64000x64xf32, #tpu.memory_space<hbm>> -> memref<80x64xf32, #tpu.memory_space<hbm>>
        %dma_wait3A_47 = arith.constant 0 : i32
        %dma_wait3A_48 = tpu.memref_slice %arg2[%add3A_29, %dma_wait3A_47] : memref<64000x64xf32, #tpu.memory_space<hbm>> -> memref<80x64xf32, #tpu.memory_space<hbm>>
        tpu.wait_dma2 semaphore(%run_scoped3A : memref<!tpu.dma_semaphore, #tpu.memory_space<semaphore_mem>>) src(%dma_wait3A_48 : memref<80x64xf32, #tpu.memory_space<hbm>>) dst(%arg10 : memref<80x64xf32, #tpu.memory_space<vmem>>)
        tpu.yield
      }) : () -> ()
      %dma_wait3A = arith.constant 0 : i32
      %dma_wait3A_30 = tpu.memref_slice %arg9[%scan3A_21, %dma_wait3A] : memref<25x80xi32, #tpu.memory_space<vmem>> -> memref<1x80xi32, #tpu.memory_space<vmem>>
      %dma_wait3A_31 = tpu.memref_squeeze %dma_wait3A_30 : memref<1x80xi32, #tpu.memory_space<vmem>> -> memref<80xi32, #tpu.memory_space<vmem>>
      %dma_wait3A_32 = arith.constant 0 : i32
      %dma_wait3A_33 = arith.constant 0 : i32
      %dma_wait3A_34 = tpu.memref_slice %arg3[%dma_wait3A_32, %dma_wait3A_33] : memref<10000x128xf32, #tpu.memory_space<hbm>> -> memref<10000x128xf32, #tpu.memory_space<hbm>>
      tpu.wait_indirect_dma semaphore(%arg14 : memref<!tpu.dma_semaphore, #tpu.memory_space<semaphore_mem>>) src(%dma_wait3A_34 : memref<10000x128xf32, #tpu.memory_space<hbm>>) dst(%arg11 : memref<80x128xf32, #tpu.memory_space<vmem>>)
      %scan3A_35 = arith.constant 0 : i32
      %scan3A_36 = arith.constant 0 : i32
      %scan3A_37 = arith.constant 80 : i32
      %scan3A_38 = arith.addi %scan3A_36, %scan3A_37 : i32
      %scan3A_39 = arith.constant 1 : i32
      scf.for %scan3A_41 = %scan3A_36 to %scan3A_38 step %scan3A_39  : i32 {
        %get3A = arith.index_cast %scan3A_41 : i32 to index
        %get3A_42 = arith.constant 0 : index
        %get3A_43 = tpu.vector_load %arg10[%get3A, %get3A_42] {strides = array<i32>} : memref<80x64xf32, #tpu.memory_space<vmem>>, vector<1x16xf32>,
        %get3A_44 = vector.shape_cast %get3A_43 : vector<1x16xf32> to vector<16xf32>
        %get3A_45 = arith.index_cast %scan3A_41 : i32 to index
        %get3A_46 = arith.constant 16 : index
        %get3A_47 = tpu.vector_load %arg10[%get3A_45, %get3A_46] {strides = array<i32>} : memref<80x64xf32, #tpu.memory_space<vmem>>, vector<1x16xf32>,
        %get3A_48 = vector.shape_cast %get3A_47 : vector<1x16xf32> to vector<16xf32>
        %get3A_49 = arith.index_cast %scan3A_41 : i32 to index
        %get3A_50 = arith.constant 32 : index
        %get3A_51 = tpu.vector_load %arg10[%get3A_49, %get3A_50] {strides = array<i32>} : memref<80x64xf32, #tpu.memory_space<vmem>>, vector<1x16xf32>,
        %get3A_52 = vector.shape_cast %get3A_51 : vector<1x16xf32> to vector<16xf32>
        %get3A_53 = arith.index_cast %scan3A_41 : i32 to index
        %get3A_54 = arith.constant 48 : index
        %get3A_55 = tpu.vector_load %arg10[%get3A_53, %get3A_54] {strides = array<i32>} : memref<80x64xf32, #tpu.memory_space<vmem>>, vector<1x16xf32>,
        %get3A_56 = vector.shape_cast %get3A_55 : vector<1x16xf32> to vector<16xf32>
        %get3A_57 = arith.index_cast %scan3A_41 : i32 to index
        %get3A_58 = arith.constant 0 : index
        %get3A_59 = tpu.vector_load %arg11[%get3A_57, %get3A_58] {strides = array<i32>} : memref<80x128xf32, #tpu.memory_space<vmem>>, vector<1x16xf32>,
        %get3A_60 = vector.shape_cast %get3A_59 : vector<1x16xf32> to vector<16xf32>
        %mul3A_61 = arith.mulf %get3A_60, %get3A_44 : vector<16xf32>
        %swap3A = arith.index_cast %scan3A_41 : i32 to index
        %swap3A_62 = arith.constant 0 : index
        %swap3A_63 = tpu.vector_load %arg12[%swap3A, %swap3A_62] {strides = array<i32>} : memref<80x128xf32, #tpu.memory_space<vmem>>, vector<1x16xf32>,
        %swap3A_64 = vector.shape_cast %swap3A_63 : vector<1x16xf32> to vector<16xf32>
        %swap3A_65 = vector.shape_cast %mul3A_61 : vector<16xf32> to vector<1x16xf32>
        tpu.vector_store %arg12[%swap3A, %swap3A_62], %swap3A_65 {strides = array<i32>} : memref<80x128xf32, #tpu.memory_space<vmem>>, vector<1x16xf32>,
        %get3A_66 = arith.index_cast %scan3A_41 : i32 to index
        %get3A_67 = arith.constant 16 : index
        %get3A_68 = tpu.vector_load %arg11[%get3A_66, %get3A_67] {strides = array<i32>} : memref<80x128xf32, #tpu.memory_space<vmem>>, vector<1x16xf32>,
        %get3A_69 = vector.shape_cast %get3A_68 : vector<1x16xf32> to vector<16xf32>
        %mul3A_70 = arith.mulf %get3A_69, %get3A_48 : vector<16xf32>
        %swap3A_71 = arith.index_cast %scan3A_41 : i32 to index
        %swap3A_72 = arith.constant 16 : index
        %swap3A_73 = tpu.vector_load %arg12[%swap3A_71, %swap3A_72] {strides = array<i32>} : memref<80x128xf32, #tpu.memory_space<vmem>>, vector<1x16xf32>,
        %swap3A_74 = vector.shape_cast %swap3A_73 : vector<1x16xf32> to vector<16xf32>
        %swap3A_75 = vector.shape_cast %mul3A_70 : vector<16xf32> to vector<1x16xf32>
        tpu.vector_store %arg12[%swap3A_71, %swap3A_72], %swap3A_75 {strides = array<i32>} : memref<80x128xf32, #tpu.memory_space<vmem>>, vector<1x16xf32>,
        %get3A_76 = arith.index_cast %scan3A_41 : i32 to index
        %get3A_77 = arith.constant 32 : index
        %get3A_78 = tpu.vector_load %arg11[%get3A_76, %get3A_77] {strides = array<i32>} : memref<80x128xf32, #tpu.memory_space<vmem>>, vector<1x16xf32>,
        %get3A_79 = vector.shape_cast %get3A_78 : vector<1x16xf32> to vector<16xf32>
        %mul3A_80 = arith.mulf %get3A_79, %get3A_52 : vector<16xf32>
        %swap3A_81 = arith.index_cast %scan3A_41 : i32 to index
        %swap3A_82 = arith.constant 32 : index
        %swap3A_83 = tpu.vector_load %arg12[%swap3A_81, %swap3A_82] {strides = array<i32>} : memref<80x128xf32, #tpu.memory_space<vmem>>, vector<1x16xf32>,
        %swap3A_84 = vector.shape_cast %swap3A_83 : vector<1x16xf32> to vector<16xf32>
        %swap3A_85 = vector.shape_cast %mul3A_80 : vector<16xf32> to vector<1x16xf32>
        tpu.vector_store %arg12[%swap3A_81, %swap3A_82], %swap3A_85 {strides = array<i32>} : memref<80x128xf32, #tpu.memory_space<vmem>>, vector<1x16xf32>,
        %get3A_86 = arith.index_cast %scan3A_41 : i32 to index
        %get3A_87 = arith.constant 48 : index
        %get3A_88 = tpu.vector_load %arg11[%get3A_86, %get3A_87] {strides = array<i32>} : memref<80x128xf32, #tpu.memory_space<vmem>>, vector<1x16xf32>,
        %get3A_89 = vector.shape_cast %get3A_88 : vector<1x16xf32> to vector<16xf32>
        %mul3A_90 = arith.mulf %get3A_89, %get3A_56 : vector<16xf32>
        %swap3A_91 = arith.index_cast %scan3A_41 : i32 to index
        %swap3A_92 = arith.constant 48 : index
        %swap3A_93 = tpu.vector_load %arg12[%swap3A_91, %swap3A_92] {strides = array<i32>} : memref<80x128xf32, #tpu.memory_space<vmem>>, vector<1x16xf32>,
        %swap3A_94 = vector.shape_cast %swap3A_93 : vector<1x16xf32> to vector<16xf32>
        %swap3A_95 = vector.shape_cast %mul3A_90 : vector<16xf32> to vector<1x16xf32>
        tpu.vector_store %arg12[%swap3A_91, %swap3A_92], %swap3A_95 {strides = array<i32>} : memref<80x128xf32, #tpu.memory_space<vmem>>, vector<1x16xf32>,
        %get3A_96 = arith.index_cast %scan3A_41 : i32 to index
        %get3A_97 = arith.constant 64 : index
        %get3A_98 = tpu.vector_load %arg11[%get3A_96, %get3A_97] {strides = array<i32>} : memref<80x128xf32, #tpu.memory_space<vmem>>, vector<1x16xf32>,
        %get3A_99 = vector.shape_cast %get3A_98 : vector<1x16xf32> to vector<16xf32>
        %mul3A_100 = arith.mulf %get3A_99, %get3A_52 : vector<16xf32>
        %swap3A_101 = arith.index_cast %scan3A_41 : i32 to index
        %swap3A_102 = arith.constant 64 : index
        %swap3A_103 = tpu.vector_load %arg12[%swap3A_101, %swap3A_102] {strides = array<i32>} : memref<80x128xf32, #tpu.memory_space<vmem>>, vector<1x16xf32>,
        %swap3A_104 = vector.shape_cast %swap3A_103 : vector<1x16xf32> to vector<16xf32>
        %swap3A_105 = vector.shape_cast %mul3A_100 : vector<16xf32> to vector<1x16xf32>
        tpu.vector_store %arg12[%swap3A_101, %swap3A_102], %swap3A_105 {strides = array<i32>} : memref<80x128xf32, #tpu.memory_space<vmem>>, vector<1x16xf32>,
        %get3A_106 = arith.index_cast %scan3A_41 : i32 to index
        %get3A_107 = arith.constant 80 : index
        %get3A_108 = tpu.vector_load %arg11[%get3A_106, %get3A_107] {strides = array<i32>} : memref<80x128xf32, #tpu.memory_space<vmem>>, vector<1x16xf32>,
        %get3A_109 = vector.shape_cast %get3A_108 : vector<1x16xf32> to vector<16xf32>
        %mul3A_110 = arith.mulf %get3A_109, %get3A_56 : vector<16xf32>
        %swap3A_111 = arith.index_cast %scan3A_41 : i32 to index
        %swap3A_112 = arith.constant 80 : index
        %swap3A_113 = tpu.vector_load %arg12[%swap3A_111, %swap3A_112] {strides = array<i32>} : memref<80x128xf32, #tpu.memory_space<vmem>>, vector<1x16xf32>,
        %swap3A_114 = vector.shape_cast %swap3A_113 : vector<1x16xf32> to vector<16xf32>
        %swap3A_115 = vector.shape_cast %mul3A_110 : vector<16xf32> to vector<1x16xf32>
        tpu.vector_store %arg12[%swap3A_111, %swap3A_112], %swap3A_115 {strides = array<i32>} : memref<80x128xf32, #tpu.memory_space<vmem>>, vector<1x16xf32>,
        %get3A_116 = arith.index_cast %scan3A_41 : i32 to index
        %get3A_117 = arith.constant 96 : index
        %get3A_118 = tpu.vector_load %arg11[%get3A_116, %get3A_117] {strides = array<i32>} : memref<80x128xf32, #tpu.memory_space<vmem>>, vector<1x16xf32>,
        %get3A_119 = vector.shape_cast %get3A_118 : vector<1x16xf32> to vector<16xf32>
        %mul3A_120 = arith.mulf %get3A_119, %get3A_52 : vector<16xf32>
        %swap3A_121 = arith.index_cast %scan3A_41 : i32 to index
        %swap3A_122 = arith.constant 96 : index
        %swap3A_123 = tpu.vector_load %arg12[%swap3A_121, %swap3A_122] {strides = array<i32>} : memref<80x128xf32, #tpu.memory_space<vmem>>, vector<1x16xf32>,
        %swap3A_124 = vector.shape_cast %swap3A_123 : vector<1x16xf32> to vector<16xf32>
        %swap3A_125 = vector.shape_cast %mul3A_120 : vector<16xf32> to vector<1x16xf32>
        tpu.vector_store %arg12[%swap3A_121, %swap3A_122], %swap3A_125 {strides = array<i32>} : memref<80x128xf32, #tpu.memory_space<vmem>>, vector<1x16xf32>,
        %get3A_126 = arith.index_cast %scan3A_41 : i32 to index
        %get3A_127 = arith.constant 112 : index
        %get3A_128 = tpu.vector_load %arg11[%get3A_126, %get3A_127] {strides = array<i32>} : memref<80x128xf32, #tpu.memory_space<vmem>>, vector<1x16xf32>,
        %get3A_129 = vector.shape_cast %get3A_128 : vector<1x16xf32> to vector<16xf32>
        %mul3A_130 = arith.mulf %get3A_129, %get3A_56 : vector<16xf32>
        %swap3A_131 = arith.index_cast %scan3A_41 : i32 to index
        %swap3A_132 = arith.constant 112 : index
        %swap3A_133 = tpu.vector_load %arg12[%swap3A_131, %swap3A_132] {strides = array<i32>} : memref<80x128xf32, #tpu.memory_space<vmem>>, vector<1x16xf32>,
        %swap3A_134 = vector.shape_cast %swap3A_133 : vector<1x16xf32> to vector<16xf32>
        %swap3A_135 = vector.shape_cast %mul3A_130 : vector<16xf32> to vector<1x16xf32>
        tpu.vector_store %arg12[%swap3A_131, %swap3A_132], %swap3A_135 {strides = array<i32>} : memref<80x128xf32, #tpu.memory_space<vmem>>, vector<1x16xf32>,
      }
      %scan3A_40 = arith.constant 80 : i32
      "tpu.region"() ({
        %run_scoped3A = tpu.sem_alloc : memref<!tpu.dma_semaphore, #tpu.memory_space<semaphore_mem>>
        %dma_start3A_41 = arith.constant 0 : i32
        %dma_start3A_42 = tpu.memref_slice %arg8[%scan3A_21, %dma_start3A_41] : memref<25x80xi32, #tpu.memory_space<vmem>> -> memref<1x80xi32, #tpu.memory_space<vmem>>
        %dma_start3A_43 = tpu.memref_squeeze %dma_start3A_42 : memref<1x80xi32, #tpu.memory_space<vmem>> -> memref<80xi32, #tpu.memory_space<vmem>>
        %dma_start3A_44 = arith.constant 0 : i32
        %dma_start3A_45 = arith.constant 0 : i32
        %dma_start3A_46 = tpu.memref_slice %arg13[%dma_start3A_44, %dma_start3A_45] : memref<10112x128xf32, #tpu.memory_space<vmem_shared>> -> memref<10112x128xf32, #tpu.memory_space<vmem_shared>>
        tpu.enqueue_indirect_dma source(%arg12 : memref<80x128xf32, #tpu.memory_space<vmem>>) target(%dma_start3A_46 : memref<10112x128xf32, #tpu.memory_space<vmem_shared>>) offsets(%dma_start3A_43 : memref<80xi32, #tpu.memory_space<vmem>>) semaphore(%run_scoped3A : memref<!tpu.dma_semaphore, #tpu.memory_space<semaphore_mem>>) {add = true}
        %dma_wait3A_47 = arith.constant 0 : i32
        %dma_wait3A_48 = tpu.memref_slice %arg8[%scan3A_21, %dma_wait3A_47] : memref<25x80xi32, #tpu.memory_space<vmem>> -> memref<1x80xi32, #tpu.memory_space<vmem>>
        %dma_wait3A_49 = tpu.memref_squeeze %dma_wait3A_48 : memref<1x80xi32, #tpu.memory_space<vmem>> -> memref<80xi32, #tpu.memory_space<vmem>>
        %dma_wait3A_50 = arith.constant 0 : i32
        %dma_wait3A_51 = arith.constant 0 : i32
        %dma_wait3A_52 = tpu.memref_slice %arg13[%dma_wait3A_50, %dma_wait3A_51] : memref<10112x128xf32, #tpu.memory_space<vmem_shared>> -> memref<10112x128xf32, #tpu.memory_space<vmem_shared>>
        tpu.wait_indirect_dma semaphore(%run_scoped3A : memref<!tpu.dma_semaphore, #tpu.memory_space<semaphore_mem>>) src(%arg12 : memref<80x128xf32, #tpu.memory_space<vmem>>) dst(%dma_wait3A_52 : memref<10112x128xf32, #tpu.memory_space<vmem_shared>>)
        tpu.yield
      }) : () -> ()
    }
    %scan3A_15 = arith.constant 25 : i32
    %barrier3A_16 = arith.constant 0 : index
    tpu.barrier barrier_id(%barrier3A_16)
    %mul3A_17 = arith.constant 632 : i32
    %mul3A_18 = arith.muli %arg1, %mul3A_17 : i32
    %mul3A_19 = arith.constant 632 : i32
    %mul3A_20 = arith.muli %arg1, %mul3A_19 : i32
    "tpu.region"() ({
      %run_scoped3A = tpu.sem_alloc : memref<!tpu.dma_semaphore, #tpu.memory_space<semaphore_mem>>
      %dma_start3A = arith.constant 0 : i32
      %dma_start3A_21 = arith.constant 0 : i32
      %dma_start3A_22 = tpu.memref_slice %arg7[%arg0, %dma_start3A, %dma_start3A_21] : memref<2x10112x128xf32, #tpu.memory_space<hbm>> -> memref<1x10112x128xf32, #tpu.memory_space<hbm>>
      %dma_start3A_23 = tpu.memref_squeeze %dma_start3A_22 : memref<1x10112x128xf32, #tpu.memory_space<hbm>> -> memref<10112x128xf32, #tpu.memory_space<hbm>>
      %dma_start3A_24 = arith.constant 0 : i32
      %dma_start3A_25 = tpu.memref_slice %dma_start3A_23[%mul3A_20, %dma_start3A_24] : memref<10112x128xf32, #tpu.memory_space<hbm>> -> memref<632x128xf32, #tpu.memory_space<hbm>>
      %dma_start3A_26 = arith.constant 0 : i32
      %dma_start3A_27 = tpu.memref_slice %arg13[%mul3A_18, %dma_start3A_26] : memref<10112x128xf32, #tpu.memory_space<vmem_shared>> -> memref<632x128xf32, #tpu.memory_space<vmem_shared>>
      tpu.enqueue_dma source(%dma_start3A_27 : memref<632x128xf32, #tpu.memory_space<vmem_shared>>) target(%dma_start3A_25 : memref<632x128xf32, #tpu.memory_space<hbm>>) target_semaphore(%run_scoped3A : memref<!tpu.dma_semaphore, #tpu.memory_space<semaphore_mem>>)
      %dma_wait3A = arith.constant 0 : i32
      %dma_wait3A_28 = arith.constant 0 : i32
      %dma_wait3A_29 = tpu.memref_slice %arg7[%arg0, %dma_wait3A, %dma_wait3A_28] : memref<2x10112x128xf32, #tpu.memory_space<hbm>> -> memref<1x10112x128xf32, #tpu.memory_space<hbm>>
      %dma_wait3A_30 = tpu.memref_squeeze %dma_wait3A_29 : memref<1x10112x128xf32, #tpu.memory_space<hbm>> -> memref<10112x128xf32, #tpu.memory_space<hbm>>
      %dma_wait3A_31 = arith.constant 0 : i32
      %dma_wait3A_32 = tpu.memref_slice %dma_wait3A_30[%mul3A_20, %dma_wait3A_31] : memref<10112x128xf32, #tpu.memory_space<hbm>> -> memref<632x128xf32, #tpu.memory_space<hbm>>
      %dma_wait3A_33 = arith.constant 0 : i32
      %dma_wait3A_34 = tpu.memref_slice %arg13[%mul3A_18, %dma_wait3A_33] : memref<10112x128xf32, #tpu.memory_space<vmem_shared>> -> memref<632x128xf32, #tpu.memory_space<vmem_shared>>
      tpu.wait_dma2 semaphore(%run_scoped3A : memref<!tpu.dma_semaphore, #tpu.memory_space<semaphore_mem>>) src(%dma_wait3A_34 : memref<632x128xf32, #tpu.memory_space<vmem_shared>>) dst(%dma_wait3A_32 : memref<632x128xf32, #tpu.memory_space<hbm>>)
      tpu.yield
    }) : () -> ()
    return
  }
}

module attributes {stable_mosaic.version = 14 : i64} {
  func.func @_node_a_body(%arg0: i32, %arg1: memref<2000x128xf32, #tpu.memory_space<vmem>>, %arg2: memref<96x96xf32, #tpu.memory_space<vmem>>, %arg3: memref<32x32xf32, #tpu.memory_space<vmem>>, %arg4: memref<1x32xf32, #tpu.memory_space<vmem>>, %arg5: memref<96x96xf32, #tpu.memory_space<vmem>>, %arg6: memref<32x32xf32, #tpu.memory_space<vmem>>, %arg7: memref<2000x128xf32, #tpu.memory_space<vmem>>) attributes {dimension_semantics = [#tpu.dimension_semantics<arbitrary>], iteration_bounds = array<i64: 5>, scalar_prefetch = 0 : i64, scratch_operands = 0 : i64, tpu.core_type = #tpu.core_type<tc>, window_params = [{transform_indices = @transform_0, window_bounds = array<i64: 2000, 128>}, {pipeline_mode = #tpu.pipeline_mode<synchronous>, transform_indices = @transform_1, window_bounds = array<i64: 96, 96>}, {pipeline_mode = #tpu.pipeline_mode<synchronous>, transform_indices = @transform_2, window_bounds = array<i64: 32, 32>}, {pipeline_mode = #tpu.pipeline_mode<synchronous>, transform_indices = @transform_3, window_bounds = array<i64: 1, 32>}, {pipeline_mode = #tpu.pipeline_mode<synchronous>, transform_indices = @transform_4, window_bounds = array<i64: 96, 96>}, {pipeline_mode = #tpu.pipeline_mode<synchronous>, transform_indices = @transform_5, window_bounds = array<i64: 32, 32>}, {transform_indices = @transform_6, window_bounds = array<i64: 2000, 128>}]} {
    %get3A = arith.constant 0 : index
    %get3A_0 = arith.constant 0 : index
    %get3A_1 = vector.load %arg1[%get3A, %get3A_0] : memref<2000x128xf32, #tpu.memory_space<vmem>>, vector<2000x128xf32>
    %slice3A = vector.extract_strided_slice %get3A_1 {offsets = [0, 0], sizes = [2000, 32], strides = [1, 1]} : vector<2000x128xf32> to vector<2000x32xf32>
    %slice3A_2 = vector.extract_strided_slice %get3A_1 {offsets = [0, 32], sizes = [2000, 96], strides = [1, 1]} : vector<2000x128xf32> to vector<2000x96xf32>
    %get3A_3 = arith.constant 0 : index
    %get3A_4 = arith.constant 0 : index
    %get3A_5 = vector.load %arg3[%get3A_3, %get3A_4] : memref<32x32xf32, #tpu.memory_space<vmem>>, vector<32x32xf32>
    %dot_general3A = arith.constant dense<0.000000e+00> : vector<2000x32xf32>
    %dot_general3A_6 = tpu.matmul %slice3A, %get3A_5, %dot_general3A {dimension_numbers = #tpu.dot_dimension_numbers<[1], [0], [0], [1], [0, 0, 1, 1], [], []>, precision = #tpu.contract_precision<fp32>, transpose_lhs_hint = false} : vector<2000x32xf32>, vector<32x32xf32>, vector<2000x32xf32> -> vector<2000x32xf32>
    %get3A_7 = arith.constant 0 : index
    %get3A_8 = arith.constant 0 : index
    %get3A_9 = vector.load %arg4[%get3A_7, %get3A_8] : memref<1x32xf32, #tpu.memory_space<vmem>>, vector<1x32xf32>
    %add3A = vector.broadcast %get3A_9 : vector<1x32xf32> to vector<2000x32xf32>
    %add3A_10 = arith.addf %dot_general3A_6, %add3A : vector<2000x32xf32>
    %get3A_11 = arith.constant 0 : index
    %get3A_12 = arith.constant 0 : index
    %get3A_13 = vector.load %arg5[%get3A_11, %get3A_12] : memref<96x96xf32, #tpu.memory_space<vmem>>, vector<96x96xf32>
    %dot_general3A_14 = arith.constant dense<0.000000e+00> : vector<2000x96xf32>
    %dot_general3A_15 = tpu.matmul %slice3A_2, %get3A_13, %dot_general3A_14 {dimension_numbers = #tpu.dot_dimension_numbers<[1], [0], [0], [1], [0, 0, 1, 1], [], []>, precision = #tpu.contract_precision<fp32>, transpose_lhs_hint = false} : vector<2000x96xf32>, vector<96x96xf32>, vector<2000x96xf32> -> vector<2000x96xf32>
    %get3A_16 = arith.constant 0 : index
    %get3A_17 = arith.constant 0 : index
    %get3A_18 = vector.load %arg6[%get3A_16, %get3A_17] : memref<32x32xf32, #tpu.memory_space<vmem>>, vector<32x32xf32>
    %dot_general3A_19 = arith.constant dense<0.000000e+00> : vector<2000x32xf32>
    %dot_general3A_20 = tpu.matmul %add3A_10, %get3A_18, %dot_general3A_19 {dimension_numbers = #tpu.dot_dimension_numbers<[1], [0], [0], [1], [0, 0, 1, 1], [], []>, precision = #tpu.contract_precision<fp32>, transpose_lhs_hint = false} : vector<2000x32xf32>, vector<32x32xf32>, vector<2000x32xf32> -> vector<2000x32xf32>
    %concatenate3A = tpu.concatenate %dot_general3A_20, %dot_general3A_15 in 1 : vector<2000x32xf32>, vector<2000x96xf32> -> vector<2000x128xf32>
    %swap3A = arith.constant 0 : index
    %swap3A_21 = arith.constant 0 : index
    %swap3A_22 = vector.load %arg7[%swap3A, %swap3A_21] : memref<2000x128xf32, #tpu.memory_space<vmem>>, vector<2000x128xf32>
    tpu.vector_store %arg7[%swap3A, %swap3A_21], %concatenate3A {strides = array<i32>} : memref<2000x128xf32, #tpu.memory_space<vmem>>, vector<2000x128xf32>,
    return
  }
  func.func @transform_0(%arg0: i32) -> (i32, i32) {
    %c0_i32 = arith.constant 0 : i32
    %c0_i32_0 = arith.constant 0 : i32
    return %arg0, %c0_i32 : i32, i32
  }
  func.func @transform_1(%arg0: i32) -> (i32, i32) {
    %c0_i32 = arith.constant 0 : i32
    %c0_i32_0 = arith.constant 0 : i32
    %c0_i32_1 = arith.constant 0 : i32
    return %c0_i32, %c0_i32_0 : i32, i32
  }
  func.func @transform_2(%arg0: i32) -> (i32, i32) {
    %c0_i32 = arith.constant 0 : i32
    %c0_i32_0 = arith.constant 0 : i32
    %c0_i32_1 = arith.constant 0 : i32
    return %c0_i32, %c0_i32_0 : i32, i32
  }
  func.func @transform_3(%arg0: i32) -> (i32, i32) {
    %c0_i32 = arith.constant 0 : i32
    %c0_i32_0 = arith.constant 0 : i32
    %c0_i32_1 = arith.constant 0 : i32
    return %c0_i32, %c0_i32_0 : i32, i32
  }
  func.func @transform_4(%arg0: i32) -> (i32, i32) {
    %c0_i32 = arith.constant 0 : i32
    %c0_i32_0 = arith.constant 0 : i32
    %c0_i32_1 = arith.constant 0 : i32
    return %c0_i32, %c0_i32_0 : i32, i32
  }
  func.func @transform_5(%arg0: i32) -> (i32, i32) {
    %c0_i32 = arith.constant 0 : i32
    %c0_i32_0 = arith.constant 0 : i32
    %c0_i32_1 = arith.constant 0 : i32
    return %c0_i32, %c0_i32_0 : i32, i32
  }
  func.func @transform_6(%arg0: i32) -> (i32, i32) {
    %c0_i32 = arith.constant 0 : i32
    %c0_i32_0 = arith.constant 0 : i32
    return %arg0, %c0_i32 : i32, i32
  }
}

module attributes {stable_mosaic.version = 14 : i64} {
  func.func @_node_b_body(%arg0: i32, %arg1: memref<2000x128xf32, #tpu.memory_space<vmem>>, %arg2: memref<96x96xf32, #tpu.memory_space<vmem>>, %arg3: memref<64x64xf32, #tpu.memory_space<vmem>>, %arg4: memref<1x64xf32, #tpu.memory_space<vmem>>, %arg5: memref<64x64xf32, #tpu.memory_space<vmem>>, %arg6: memref<1x64xf32, #tpu.memory_space<vmem>>, %arg7: memref<32x32xf32, #tpu.memory_space<vmem>>, %arg8: memref<1x32xf32, #tpu.memory_space<vmem>>, %arg9: memref<96x96xf32, #tpu.memory_space<vmem>>, %arg10: memref<2000x128xf32, #tpu.memory_space<vmem>>) attributes {dimension_semantics = [#tpu.dimension_semantics<arbitrary>], iteration_bounds = array<i64: 5>, scalar_prefetch = 0 : i64, scratch_operands = 0 : i64, tpu.core_type = #tpu.core_type<tc>, window_params = [{transform_indices = @transform_0, window_bounds = array<i64: 2000, 128>}, {pipeline_mode = #tpu.pipeline_mode<synchronous>, transform_indices = @transform_1, window_bounds = array<i64: 96, 96>}, {pipeline_mode = #tpu.pipeline_mode<synchronous>, transform_indices = @transform_2, window_bounds = array<i64: 64, 64>}, {pipeline_mode = #tpu.pipeline_mode<synchronous>, transform_indices = @transform_3, window_bounds = array<i64: 1, 64>}, {pipeline_mode = #tpu.pipeline_mode<synchronous>, transform_indices = @transform_4, window_bounds = array<i64: 64, 64>}, {pipeline_mode = #tpu.pipeline_mode<synchronous>, transform_indices = @transform_5, window_bounds = array<i64: 1, 64>}, {pipeline_mode = #tpu.pipeline_mode<synchronous>, transform_indices = @transform_6, window_bounds = array<i64: 32, 32>}, {pipeline_mode = #tpu.pipeline_mode<synchronous>, transform_indices = @transform_7, window_bounds = array<i64: 1, 32>}, {pipeline_mode = #tpu.pipeline_mode<synchronous>, transform_indices = @transform_8, window_bounds = array<i64: 96, 96>}, {transform_indices = @transform_9, window_bounds = array<i64: 2000, 128>}]} {
    %get3A = arith.constant 0 : index
    %get3A_0 = arith.constant 0 : index
    %get3A_1 = vector.load %arg1[%get3A, %get3A_0] : memref<2000x128xf32, #tpu.memory_space<vmem>>, vector<2000x128xf32>
    %slice3A = vector.extract_strided_slice %get3A_1 {offsets = [0, 0], sizes = [2000, 32], strides = [1, 1]} : vector<2000x128xf32> to vector<2000x32xf32>
    %slice3A_2 = vector.extract_strided_slice %get3A_1 {offsets = [0, 32], sizes = [2000, 96], strides = [1, 1]} : vector<2000x128xf32> to vector<2000x96xf32>
    %get3A_3 = arith.constant 0 : index
    %get3A_4 = arith.constant 0 : index
    %get3A_5 = vector.load %arg2[%get3A_3, %get3A_4] : memref<96x96xf32, #tpu.memory_space<vmem>>, vector<96x96xf32>
    %dot_general3A = arith.constant dense<0.000000e+00> : vector<2000x96xf32>
    %dot_general3A_6 = tpu.matmul %slice3A_2, %get3A_5, %dot_general3A {dimension_numbers = #tpu.dot_dimension_numbers<[1], [0], [0], [1], [0, 0, 1, 1], [], []>, precision = #tpu.contract_precision<fp32>, transpose_lhs_hint = false} : vector<2000x96xf32>, vector<96x96xf32>, vector<2000x96xf32> -> vector<2000x96xf32>
    %slice3A_7 = vector.extract_strided_slice %dot_general3A_6 {offsets = [0, 0], sizes = [2000, 32], strides = [1, 1]} : vector<2000x96xf32> to vector<2000x32xf32>
    %integer_pow3A = arith.mulf %slice3A_7, %slice3A_7 : vector<2000x32xf32>
    %slice3A_8 = vector.extract_strided_slice %dot_general3A_6 {offsets = [0, 32], sizes = [2000, 32], strides = [1, 1]} : vector<2000x96xf32> to vector<2000x32xf32>
    %integer_pow3A_9 = arith.mulf %slice3A_8, %slice3A_8 : vector<2000x32xf32>
    %add3A = arith.addf %integer_pow3A, %integer_pow3A_9 : vector<2000x32xf32>
    %slice3A_10 = vector.extract_strided_slice %dot_general3A_6 {offsets = [0, 64], sizes = [2000, 32], strides = [1, 1]} : vector<2000x96xf32> to vector<2000x32xf32>
    %integer_pow3A_11 = arith.mulf %slice3A_10, %slice3A_10 : vector<2000x32xf32>
    %add3A_12 = arith.addf %add3A, %integer_pow3A_11 : vector<2000x32xf32>
    %add3A_13 = arith.constant 9.99999996E-13 : f32
    %add3A_14 = vector.broadcast %add3A_13 : f32 to vector<2000x32xf32>
    %add3A_15 = arith.addf %add3A_12, %add3A_14 : vector<2000x32xf32>
    %sqrt3A = math.sqrt %add3A_15 : vector<2000x32xf32>
    %concatenate3A = tpu.concatenate %slice3A, %sqrt3A in 1 : vector<2000x32xf32>, vector<2000x32xf32> -> vector<2000x64xf32>
    %get3A_16 = arith.constant 0 : index
    %get3A_17 = arith.constant 0 : index
    %get3A_18 = vector.load %arg3[%get3A_16, %get3A_17] : memref<64x64xf32, #tpu.memory_space<vmem>>, vector<64x64xf32>
    %dot_general3A_19 = arith.constant dense<0.000000e+00> : vector<2000x64xf32>
    %dot_general3A_20 = tpu.matmul %concatenate3A, %get3A_18, %dot_general3A_19 {dimension_numbers = #tpu.dot_dimension_numbers<[1], [0], [0], [1], [0, 0, 1, 1], [], []>, precision = #tpu.contract_precision<fp32>, transpose_lhs_hint = false} : vector<2000x64xf32>, vector<64x64xf32>, vector<2000x64xf32> -> vector<2000x64xf32>
    %get3A_21 = arith.constant 0 : index
    %get3A_22 = arith.constant 0 : index
    %get3A_23 = vector.load %arg4[%get3A_21, %get3A_22] : memref<1x64xf32, #tpu.memory_space<vmem>>, vector<1x64xf32>
    %add3A_24 = vector.broadcast %get3A_23 : vector<1x64xf32> to vector<2000x64xf32>
    %add3A_25 = arith.addf %dot_general3A_20, %add3A_24 : vector<2000x64xf32>
    %logistic3A = arith.negf %add3A_25 : vector<2000x64xf32>
    %logistic3A_26 = math.exp %logistic3A : vector<2000x64xf32>
    %logistic3A_27 = arith.constant 1.000000e+00 : f32
    %logistic3A_28 = vector.broadcast %logistic3A_27 : f32 to vector<2000x64xf32>
    %logistic3A_29 = arith.addf %logistic3A_28, %logistic3A_26 : vector<2000x64xf32>
    %logistic3A_30 = arith.divf %logistic3A_28, %logistic3A_29 : vector<2000x64xf32>
    %mul3A = arith.mulf %add3A_25, %logistic3A_30 : vector<2000x64xf32>
    %get3A_31 = arith.constant 0 : index
    %get3A_32 = arith.constant 0 : index
    %get3A_33 = vector.load %arg5[%get3A_31, %get3A_32] : memref<64x64xf32, #tpu.memory_space<vmem>>, vector<64x64xf32>
    %dot_general3A_34 = arith.constant dense<0.000000e+00> : vector<2000x64xf32>
    %dot_general3A_35 = tpu.matmul %mul3A, %get3A_33, %dot_general3A_34 {dimension_numbers = #tpu.dot_dimension_numbers<[1], [0], [0], [1], [0, 0, 1, 1], [], []>, precision = #tpu.contract_precision<fp32>, transpose_lhs_hint = false} : vector<2000x64xf32>, vector<64x64xf32>, vector<2000x64xf32> -> vector<2000x64xf32>
    %get3A_36 = arith.constant 0 : index
    %get3A_37 = arith.constant 0 : index
    %get3A_38 = vector.load %arg6[%get3A_36, %get3A_37] : memref<1x64xf32, #tpu.memory_space<vmem>>, vector<1x64xf32>
    %add3A_39 = vector.broadcast %get3A_38 : vector<1x64xf32> to vector<2000x64xf32>
    %add3A_40 = arith.addf %dot_general3A_35, %add3A_39 : vector<2000x64xf32>
    %slice3A_41 = vector.extract_strided_slice %add3A_40 {offsets = [0, 32], sizes = [2000, 32], strides = [1, 1]} : vector<2000x64xf32> to vector<2000x32xf32>
    %concatenate3A_42 = tpu.concatenate %slice3A_41, %slice3A_41, %slice3A_41 in 1 : vector<2000x32xf32>, vector<2000x32xf32>, vector<2000x32xf32> -> vector<2000x96xf32>
    %mul3A_43 = arith.mulf %dot_general3A_6, %concatenate3A_42 : vector<2000x96xf32>
    %slice3A_44 = vector.extract_strided_slice %add3A_40 {offsets = [0, 0], sizes = [2000, 32], strides = [1, 1]} : vector<2000x64xf32> to vector<2000x32xf32>
    %get3A_45 = arith.constant 0 : index
    %get3A_46 = arith.constant 0 : index
    %get3A_47 = vector.load %arg7[%get3A_45, %get3A_46] : memref<32x32xf32, #tpu.memory_space<vmem>>, vector<32x32xf32>
    %dot_general3A_48 = arith.constant dense<0.000000e+00> : vector<2000x32xf32>
    %dot_general3A_49 = tpu.matmul %slice3A_44, %get3A_47, %dot_general3A_48 {dimension_numbers = #tpu.dot_dimension_numbers<[1], [0], [0], [1], [0, 0, 1, 1], [], []>, precision = #tpu.contract_precision<fp32>, transpose_lhs_hint = false} : vector<2000x32xf32>, vector<32x32xf32>, vector<2000x32xf32> -> vector<2000x32xf32>
    %get3A_50 = arith.constant 0 : index
    %get3A_51 = arith.constant 0 : index
    %get3A_52 = vector.load %arg8[%get3A_50, %get3A_51] : memref<1x32xf32, #tpu.memory_space<vmem>>, vector<1x32xf32>
    %add3A_53 = vector.broadcast %get3A_52 : vector<1x32xf32> to vector<2000x32xf32>
    %add3A_54 = arith.addf %dot_general3A_49, %add3A_53 : vector<2000x32xf32>
    %get3A_55 = arith.constant 0 : index
    %get3A_56 = arith.constant 0 : index
    %get3A_57 = vector.load %arg9[%get3A_55, %get3A_56] : memref<96x96xf32, #tpu.memory_space<vmem>>, vector<96x96xf32>
    %dot_general3A_58 = arith.constant dense<0.000000e+00> : vector<2000x96xf32>
    %dot_general3A_59 = tpu.matmul %mul3A_43, %get3A_57, %dot_general3A_58 {dimension_numbers = #tpu.dot_dimension_numbers<[1], [0], [0], [1], [0, 0, 1, 1], [], []>, precision = #tpu.contract_precision<fp32>, transpose_lhs_hint = false} : vector<2000x96xf32>, vector<96x96xf32>, vector<2000x96xf32> -> vector<2000x96xf32>
    %concatenate3A_60 = tpu.concatenate %add3A_54, %dot_general3A_59 in 1 : vector<2000x32xf32>, vector<2000x96xf32> -> vector<2000x128xf32>
    %swap3A = arith.constant 0 : index
    %swap3A_61 = arith.constant 0 : index
    %swap3A_62 = vector.load %arg10[%swap3A, %swap3A_61] : memref<2000x128xf32, #tpu.memory_space<vmem>>, vector<2000x128xf32>
    tpu.vector_store %arg10[%swap3A, %swap3A_61], %concatenate3A_60 {strides = array<i32>} : memref<2000x128xf32, #tpu.memory_space<vmem>>, vector<2000x128xf32>,
    return
  }
  func.func @transform_0(%arg0: i32) -> (i32, i32) {
    %c0_i32 = arith.constant 0 : i32
    %c0_i32_0 = arith.constant 0 : i32
    return %arg0, %c0_i32 : i32, i32
  }
  func.func @transform_1(%arg0: i32) -> (i32, i32) {
    %c0_i32 = arith.constant 0 : i32
    %c0_i32_0 = arith.constant 0 : i32
    %c0_i32_1 = arith.constant 0 : i32
    return %c0_i32, %c0_i32_0 : i32, i32
  }
  func.func @transform_2(%arg0: i32) -> (i32, i32) {
    %c0_i32 = arith.constant 0 : i32
    %c0_i32_0 = arith.constant 0 : i32
    %c0_i32_1 = arith.constant 0 : i32
    return %c0_i32, %c0_i32_0 : i32, i32
  }
  func.func @transform_3(%arg0: i32) -> (i32, i32) {
    %c0_i32 = arith.constant 0 : i32
    %c0_i32_0 = arith.constant 0 : i32
    %c0_i32_1 = arith.constant 0 : i32
    return %c0_i32, %c0_i32_0 : i32, i32
  }
  func.func @transform_4(%arg0: i32) -> (i32, i32) {
    %c0_i32 = arith.constant 0 : i32
    %c0_i32_0 = arith.constant 0 : i32
    %c0_i32_1 = arith.constant 0 : i32
    return %c0_i32, %c0_i32_0 : i32, i32
  }
  func.func @transform_5(%arg0: i32) -> (i32, i32) {
    %c0_i32 = arith.constant 0 : i32
    %c0_i32_0 = arith.constant 0 : i32
    %c0_i32_1 = arith.constant 0 : i32
    return %c0_i32, %c0_i32_0 : i32, i32
  }
  func.func @transform_6(%arg0: i32) -> (i32, i32) {
    %c0_i32 = arith.constant 0 : i32
    %c0_i32_0 = arith.constant 0 : i32
    %c0_i32_1 = arith.constant 0 : i32
    return %c0_i32, %c0_i32_0 : i32, i32
  }
  func.func @transform_7(%arg0: i32) -> (i32, i32) {
    %c0_i32 = arith.constant 0 : i32
    %c0_i32_0 = arith.constant 0 : i32
    %c0_i32_1 = arith.constant 0 : i32
    return %c0_i32, %c0_i32_0 : i32, i32
  }
  func.func @transform_8(%arg0: i32) -> (i32, i32) {
    %c0_i32 = arith.constant 0 : i32
    %c0_i32_0 = arith.constant 0 : i32
    %c0_i32_1 = arith.constant 0 : i32
    return %c0_i32, %c0_i32_0 : i32, i32
  }
  func.func @transform_9(%arg0: i32) -> (i32, i32) {
    %c0_i32 = arith.constant 0 : i32
    %c0_i32_0 = arith.constant 0 : i32
    return %arg0, %c0_i32 : i32, i32
  }
}

module attributes {stable_mosaic.version = 14 : i64} {
  func.func @_edge_body(%arg0: i32, %arg1: memref<6400x128xf32, #tpu.memory_space<vmem>>, %arg2: memref<6400x128xf32, #tpu.memory_space<vmem>>, %arg3: memref<16x6400xf32, #tpu.memory_space<vmem>>, %arg4: memref<1x6400xf32, #tpu.memory_space<vmem>>, %arg5: memref<48x64xf32, #tpu.memory_space<vmem>>, %arg6: memref<64x128xf32, #tpu.memory_space<vmem>>, %arg7: memref<6400x64xf32, #tpu.memory_space<vmem>>) attributes {dimension_semantics = [#tpu.dimension_semantics<arbitrary>], iteration_bounds = array<i64: 10>, scalar_prefetch = 0 : i64, scratch_operands = 0 : i64, tpu.core_type = #tpu.core_type<tc>, window_params = [{transform_indices = @transform_0, window_bounds = array<i64: 6400, 128>}, {transform_indices = @transform_1, window_bounds = array<i64: 6400, 128>}, {transform_indices = @transform_2, window_bounds = array<i64: 16, 6400>}, {transform_indices = @transform_3, window_bounds = array<i64: 1, 6400>}, {pipeline_mode = #tpu.pipeline_mode<synchronous>, transform_indices = @transform_4, window_bounds = array<i64: 48, 64>}, {pipeline_mode = #tpu.pipeline_mode<synchronous>, transform_indices = @transform_5, window_bounds = array<i64: 64, 128>}, {transform_indices = @transform_6, window_bounds = array<i64: 6400, 64>}]} {
    %get3A = arith.constant 0 : index
    %get3A_0 = arith.constant 0 : index
    %get3A_1 = vector.load %arg1[%get3A, %get3A_0] : memref<6400x128xf32, #tpu.memory_space<vmem>>, vector<6400x128xf32>
    %get3A_2 = arith.constant 0 : index
    %get3A_3 = arith.constant 0 : index
    %get3A_4 = vector.load %arg2[%get3A_2, %get3A_3] : memref<6400x128xf32, #tpu.memory_space<vmem>>, vector<6400x128xf32>
    %slice3A = vector.extract_strided_slice %get3A_1 {offsets = [0, 32], sizes = [6400, 32], strides = [1, 1]} : vector<6400x128xf32> to vector<6400x32xf32>
    %slice3A_5 = vector.extract_strided_slice %get3A_4 {offsets = [0, 32], sizes = [6400, 32], strides = [1, 1]} : vector<6400x128xf32> to vector<6400x32xf32>
    %mul3A = arith.mulf %slice3A, %slice3A_5 : vector<6400x32xf32>
    %slice3A_6 = vector.extract_strided_slice %get3A_1 {offsets = [0, 64], sizes = [6400, 32], strides = [1, 1]} : vector<6400x128xf32> to vector<6400x32xf32>
    %slice3A_7 = vector.extract_strided_slice %get3A_4 {offsets = [0, 64], sizes = [6400, 32], strides = [1, 1]} : vector<6400x128xf32> to vector<6400x32xf32>
    %mul3A_8 = arith.mulf %slice3A_6, %slice3A_7 : vector<6400x32xf32>
    %add3A = arith.addf %mul3A, %mul3A_8 : vector<6400x32xf32>
    %slice3A_9 = vector.extract_strided_slice %get3A_1 {offsets = [0, 96], sizes = [6400, 32], strides = [1, 1]} : vector<6400x128xf32> to vector<6400x32xf32>
    %slice3A_10 = vector.extract_strided_slice %get3A_4 {offsets = [0, 96], sizes = [6400, 32], strides = [1, 1]} : vector<6400x128xf32> to vector<6400x32xf32>
    %mul3A_11 = arith.mulf %slice3A_9, %slice3A_10 : vector<6400x32xf32>
    %add3A_12 = arith.addf %add3A, %mul3A_11 : vector<6400x32xf32>
    %mul3A_13 = arith.constant 0.192450091 : f32
    %mul3A_14 = vector.broadcast %mul3A_13 : f32 to vector<6400x32xf32>
    %mul3A_15 = arith.mulf %add3A_12, %mul3A_14 : vector<6400x32xf32>
    %get3A_16 = arith.constant 0 : index
    %get3A_17 = arith.constant 0 : index
    %get3A_18 = vector.load %arg3[%get3A_16, %get3A_17] : memref<16x6400xf32, #tpu.memory_space<vmem>>, vector<16x6400xf32>
    %transpose3A = tpu.transpose %get3A_18, [1, 0] : vector<16x6400xf32> -> vector<6400x16xf32>
    %concatenate3A = tpu.concatenate %mul3A_15, %transpose3A in 1 : vector<6400x32xf32>, vector<6400x16xf32> -> vector<6400x48xf32>
    %get3A_19 = arith.constant 0 : index
    %get3A_20 = arith.constant 0 : index
    %get3A_21 = vector.load %arg5[%get3A_19, %get3A_20] : memref<48x64xf32, #tpu.memory_space<vmem>>, vector<48x64xf32>
    %dot_general3A = arith.constant dense<0.000000e+00> : vector<6400x64xf32>
    %dot_general3A_22 = tpu.matmul %concatenate3A, %get3A_21, %dot_general3A {dimension_numbers = #tpu.dot_dimension_numbers<[1], [0], [0], [1], [0, 0, 1, 1], [], []>, precision = #tpu.contract_precision<fp32>, transpose_lhs_hint = false} : vector<6400x48xf32>, vector<48x64xf32>, vector<6400x64xf32> -> vector<6400x64xf32>
    %slice3A_23 = vector.extract_strided_slice %dot_general3A_22 {offsets = [0, 0], sizes = [6400, 32], strides = [1, 1]} : vector<6400x64xf32> to vector<6400x32xf32>
    %slice3A_24 = vector.extract_strided_slice %get3A_1 {offsets = [0, 0], sizes = [6400, 32], strides = [1, 1]} : vector<6400x128xf32> to vector<6400x32xf32>
    %add3A_25 = arith.addf %slice3A_23, %slice3A_24 : vector<6400x32xf32>
    %max3A = arith.constant 0.000000e+00 : f32
    %max3A_26 = vector.broadcast %max3A : f32 to vector<6400x32xf32>
    %max3A_27 = arith.maximumf %add3A_25, %max3A_26 : vector<6400x32xf32>
    %abs3A = math.absf %add3A_25 : vector<6400x32xf32>
    %neg3A = arith.constant 0.000000e+00 : f32
    %neg3A_28 = vector.broadcast %neg3A : f32 to vector<6400x32xf32>
    %neg3A_29 = arith.subf %neg3A_28, %abs3A : vector<6400x32xf32>
    %exp3A = math.exp %neg3A_29 : vector<6400x32xf32>
    %log1p3A = math.log1p %exp3A : vector<6400x32xf32>
    %add3A_30 = arith.addf %max3A_27, %log1p3A : vector<6400x32xf32>
    %sub3A = arith.constant 0.693147182 : f32
    %sub3A_31 = vector.broadcast %sub3A : f32 to vector<6400x32xf32>
    %sub3A_32 = arith.subf %add3A_30, %sub3A_31 : vector<6400x32xf32>
    %slice3A_33 = vector.extract_strided_slice %dot_general3A_22 {offsets = [0, 32], sizes = [6400, 32], strides = [1, 1]} : vector<6400x64xf32> to vector<6400x32xf32>
    %max3A_34 = arith.constant 0.000000e+00 : f32
    %max3A_35 = vector.broadcast %max3A_34 : f32 to vector<6400x32xf32>
    %max3A_36 = arith.maximumf %slice3A_33, %max3A_35 : vector<6400x32xf32>
    %abs3A_37 = math.absf %slice3A_33 : vector<6400x32xf32>
    %neg3A_38 = arith.constant 0.000000e+00 : f32
    %neg3A_39 = vector.broadcast %neg3A_38 : f32 to vector<6400x32xf32>
    %neg3A_40 = arith.subf %neg3A_39, %abs3A_37 : vector<6400x32xf32>
    %exp3A_41 = math.exp %neg3A_40 : vector<6400x32xf32>
    %log1p3A_42 = math.log1p %exp3A_41 : vector<6400x32xf32>
    %add3A_43 = arith.addf %max3A_36, %log1p3A_42 : vector<6400x32xf32>
    %sub3A_44 = arith.constant 0.693147182 : f32
    %sub3A_45 = vector.broadcast %sub3A_44 : f32 to vector<6400x32xf32>
    %sub3A_46 = arith.subf %add3A_43, %sub3A_45 : vector<6400x32xf32>
    %concatenate3A_47 = tpu.concatenate %sub3A_32, %sub3A_46 in 1 : vector<6400x32xf32>, vector<6400x32xf32> -> vector<6400x64xf32>
    %get3A_48 = arith.constant 0 : index
    %get3A_49 = arith.constant 0 : index
    %get3A_50 = vector.load %arg6[%get3A_48, %get3A_49] : memref<64x128xf32, #tpu.memory_space<vmem>>, vector<64x128xf32>
    %dot_general3A_51 = arith.constant dense<0.000000e+00> : vector<6400x128xf32>
    %dot_general3A_52 = tpu.matmul %concatenate3A_47, %get3A_50, %dot_general3A_51 {dimension_numbers = #tpu.dot_dimension_numbers<[1], [0], [0], [1], [0, 0, 1, 1], [], []>, precision = #tpu.contract_precision<fp32>, transpose_lhs_hint = false} : vector<6400x64xf32>, vector<64x128xf32>, vector<6400x128xf32> -> vector<6400x128xf32>
    %slice3A_53 = vector.extract_strided_slice %dot_general3A_52 {offsets = [0, 0], sizes = [6400, 64], strides = [1, 1]} : vector<6400x128xf32> to vector<6400x64xf32>
    %slice3A_54 = vector.extract_strided_slice %dot_general3A_52 {offsets = [0, 64], sizes = [6400, 64], strides = [1, 1]} : vector<6400x128xf32> to vector<6400x64xf32>
    %mul3A_55 = arith.mulf %slice3A_53, %slice3A_54 : vector<6400x64xf32>
    %get3A_56 = arith.constant 0 : index
    %get3A_57 = arith.constant 0 : index
    %get3A_58 = vector.load %arg4[%get3A_56, %get3A_57] : memref<1x6400xf32, #tpu.memory_space<vmem>>, vector<1x6400xf32>
    %transpose3A_59 = tpu.transpose %get3A_58, [1, 0] : vector<1x6400xf32> -> vector<6400x1xf32>
    %mul3A_60 = vector.broadcast %transpose3A_59 : vector<6400x1xf32> to vector<6400x64xf32>
    %mul3A_61 = arith.mulf %mul3A_55, %mul3A_60 : vector<6400x64xf32>
    %swap3A = arith.constant 0 : index
    %swap3A_62 = arith.constant 0 : index
    %swap3A_63 = vector.load %arg7[%swap3A, %swap3A_62] : memref<6400x64xf32, #tpu.memory_space<vmem>>, vector<6400x64xf32>
    tpu.vector_store %arg7[%swap3A, %swap3A_62], %mul3A_61 {strides = array<i32>} : memref<6400x64xf32, #tpu.memory_space<vmem>>, vector<6400x64xf32>,
    return
  }
  func.func @transform_0(%arg0: i32) -> (i32, i32) {
    %c0_i32 = arith.constant 0 : i32
    %c0_i32_0 = arith.constant 0 : i32
    return %arg0, %c0_i32 : i32, i32
  }
  func.func @transform_1(%arg0: i32) -> (i32, i32) {
    %c0_i32 = arith.constant 0 : i32
    %c0_i32_0 = arith.constant 0 : i32
    return %arg0, %c0_i32 : i32, i32
  }
  func.func @transform_2(%arg0: i32) -> (i32, i32) {
    %add3A = arith.constant 20 : i32
    %add3A_0 = arith.addi %add3A, %arg0 : i32
    %c0_i32 = arith.constant 0 : i32
    %c0_i32_1 = arith.constant 0 : i32
    return %c0_i32, %add3A_0 : i32, i32
  }
  func.func @transform_3(%arg0: i32) -> (i32, i32) {
    %add3A = arith.constant 20 : i32
    %add3A_0 = arith.addi %add3A, %arg0 : i32
    %c0_i32 = arith.constant 0 : i32
    %c0_i32_1 = arith.constant 0 : i32
    return %c0_i32, %add3A_0 : i32, i32
  }
  func.func @transform_4(%arg0: i32) -> (i32, i32) {
    %c0_i32 = arith.constant 0 : i32
    %c0_i32_0 = arith.constant 0 : i32
    %c0_i32_1 = arith.constant 0 : i32
    return %c0_i32, %c0_i32_0 : i32, i32
  }
  func.func @transform_5(%arg0: i32) -> (i32, i32) {
    %c0_i32 = arith.constant 0 : i32
    %c0_i32_0 = arith.constant 0 : i32
    %c0_i32_1 = arith.constant 0 : i32
    return %c0_i32, %c0_i32_0 : i32, i32
  }
  func.func @transform_6(%arg0: i32) -> (i32, i32) {
    %c0_i32 = arith.constant 0 : i32
    %c0_i32_0 = arith.constant 0 : i32
    return %arg0, %c0_i32 : i32, i32
  }
}

module attributes {stable_mosaic.version = 14 : i64} {
  func.func @_edge_body(%arg0: i32, %arg1: memref<6400x128xf32, #tpu.memory_space<vmem>>, %arg2: memref<6400x128xf32, #tpu.memory_space<vmem>>, %arg3: memref<16x6400xf32, #tpu.memory_space<vmem>>, %arg4: memref<1x6400xf32, #tpu.memory_space<vmem>>, %arg5: memref<48x64xf32, #tpu.memory_space<vmem>>, %arg6: memref<64x128xf32, #tpu.memory_space<vmem>>, %arg7: memref<6400x64xf32, #tpu.memory_space<vmem>>) attributes {dimension_semantics = [#tpu.dimension_semantics<arbitrary>], iteration_bounds = array<i64: 10>, scalar_prefetch = 0 : i64, scratch_operands = 0 : i64, tpu.core_type = #tpu.core_type<tc>, window_params = [{transform_indices = @transform_0, window_bounds = array<i64: 6400, 128>}, {transform_indices = @transform_1, window_bounds = array<i64: 6400, 128>}, {transform_indices = @transform_2, window_bounds = array<i64: 16, 6400>}, {transform_indices = @transform_3, window_bounds = array<i64: 1, 6400>}, {pipeline_mode = #tpu.pipeline_mode<synchronous>, transform_indices = @transform_4, window_bounds = array<i64: 48, 64>}, {pipeline_mode = #tpu.pipeline_mode<synchronous>, transform_indices = @transform_5, window_bounds = array<i64: 64, 128>}, {transform_indices = @transform_6, window_bounds = array<i64: 6400, 64>}]} {
    %get3A = arith.constant 0 : index
    %get3A_0 = arith.constant 0 : index
    %get3A_1 = vector.load %arg1[%get3A, %get3A_0] : memref<6400x128xf32, #tpu.memory_space<vmem>>, vector<6400x128xf32>
    %get3A_2 = arith.constant 0 : index
    %get3A_3 = arith.constant 0 : index
    %get3A_4 = vector.load %arg2[%get3A_2, %get3A_3] : memref<6400x128xf32, #tpu.memory_space<vmem>>, vector<6400x128xf32>
    %slice3A = vector.extract_strided_slice %get3A_1 {offsets = [0, 32], sizes = [6400, 32], strides = [1, 1]} : vector<6400x128xf32> to vector<6400x32xf32>
    %slice3A_5 = vector.extract_strided_slice %get3A_4 {offsets = [0, 32], sizes = [6400, 32], strides = [1, 1]} : vector<6400x128xf32> to vector<6400x32xf32>
    %mul3A = arith.mulf %slice3A, %slice3A_5 : vector<6400x32xf32>
    %slice3A_6 = vector.extract_strided_slice %get3A_1 {offsets = [0, 64], sizes = [6400, 32], strides = [1, 1]} : vector<6400x128xf32> to vector<6400x32xf32>
    %slice3A_7 = vector.extract_strided_slice %get3A_4 {offsets = [0, 64], sizes = [6400, 32], strides = [1, 1]} : vector<6400x128xf32> to vector<6400x32xf32>
    %mul3A_8 = arith.mulf %slice3A_6, %slice3A_7 : vector<6400x32xf32>
    %add3A = arith.addf %mul3A, %mul3A_8 : vector<6400x32xf32>
    %slice3A_9 = vector.extract_strided_slice %get3A_1 {offsets = [0, 96], sizes = [6400, 32], strides = [1, 1]} : vector<6400x128xf32> to vector<6400x32xf32>
    %slice3A_10 = vector.extract_strided_slice %get3A_4 {offsets = [0, 96], sizes = [6400, 32], strides = [1, 1]} : vector<6400x128xf32> to vector<6400x32xf32>
    %mul3A_11 = arith.mulf %slice3A_9, %slice3A_10 : vector<6400x32xf32>
    %add3A_12 = arith.addf %add3A, %mul3A_11 : vector<6400x32xf32>
    %mul3A_13 = arith.constant 0.192450091 : f32
    %mul3A_14 = vector.broadcast %mul3A_13 : f32 to vector<6400x32xf32>
    %mul3A_15 = arith.mulf %add3A_12, %mul3A_14 : vector<6400x32xf32>
    %get3A_16 = arith.constant 0 : index
    %get3A_17 = arith.constant 0 : index
    %get3A_18 = vector.load %arg3[%get3A_16, %get3A_17] : memref<16x6400xf32, #tpu.memory_space<vmem>>, vector<16x6400xf32>
    %transpose3A = tpu.transpose %get3A_18, [1, 0] : vector<16x6400xf32> -> vector<6400x16xf32>
    %concatenate3A = tpu.concatenate %mul3A_15, %transpose3A in 1 : vector<6400x32xf32>, vector<6400x16xf32> -> vector<6400x48xf32>
    %get3A_19 = arith.constant 0 : index
    %get3A_20 = arith.constant 0 : index
    %get3A_21 = vector.load %arg5[%get3A_19, %get3A_20] : memref<48x64xf32, #tpu.memory_space<vmem>>, vector<48x64xf32>
    %dot_general3A = arith.constant dense<0.000000e+00> : vector<6400x64xf32>
    %dot_general3A_22 = tpu.matmul %concatenate3A, %get3A_21, %dot_general3A {dimension_numbers = #tpu.dot_dimension_numbers<[1], [0], [0], [1], [0, 0, 1, 1], [], []>, precision = #tpu.contract_precision<fp32>, transpose_lhs_hint = false} : vector<6400x48xf32>, vector<48x64xf32>, vector<6400x64xf32> -> vector<6400x64xf32>
    %slice3A_23 = vector.extract_strided_slice %dot_general3A_22 {offsets = [0, 0], sizes = [6400, 32], strides = [1, 1]} : vector<6400x64xf32> to vector<6400x32xf32>
    %slice3A_24 = vector.extract_strided_slice %get3A_1 {offsets = [0, 0], sizes = [6400, 32], strides = [1, 1]} : vector<6400x128xf32> to vector<6400x32xf32>
    %add3A_25 = arith.addf %slice3A_23, %slice3A_24 : vector<6400x32xf32>
    %max3A = arith.constant 0.000000e+00 : f32
    %max3A_26 = vector.broadcast %max3A : f32 to vector<6400x32xf32>
    %max3A_27 = arith.maximumf %add3A_25, %max3A_26 : vector<6400x32xf32>
    %abs3A = math.absf %add3A_25 : vector<6400x32xf32>
    %neg3A = arith.constant 0.000000e+00 : f32
    %neg3A_28 = vector.broadcast %neg3A : f32 to vector<6400x32xf32>
    %neg3A_29 = arith.subf %neg3A_28, %abs3A : vector<6400x32xf32>
    %exp3A = math.exp %neg3A_29 : vector<6400x32xf32>
    %log1p3A = math.log1p %exp3A : vector<6400x32xf32>
    %add3A_30 = arith.addf %max3A_27, %log1p3A : vector<6400x32xf32>
    %sub3A = arith.constant 0.693147182 : f32
    %sub3A_31 = vector.broadcast %sub3A : f32 to vector<6400x32xf32>
    %sub3A_32 = arith.subf %add3A_30, %sub3A_31 : vector<6400x32xf32>
    %slice3A_33 = vector.extract_strided_slice %dot_general3A_22 {offsets = [0, 32], sizes = [6400, 32], strides = [1, 1]} : vector<6400x64xf32> to vector<6400x32xf32>
    %max3A_34 = arith.constant 0.000000e+00 : f32
    %max3A_35 = vector.broadcast %max3A_34 : f32 to vector<6400x32xf32>
    %max3A_36 = arith.maximumf %slice3A_33, %max3A_35 : vector<6400x32xf32>
    %abs3A_37 = math.absf %slice3A_33 : vector<6400x32xf32>
    %neg3A_38 = arith.constant 0.000000e+00 : f32
    %neg3A_39 = vector.broadcast %neg3A_38 : f32 to vector<6400x32xf32>
    %neg3A_40 = arith.subf %neg3A_39, %abs3A_37 : vector<6400x32xf32>
    %exp3A_41 = math.exp %neg3A_40 : vector<6400x32xf32>
    %log1p3A_42 = math.log1p %exp3A_41 : vector<6400x32xf32>
    %add3A_43 = arith.addf %max3A_36, %log1p3A_42 : vector<6400x32xf32>
    %sub3A_44 = arith.constant 0.693147182 : f32
    %sub3A_45 = vector.broadcast %sub3A_44 : f32 to vector<6400x32xf32>
    %sub3A_46 = arith.subf %add3A_43, %sub3A_45 : vector<6400x32xf32>
    %concatenate3A_47 = tpu.concatenate %sub3A_32, %sub3A_46 in 1 : vector<6400x32xf32>, vector<6400x32xf32> -> vector<6400x64xf32>
    %get3A_48 = arith.constant 0 : index
    %get3A_49 = arith.constant 0 : index
    %get3A_50 = vector.load %arg6[%get3A_48, %get3A_49] : memref<64x128xf32, #tpu.memory_space<vmem>>, vector<64x128xf32>
    %dot_general3A_51 = arith.constant dense<0.000000e+00> : vector<6400x128xf32>
    %dot_general3A_52 = tpu.matmul %concatenate3A_47, %get3A_50, %dot_general3A_51 {dimension_numbers = #tpu.dot_dimension_numbers<[1], [0], [0], [1], [0, 0, 1, 1], [], []>, precision = #tpu.contract_precision<fp32>, transpose_lhs_hint = false} : vector<6400x64xf32>, vector<64x128xf32>, vector<6400x128xf32> -> vector<6400x128xf32>
    %slice3A_53 = vector.extract_strided_slice %dot_general3A_52 {offsets = [0, 0], sizes = [6400, 64], strides = [1, 1]} : vector<6400x128xf32> to vector<6400x64xf32>
    %slice3A_54 = vector.extract_strided_slice %dot_general3A_52 {offsets = [0, 64], sizes = [6400, 64], strides = [1, 1]} : vector<6400x128xf32> to vector<6400x64xf32>
    %mul3A_55 = arith.mulf %slice3A_53, %slice3A_54 : vector<6400x64xf32>
    %get3A_56 = arith.constant 0 : index
    %get3A_57 = arith.constant 0 : index
    %get3A_58 = vector.load %arg4[%get3A_56, %get3A_57] : memref<1x6400xf32, #tpu.memory_space<vmem>>, vector<1x6400xf32>
    %transpose3A_59 = tpu.transpose %get3A_58, [1, 0] : vector<1x6400xf32> -> vector<6400x1xf32>
    %mul3A_60 = vector.broadcast %transpose3A_59 : vector<6400x1xf32> to vector<6400x64xf32>
    %mul3A_61 = arith.mulf %mul3A_55, %mul3A_60 : vector<6400x64xf32>
    %swap3A = arith.constant 0 : index
    %swap3A_62 = arith.constant 0 : index
    %swap3A_63 = vector.load %arg7[%swap3A, %swap3A_62] : memref<6400x64xf32, #tpu.memory_space<vmem>>, vector<6400x64xf32>
    tpu.vector_store %arg7[%swap3A, %swap3A_62], %mul3A_61 {strides = array<i32>} : memref<6400x64xf32, #tpu.memory_space<vmem>>, vector<6400x64xf32>,
    return
  }
  func.func @transform_0(%arg0: i32) -> (i32, i32) {
    %c0_i32 = arith.constant 0 : i32
    %c0_i32_0 = arith.constant 0 : i32
    return %arg0, %c0_i32 : i32, i32
  }
  func.func @transform_1(%arg0: i32) -> (i32, i32) {
    %c0_i32 = arith.constant 0 : i32
    %c0_i32_0 = arith.constant 0 : i32
    return %arg0, %c0_i32 : i32, i32
  }
  func.func @transform_2(%arg0: i32) -> (i32, i32) {
    %add3A = arith.constant 30 : i32
    %add3A_0 = arith.addi %add3A, %arg0 : i32
    %c0_i32 = arith.constant 0 : i32
    %c0_i32_1 = arith.constant 0 : i32
    return %c0_i32, %add3A_0 : i32, i32
  }
  func.func @transform_3(%arg0: i32) -> (i32, i32) {
    %add3A = arith.constant 30 : i32
    %add3A_0 = arith.addi %add3A, %arg0 : i32
    %c0_i32 = arith.constant 0 : i32
    %c0_i32_1 = arith.constant 0 : i32
    return %c0_i32, %add3A_0 : i32, i32
  }
  func.func @transform_4(%arg0: i32) -> (i32, i32) {
    %c0_i32 = arith.constant 0 : i32
    %c0_i32_0 = arith.constant 0 : i32
    %c0_i32_1 = arith.constant 0 : i32
    return %c0_i32, %c0_i32_0 : i32, i32
  }
  func.func @transform_5(%arg0: i32) -> (i32, i32) {
    %c0_i32 = arith.constant 0 : i32
    %c0_i32_0 = arith.constant 0 : i32
    %c0_i32_1 = arith.constant 0 : i32
    return %c0_i32, %c0_i32_0 : i32, i32
  }
  func.func @transform_6(%arg0: i32) -> (i32, i32) {
    %c0_i32 = arith.constant 0 : i32
    %c0_i32_0 = arith.constant 0 : i32
    return %arg0, %c0_i32 : i32, i32
  }
}

module attributes {stable_mosaic.version = 14 : i64} {
  func.func @_edge_body(%arg0: i32, %arg1: memref<6400x128xf32, #tpu.memory_space<vmem>>, %arg2: memref<6400x128xf32, #tpu.memory_space<vmem>>, %arg3: memref<16x6400xf32, #tpu.memory_space<vmem>>, %arg4: memref<1x6400xf32, #tpu.memory_space<vmem>>, %arg5: memref<48x64xf32, #tpu.memory_space<vmem>>, %arg6: memref<64x128xf32, #tpu.memory_space<vmem>>, %arg7: memref<6400x64xf32, #tpu.memory_space<vmem>>) attributes {dimension_semantics = [#tpu.dimension_semantics<arbitrary>], iteration_bounds = array<i64: 10>, scalar_prefetch = 0 : i64, scratch_operands = 0 : i64, tpu.core_type = #tpu.core_type<tc>, window_params = [{transform_indices = @transform_0, window_bounds = array<i64: 6400, 128>}, {transform_indices = @transform_1, window_bounds = array<i64: 6400, 128>}, {transform_indices = @transform_2, window_bounds = array<i64: 16, 6400>}, {transform_indices = @transform_3, window_bounds = array<i64: 1, 6400>}, {pipeline_mode = #tpu.pipeline_mode<synchronous>, transform_indices = @transform_4, window_bounds = array<i64: 48, 64>}, {pipeline_mode = #tpu.pipeline_mode<synchronous>, transform_indices = @transform_5, window_bounds = array<i64: 64, 128>}, {transform_indices = @transform_6, window_bounds = array<i64: 6400, 64>}]} {
    %get3A = arith.constant 0 : index
    %get3A_0 = arith.constant 0 : index
    %get3A_1 = vector.load %arg1[%get3A, %get3A_0] : memref<6400x128xf32, #tpu.memory_space<vmem>>, vector<6400x128xf32>
    %get3A_2 = arith.constant 0 : index
    %get3A_3 = arith.constant 0 : index
    %get3A_4 = vector.load %arg2[%get3A_2, %get3A_3] : memref<6400x128xf32, #tpu.memory_space<vmem>>, vector<6400x128xf32>
    %slice3A = vector.extract_strided_slice %get3A_1 {offsets = [0, 32], sizes = [6400, 32], strides = [1, 1]} : vector<6400x128xf32> to vector<6400x32xf32>
    %slice3A_5 = vector.extract_strided_slice %get3A_4 {offsets = [0, 32], sizes = [6400, 32], strides = [1, 1]} : vector<6400x128xf32> to vector<6400x32xf32>
    %mul3A = arith.mulf %slice3A, %slice3A_5 : vector<6400x32xf32>
    %slice3A_6 = vector.extract_strided_slice %get3A_1 {offsets = [0, 64], sizes = [6400, 32], strides = [1, 1]} : vector<6400x128xf32> to vector<6400x32xf32>
    %slice3A_7 = vector.extract_strided_slice %get3A_4 {offsets = [0, 64], sizes = [6400, 32], strides = [1, 1]} : vector<6400x128xf32> to vector<6400x32xf32>
    %mul3A_8 = arith.mulf %slice3A_6, %slice3A_7 : vector<6400x32xf32>
    %add3A = arith.addf %mul3A, %mul3A_8 : vector<6400x32xf32>
    %slice3A_9 = vector.extract_strided_slice %get3A_1 {offsets = [0, 96], sizes = [6400, 32], strides = [1, 1]} : vector<6400x128xf32> to vector<6400x32xf32>
    %slice3A_10 = vector.extract_strided_slice %get3A_4 {offsets = [0, 96], sizes = [6400, 32], strides = [1, 1]} : vector<6400x128xf32> to vector<6400x32xf32>
    %mul3A_11 = arith.mulf %slice3A_9, %slice3A_10 : vector<6400x32xf32>
    %add3A_12 = arith.addf %add3A, %mul3A_11 : vector<6400x32xf32>
    %mul3A_13 = arith.constant 0.192450091 : f32
    %mul3A_14 = vector.broadcast %mul3A_13 : f32 to vector<6400x32xf32>
    %mul3A_15 = arith.mulf %add3A_12, %mul3A_14 : vector<6400x32xf32>
    %get3A_16 = arith.constant 0 : index
    %get3A_17 = arith.constant 0 : index
    %get3A_18 = vector.load %arg3[%get3A_16, %get3A_17] : memref<16x6400xf32, #tpu.memory_space<vmem>>, vector<16x6400xf32>
    %transpose3A = tpu.transpose %get3A_18, [1, 0] : vector<16x6400xf32> -> vector<6400x16xf32>
    %concatenate3A = tpu.concatenate %mul3A_15, %transpose3A in 1 : vector<6400x32xf32>, vector<6400x16xf32> -> vector<6400x48xf32>
    %get3A_19 = arith.constant 0 : index
    %get3A_20 = arith.constant 0 : index
    %get3A_21 = vector.load %arg5[%get3A_19, %get3A_20] : memref<48x64xf32, #tpu.memory_space<vmem>>, vector<48x64xf32>
    %dot_general3A = arith.constant dense<0.000000e+00> : vector<6400x64xf32>
    %dot_general3A_22 = tpu.matmul %concatenate3A, %get3A_21, %dot_general3A {dimension_numbers = #tpu.dot_dimension_numbers<[1], [0], [0], [1], [0, 0, 1, 1], [], []>, precision = #tpu.contract_precision<fp32>, transpose_lhs_hint = false} : vector<6400x48xf32>, vector<48x64xf32>, vector<6400x64xf32> -> vector<6400x64xf32>
    %slice3A_23 = vector.extract_strided_slice %dot_general3A_22 {offsets = [0, 0], sizes = [6400, 32], strides = [1, 1]} : vector<6400x64xf32> to vector<6400x32xf32>
    %slice3A_24 = vector.extract_strided_slice %get3A_1 {offsets = [0, 0], sizes = [6400, 32], strides = [1, 1]} : vector<6400x128xf32> to vector<6400x32xf32>
    %add3A_25 = arith.addf %slice3A_23, %slice3A_24 : vector<6400x32xf32>
    %max3A = arith.constant 0.000000e+00 : f32
    %max3A_26 = vector.broadcast %max3A : f32 to vector<6400x32xf32>
    %max3A_27 = arith.maximumf %add3A_25, %max3A_26 : vector<6400x32xf32>
    %abs3A = math.absf %add3A_25 : vector<6400x32xf32>
    %neg3A = arith.constant 0.000000e+00 : f32
    %neg3A_28 = vector.broadcast %neg3A : f32 to vector<6400x32xf32>
    %neg3A_29 = arith.subf %neg3A_28, %abs3A : vector<6400x32xf32>
    %exp3A = math.exp %neg3A_29 : vector<6400x32xf32>
    %log1p3A = math.log1p %exp3A : vector<6400x32xf32>
    %add3A_30 = arith.addf %max3A_27, %log1p3A : vector<6400x32xf32>
    %sub3A = arith.constant 0.693147182 : f32
    %sub3A_31 = vector.broadcast %sub3A : f32 to vector<6400x32xf32>
    %sub3A_32 = arith.subf %add3A_30, %sub3A_31 : vector<6400x32xf32>
    %slice3A_33 = vector.extract_strided_slice %dot_general3A_22 {offsets = [0, 32], sizes = [6400, 32], strides = [1, 1]} : vector<6400x64xf32> to vector<6400x32xf32>
    %max3A_34 = arith.constant 0.000000e+00 : f32
    %max3A_35 = vector.broadcast %max3A_34 : f32 to vector<6400x32xf32>
    %max3A_36 = arith.maximumf %slice3A_33, %max3A_35 : vector<6400x32xf32>
    %abs3A_37 = math.absf %slice3A_33 : vector<6400x32xf32>
    %neg3A_38 = arith.constant 0.000000e+00 : f32
    %neg3A_39 = vector.broadcast %neg3A_38 : f32 to vector<6400x32xf32>
    %neg3A_40 = arith.subf %neg3A_39, %abs3A_37 : vector<6400x32xf32>
    %exp3A_41 = math.exp %neg3A_40 : vector<6400x32xf32>
    %log1p3A_42 = math.log1p %exp3A_41 : vector<6400x32xf32>
    %add3A_43 = arith.addf %max3A_36, %log1p3A_42 : vector<6400x32xf32>
    %sub3A_44 = arith.constant 0.693147182 : f32
    %sub3A_45 = vector.broadcast %sub3A_44 : f32 to vector<6400x32xf32>
    %sub3A_46 = arith.subf %add3A_43, %sub3A_45 : vector<6400x32xf32>
    %concatenate3A_47 = tpu.concatenate %sub3A_32, %sub3A_46 in 1 : vector<6400x32xf32>, vector<6400x32xf32> -> vector<6400x64xf32>
    %get3A_48 = arith.constant 0 : index
    %get3A_49 = arith.constant 0 : index
    %get3A_50 = vector.load %arg6[%get3A_48, %get3A_49] : memref<64x128xf32, #tpu.memory_space<vmem>>, vector<64x128xf32>
    %dot_general3A_51 = arith.constant dense<0.000000e+00> : vector<6400x128xf32>
    %dot_general3A_52 = tpu.matmul %concatenate3A_47, %get3A_50, %dot_general3A_51 {dimension_numbers = #tpu.dot_dimension_numbers<[1], [0], [0], [1], [0, 0, 1, 1], [], []>, precision = #tpu.contract_precision<fp32>, transpose_lhs_hint = false} : vector<6400x64xf32>, vector<64x128xf32>, vector<6400x128xf32> -> vector<6400x128xf32>
    %slice3A_53 = vector.extract_strided_slice %dot_general3A_52 {offsets = [0, 0], sizes = [6400, 64], strides = [1, 1]} : vector<6400x128xf32> to vector<6400x64xf32>
    %slice3A_54 = vector.extract_strided_slice %dot_general3A_52 {offsets = [0, 64], sizes = [6400, 64], strides = [1, 1]} : vector<6400x128xf32> to vector<6400x64xf32>
    %mul3A_55 = arith.mulf %slice3A_53, %slice3A_54 : vector<6400x64xf32>
    %get3A_56 = arith.constant 0 : index
    %get3A_57 = arith.constant 0 : index
    %get3A_58 = vector.load %arg4[%get3A_56, %get3A_57] : memref<1x6400xf32, #tpu.memory_space<vmem>>, vector<1x6400xf32>
    %transpose3A_59 = tpu.transpose %get3A_58, [1, 0] : vector<1x6400xf32> -> vector<6400x1xf32>
    %mul3A_60 = vector.broadcast %transpose3A_59 : vector<6400x1xf32> to vector<6400x64xf32>
    %mul3A_61 = arith.mulf %mul3A_55, %mul3A_60 : vector<6400x64xf32>
    %swap3A = arith.constant 0 : index
    %swap3A_62 = arith.constant 0 : index
    %swap3A_63 = vector.load %arg7[%swap3A, %swap3A_62] : memref<6400x64xf32, #tpu.memory_space<vmem>>, vector<6400x64xf32>
    tpu.vector_store %arg7[%swap3A, %swap3A_62], %mul3A_61 {strides = array<i32>} : memref<6400x64xf32, #tpu.memory_space<vmem>>, vector<6400x64xf32>,
    return
  }
  func.func @transform_0(%arg0: i32) -> (i32, i32) {
    %c0_i32 = arith.constant 0 : i32
    %c0_i32_0 = arith.constant 0 : i32
    return %arg0, %c0_i32 : i32, i32
  }
  func.func @transform_1(%arg0: i32) -> (i32, i32) {
    %c0_i32 = arith.constant 0 : i32
    %c0_i32_0 = arith.constant 0 : i32
    return %arg0, %c0_i32 : i32, i32
  }
  func.func @transform_2(%arg0: i32) -> (i32, i32) {
    %add3A = arith.constant 10 : i32
    %add3A_0 = arith.addi %add3A, %arg0 : i32
    %c0_i32 = arith.constant 0 : i32
    %c0_i32_1 = arith.constant 0 : i32
    return %c0_i32, %add3A_0 : i32, i32
  }
  func.func @transform_3(%arg0: i32) -> (i32, i32) {
    %add3A = arith.constant 10 : i32
    %add3A_0 = arith.addi %add3A, %arg0 : i32
    %c0_i32 = arith.constant 0 : i32
    %c0_i32_1 = arith.constant 0 : i32
    return %c0_i32, %add3A_0 : i32, i32
  }
  func.func @transform_4(%arg0: i32) -> (i32, i32) {
    %c0_i32 = arith.constant 0 : i32
    %c0_i32_0 = arith.constant 0 : i32
    %c0_i32_1 = arith.constant 0 : i32
    return %c0_i32, %c0_i32_0 : i32, i32
  }
  func.func @transform_5(%arg0: i32) -> (i32, i32) {
    %c0_i32 = arith.constant 0 : i32
    %c0_i32_0 = arith.constant 0 : i32
    %c0_i32_1 = arith.constant 0 : i32
    return %c0_i32, %c0_i32_0 : i32, i32
  }
  func.func @transform_6(%arg0: i32) -> (i32, i32) {
    %c0_i32 = arith.constant 0 : i32
    %c0_i32_0 = arith.constant 0 : i32
    return %arg0, %c0_i32 : i32, i32
  }
}

module attributes {stable_mosaic.version = 14 : i64} {
  func.func @_edge_body(%arg0: i32, %arg1: memref<6400x128xf32, #tpu.memory_space<vmem>>, %arg2: memref<6400x128xf32, #tpu.memory_space<vmem>>, %arg3: memref<16x6400xf32, #tpu.memory_space<vmem>>, %arg4: memref<1x6400xf32, #tpu.memory_space<vmem>>, %arg5: memref<48x64xf32, #tpu.memory_space<vmem>>, %arg6: memref<64x128xf32, #tpu.memory_space<vmem>>, %arg7: memref<6400x64xf32, #tpu.memory_space<vmem>>) attributes {dimension_semantics = [#tpu.dimension_semantics<arbitrary>], iteration_bounds = array<i64: 10>, scalar_prefetch = 0 : i64, scratch_operands = 0 : i64, tpu.core_type = #tpu.core_type<tc>, window_params = [{transform_indices = @transform_0, window_bounds = array<i64: 6400, 128>}, {transform_indices = @transform_1, window_bounds = array<i64: 6400, 128>}, {transform_indices = @transform_2, window_bounds = array<i64: 16, 6400>}, {transform_indices = @transform_3, window_bounds = array<i64: 1, 6400>}, {pipeline_mode = #tpu.pipeline_mode<synchronous>, transform_indices = @transform_4, window_bounds = array<i64: 48, 64>}, {pipeline_mode = #tpu.pipeline_mode<synchronous>, transform_indices = @transform_5, window_bounds = array<i64: 64, 128>}, {transform_indices = @transform_6, window_bounds = array<i64: 6400, 64>}]} {
    %get3A = arith.constant 0 : index
    %get3A_0 = arith.constant 0 : index
    %get3A_1 = vector.load %arg1[%get3A, %get3A_0] : memref<6400x128xf32, #tpu.memory_space<vmem>>, vector<6400x128xf32>
    %get3A_2 = arith.constant 0 : index
    %get3A_3 = arith.constant 0 : index
    %get3A_4 = vector.load %arg2[%get3A_2, %get3A_3] : memref<6400x128xf32, #tpu.memory_space<vmem>>, vector<6400x128xf32>
    %slice3A = vector.extract_strided_slice %get3A_1 {offsets = [0, 32], sizes = [6400, 32], strides = [1, 1]} : vector<6400x128xf32> to vector<6400x32xf32>
    %slice3A_5 = vector.extract_strided_slice %get3A_4 {offsets = [0, 32], sizes = [6400, 32], strides = [1, 1]} : vector<6400x128xf32> to vector<6400x32xf32>
    %mul3A = arith.mulf %slice3A, %slice3A_5 : vector<6400x32xf32>
    %slice3A_6 = vector.extract_strided_slice %get3A_1 {offsets = [0, 64], sizes = [6400, 32], strides = [1, 1]} : vector<6400x128xf32> to vector<6400x32xf32>
    %slice3A_7 = vector.extract_strided_slice %get3A_4 {offsets = [0, 64], sizes = [6400, 32], strides = [1, 1]} : vector<6400x128xf32> to vector<6400x32xf32>
    %mul3A_8 = arith.mulf %slice3A_6, %slice3A_7 : vector<6400x32xf32>
    %add3A = arith.addf %mul3A, %mul3A_8 : vector<6400x32xf32>
    %slice3A_9 = vector.extract_strided_slice %get3A_1 {offsets = [0, 96], sizes = [6400, 32], strides = [1, 1]} : vector<6400x128xf32> to vector<6400x32xf32>
    %slice3A_10 = vector.extract_strided_slice %get3A_4 {offsets = [0, 96], sizes = [6400, 32], strides = [1, 1]} : vector<6400x128xf32> to vector<6400x32xf32>
    %mul3A_11 = arith.mulf %slice3A_9, %slice3A_10 : vector<6400x32xf32>
    %add3A_12 = arith.addf %add3A, %mul3A_11 : vector<6400x32xf32>
    %mul3A_13 = arith.constant 0.192450091 : f32
    %mul3A_14 = vector.broadcast %mul3A_13 : f32 to vector<6400x32xf32>
    %mul3A_15 = arith.mulf %add3A_12, %mul3A_14 : vector<6400x32xf32>
    %get3A_16 = arith.constant 0 : index
    %get3A_17 = arith.constant 0 : index
    %get3A_18 = vector.load %arg3[%get3A_16, %get3A_17] : memref<16x6400xf32, #tpu.memory_space<vmem>>, vector<16x6400xf32>
    %transpose3A = tpu.transpose %get3A_18, [1, 0] : vector<16x6400xf32> -> vector<6400x16xf32>
    %concatenate3A = tpu.concatenate %mul3A_15, %transpose3A in 1 : vector<6400x32xf32>, vector<6400x16xf32> -> vector<6400x48xf32>
    %get3A_19 = arith.constant 0 : index
    %get3A_20 = arith.constant 0 : index
    %get3A_21 = vector.load %arg5[%get3A_19, %get3A_20] : memref<48x64xf32, #tpu.memory_space<vmem>>, vector<48x64xf32>
    %dot_general3A = arith.constant dense<0.000000e+00> : vector<6400x64xf32>
    %dot_general3A_22 = tpu.matmul %concatenate3A, %get3A_21, %dot_general3A {dimension_numbers = #tpu.dot_dimension_numbers<[1], [0], [0], [1], [0, 0, 1, 1], [], []>, precision = #tpu.contract_precision<fp32>, transpose_lhs_hint = false} : vector<6400x48xf32>, vector<48x64xf32>, vector<6400x64xf32> -> vector<6400x64xf32>
    %slice3A_23 = vector.extract_strided_slice %dot_general3A_22 {offsets = [0, 0], sizes = [6400, 32], strides = [1, 1]} : vector<6400x64xf32> to vector<6400x32xf32>
    %slice3A_24 = vector.extract_strided_slice %get3A_1 {offsets = [0, 0], sizes = [6400, 32], strides = [1, 1]} : vector<6400x128xf32> to vector<6400x32xf32>
    %add3A_25 = arith.addf %slice3A_23, %slice3A_24 : vector<6400x32xf32>
    %max3A = arith.constant 0.000000e+00 : f32
    %max3A_26 = vector.broadcast %max3A : f32 to vector<6400x32xf32>
    %max3A_27 = arith.maximumf %add3A_25, %max3A_26 : vector<6400x32xf32>
    %abs3A = math.absf %add3A_25 : vector<6400x32xf32>
    %neg3A = arith.constant 0.000000e+00 : f32
    %neg3A_28 = vector.broadcast %neg3A : f32 to vector<6400x32xf32>
    %neg3A_29 = arith.subf %neg3A_28, %abs3A : vector<6400x32xf32>
    %exp3A = math.exp %neg3A_29 : vector<6400x32xf32>
    %log1p3A = math.log1p %exp3A : vector<6400x32xf32>
    %add3A_30 = arith.addf %max3A_27, %log1p3A : vector<6400x32xf32>
    %sub3A = arith.constant 0.693147182 : f32
    %sub3A_31 = vector.broadcast %sub3A : f32 to vector<6400x32xf32>
    %sub3A_32 = arith.subf %add3A_30, %sub3A_31 : vector<6400x32xf32>
    %slice3A_33 = vector.extract_strided_slice %dot_general3A_22 {offsets = [0, 32], sizes = [6400, 32], strides = [1, 1]} : vector<6400x64xf32> to vector<6400x32xf32>
    %max3A_34 = arith.constant 0.000000e+00 : f32
    %max3A_35 = vector.broadcast %max3A_34 : f32 to vector<6400x32xf32>
    %max3A_36 = arith.maximumf %slice3A_33, %max3A_35 : vector<6400x32xf32>
    %abs3A_37 = math.absf %slice3A_33 : vector<6400x32xf32>
    %neg3A_38 = arith.constant 0.000000e+00 : f32
    %neg3A_39 = vector.broadcast %neg3A_38 : f32 to vector<6400x32xf32>
    %neg3A_40 = arith.subf %neg3A_39, %abs3A_37 : vector<6400x32xf32>
    %exp3A_41 = math.exp %neg3A_40 : vector<6400x32xf32>
    %log1p3A_42 = math.log1p %exp3A_41 : vector<6400x32xf32>
    %add3A_43 = arith.addf %max3A_36, %log1p3A_42 : vector<6400x32xf32>
    %sub3A_44 = arith.constant 0.693147182 : f32
    %sub3A_45 = vector.broadcast %sub3A_44 : f32 to vector<6400x32xf32>
    %sub3A_46 = arith.subf %add3A_43, %sub3A_45 : vector<6400x32xf32>
    %concatenate3A_47 = tpu.concatenate %sub3A_32, %sub3A_46 in 1 : vector<6400x32xf32>, vector<6400x32xf32> -> vector<6400x64xf32>
    %get3A_48 = arith.constant 0 : index
    %get3A_49 = arith.constant 0 : index
    %get3A_50 = vector.load %arg6[%get3A_48, %get3A_49] : memref<64x128xf32, #tpu.memory_space<vmem>>, vector<64x128xf32>
    %dot_general3A_51 = arith.constant dense<0.000000e+00> : vector<6400x128xf32>
    %dot_general3A_52 = tpu.matmul %concatenate3A_47, %get3A_50, %dot_general3A_51 {dimension_numbers = #tpu.dot_dimension_numbers<[1], [0], [0], [1], [0, 0, 1, 1], [], []>, precision = #tpu.contract_precision<fp32>, transpose_lhs_hint = false} : vector<6400x64xf32>, vector<64x128xf32>, vector<6400x128xf32> -> vector<6400x128xf32>
    %slice3A_53 = vector.extract_strided_slice %dot_general3A_52 {offsets = [0, 0], sizes = [6400, 64], strides = [1, 1]} : vector<6400x128xf32> to vector<6400x64xf32>
    %slice3A_54 = vector.extract_strided_slice %dot_general3A_52 {offsets = [0, 64], sizes = [6400, 64], strides = [1, 1]} : vector<6400x128xf32> to vector<6400x64xf32>
    %mul3A_55 = arith.mulf %slice3A_53, %slice3A_54 : vector<6400x64xf32>
    %get3A_56 = arith.constant 0 : index
    %get3A_57 = arith.constant 0 : index
    %get3A_58 = vector.load %arg4[%get3A_56, %get3A_57] : memref<1x6400xf32, #tpu.memory_space<vmem>>, vector<1x6400xf32>
    %transpose3A_59 = tpu.transpose %get3A_58, [1, 0] : vector<1x6400xf32> -> vector<6400x1xf32>
    %mul3A_60 = vector.broadcast %transpose3A_59 : vector<6400x1xf32> to vector<6400x64xf32>
    %mul3A_61 = arith.mulf %mul3A_55, %mul3A_60 : vector<6400x64xf32>
    %swap3A = arith.constant 0 : index
    %swap3A_62 = arith.constant 0 : index
    %swap3A_63 = vector.load %arg7[%swap3A, %swap3A_62] : memref<6400x64xf32, #tpu.memory_space<vmem>>, vector<6400x64xf32>
    tpu.vector_store %arg7[%swap3A, %swap3A_62], %mul3A_61 {strides = array<i32>} : memref<6400x64xf32, #tpu.memory_space<vmem>>, vector<6400x64xf32>,
    return
  }
  func.func @transform_0(%arg0: i32) -> (i32, i32) {
    %c0_i32 = arith.constant 0 : i32
    %c0_i32_0 = arith.constant 0 : i32
    return %arg0, %c0_i32 : i32, i32
  }
  func.func @transform_1(%arg0: i32) -> (i32, i32) {
    %c0_i32 = arith.constant 0 : i32
    %c0_i32_0 = arith.constant 0 : i32
    return %arg0, %c0_i32 : i32, i32
  }
  func.func @transform_2(%arg0: i32) -> (i32, i32) {
    %add3A = arith.constant 0 : i32
    %add3A_0 = arith.addi %add3A, %arg0 : i32
    %c0_i32 = arith.constant 0 : i32
    %c0_i32_1 = arith.constant 0 : i32
    return %c0_i32, %add3A_0 : i32, i32
  }
  func.func @transform_3(%arg0: i32) -> (i32, i32) {
    %add3A = arith.constant 0 : i32
    %add3A_0 = arith.addi %add3A, %arg0 : i32
    %c0_i32 = arith.constant 0 : i32
    %c0_i32_1 = arith.constant 0 : i32
    return %c0_i32, %add3A_0 : i32, i32
  }
  func.func @transform_4(%arg0: i32) -> (i32, i32) {
    %c0_i32 = arith.constant 0 : i32
    %c0_i32_0 = arith.constant 0 : i32
    %c0_i32_1 = arith.constant 0 : i32
    return %c0_i32, %c0_i32_0 : i32, i32
  }
  func.func @transform_5(%arg0: i32) -> (i32, i32) {
    %c0_i32 = arith.constant 0 : i32
    %c0_i32_0 = arith.constant 0 : i32
    %c0_i32_1 = arith.constant 0 : i32
    return %c0_i32, %c0_i32_0 : i32, i32
  }
  func.func @transform_6(%arg0: i32) -> (i32, i32) {
    %c0_i32 = arith.constant 0 : i32
    %c0_i32_0 = arith.constant 0 : i32
    return %arg0, %c0_i32 : i32, i32
  }
}

module attributes {stable_mosaic.version = 14 : i64} {
  func.func @_edge_body(%arg0: i32, %arg1: memref<6400x128xf32, #tpu.memory_space<vmem>>, %arg2: memref<6400x128xf32, #tpu.memory_space<vmem>>, %arg3: memref<16x6400xf32, #tpu.memory_space<vmem>>, %arg4: memref<1x6400xf32, #tpu.memory_space<vmem>>, %arg5: memref<48x64xf32, #tpu.memory_space<vmem>>, %arg6: memref<64x128xf32, #tpu.memory_space<vmem>>, %arg7: memref<6400x64xf32, #tpu.memory_space<vmem>>) attributes {dimension_semantics = [#tpu.dimension_semantics<arbitrary>], iteration_bounds = array<i64: 10>, scalar_prefetch = 0 : i64, scratch_operands = 0 : i64, tpu.core_type = #tpu.core_type<tc>, window_params = [{transform_indices = @transform_0, window_bounds = array<i64: 6400, 128>}, {transform_indices = @transform_1, window_bounds = array<i64: 6400, 128>}, {transform_indices = @transform_2, window_bounds = array<i64: 16, 6400>}, {transform_indices = @transform_3, window_bounds = array<i64: 1, 6400>}, {pipeline_mode = #tpu.pipeline_mode<synchronous>, transform_indices = @transform_4, window_bounds = array<i64: 48, 64>}, {pipeline_mode = #tpu.pipeline_mode<synchronous>, transform_indices = @transform_5, window_bounds = array<i64: 64, 128>}, {transform_indices = @transform_6, window_bounds = array<i64: 6400, 64>}]} {
    %get3A = arith.constant 0 : index
    %get3A_0 = arith.constant 0 : index
    %get3A_1 = vector.load %arg1[%get3A, %get3A_0] : memref<6400x128xf32, #tpu.memory_space<vmem>>, vector<6400x128xf32>
    %get3A_2 = arith.constant 0 : index
    %get3A_3 = arith.constant 0 : index
    %get3A_4 = vector.load %arg2[%get3A_2, %get3A_3] : memref<6400x128xf32, #tpu.memory_space<vmem>>, vector<6400x128xf32>
    %slice3A = vector.extract_strided_slice %get3A_1 {offsets = [0, 32], sizes = [6400, 32], strides = [1, 1]} : vector<6400x128xf32> to vector<6400x32xf32>
    %slice3A_5 = vector.extract_strided_slice %get3A_4 {offsets = [0, 32], sizes = [6400, 32], strides = [1, 1]} : vector<6400x128xf32> to vector<6400x32xf32>
    %mul3A = arith.mulf %slice3A, %slice3A_5 : vector<6400x32xf32>
    %slice3A_6 = vector.extract_strided_slice %get3A_1 {offsets = [0, 64], sizes = [6400, 32], strides = [1, 1]} : vector<6400x128xf32> to vector<6400x32xf32>
    %slice3A_7 = vector.extract_strided_slice %get3A_4 {offsets = [0, 64], sizes = [6400, 32], strides = [1, 1]} : vector<6400x128xf32> to vector<6400x32xf32>
    %mul3A_8 = arith.mulf %slice3A_6, %slice3A_7 : vector<6400x32xf32>
    %add3A = arith.addf %mul3A, %mul3A_8 : vector<6400x32xf32>
    %slice3A_9 = vector.extract_strided_slice %get3A_1 {offsets = [0, 96], sizes = [6400, 32], strides = [1, 1]} : vector<6400x128xf32> to vector<6400x32xf32>
    %slice3A_10 = vector.extract_strided_slice %get3A_4 {offsets = [0, 96], sizes = [6400, 32], strides = [1, 1]} : vector<6400x128xf32> to vector<6400x32xf32>
    %mul3A_11 = arith.mulf %slice3A_9, %slice3A_10 : vector<6400x32xf32>
    %add3A_12 = arith.addf %add3A, %mul3A_11 : vector<6400x32xf32>
    %mul3A_13 = arith.constant 0.192450091 : f32
    %mul3A_14 = vector.broadcast %mul3A_13 : f32 to vector<6400x32xf32>
    %mul3A_15 = arith.mulf %add3A_12, %mul3A_14 : vector<6400x32xf32>
    %get3A_16 = arith.constant 0 : index
    %get3A_17 = arith.constant 0 : index
    %get3A_18 = vector.load %arg3[%get3A_16, %get3A_17] : memref<16x6400xf32, #tpu.memory_space<vmem>>, vector<16x6400xf32>
    %transpose3A = tpu.transpose %get3A_18, [1, 0] : vector<16x6400xf32> -> vector<6400x16xf32>
    %concatenate3A = tpu.concatenate %mul3A_15, %transpose3A in 1 : vector<6400x32xf32>, vector<6400x16xf32> -> vector<6400x48xf32>
    %get3A_19 = arith.constant 0 : index
    %get3A_20 = arith.constant 0 : index
    %get3A_21 = vector.load %arg5[%get3A_19, %get3A_20] : memref<48x64xf32, #tpu.memory_space<vmem>>, vector<48x64xf32>
    %dot_general3A = arith.constant dense<0.000000e+00> : vector<6400x64xf32>
    %dot_general3A_22 = tpu.matmul %concatenate3A, %get3A_21, %dot_general3A {dimension_numbers = #tpu.dot_dimension_numbers<[1], [0], [0], [1], [0, 0, 1, 1], [], []>, precision = #tpu.contract_precision<fp32>, transpose_lhs_hint = false} : vector<6400x48xf32>, vector<48x64xf32>, vector<6400x64xf32> -> vector<6400x64xf32>
    %slice3A_23 = vector.extract_strided_slice %dot_general3A_22 {offsets = [0, 0], sizes = [6400, 32], strides = [1, 1]} : vector<6400x64xf32> to vector<6400x32xf32>
    %slice3A_24 = vector.extract_strided_slice %get3A_1 {offsets = [0, 0], sizes = [6400, 32], strides = [1, 1]} : vector<6400x128xf32> to vector<6400x32xf32>
    %add3A_25 = arith.addf %slice3A_23, %slice3A_24 : vector<6400x32xf32>
    %max3A = arith.constant 0.000000e+00 : f32
    %max3A_26 = vector.broadcast %max3A : f32 to vector<6400x32xf32>
    %max3A_27 = arith.maximumf %add3A_25, %max3A_26 : vector<6400x32xf32>
    %abs3A = math.absf %add3A_25 : vector<6400x32xf32>
    %neg3A = arith.constant 0.000000e+00 : f32
    %neg3A_28 = vector.broadcast %neg3A : f32 to vector<6400x32xf32>
    %neg3A_29 = arith.subf %neg3A_28, %abs3A : vector<6400x32xf32>
    %exp3A = math.exp %neg3A_29 : vector<6400x32xf32>
    %log1p3A = math.log1p %exp3A : vector<6400x32xf32>
    %add3A_30 = arith.addf %max3A_27, %log1p3A : vector<6400x32xf32>
    %sub3A = arith.constant 0.693147182 : f32
    %sub3A_31 = vector.broadcast %sub3A : f32 to vector<6400x32xf32>
    %sub3A_32 = arith.subf %add3A_30, %sub3A_31 : vector<6400x32xf32>
    %slice3A_33 = vector.extract_strided_slice %dot_general3A_22 {offsets = [0, 32], sizes = [6400, 32], strides = [1, 1]} : vector<6400x64xf32> to vector<6400x32xf32>
    %max3A_34 = arith.constant 0.000000e+00 : f32
    %max3A_35 = vector.broadcast %max3A_34 : f32 to vector<6400x32xf32>
    %max3A_36 = arith.maximumf %slice3A_33, %max3A_35 : vector<6400x32xf32>
    %abs3A_37 = math.absf %slice3A_33 : vector<6400x32xf32>
    %neg3A_38 = arith.constant 0.000000e+00 : f32
    %neg3A_39 = vector.broadcast %neg3A_38 : f32 to vector<6400x32xf32>
    %neg3A_40 = arith.subf %neg3A_39, %abs3A_37 : vector<6400x32xf32>
    %exp3A_41 = math.exp %neg3A_40 : vector<6400x32xf32>
    %log1p3A_42 = math.log1p %exp3A_41 : vector<6400x32xf32>
    %add3A_43 = arith.addf %max3A_36, %log1p3A_42 : vector<6400x32xf32>
    %sub3A_44 = arith.constant 0.693147182 : f32
    %sub3A_45 = vector.broadcast %sub3A_44 : f32 to vector<6400x32xf32>
    %sub3A_46 = arith.subf %add3A_43, %sub3A_45 : vector<6400x32xf32>
    %concatenate3A_47 = tpu.concatenate %sub3A_32, %sub3A_46 in 1 : vector<6400x32xf32>, vector<6400x32xf32> -> vector<6400x64xf32>
    %get3A_48 = arith.constant 0 : index
    %get3A_49 = arith.constant 0 : index
    %get3A_50 = vector.load %arg6[%get3A_48, %get3A_49] : memref<64x128xf32, #tpu.memory_space<vmem>>, vector<64x128xf32>
    %dot_general3A_51 = arith.constant dense<0.000000e+00> : vector<6400x128xf32>
    %dot_general3A_52 = tpu.matmul %concatenate3A_47, %get3A_50, %dot_general3A_51 {dimension_numbers = #tpu.dot_dimension_numbers<[1], [0], [0], [1], [0, 0, 1, 1], [], []>, precision = #tpu.contract_precision<fp32>, transpose_lhs_hint = false} : vector<6400x64xf32>, vector<64x128xf32>, vector<6400x128xf32> -> vector<6400x128xf32>
    %slice3A_53 = vector.extract_strided_slice %dot_general3A_52 {offsets = [0, 0], sizes = [6400, 64], strides = [1, 1]} : vector<6400x128xf32> to vector<6400x64xf32>
    %slice3A_54 = vector.extract_strided_slice %dot_general3A_52 {offsets = [0, 64], sizes = [6400, 64], strides = [1, 1]} : vector<6400x128xf32> to vector<6400x64xf32>
    %mul3A_55 = arith.mulf %slice3A_53, %slice3A_54 : vector<6400x64xf32>
    %get3A_56 = arith.constant 0 : index
    %get3A_57 = arith.constant 0 : index
    %get3A_58 = vector.load %arg4[%get3A_56, %get3A_57] : memref<1x6400xf32, #tpu.memory_space<vmem>>, vector<1x6400xf32>
    %transpose3A_59 = tpu.transpose %get3A_58, [1, 0] : vector<1x6400xf32> -> vector<6400x1xf32>
    %mul3A_60 = vector.broadcast %transpose3A_59 : vector<6400x1xf32> to vector<6400x64xf32>
    %mul3A_61 = arith.mulf %mul3A_55, %mul3A_60 : vector<6400x64xf32>
    %swap3A = arith.constant 0 : index
    %swap3A_62 = arith.constant 0 : index
    %swap3A_63 = vector.load %arg7[%swap3A, %swap3A_62] : memref<6400x64xf32, #tpu.memory_space<vmem>>, vector<6400x64xf32>
    tpu.vector_store %arg7[%swap3A, %swap3A_62], %mul3A_61 {strides = array<i32>} : memref<6400x64xf32, #tpu.memory_space<vmem>>, vector<6400x64xf32>,
    return
  }
  func.func @transform_0(%arg0: i32) -> (i32, i32) {
    %c0_i32 = arith.constant 0 : i32
    %c0_i32_0 = arith.constant 0 : i32
    return %arg0, %c0_i32 : i32, i32
  }
  func.func @transform_1(%arg0: i32) -> (i32, i32) {
    %c0_i32 = arith.constant 0 : i32
    %c0_i32_0 = arith.constant 0 : i32
    return %arg0, %c0_i32 : i32, i32
  }
  func.func @transform_2(%arg0: i32) -> (i32, i32) {
    %add3A = arith.constant 40 : i32
    %add3A_0 = arith.addi %add3A, %arg0 : i32
    %c0_i32 = arith.constant 0 : i32
    %c0_i32_1 = arith.constant 0 : i32
    return %c0_i32, %add3A_0 : i32, i32
  }
  func.func @transform_3(%arg0: i32) -> (i32, i32) {
    %add3A = arith.constant 40 : i32
    %add3A_0 = arith.addi %add3A, %arg0 : i32
    %c0_i32 = arith.constant 0 : i32
    %c0_i32_1 = arith.constant 0 : i32
    return %c0_i32, %add3A_0 : i32, i32
  }
  func.func @transform_4(%arg0: i32) -> (i32, i32) {
    %c0_i32 = arith.constant 0 : i32
    %c0_i32_0 = arith.constant 0 : i32
    %c0_i32_1 = arith.constant 0 : i32
    return %c0_i32, %c0_i32_0 : i32, i32
  }
  func.func @transform_5(%arg0: i32) -> (i32, i32) {
    %c0_i32 = arith.constant 0 : i32
    %c0_i32_0 = arith.constant 0 : i32
    %c0_i32_1 = arith.constant 0 : i32
    return %c0_i32, %c0_i32_0 : i32, i32
  }
  func.func @transform_6(%arg0: i32) -> (i32, i32) {
    %c0_i32 = arith.constant 0 : i32
    %c0_i32_0 = arith.constant 0 : i32
    return %arg0, %c0_i32 : i32, i32
  }
}

module attributes {stable_mosaic.version = 14 : i64} {
  func.func @_final_body(%arg0: i32, %arg1: memref<2x2000x128xf32, #tpu.memory_space<vmem>>, %arg2: memref<2x2000x128xf32, #tpu.memory_space<vmem>>, %arg3: memref<2x2000x128xf32, #tpu.memory_space<vmem>>, %arg4: memref<2000x128xf32, #tpu.memory_space<vmem>>, %arg5: memref<32x32xf32, #tpu.memory_space<vmem>>, %arg6: memref<1x32xf32, #tpu.memory_space<vmem>>, %arg7: memref<96x96xf32, #tpu.memory_space<vmem>>, %arg8: memref<2000x128xf32, #tpu.memory_space<vmem>>) attributes {dimension_semantics = [#tpu.dimension_semantics<arbitrary>], iteration_bounds = array<i64: 5>, scalar_prefetch = 0 : i64, scratch_operands = 0 : i64, tpu.core_type = #tpu.core_type<tc>, window_params = [{transform_indices = @transform_0, window_bounds = array<i64: 2, 2000, 128>}, {transform_indices = @transform_1, window_bounds = array<i64: 2, 2000, 128>}, {transform_indices = @transform_2, window_bounds = array<i64: 2, 2000, 128>}, {transform_indices = @transform_3, window_bounds = array<i64: 2000, 128>}, {pipeline_mode = #tpu.pipeline_mode<synchronous>, transform_indices = @transform_4, window_bounds = array<i64: 32, 32>}, {pipeline_mode = #tpu.pipeline_mode<synchronous>, transform_indices = @transform_5, window_bounds = array<i64: 1, 32>}, {pipeline_mode = #tpu.pipeline_mode<synchronous>, transform_indices = @transform_6, window_bounds = array<i64: 96, 96>}, {transform_indices = @transform_7, window_bounds = array<i64: 2000, 128>}]} {
    %get3A = arith.constant 0 : index
    %get3A_0 = arith.constant 0 : index
    %get3A_1 = arith.constant 0 : index
    %get3A_2 = vector.load %arg1[%get3A, %get3A_0, %get3A_1] : memref<2x2000x128xf32, #tpu.memory_space<vmem>>, vector<2x2000x128xf32>
    %get3A_3 = arith.constant 0 : index
    %get3A_4 = arith.constant 0 : index
    %get3A_5 = arith.constant 0 : index
    %get3A_6 = vector.load %arg2[%get3A_3, %get3A_4, %get3A_5] : memref<2x2000x128xf32, #tpu.memory_space<vmem>>, vector<2x2000x128xf32>
    %get3A_7 = arith.constant 0 : index
    %get3A_8 = arith.constant 0 : index
    %get3A_9 = arith.constant 0 : index
    %get3A_10 = vector.load %arg3[%get3A_7, %get3A_8, %get3A_9] : memref<2x2000x128xf32, #tpu.memory_space<vmem>>, vector<2x2000x128xf32>
    %get3A_11 = arith.constant 0 : index
    %get3A_12 = arith.constant 0 : index
    %get3A_13 = vector.load %arg4[%get3A_11, %get3A_12] : memref<2000x128xf32, #tpu.memory_space<vmem>>, vector<2000x128xf32>
    %slice3A = vector.extract_strided_slice %get3A_2 {offsets = [0, 0, 0], sizes = [1, 2000, 128], strides = [1, 1, 1]} : vector<2x2000x128xf32> to vector<1x2000x128xf32>
    %squeeze3A = vector.shape_cast %slice3A : vector<1x2000x128xf32> to vector<2000x128xf32>
    %slice3A_14 = vector.extract_strided_slice %get3A_2 {offsets = [1, 0, 0], sizes = [1, 2000, 128], strides = [1, 1, 1]} : vector<2x2000x128xf32> to vector<1x2000x128xf32>
    %squeeze3A_15 = vector.shape_cast %slice3A_14 : vector<1x2000x128xf32> to vector<2000x128xf32>
    %add3A = arith.addf %squeeze3A, %squeeze3A_15 : vector<2000x128xf32>
    %slice3A_16 = vector.extract_strided_slice %get3A_10 {offsets = [0, 0, 0], sizes = [1, 2000, 128], strides = [1, 1, 1]} : vector<2x2000x128xf32> to vector<1x2000x128xf32>
    %squeeze3A_17 = vector.shape_cast %slice3A_16 : vector<1x2000x128xf32> to vector<2000x128xf32>
    %add3A_18 = arith.addf %add3A, %squeeze3A_17 : vector<2000x128xf32>
    %slice3A_19 = vector.extract_strided_slice %get3A_6 {offsets = [0, 0, 0], sizes = [1, 2000, 128], strides = [1, 1, 1]} : vector<2x2000x128xf32> to vector<1x2000x128xf32>
    %squeeze3A_20 = vector.shape_cast %slice3A_19 : vector<1x2000x128xf32> to vector<2000x128xf32>
    %slice3A_21 = vector.extract_strided_slice %get3A_6 {offsets = [1, 0, 0], sizes = [1, 2000, 128], strides = [1, 1, 1]} : vector<2x2000x128xf32> to vector<1x2000x128xf32>
    %squeeze3A_22 = vector.shape_cast %slice3A_21 : vector<1x2000x128xf32> to vector<2000x128xf32>
    %add3A_23 = arith.addf %squeeze3A_20, %squeeze3A_22 : vector<2000x128xf32>
    %slice3A_24 = vector.extract_strided_slice %get3A_10 {offsets = [1, 0, 0], sizes = [1, 2000, 128], strides = [1, 1, 1]} : vector<2x2000x128xf32> to vector<1x2000x128xf32>
    %squeeze3A_25 = vector.shape_cast %slice3A_24 : vector<1x2000x128xf32> to vector<2000x128xf32>
    %add3A_26 = arith.addf %add3A_23, %squeeze3A_25 : vector<2000x128xf32>
    %slice3A_27 = vector.extract_strided_slice %add3A_18 {offsets = [0, 0], sizes = [2000, 32], strides = [1, 1]} : vector<2000x128xf32> to vector<2000x32xf32>
    %slice3A_28 = vector.extract_strided_slice %add3A_26 {offsets = [0, 0], sizes = [2000, 32], strides = [1, 1]} : vector<2000x128xf32> to vector<2000x32xf32>
    %add3A_29 = arith.addf %slice3A_27, %slice3A_28 : vector<2000x32xf32>
    %slice3A_30 = vector.extract_strided_slice %get3A_13 {offsets = [0, 0], sizes = [2000, 32], strides = [1, 1]} : vector<2000x128xf32> to vector<2000x32xf32>
    %add3A_31 = arith.addf %add3A_29, %slice3A_30 : vector<2000x32xf32>
    %slice3A_32 = vector.extract_strided_slice %add3A_18 {offsets = [0, 32], sizes = [2000, 96], strides = [1, 1]} : vector<2000x128xf32> to vector<2000x96xf32>
    %slice3A_33 = vector.extract_strided_slice %add3A_26 {offsets = [0, 32], sizes = [2000, 96], strides = [1, 1]} : vector<2000x128xf32> to vector<2000x96xf32>
    %add3A_34 = arith.addf %slice3A_32, %slice3A_33 : vector<2000x96xf32>
    %slice3A_35 = vector.extract_strided_slice %get3A_13 {offsets = [0, 32], sizes = [2000, 96], strides = [1, 1]} : vector<2000x128xf32> to vector<2000x96xf32>
    %add3A_36 = arith.addf %add3A_34, %slice3A_35 : vector<2000x96xf32>
    %get3A_37 = arith.constant 0 : index
    %get3A_38 = arith.constant 0 : index
    %get3A_39 = vector.load %arg5[%get3A_37, %get3A_38] : memref<32x32xf32, #tpu.memory_space<vmem>>, vector<32x32xf32>
    %dot_general3A = arith.constant dense<0.000000e+00> : vector<2000x32xf32>
    %dot_general3A_40 = tpu.matmul %add3A_31, %get3A_39, %dot_general3A {dimension_numbers = #tpu.dot_dimension_numbers<[1], [0], [0], [1], [0, 0, 1, 1], [], []>, precision = #tpu.contract_precision<fp32>, transpose_lhs_hint = false} : vector<2000x32xf32>, vector<32x32xf32>, vector<2000x32xf32> -> vector<2000x32xf32>
    %get3A_41 = arith.constant 0 : index
    %get3A_42 = arith.constant 0 : index
    %get3A_43 = vector.load %arg6[%get3A_41, %get3A_42] : memref<1x32xf32, #tpu.memory_space<vmem>>, vector<1x32xf32>
    %add3A_44 = vector.broadcast %get3A_43 : vector<1x32xf32> to vector<2000x32xf32>
    %add3A_45 = arith.addf %dot_general3A_40, %add3A_44 : vector<2000x32xf32>
    %get3A_46 = arith.constant 0 : index
    %get3A_47 = arith.constant 0 : index
    %get3A_48 = vector.load %arg7[%get3A_46, %get3A_47] : memref<96x96xf32, #tpu.memory_space<vmem>>, vector<96x96xf32>
    %dot_general3A_49 = arith.constant dense<0.000000e+00> : vector<2000x96xf32>
    %dot_general3A_50 = tpu.matmul %add3A_36, %get3A_48, %dot_general3A_49 {dimension_numbers = #tpu.dot_dimension_numbers<[1], [0], [0], [1], [0, 0, 1, 1], [], []>, precision = #tpu.contract_precision<fp32>, transpose_lhs_hint = false} : vector<2000x96xf32>, vector<96x96xf32>, vector<2000x96xf32> -> vector<2000x96xf32>
    %concatenate3A = tpu.concatenate %add3A_45, %dot_general3A_50 in 1 : vector<2000x32xf32>, vector<2000x96xf32> -> vector<2000x128xf32>
    %swap3A = arith.constant 0 : index
    %swap3A_51 = arith.constant 0 : index
    %swap3A_52 = vector.load %arg8[%swap3A, %swap3A_51] : memref<2000x128xf32, #tpu.memory_space<vmem>>, vector<2000x128xf32>
    tpu.vector_store %arg8[%swap3A, %swap3A_51], %concatenate3A {strides = array<i32>} : memref<2000x128xf32, #tpu.memory_space<vmem>>, vector<2000x128xf32>,
    return
  }
  func.func @transform_0(%arg0: i32) -> (i32, i32, i32) {
    %c0_i32 = arith.constant 0 : i32
    %c0_i32_0 = arith.constant 0 : i32
    %c0_i32_1 = arith.constant 0 : i32
    return %c0_i32, %arg0, %c0_i32_0 : i32, i32, i32
  }
  func.func @transform_1(%arg0: i32) -> (i32, i32, i32) {
    %c0_i32 = arith.constant 0 : i32
    %c0_i32_0 = arith.constant 0 : i32
    %c0_i32_1 = arith.constant 0 : i32
    return %c0_i32, %arg0, %c0_i32_0 : i32, i32, i32
  }
  func.func @transform_2(%arg0: i32) -> (i32, i32, i32) {
    %c0_i32 = arith.constant 0 : i32
    %c0_i32_0 = arith.constant 0 : i32
    %c0_i32_1 = arith.constant 0 : i32
    return %c0_i32, %arg0, %c0_i32_0 : i32, i32, i32
  }
  func.func @transform_3(%arg0: i32) -> (i32, i32) {
    %c0_i32 = arith.constant 0 : i32
    %c0_i32_0 = arith.constant 0 : i32
    return %arg0, %c0_i32 : i32, i32
  }
  func.func @transform_4(%arg0: i32) -> (i32, i32) {
    %c0_i32 = arith.constant 0 : i32
    %c0_i32_0 = arith.constant 0 : i32
    %c0_i32_1 = arith.constant 0 : i32
    return %c0_i32, %c0_i32_0 : i32, i32
  }
  func.func @transform_5(%arg0: i32) -> (i32, i32) {
    %c0_i32 = arith.constant 0 : i32
    %c0_i32_0 = arith.constant 0 : i32
    %c0_i32_1 = arith.constant 0 : i32
    return %c0_i32, %c0_i32_0 : i32, i32
  }
  func.func @transform_6(%arg0: i32) -> (i32, i32) {
    %c0_i32 = arith.constant 0 : i32
    %c0_i32_0 = arith.constant 0 : i32
    %c0_i32_1 = arith.constant 0 : i32
    return %c0_i32, %c0_i32_0 : i32, i32
  }
  func.func @transform_7(%arg0: i32) -> (i32, i32) {
    %c0_i32 = arith.constant 0 : i32
    %c0_i32_0 = arith.constant 0 : i32
    return %arg0, %c0_i32 : i32, i32
  }
}

</mosaic_0001>

<sc_bundles>
// kernel: kernel.18.cloned.1.call-start
scs
__scs_entry_jumppad:
0x0: {  	(pc) =	sbr.rel $0x88, $3  }
0x1: {  	(tag) =	ssettag $0x0;
	lr =	simm.s32 $0x1  }
0x2: {  	[smem:$0x3F8C] =	sst lr;
	_ =	strace $0xD0000000  }
0x3: {  	_ = 	snop  }
0x4: {  	_ = 	snop  }
0x5: {  	_ = 	snop  }
0x6: {  	_ = 	snop  }
0x7: {  	_ = 	snop  }
__scs_overlays_trampoline_lowered:
0x8: {  	[smem:$0x3F9B] =	sst s0  }
0x9: {  	[smem:$0x3F9C] =	sst s1  }
0xa: {  	[smem:$0x3F9D] =	sst s2  }
0xb: {  	[smem:$0x3F9E] =	sst s3  }
0xc: {  	[smem:$0x3F9F] =	sst s4  }
0xd: {  	[smem:$0x3FA0] =	sst s5  }
0xe: {  	[smem:$0x3FA1] =	sst s6  }
0xf: {  	[smem:$0x3FA2] =	sst s7  }
0x10: {  	[smem:$0x3FA3] =	sst s8  }
0x11: {  	[smem:$0x3FA4] =	sst s9;
	s0 =	simm.s32 @!p0 $0x0  }
0x12: {  	s1 =	sld [smem:$0x3F8A];
	s0 =	simm.s32 @p0 $0x1  }
0x13: {  	[smem:$0x3FA5] =	sst s0;
	s0 =	simm.s32 @!p1 $0x0  }
0x14: {  	s2 =	sld [smem:$0x3F89];
	s0 =	simm.s32 @p1 $0x1  }
0x15: {  	[smem:$0x3FA6] =	sst s0;
	s0 =	simm.s32 @!p2 $0x0  }
0x16: {  	s3 =	sld [smem:$0x3FDB];
	s0 =	simm.s32 @p2 $0x1  }
0x17: {  	s4 =	simm.s32 $0x1BF5;
	[smem:$0x3FA8] =	sst s0  }
0x18: {  	s0 =	sld [smem:$0x3F8B];
	_ =	swait.ge [sflag:s4], $0x0  }
0x19: {  	s7 =	sld [smem:$0x3F8C]  }
0x1a: {  	s8 =	sadd.s32 $0xFFFFE003, lr  }
0x1b: {  	s9 =	sadd.s32 $0xFFFFFEF7, lr;
	s5 =	simm.s32 $0xFFFFFFFF;
	p2 =	slt.u32 s8, $0xFFFFF086  }
0x1c: {  	p1 =	slt.u32 s9, $0xF7A;
	s5 =	simm.s32 @!p2 $0x0  }
0x1d: {  	s5 =	simm.s32 @p1 $0x1;
	p0 =	seq.s32 s7, s2  }
0x1e: {  	s7 =	smul.u32 @!p0 $0xF7A, s2;
	p2 =	seq.s32 @!p0 s5, $0x0  }
0x1f: {  	s9 =	smul.u32 $0xF7A, s1;
	s8 =	simm.s32 @!p0 $0x1BF5;
	p2 =	por !p2, p0  }
0x20: {  	[sflag:s8] =	ssyncset.s32 @!p0 $0xFFFFF086;
	s6 =	sadd.s32 @!p0 s3, s7;
	s7 =	simm.s32 @!p0 $0x108  }
0x21: {  	s3 =	sadd.s32 s3, s9;
	s6 =	sadd.s32 @!p0 $0x88, s6;
	s7 =	simm.s32 @p2 $0x1082  }
0x22: {  	[simem:s7], [sflag:s8] =	dma.local @!p0 [hbm:s6], $0xF7A  }
0x23: {  	s9 =	sor.u32 $0xD0000000, s2;
	s6 =	simm.s32 $0x108;
	_ =	swait.ge @!p0 [sflag:s8], $0x0  }
0x24: {  	s3 =	sadd.s32 $0x88, s3;
	s6 =	simm.s32 @!p1 $0x1082;
	[sflag:s4] =	ssyncset.s32 $0xFFFFF086  }
0x25: {  	[simem:s6], [sflag:s4] =	dma.local [hbm:s3], $0xF7A  }
0x26: {  	[smem:$0x3F8C] =	sst s1;
	(tag) =	ssettag s2;
	_ =	strace s9  }
0x27: {  	s1 =	sld [smem:$0x3F9C]  }
0x28: {  	s2 =	sld [smem:$0x3F9D]  }
0x29: {  	s4 =	sld [smem:$0x3F9F]  }
0x2a: {  	p0 =	seq.s32 s5, $0x0;
	s5 =	sld [smem:$0x3FA0]  }
0x2b: {  	s6 =	sld [smem:$0x3FA1]  }
0x2c: {  	s7 =	sld [smem:$0x3FA2]  }
0x2d: {  	s3 =	simm.s32 $0x108;
	s8 =	sld [smem:$0x3FA3]  }
0x2e: {  	s3 =	simm.s32 @!p0 $0x1082;
	s9 =	sld [smem:$0x3FA4]  }
0x2f: {  	lr =	sadd.s32 s0, s3;
	s0 =	sld [smem:$0x3F9B]  }
0x30: {  	s3 =	sld [smem:$0x3F9E]  }
0x31: {  	[smem:$0x3FA7] =	sst s10  }
0x32: {  	s10 =	sld [smem:$0x3FA5];
	_ =	sdelay $0x3  }
0x33: {  	p0 =	seq.s32 s10, $0x1;
	s10 =	sld [smem:$0x3FA7];
	_ =	sdelay $0x3  }
0x34: {  	[smem:$0x3FA7] =	sst s10  }
0x35: {  	s10 =	sld [smem:$0x3FA6];
	_ =	sdelay $0x3  }
0x36: {  	p1 =	seq.s32 s10, $0x1;
	s10 =	sld [smem:$0x3FA7];
	_ =	sdelay $0x3  }
0x37: {  	[smem:$0x3FA7] =	sst s10  }
0x38: {  	s10 =	sld [smem:$0x3FA8]  }
0x39: {  	_ = 	snop;
	(pc) =	sbr.ind lr, $3  }
0x3a: {  	_ = 	snop  }
0x3b: {  	_ = 	snop  }
0x3c: {  	p2 =	seq.s32 s10, $0x1;
	s10 =	sld [smem:$0x3FA7]  }
0x3d: {  	_ =	shalt  }
0x3e: {  	_ =	shalt  }
0x3f: {  	_ =	shalt  }
0x40: {  	_ =	shalt  }
0x41: {  	_ =	shalt  }
0x42: {  	_ =	shalt  }
0x43: {  	_ =	shalt  }
0x44: {  	_ =	shalt  }
0x45: {  	_ =	shalt  }
0x46: {  	_ =	shalt  }
0x47: {  	_ =	shalt  }
0x48: {  	_ =	shalt  }
0x49: {  	_ =	shalt  }
0x4a: {  	_ =	shalt  }
0x4b: {  	_ =	shalt  }
0x4c: {  	_ =	shalt  }
0x4d: {  	_ =	shalt  }
0x4e: {  	_ =	shalt  }
0x4f: {  	_ =	shalt  }
0x50: {  	_ =	shalt  }
0x51: {  	_ =	shalt  }
0x52: {  	_ =	shalt  }
0x53: {  	_ =	shalt  }
0x54: {  	_ =	shalt  }
0x55: {  	_ =	shalt  }
0x56: {  	_ =	shalt  }
0x57: {  	_ =	shalt  }
0x58: {  	_ =	shalt  }
0x59: {  	_ =	shalt  }
0x5a: {  	_ =	shalt  }
0x5b: {  	_ =	shalt  }
0x5c: {  	_ =	shalt  }
0x5d: {  	_ =	shalt  }
0x5e: {  	_ =	shalt  }
0x5f: {  	_ =	shalt  }
0x60: {  	_ =	shalt  }
0x61: {  	_ =	shalt  }
0x62: {  	_ =	shalt  }
0x63: {  	_ =	shalt  }
0x64: {  	_ =	shalt  }
0x65: {  	_ =	shalt  }
0x66: {  	_ =	shalt  }
0x67: {  	_ =	shalt  }
0x68: {  	_ =	shalt  }
0x69: {  	_ =	shalt  }
0x6a: {  	_ =	shalt  }
0x6b: {  	_ =	shalt  }
0x6c: {  	_ =	shalt  }
0x6d: {  	_ =	shalt  }
0x6e: {  	_ =	shalt  }
0x6f: {  	_ =	shalt  }
0x70: {  	_ =	shalt  }
0x71: {  	_ =	shalt  }
0x72: {  	_ =	shalt  }
0x73: {  	_ =	shalt  }
0x74: {  	_ =	shalt  }
0x75: {  	_ =	shalt  }
0x76: {  	_ =	shalt  }
0x77: {  	_ =	shalt  }
0x78: {  	_ =	shalt  }
0x79: {  	_ =	shalt  }
0x7a: {  	_ =	shalt  }
0x7b: {  	_ =	shalt  }
0x7c: {  	_ =	shalt  }
0x7d: {  	_ =	shalt  }
0x7e: {  	_ =	shalt  }
0x7f: {  	_ =	shalt  }
0x80: {  	_ =	shalt  }
0x81: {  	_ =	shalt  }
0x82: {  	_ =	shalt  }
0x83: {  	_ =	shalt  }
0x84: {  	_ =	shalt  }
0x85: {  	_ =	shalt  }
0x86: {  	_ =	shalt  }
0x87: {  	_ =	shalt  }
.Lfunc_end0:
.L_simem_size_0:
called_computation_lowered:
.L_overlay_start_0:
0x88: {  	s2 =	sld [smem:$0x3FD9]  }
0x89: {  	s3 =	sld [smem:$0x3FFE];
	_ =	sdelay $0x1  }
0x8a: {  	s1 =	srdreg.scid  }
0x8b: {  	s0 =	sand.u32 $0x1, s1  }
0x8c: {  	s17 =	sshll.u32 s0, $0xA;
	s2 =	sadd.s32 s3, s2  }
0x8d: {  	s2 =	sadd.s32 s2, s17  }
0x8e: {  	[smem:$0x3FB3] =	sst s2  }
0x8f: {  	_ = 	snop  }
0x90: {  	s18 =	sld [smem:$0x3FD0];
	(tm) =	ssettm $0x1  }
0x91: {  	s19 =	sld [smem:$0x3FFB];
	_ =	sdelay $0x3  }
0x92: {  	_ =	strace s19  }
0x93: {  	s2 =	sld [smem:$0x3FFC];
	_ =	sdelay $0x3  }
0x94: {  	_ =	strace s2  }
0x95: {  	s2 =	sld [smem:$0x3FFD];
	_ =	sdelay $0x3  }
0x96: {  	_ =	strace s2  }
0x97: {  	_ =	strace $0x8FFFFFFF  }
0x98: {  	s20 =	sld [smem:$0x3FDB];
	_ =	sdelay $0x1  }
0x99: {  	s4 =	simm.s32 $_scs_section_size  }
0x9a: {  	s5 =	simm.s32 $_size__tile_overlayer_lowered;
	s6 =	simm.s32 $_tile_overlayer_lowered  }
0x9b: {  	s7 =	simm.s32 $0x1BFF;
	s21 =	sshll.u32 s6, $0x1;
	s4 =	sadd.s32 s4, s20  }
0x9c: {  	s22 =	simm.s32 $0x0;
	s5 =	sshll.u32 s5, $0x1;
	s6 =	sadd.s32 s21, s4  }
0x9d: {  	[timem:s22], [sflag:s7] =	dma.local [hbm:s6], s5  }
0x9e: {  	_ =	swait.ge [sflag:s7], s5  }
0x9f: {  	s5 =	ssub.s32 $0x0, s5;
	[sflag:s7] =	ssyncset.done $0x0  }
0xa0: {  	[sflag:s7] =	ssyncadd.s32 s5;
	_ =	sdelay $0x1  }
0xa1: {  	s23 =	simm.s32 $0x1B8B  }
0xa2: {  	_ =	swait.ge [sflag:s23], $0x1  }
0xa3: {  	[sflag:s23] =	ssyncset.done $0x0  }
0xa4: {  	[sflag:s23] =	ssyncadd.s32 $0xFFFFFFFF  }
0xa5: {  	s5 =	sld [smem:$0x0]  }
0xa6: {  	s6 =	sand.u32 $0xFFFFFFFE, s1  }
0xa7: {  	p0 =	sne.s32 s1, s6  }
0xa8: {  	s6 =	sshll.u32 @p0 s6, $0xE  }
0xa9: {  	s6 =	sadd.s32 @p0 $0x11B8D, s6;
	s7 =	sshll.u32 @p0 s5, $0x11  }
0xaa: {  	s6 =	sor.u32 @p0 s7, s6  }
0xab: {  	[sflag:s6] =	ssyncadd.remote.s32 @p0 $0x1;
	_ =	sdelay $0x1  }
0xac: {  	s6 =	simm.s32 @p0 $0x1B8D  }
0xad: {  	_ =	swait.eq @p0 [sflag:s6], $0x1  }
0xae: {  	[sflag:s6] =	ssyncadd.s32 @p0 $0xFFFFFFFF  }
0xaf: {  	s7 =	sshll.u32 @!p0 s1, $0xE  }
0xb0: {  	s7 =	sor.u32 @!p0 $0x4000, s7;
	s6 =	simm.s32 @!p0 $0x1B8D  }
0xb1: {  	s5 =	sshll.u32 @!p0 s5, $0x11;
	s7 =	sadd.s32 @!p0 $0x11B8D, s7;
	_ =	swait.eq @!p0 [sflag:s6], $0x1  }
0xb2: {  	s5 =	sor.u32 @!p0 s5, s7;
	[sflag:s6] =	ssyncadd.s32 @!p0 $0xFFFFFFFF  }
0xb3: {  	s25 =	simm.s32 $0x1B8E;
	s24 =	sld [smem:$0x3FFE];
	[sflag:s5] =	ssyncadd.remote.s32 @!p0 $0x1  }
0xb4: {  	s26 =	simm.s32 $execute0_lowered;
	[smem:$0x3FD2] =	sst s25  }
0xb5: {  	s6 =	sshll.u32 s26, $0x1;
	_ =	strace $0x8000004F;
	[dreg:$0x1] =	wrdreg $0xFFFFFFFF  }
0xb6: {  	s28 =	simm.s32 $_size_execute0_lowered;
	s4 =	sadd.s32 s4, s6;
	[dreg:$0x0] =	wrdreg $0x0  }
0xb7: {  	s6 =	sshll.u32 s28, $0x1;
	[dreg:$0x2] =	wrdreg s4  }
0xb8: {  	[dreg:$0x3] =	wrdreg s6  }
0xb9: {  	[dreg:$0x4] =	wrdreg $0xC0  }
0xba: {  	_ =	task [dreg:s22], $0x5FFFF  }
0xbb: {  	[dreg:$0x1] =	wrdreg $0xFFFFFFFF  }
0xbc: {  	[dreg:$0x0] =	wrdreg $0x60  }
0xbd: {  	[dreg:$0x2] =	wrdreg s18  }
0xbe: {  	[dreg:$0x3] =	wrdreg s24  }
0xbf: {  	[dreg:$0x4] =	wrdreg $0xA  }
0xc0: {  	_ =	task.clear_ibuf [dreg:s22], $0x5FFFF;
	_ =	strace $0x9000004F  }
0xc1: {  	s29 =	simm.s32 $0xA;
	_ =	strace $0x80000051  }
0xc2: {  	_ =	swait.ge [sflag:s29], $0x1  }
0xc3: {  	[sflag:s29] =	ssyncadd.s32 $0xFFFFFFFF  }
0xc4: {  	_ =	strace $0x90000051  }
0xc5: {  	_ =	sfence  }
0xc6: {  	s30 =	sld [smem:$0x0];
	_ =	sdelay $0x2  }
0xc7: {  	s31 =	sshll.u32 s1, $0xD;
	s1 =	sshrl.u32 s1, $0x2  }
0xc8: {  	s4 =	sand.u32 $0x4000, s31;
	s1 =	sadd.s32 s1, s30  }
0xc9: {  	s0 =	sor.u32 s4, s0;
	s1 =	sshll.u32 s1, $0x11  }
0xca: {  	s0 =	sor.u32 s1, s0  }
0xcb: {  	s0 =	sadd.s32 $0x8F2B, s0  }
0xcc: {  	[sflag:s0] =	ssyncadd.remote.s32 $0x1  }
0xcd: {  	_ =	sfence.sel $0xFFFF  }
0xce: {  	[dreg:$0x0] =	wrdreg $0xFFFFFFFF;
	(pc) =	sbr.abs _section_cstart, $3  }
0xcf: {  	[dreg:$0x1] =	wrdreg $0xFFFFFFFF  }
0xd0: {  	_ =	task.clear_ibuf [dreg:s22], $0x2FFFF;
	_ =	strace $0x9FFFFFFF  }
0xd1: {  	(tm) =	ssettm $0x7FFFFFFF  }
tec
execute0_lowered:
.L_overlay_start_1:
0x0: {  	(tag) =	ssettag $0x1  }
0x1: {  	s1 =	rddreg [dreg:$0x0]  }
0x2: {  	s4 =	rddreg [dreg:$0x1]  }
0x3: {  	s0 =	rddreg [dreg:$0x2]  }
0x4: {  	s3 =	simm.s32 $0x0;
	s5 =	srdreg.scid;
	s2 =	stileid.u32  }
0x5: {  	s9 =	simm.s32 $0x3;
	s10 =	simm.s32 $0x1000;
	s11 =	simm.s32 $0x50  }
0x6: {  	s12 =	simm.s32 $0x2000;
	s13 =	simm.s32 $0x4800;
	s14 =	simm.s32 $0x1  }
0x7: {  	s15 =	simm.s32 $0x2;
	s16 =	simm.s32 $0x0;
	[smem:$0x7FF] =	sst s3  }
0x8: {  	s5 =	sand.u32 $0x1, s5;
	s6 =	sshll.u32 s2, $0xA;
	s8 =	smul.u32 $0xFA00, s2  }
0x9: {  	_ =	strace $0x80000050;
	s7 =	sshll.u32 s5, $0x9;
	s30 =	ssub.s32 $0x2, s5  }
0xa: {  	s5 =	smul.u32 $0x7D00, s5;
	s6 =	sor.u32 s7, s6;
	s31 =	sshrl.u32 s30, $0x1  }
0xb: {  	s8 =	sadd.s32 s8, s4;
	s6 =	sadd.s32 s6, s4;
	s7 =	ssub.s32 s30, s31  }
0xc: {  	s8 =	sadd.s32 s5, s8;
	s4 =	sadd.s32 $0x7200, s6;
	s5 =	sadd.s32 $0x1B200, s6  }
0xd: {  	s6 =	smax.u32 s7, $0x1;
	s7 =	sadd.s32 $0x60B200, s8;
	s8 =	sadd.s32 $0x705200, s8  }
.LBB2_1:
0xe: {  	[tilespmem:s3], [sflag:$0x3] =	stream.linear.gather [hbm4b:s4+s3], $0xC80, $0x38;
	[tilespmem:$0x7000] =	vst v63  }
0xf: {  	_ =	swait.ge [sflag:s9], $0xC80  }
0x10: {  	[sflag:s9] =	ssyncset.done $0x0  }
0x11: {  	[sflag:s9] =	ssyncadd.s32 $0xFFFFF380  }
0x12: {  	[tilespmem:s10], [sflag:$0x3] =	stream.linear.gather [hbm4b:s5+s3], $0xC80, $0x38;
	[tilespmem:$0x7000] =	vst v63  }
0x13: {  	_ =	swait.ge [sflag:s9], $0xC80  }
0x14: {  	[sflag:s9] =	ssyncset.done $0x0  }
0x15: {  	s17 =	simm.s32 $0x0;
	[sflag:s9] =	ssyncadd.s32 $0xFFFFF380  }
0x16: {  	[tilespmem:s12], [sflag:$0x1] =	stream.indirect.gather [hbm4b:s1+s11], $0x80, s17, s11, $0xb8;
	[tilespmem:$0x7000] =	vst v63  }
0x17: {  	s31 =	simm.s32 $0x1000  }
0x18: {  	[tilespmem:s13], [sflag:$0x2] =	stream.indirect.gather [hbm4b:s1+s11], $0x80, s31, s11, $0xb8;
	[tilespmem:$0x7000] =	vst v63  }
0x19: {  	_ =	swait.ge [sflag:s14], $0x2800  }
0x1a: {  	[sflag:s14] =	ssyncset.done $0x0  }
0x1b: {  	[sflag:s14] =	ssyncadd.s32 $0xFFFFD800  }
0x1c: {  	_ =	swait.ge [sflag:s15], $0x2800  }
0x1d: {  	[sflag:s15] =	ssyncset.done $0x0  }
0x1e: {  	[sflag:s15] =	ssyncadd.s32 $0xFFFFD800  }
0x1f: {  	[hbm4b:s7+s3] =	stream.linear.scatter [tilespmem:s12], [sflag:$0x3], $0x2800, $0x38;
	[tilespmem:$0x7000] =	vst v63  }
0x20: {  	_ =	swait.ge [sflag:s9], $0x2800  }
0x21: {  	[sflag:s9] =	ssyncset.done $0x0  }
0x22: {  	[sflag:s9] =	ssyncadd.s32 $0xFFFFD800  }
0x23: {  	[hbm4b:s8+s3] =	stream.linear.scatter [tilespmem:s13], [sflag:$0x3], $0x2800, $0x38;
	[tilespmem:$0x7000] =	vst v63  }
0x24: {  	s19 =	simm.s32 $0x200;
	s20 =	simm.s32 $0x400;
	_ =	swait.ge [sflag:s9], $0x2800  }
0x25: {  	s18 =	sadd.s32 $0x500, s7;
	s17 =	sadd.s32 $0x500, s8;
	[sflag:s9] =	ssyncset.done $0x0  }
.LBB2_2:
0x26: {  	s21 =	sshra.s32 s19, $0x2  }
0x27: {  	[sflag:s9] =	ssyncadd.s32 $0xFFFFD800;
	s19 =	smov.u32 s20;
	s22 =	sadd.s32 $0x200, s20  }
0x28: {  	[tilespmem:s12], [sflag:$0x1] =	stream.indirect.gather [hbm4b:s1+s11], $0x80, s21, s11, $0xb8;
	[tilespmem:$0x7000] =	vst v63  }
0x29: {  	p0 =	sne.s32 s20, $0x3000;
	s20 =	sadd.s32 $0x1000, s21  }
0x2a: {  	[tilespmem:s13], [sflag:$0x2] =	stream.indirect.gather [hbm4b:s1+s11], $0x80, s20, s11, $0xb8;
	[tilespmem:$0x7000] =	vst v63  }
0x2b: {  	_ =	swait.ge [sflag:s14], $0x2800  }
0x2c: {  	[sflag:s14] =	ssyncset.done $0x0  }
0x2d: {  	[sflag:s14] =	ssyncadd.s32 $0xFFFFD800  }
0x2e: {  	_ =	swait.ge [sflag:s15], $0x2800  }
0x2f: {  	[sflag:s15] =	ssyncset.done $0x0  }
0x30: {  	[sflag:s15] =	ssyncadd.s32 $0xFFFFD800  }
0x31: {  	[hbm4b:s18+s3] =	stream.linear.scatter [tilespmem:s12], [sflag:$0x3], $0x2800, $0x38;
	[tilespmem:$0x7000] =	vst v63  }
0x32: {  	_ =	swait.ge [sflag:s9], $0x2800  }
.Ltmp0:
0x33: {  	[sflag:s9] =	ssyncset.done $0x0;
	(pc) =	sbr.rel @p0 .LBB2_2-.Ltmp0, $4  }
0x34: {  	[sflag:s9] =	ssyncadd.s32 $0xFFFFD800  }
0x35: {  	[hbm4b:s17+s3] =	stream.linear.scatter [tilespmem:s13], [sflag:$0x3], $0x2800, $0x38;
	[tilespmem:$0x7000] =	vst v63  }
0x36: {  	s20 =	smov.u32 s22;
	_ =	swait.ge [sflag:s9], $0x2800  }
0x37: {  	s18 =	sadd.s32 $0x500, s18;
	s17 =	sadd.s32 $0x500, s17;
	[sflag:s9] =	ssyncset.done $0x0  }
0x38: {  	s19 =	sshra.s32 s19, $0x2;
	[sflag:s9] =	ssyncadd.s32 $0xFFFFD800  }
0x39: {  	[tilespmem:s12], [sflag:$0x1] =	stream.indirect.gather [hbm4b:s1+s11], $0x80, s19, s11, $0xb8;
	[tilespmem:$0x7000] =	vst v63  }
0x3a: {  	s19 =	sadd.s32 $0x1000, s19  }
0x3b: {  	[tilespmem:s13], [sflag:$0x2] =	stream.indirect.gather [hbm4b:s1+s11], $0x80, s19, s11, $0xb8;
	[tilespmem:$0x7000] =	vst v63  }
0x3c: {  	_ =	swait.ge [sflag:s14], $0x2800  }
0x3d: {  	[sflag:s14] =	ssyncset.done $0x0  }
0x3e: {  	[sflag:s14] =	ssyncadd.s32 $0xFFFFD800  }
0x3f: {  	_ =	swait.ge [sflag:s15], $0x2800  }
0x40: {  	[sflag:s15] =	ssyncset.done $0x0  }
0x41: {  	[sflag:s15] =	ssyncadd.s32 $0xFFFFD800  }
0x42: {  	[hbm4b:s18+s3] =	stream.linear.scatter [tilespmem:s12], [sflag:$0x3], $0x2800, $0x38;
	[tilespmem:$0x7000] =	vst v63  }
0x43: {  	s16 =	sadd.s32 $0x1, s16;
	_ =	swait.ge [sflag:s9], $0x2800  }
0x44: {  	p0 =	sne.s32 s16, s6;
	[sflag:s9] =	ssyncset.done $0x0  }
.Ltmp1:
0x45: {  	[sflag:s9] =	ssyncadd.s32 $0xFFFFD800;
	(pc) =	sbr.rel @p0 .LBB2_1-.Ltmp1, $4  }
0x46: {  	[hbm4b:s17+s3] =	stream.linear.scatter [tilespmem:s13], [sflag:$0x3], $0x2800, $0x38;
	[tilespmem:$0x7000] =	vst v63  }
0x47: {  	_ =	swait.ge [sflag:s9], $0x2800  }
0x48: {  	[sflag:s9] =	ssyncset.done $0x0  }
0x49: {  	[sflag:s9] =	ssyncadd.s32 $0xFFFFD800  }
0x4a: {  	_ =	sfence.sel $0x180000  }
0x4b: {  	[bflag:$0x0] =	sbarrier.arrive $0xFFFF  }
0x4c: {  	p0 =	sne.s32 s2, $0x0;
	_ =	strace $0x90000050  }
0x4d: {  	s0 =	sadd.s32 @!p0 $0x100000, s0;
	[bflag:$0x2] =	sbarrier.arrive $0xFFFF  }
0x4e: {  	[sflag:s0] =	ssyncadd.tile.s32 @!p0 $0x1;
	_ =	shalt  }
.Lfunc_end2:
_tile_overlayer_lowered:
.L_overlay_start_2:
0x4f: {  	(tag) =	ssettag $0x2  }
0x50: {  	s0 =	rddreg [dreg:$0x0];
	s2 =	stileid.u32  }
0x51: {  	s1 =	rddreg [dreg:$0x1];
	p0 =	sne.s32 s2, $0x0  }
0x52: {  	s3 =	rddreg [dreg:$0x2];
	[bflag:$0x3] =	sbarrier.arrive $0xFFFF;
	s2 =	simm.s32 @!p0 $0x1C03  }
0x53: {  	[timem:s3], [sflag:s2] =	dma.local @!p0 [hbm:s0], s1  }
0x54: {  	s0 =	simm.s32 @!p0 $0x3  }
0x55: {  	_ =	swait.ge @!p0 [sflag:s0], s1  }
0x56: {  	s1 =	ssub.s32 @!p0 $0x0, s1;
	[sflag:s0] =	ssyncset.done @!p0 $0x0  }
0x57: {  	[sflag:s0] =	ssyncadd.s32 @!p0 s1  }
0x58: {  	[bflag:$0x3] =	sbarrier.arrive $0xFFFF  }
0x59: {  	_ =	shalt  }

// kernel: kernel.21.cloned.1.call-start
scs
__scs_entry_jumppad:
0x0: {  	(pc) =	sbr.rel $0x88, $3  }
0x1: {  	(tag) =	ssettag $0x0;
	lr =	simm.s32 $0x1  }
0x2: {  	[smem:$0x3F8C] =	sst lr;
	_ =	strace $0xD0000000  }
0x3: {  	_ = 	snop  }
0x4: {  	_ = 	snop  }
0x5: {  	_ = 	snop  }
0x6: {  	_ = 	snop  }
0x7: {  	_ = 	snop  }
__scs_overlays_trampoline_lowered:
0x8: {  	[smem:$0x3F9B] =	sst s0  }
0x9: {  	[smem:$0x3F9C] =	sst s1  }
0xa: {  	[smem:$0x3F9D] =	sst s2  }
0xb: {  	[smem:$0x3F9E] =	sst s3  }
0xc: {  	[smem:$0x3F9F] =	sst s4  }
0xd: {  	[smem:$0x3FA0] =	sst s5  }
0xe: {  	[smem:$0x3FA1] =	sst s6  }
0xf: {  	[smem:$0x3FA2] =	sst s7  }
0x10: {  	[smem:$0x3FA3] =	sst s8  }
0x11: {  	[smem:$0x3FA4] =	sst s9;
	s0 =	simm.s32 @!p0 $0x0  }
0x12: {  	s1 =	sld [smem:$0x3F8A];
	s0 =	simm.s32 @p0 $0x1  }
0x13: {  	[smem:$0x3FA5] =	sst s0;
	s0 =	simm.s32 @!p1 $0x0  }
0x14: {  	s2 =	sld [smem:$0x3F89];
	s0 =	simm.s32 @p1 $0x1  }
0x15: {  	[smem:$0x3FA6] =	sst s0;
	s0 =	simm.s32 @!p2 $0x0  }
0x16: {  	s3 =	sld [smem:$0x3FDB];
	s0 =	simm.s32 @p2 $0x1  }
0x17: {  	s4 =	simm.s32 $0x1BF5;
	[smem:$0x3FA8] =	sst s0  }
0x18: {  	s0 =	sld [smem:$0x3F8B];
	_ =	swait.ge [sflag:s4], $0x0  }
0x19: {  	s7 =	sld [smem:$0x3F8C]  }
0x1a: {  	s8 =	sadd.s32 $0xFFFFE003, lr  }
0x1b: {  	s9 =	sadd.s32 $0xFFFFFEF7, lr;
	s5 =	simm.s32 $0xFFFFFFFF;
	p2 =	slt.u32 s8, $0xFFFFF086  }
0x1c: {  	p1 =	slt.u32 s9, $0xF7A;
	s5 =	simm.s32 @!p2 $0x0  }
0x1d: {  	s5 =	simm.s32 @p1 $0x1;
	p0 =	seq.s32 s7, s2  }
0x1e: {  	s7 =	smul.u32 @!p0 $0xF7A, s2;
	p2 =	seq.s32 @!p0 s5, $0x0  }
0x1f: {  	s9 =	smul.u32 $0xF7A, s1;
	s8 =	simm.s32 @!p0 $0x1BF5;
	p2 =	por !p2, p0  }
0x20: {  	[sflag:s8] =	ssyncset.s32 @!p0 $0xFFFFF086;
	s6 =	sadd.s32 @!p0 s3, s7;
	s7 =	simm.s32 @!p0 $0x108  }
0x21: {  	s3 =	sadd.s32 s3, s9;
	s6 =	sadd.s32 @!p0 $0x88, s6;
	s7 =	simm.s32 @p2 $0x1082  }
0x22: {  	[simem:s7], [sflag:s8] =	dma.local @!p0 [hbm:s6], $0xF7A  }
0x23: {  	s9 =	sor.u32 $0xD0000000, s2;
	s6 =	simm.s32 $0x108;
	_ =	swait.ge @!p0 [sflag:s8], $0x0  }
0x24: {  	s3 =	sadd.s32 $0x88, s3;
	s6 =	simm.s32 @!p1 $0x1082;
	[sflag:s4] =	ssyncset.s32 $0xFFFFF086  }
0x25: {  	[simem:s6], [sflag:s4] =	dma.local [hbm:s3], $0xF7A  }
0x26: {  	[smem:$0x3F8C] =	sst s1;
	(tag) =	ssettag s2;
	_ =	strace s9  }
0x27: {  	s1 =	sld [smem:$0x3F9C]  }
0x28: {  	s2 =	sld [smem:$0x3F9D]  }
0x29: {  	s4 =	sld [smem:$0x3F9F]  }
0x2a: {  	p0 =	seq.s32 s5, $0x0;
	s5 =	sld [smem:$0x3FA0]  }
0x2b: {  	s6 =	sld [smem:$0x3FA1]  }
0x2c: {  	s7 =	sld [smem:$0x3FA2]  }
0x2d: {  	s3 =	simm.s32 $0x108;
	s8 =	sld [smem:$0x3FA3]  }
0x2e: {  	s3 =	simm.s32 @!p0 $0x1082;
	s9 =	sld [smem:$0x3FA4]  }
0x2f: {  	lr =	sadd.s32 s0, s3;
	s0 =	sld [smem:$0x3F9B]  }
0x30: {  	s3 =	sld [smem:$0x3F9E]  }
0x31: {  	[smem:$0x3FA7] =	sst s10  }
0x32: {  	s10 =	sld [smem:$0x3FA5];
	_ =	sdelay $0x3  }
0x33: {  	p0 =	seq.s32 s10, $0x1;
	s10 =	sld [smem:$0x3FA7];
	_ =	sdelay $0x3  }
0x34: {  	[smem:$0x3FA7] =	sst s10  }
0x35: {  	s10 =	sld [smem:$0x3FA6];
	_ =	sdelay $0x3  }
0x36: {  	p1 =	seq.s32 s10, $0x1;
	s10 =	sld [smem:$0x3FA7];
	_ =	sdelay $0x3  }
0x37: {  	[smem:$0x3FA7] =	sst s10  }
0x38: {  	s10 =	sld [smem:$0x3FA8]  }
0x39: {  	_ = 	snop;
	(pc) =	sbr.ind lr, $3  }
0x3a: {  	_ = 	snop  }
0x3b: {  	_ = 	snop  }
0x3c: {  	p2 =	seq.s32 s10, $0x1;
	s10 =	sld [smem:$0x3FA7]  }
0x3d: {  	_ =	shalt  }
0x3e: {  	_ =	shalt  }
0x3f: {  	_ =	shalt  }
0x40: {  	_ =	shalt  }
0x41: {  	_ =	shalt  }
0x42: {  	_ =	shalt  }
0x43: {  	_ =	shalt  }
0x44: {  	_ =	shalt  }
0x45: {  	_ =	shalt  }
0x46: {  	_ =	shalt  }
0x47: {  	_ =	shalt  }
0x48: {  	_ =	shalt  }
0x49: {  	_ =	shalt  }
0x4a: {  	_ =	shalt  }
0x4b: {  	_ =	shalt  }
0x4c: {  	_ =	shalt  }
0x4d: {  	_ =	shalt  }
0x4e: {  	_ =	shalt  }
0x4f: {  	_ =	shalt  }
0x50: {  	_ =	shalt  }
0x51: {  	_ =	shalt  }
0x52: {  	_ =	shalt  }
0x53: {  	_ =	shalt  }
0x54: {  	_ =	shalt  }
0x55: {  	_ =	shalt  }
0x56: {  	_ =	shalt  }
0x57: {  	_ =	shalt  }
0x58: {  	_ =	shalt  }
0x59: {  	_ =	shalt  }
0x5a: {  	_ =	shalt  }
0x5b: {  	_ =	shalt  }
0x5c: {  	_ =	shalt  }
0x5d: {  	_ =	shalt  }
0x5e: {  	_ =	shalt  }
0x5f: {  	_ =	shalt  }
0x60: {  	_ =	shalt  }
0x61: {  	_ =	shalt  }
0x62: {  	_ =	shalt  }
0x63: {  	_ =	shalt  }
0x64: {  	_ =	shalt  }
0x65: {  	_ =	shalt  }
0x66: {  	_ =	shalt  }
0x67: {  	_ =	shalt  }
0x68: {  	_ =	shalt  }
0x69: {  	_ =	shalt  }
0x6a: {  	_ =	shalt  }
0x6b: {  	_ =	shalt  }
0x6c: {  	_ =	shalt  }
0x6d: {  	_ =	shalt  }
0x6e: {  	_ =	shalt  }
0x6f: {  	_ =	shalt  }
0x70: {  	_ =	shalt  }
0x71: {  	_ =	shalt  }
0x72: {  	_ =	shalt  }
0x73: {  	_ =	shalt  }
0x74: {  	_ =	shalt  }
0x75: {  	_ =	shalt  }
0x76: {  	_ =	shalt  }
0x77: {  	_ =	shalt  }
0x78: {  	_ =	shalt  }
0x79: {  	_ =	shalt  }
0x7a: {  	_ =	shalt  }
0x7b: {  	_ =	shalt  }
0x7c: {  	_ =	shalt  }
0x7d: {  	_ =	shalt  }
0x7e: {  	_ =	shalt  }
0x7f: {  	_ =	shalt  }
0x80: {  	_ =	shalt  }
0x81: {  	_ =	shalt  }
0x82: {  	_ =	shalt  }
0x83: {  	_ =	shalt  }
0x84: {  	_ =	shalt  }
0x85: {  	_ =	shalt  }
0x86: {  	_ =	shalt  }
0x87: {  	_ =	shalt  }
.Lfunc_end0:
.L_simem_size_0:
called_computation.1_lowered:
.L_overlay_start_0:
0x88: {  	s2 =	sld [smem:$0x3FD9]  }
0x89: {  	s3 =	sld [smem:$0x3FFE];
	_ =	sdelay $0x1  }
0x8a: {  	s1 =	srdreg.scid  }
0x8b: {  	s0 =	sand.u32 $0x1, s1  }
0x8c: {  	s17 =	sshll.u32 s0, $0xA;
	s2 =	sadd.s32 s3, s2  }
0x8d: {  	s2 =	sadd.s32 s2, s17  }
0x8e: {  	[smem:$0x3FB3] =	sst s2  }
0x8f: {  	_ = 	snop  }
0x90: {  	s18 =	sld [smem:$0x3FD0];
	(tm) =	ssettm $0x1  }
0x91: {  	s19 =	sld [smem:$0x3FFB];
	_ =	sdelay $0x3  }
0x92: {  	_ =	strace s19  }
0x93: {  	s2 =	sld [smem:$0x3FFC];
	_ =	sdelay $0x3  }
0x94: {  	_ =	strace s2  }
0x95: {  	s2 =	sld [smem:$0x3FFD];
	_ =	sdelay $0x3  }
0x96: {  	_ =	strace s2  }
0x97: {  	_ =	strace $0x8FFFFFFF  }
0x98: {  	s20 =	sld [smem:$0x3FDB];
	_ =	sdelay $0x1  }
0x99: {  	s4 =	simm.s32 $_scs_section_size  }
0x9a: {  	s5 =	simm.s32 $_size__tile_overlayer_lowered;
	s6 =	simm.s32 $_tile_overlayer_lowered  }
0x9b: {  	s7 =	simm.s32 $0x1BFF;
	s21 =	sshll.u32 s6, $0x1;
	s4 =	sadd.s32 s4, s20  }
0x9c: {  	s22 =	simm.s32 $0x0;
	s5 =	sshll.u32 s5, $0x1;
	s6 =	sadd.s32 s21, s4  }
0x9d: {  	[timem:s22], [sflag:s7] =	dma.local [hbm:s6], s5  }
0x9e: {  	_ =	swait.ge [sflag:s7], s5  }
0x9f: {  	s5 =	ssub.s32 $0x0, s5;
	[sflag:s7] =	ssyncset.done $0x0  }
0xa0: {  	[sflag:s7] =	ssyncadd.s32 s5;
	_ =	sdelay $0x1  }
0xa1: {  	s23 =	simm.s32 $0x1B8B  }
0xa2: {  	_ =	swait.ge [sflag:s23], $0x1  }
0xa3: {  	[sflag:s23] =	ssyncset.done $0x0  }
0xa4: {  	[sflag:s23] =	ssyncadd.s32 $0xFFFFFFFF  }
0xa5: {  	s5 =	sld [smem:$0x0]  }
0xa6: {  	s6 =	sand.u32 $0xFFFFFFFE, s1  }
0xa7: {  	p0 =	sne.s32 s1, s6  }
0xa8: {  	s6 =	sshll.u32 @p0 s6, $0xE  }
0xa9: {  	s6 =	sadd.s32 @p0 $0x11B8D, s6;
	s7 =	sshll.u32 @p0 s5, $0x11  }
0xaa: {  	s6 =	sor.u32 @p0 s7, s6  }
0xab: {  	[sflag:s6] =	ssyncadd.remote.s32 @p0 $0x1;
	_ =	sdelay $0x1  }
0xac: {  	s6 =	simm.s32 @p0 $0x1B8D  }
0xad: {  	_ =	swait.eq @p0 [sflag:s6], $0x1  }
0xae: {  	[sflag:s6] =	ssyncadd.s32 @p0 $0xFFFFFFFF  }
0xaf: {  	s7 =	sshll.u32 @!p0 s1, $0xE  }
0xb0: {  	s7 =	sor.u32 @!p0 $0x4000, s7;
	s6 =	simm.s32 @!p0 $0x1B8D  }
0xb1: {  	s5 =	sshll.u32 @!p0 s5, $0x11;
	s7 =	sadd.s32 @!p0 $0x11B8D, s7;
	_ =	swait.eq @!p0 [sflag:s6], $0x1  }
0xb2: {  	s5 =	sor.u32 @!p0 s5, s7;
	[sflag:s6] =	ssyncadd.s32 @!p0 $0xFFFFFFFF  }
0xb3: {  	s25 =	simm.s32 $0x1B8E;
	s24 =	sld [smem:$0x3FFE];
	[sflag:s5] =	ssyncadd.remote.s32 @!p0 $0x1  }
0xb4: {  	s26 =	simm.s32 $execute0_lowered;
	[smem:$0x3FD2] =	sst s25  }
0xb5: {  	s6 =	sshll.u32 s26, $0x1;
	_ =	strace $0x8000004C;
	[dreg:$0x1] =	wrdreg $0xFFFFFFFF  }
0xb6: {  	s28 =	simm.s32 $_size_execute0_lowered;
	s4 =	sadd.s32 s4, s6;
	[dreg:$0x0] =	wrdreg $0x0  }
0xb7: {  	s6 =	sshll.u32 s28, $0x1;
	[dreg:$0x2] =	wrdreg s4  }
0xb8: {  	[dreg:$0x3] =	wrdreg s6  }
0xb9: {  	[dreg:$0x4] =	wrdreg $0xC0  }
0xba: {  	_ =	task [dreg:s22], $0x5FFFF  }
0xbb: {  	[dreg:$0x1] =	wrdreg $0xFFFFFFFF  }
0xbc: {  	[dreg:$0x0] =	wrdreg $0x60  }
0xbd: {  	[dreg:$0x2] =	wrdreg s18  }
0xbe: {  	[dreg:$0x3] =	wrdreg s24  }
0xbf: {  	[dreg:$0x4] =	wrdreg $0xB  }
0xc0: {  	_ =	task.clear_ibuf [dreg:s22], $0x5FFFF;
	_ =	strace $0x9000004C  }
0xc1: {  	s29 =	simm.s32 $0xB;
	_ =	strace $0x8000004E  }
0xc2: {  	_ =	swait.ge [sflag:s29], $0x1  }
0xc3: {  	[sflag:s29] =	ssyncadd.s32 $0xFFFFFFFF  }
0xc4: {  	_ =	strace $0x9000004E  }
0xc5: {  	_ =	sfence  }
0xc6: {  	s30 =	sld [smem:$0x0];
	_ =	sdelay $0x2  }
0xc7: {  	s31 =	sshll.u32 s1, $0xD;
	s1 =	sshrl.u32 s1, $0x2  }
0xc8: {  	s4 =	sand.u32 $0x4000, s31;
	s1 =	sadd.s32 s1, s30  }
0xc9: {  	s0 =	sor.u32 s4, s0;
	s1 =	sshll.u32 s1, $0x11  }
0xca: {  	s0 =	sor.u32 s1, s0  }
0xcb: {  	s0 =	sadd.s32 $0x8F2B, s0  }
0xcc: {  	[sflag:s0] =	ssyncadd.remote.s32 $0x1  }
0xcd: {  	_ =	sfence.sel $0xFFFF  }
0xce: {  	[dreg:$0x0] =	wrdreg $0xFFFFFFFF;
	(pc) =	sbr.abs _section_cstart, $3  }
0xcf: {  	[dreg:$0x1] =	wrdreg $0xFFFFFFFF  }
0xd0: {  	_ =	task.clear_ibuf [dreg:s22], $0x2FFFF;
	_ =	strace $0x9FFFFFFF  }
0xd1: {  	(tm) =	ssettm $0x7FFFFFFF  }
tec
execute0_lowered:
.L_overlay_start_1:
0x0: {  	(tag) =	ssettag $0x1  }
0x1: {  	s1 =	rddreg [dreg:$0x0]  }
0x2: {  	s4 =	rddreg [dreg:$0x1]  }
0x3: {  	s0 =	rddreg [dreg:$0x2]  }
0x4: {  	s3 =	simm.s32 $0x0;
	s5 =	srdreg.scid;
	s2 =	stileid.u32  }
0x5: {  	s9 =	simm.s32 $0x3;
	s10 =	simm.s32 $0x1000;
	s11 =	simm.s32 $0x50  }
0x6: {  	s12 =	simm.s32 $0x2000;
	s13 =	simm.s32 $0x4800;
	s14 =	simm.s32 $0x1  }
0x7: {  	s15 =	simm.s32 $0x2;
	s16 =	simm.s32 $0x0;
	[smem:$0x7FF] =	sst s3  }
0x8: {  	s5 =	sand.u32 $0x1, s5;
	s6 =	sshll.u32 s2, $0xA;
	s8 =	smul.u32 $0xFA00, s2  }
0x9: {  	_ =	strace $0x8000004D;
	s7 =	sshll.u32 s5, $0x9;
	s30 =	ssub.s32 $0x2, s5  }
0xa: {  	s5 =	smul.u32 $0x7D00, s5;
	s6 =	sor.u32 s7, s6;
	s31 =	sshrl.u32 s30, $0x1  }
0xb: {  	s8 =	sadd.s32 s8, s4;
	s6 =	sadd.s32 s6, s4;
	s7 =	ssub.s32 s30, s31  }
0xc: {  	s8 =	sadd.s32 s5, s8;
	s4 =	sadd.s32 $0xB200, s6;
	s5 =	sadd.s32 $0x1F200, s6  }
0xd: {  	s6 =	smax.u32 s7, $0x1;
	s7 =	sadd.s32 $0x417200, s8;
	s8 =	sadd.s32 $0x511200, s8  }
.LBB2_1:
0xe: {  	[tilespmem:s3], [sflag:$0x3] =	stream.linear.gather [hbm4b:s4+s3], $0xC80, $0x38;
	[tilespmem:$0x7000] =	vst v63  }
0xf: {  	_ =	swait.ge [sflag:s9], $0xC80  }
0x10: {  	[sflag:s9] =	ssyncset.done $0x0  }
0x11: {  	[sflag:s9] =	ssyncadd.s32 $0xFFFFF380  }
0x12: {  	[tilespmem:s10], [sflag:$0x3] =	stream.linear.gather [hbm4b:s5+s3], $0xC80, $0x38;
	[tilespmem:$0x7000] =	vst v63  }
0x13: {  	_ =	swait.ge [sflag:s9], $0xC80  }
0x14: {  	[sflag:s9] =	ssyncset.done $0x0  }
0x15: {  	s17 =	simm.s32 $0x0;
	[sflag:s9] =	ssyncadd.s32 $0xFFFFF380  }
0x16: {  	[tilespmem:s12], [sflag:$0x1] =	stream.indirect.gather [hbm4b:s1+s11], $0x80, s17, s11, $0xb8;
	[tilespmem:$0x7000] =	vst v63  }
0x17: {  	s31 =	simm.s32 $0x1000  }
0x18: {  	[tilespmem:s13], [sflag:$0x2] =	stream.indirect.gather [hbm4b:s1+s11], $0x80, s31, s11, $0xb8;
	[tilespmem:$0x7000] =	vst v63  }
0x19: {  	_ =	swait.ge [sflag:s14], $0x2800  }
0x1a: {  	[sflag:s14] =	ssyncset.done $0x0  }
0x1b: {  	[sflag:s14] =	ssyncadd.s32 $0xFFFFD800  }
0x1c: {  	_ =	swait.ge [sflag:s15], $0x2800  }
0x1d: {  	[sflag:s15] =	ssyncset.done $0x0  }
0x1e: {  	[sflag:s15] =	ssyncadd.s32 $0xFFFFD800  }
0x1f: {  	[hbm4b:s7+s3] =	stream.linear.scatter [tilespmem:s12], [sflag:$0x3], $0x2800, $0x38;
	[tilespmem:$0x7000] =	vst v63  }
0x20: {  	_ =	swait.ge [sflag:s9], $0x2800  }
0x21: {  	[sflag:s9] =	ssyncset.done $0x0  }
0x22: {  	[sflag:s9] =	ssyncadd.s32 $0xFFFFD800  }
0x23: {  	[hbm4b:s8+s3] =	stream.linear.scatter [tilespmem:s13], [sflag:$0x3], $0x2800, $0x38;
	[tilespmem:$0x7000] =	vst v63  }
0x24: {  	s19 =	simm.s32 $0x200;
	s20 =	simm.s32 $0x400;
	_ =	swait.ge [sflag:s9], $0x2800  }
0x25: {  	s18 =	sadd.s32 $0x500, s7;
	s17 =	sadd.s32 $0x500, s8;
	[sflag:s9] =	ssyncset.done $0x0  }
.LBB2_2:
0x26: {  	s21 =	sshra.s32 s19, $0x2  }
0x27: {  	[sflag:s9] =	ssyncadd.s32 $0xFFFFD800;
	s19 =	smov.u32 s20;
	s22 =	sadd.s32 $0x200, s20  }
0x28: {  	[tilespmem:s12], [sflag:$0x1] =	stream.indirect.gather [hbm4b:s1+s11], $0x80, s21, s11, $0xb8;
	[tilespmem:$0x7000] =	vst v63  }
0x29: {  	p0 =	sne.s32 s20, $0x3000;
	s20 =	sadd.s32 $0x1000, s21  }
0x2a: {  	[tilespmem:s13], [sflag:$0x2] =	stream.indirect.gather [hbm4b:s1+s11], $0x80, s20, s11, $0xb8;
	[tilespmem:$0x7000] =	vst v63  }
0x2b: {  	_ =	swait.ge [sflag:s14], $0x2800  }
0x2c: {  	[sflag:s14] =	ssyncset.done $0x0  }
0x2d: {  	[sflag:s14] =	ssyncadd.s32 $0xFFFFD800  }
0x2e: {  	_ =	swait.ge [sflag:s15], $0x2800  }
0x2f: {  	[sflag:s15] =	ssyncset.done $0x0  }
0x30: {  	[sflag:s15] =	ssyncadd.s32 $0xFFFFD800  }
0x31: {  	[hbm4b:s18+s3] =	stream.linear.scatter [tilespmem:s12], [sflag:$0x3], $0x2800, $0x38;
	[tilespmem:$0x7000] =	vst v63  }
0x32: {  	_ =	swait.ge [sflag:s9], $0x2800  }
.Ltmp0:
0x33: {  	[sflag:s9] =	ssyncset.done $0x0;
	(pc) =	sbr.rel @p0 .LBB2_2-.Ltmp0, $4  }
0x34: {  	[sflag:s9] =	ssyncadd.s32 $0xFFFFD800  }
0x35: {  	[hbm4b:s17+s3] =	stream.linear.scatter [tilespmem:s13], [sflag:$0x3], $0x2800, $0x38;
	[tilespmem:$0x7000] =	vst v63  }
0x36: {  	s20 =	smov.u32 s22;
	_ =	swait.ge [sflag:s9], $0x2800  }
0x37: {  	s18 =	sadd.s32 $0x500, s18;
	s17 =	sadd.s32 $0x500, s17;
	[sflag:s9] =	ssyncset.done $0x0  }
0x38: {  	s19 =	sshra.s32 s19, $0x2;
	[sflag:s9] =	ssyncadd.s32 $0xFFFFD800  }
0x39: {  	[tilespmem:s12], [sflag:$0x1] =	stream.indirect.gather [hbm4b:s1+s11], $0x80, s19, s11, $0xb8;
	[tilespmem:$0x7000] =	vst v63  }
0x3a: {  	s19 =	sadd.s32 $0x1000, s19  }
0x3b: {  	[tilespmem:s13], [sflag:$0x2] =	stream.indirect.gather [hbm4b:s1+s11], $0x80, s19, s11, $0xb8;
	[tilespmem:$0x7000] =	vst v63  }
0x3c: {  	_ =	swait.ge [sflag:s14], $0x2800  }
0x3d: {  	[sflag:s14] =	ssyncset.done $0x0  }
0x3e: {  	[sflag:s14] =	ssyncadd.s32 $0xFFFFD800  }
0x3f: {  	_ =	swait.ge [sflag:s15], $0x2800  }
0x40: {  	[sflag:s15] =	ssyncset.done $0x0  }
0x41: {  	[sflag:s15] =	ssyncadd.s32 $0xFFFFD800  }
0x42: {  	[hbm4b:s18+s3] =	stream.linear.scatter [tilespmem:s12], [sflag:$0x3], $0x2800, $0x38;
	[tilespmem:$0x7000] =	vst v63  }
0x43: {  	s16 =	sadd.s32 $0x1, s16;
	_ =	swait.ge [sflag:s9], $0x2800  }
0x44: {  	p0 =	sne.s32 s16, s6;
	[sflag:s9] =	ssyncset.done $0x0  }
.Ltmp1:
0x45: {  	[sflag:s9] =	ssyncadd.s32 $0xFFFFD800;
	(pc) =	sbr.rel @p0 .LBB2_1-.Ltmp1, $4  }
0x46: {  	[hbm4b:s17+s3] =	stream.linear.scatter [tilespmem:s13], [sflag:$0x3], $0x2800, $0x38;
	[tilespmem:$0x7000] =	vst v63  }
0x47: {  	_ =	swait.ge [sflag:s9], $0x2800  }
0x48: {  	[sflag:s9] =	ssyncset.done $0x0  }
0x49: {  	[sflag:s9] =	ssyncadd.s32 $0xFFFFD800  }
0x4a: {  	_ =	sfence.sel $0x180000  }
0x4b: {  	[bflag:$0x0] =	sbarrier.arrive $0xFFFF  }
0x4c: {  	p0 =	sne.s32 s2, $0x0;
	_ =	strace $0x9000004D  }
0x4d: {  	s0 =	sadd.s32 @!p0 $0x100000, s0;
	[bflag:$0x2] =	sbarrier.arrive $0xFFFF  }
0x4e: {  	[sflag:s0] =	ssyncadd.tile.s32 @!p0 $0x1;
	_ =	shalt  }
.Lfunc_end2:
_tile_overlayer_lowered:
.L_overlay_start_2:
0x4f: {  	(tag) =	ssettag $0x2  }
0x50: {  	s0 =	rddreg [dreg:$0x0];
	s2 =	stileid.u32  }
0x51: {  	s1 =	rddreg [dreg:$0x1];
	p0 =	sne.s32 s2, $0x0  }
0x52: {  	s3 =	rddreg [dreg:$0x2];
	[bflag:$0x3] =	sbarrier.arrive $0xFFFF;
	s2 =	simm.s32 @!p0 $0x1C03  }
0x53: {  	[timem:s3], [sflag:s2] =	dma.local @!p0 [hbm:s0], s1  }
0x54: {  	s0 =	simm.s32 @!p0 $0x3  }
0x55: {  	_ =	swait.ge @!p0 [sflag:s0], s1  }
0x56: {  	s1 =	ssub.s32 @!p0 $0x0, s1;
	[sflag:s0] =	ssyncset.done @!p0 $0x0  }
0x57: {  	[sflag:s0] =	ssyncadd.s32 @!p0 s1  }
0x58: {  	[bflag:$0x3] =	sbarrier.arrive $0xFFFF  }
0x59: {  	_ =	shalt  }

// kernel: kernel.24.cloned.1.call-start
scs
__scs_entry_jumppad:
0x0: {  	(pc) =	sbr.rel $0x88, $3  }
0x1: {  	(tag) =	ssettag $0x0;
	lr =	simm.s32 $0x1  }
0x2: {  	[smem:$0x3F8C] =	sst lr;
	_ =	strace $0xD0000000  }
0x3: {  	_ = 	snop  }
0x4: {  	_ = 	snop  }
0x5: {  	_ = 	snop  }
0x6: {  	_ = 	snop  }
0x7: {  	_ = 	snop  }
__scs_overlays_trampoline_lowered:
0x8: {  	[smem:$0x3F9B] =	sst s0  }
0x9: {  	[smem:$0x3F9C] =	sst s1  }
0xa: {  	[smem:$0x3F9D] =	sst s2  }
0xb: {  	[smem:$0x3F9E] =	sst s3  }
0xc: {  	[smem:$0x3F9F] =	sst s4  }
0xd: {  	[smem:$0x3FA0] =	sst s5  }
0xe: {  	[smem:$0x3FA1] =	sst s6  }
0xf: {  	[smem:$0x3FA2] =	sst s7  }
0x10: {  	[smem:$0x3FA3] =	sst s8  }
0x11: {  	[smem:$0x3FA4] =	sst s9;
	s0 =	simm.s32 @!p0 $0x0  }
0x12: {  	s1 =	sld [smem:$0x3F8A];
	s0 =	simm.s32 @p0 $0x1  }
0x13: {  	[smem:$0x3FA5] =	sst s0;
	s0 =	simm.s32 @!p1 $0x0  }
0x14: {  	s2 =	sld [smem:$0x3F89];
	s0 =	simm.s32 @p1 $0x1  }
0x15: {  	[smem:$0x3FA6] =	sst s0;
	s0 =	simm.s32 @!p2 $0x0  }
0x16: {  	s3 =	sld [smem:$0x3FDB];
	s0 =	simm.s32 @p2 $0x1  }
0x17: {  	s4 =	simm.s32 $0x1BF5;
	[smem:$0x3FA8] =	sst s0  }
0x18: {  	s0 =	sld [smem:$0x3F8B];
	_ =	swait.ge [sflag:s4], $0x0  }
0x19: {  	s7 =	sld [smem:$0x3F8C]  }
0x1a: {  	s8 =	sadd.s32 $0xFFFFE003, lr  }
0x1b: {  	s9 =	sadd.s32 $0xFFFFFEF7, lr;
	s5 =	simm.s32 $0xFFFFFFFF;
	p2 =	slt.u32 s8, $0xFFFFF086  }
0x1c: {  	p1 =	slt.u32 s9, $0xF7A;
	s5 =	simm.s32 @!p2 $0x0  }
0x1d: {  	s5 =	simm.s32 @p1 $0x1;
	p0 =	seq.s32 s7, s2  }
0x1e: {  	s7 =	smul.u32 @!p0 $0xF7A, s2;
	p2 =	seq.s32 @!p0 s5, $0x0  }
0x1f: {  	s9 =	smul.u32 $0xF7A, s1;
	s8 =	simm.s32 @!p0 $0x1BF5;
	p2 =	por !p2, p0  }
0x20: {  	[sflag:s8] =	ssyncset.s32 @!p0 $0xFFFFF086;
	s6 =	sadd.s32 @!p0 s3, s7;
	s7 =	simm.s32 @!p0 $0x108  }
0x21: {  	s3 =	sadd.s32 s3, s9;
	s6 =	sadd.s32 @!p0 $0x88, s6;
	s7 =	simm.s32 @p2 $0x1082  }
0x22: {  	[simem:s7], [sflag:s8] =	dma.local @!p0 [hbm:s6], $0xF7A  }
0x23: {  	s9 =	sor.u32 $0xD0000000, s2;
	s6 =	simm.s32 $0x108;
	_ =	swait.ge @!p0 [sflag:s8], $0x0  }
0x24: {  	s3 =	sadd.s32 $0x88, s3;
	s6 =	simm.s32 @!p1 $0x1082;
	[sflag:s4] =	ssyncset.s32 $0xFFFFF086  }
0x25: {  	[simem:s6], [sflag:s4] =	dma.local [hbm:s3], $0xF7A  }
0x26: {  	[smem:$0x3F8C] =	sst s1;
	(tag) =	ssettag s2;
	_ =	strace s9  }
0x27: {  	s1 =	sld [smem:$0x3F9C]  }
0x28: {  	s2 =	sld [smem:$0x3F9D]  }
0x29: {  	s4 =	sld [smem:$0x3F9F]  }
0x2a: {  	p0 =	seq.s32 s5, $0x0;
	s5 =	sld [smem:$0x3FA0]  }
0x2b: {  	s6 =	sld [smem:$0x3FA1]  }
0x2c: {  	s7 =	sld [smem:$0x3FA2]  }
0x2d: {  	s3 =	simm.s32 $0x108;
	s8 =	sld [smem:$0x3FA3]  }
0x2e: {  	s3 =	simm.s32 @!p0 $0x1082;
	s9 =	sld [smem:$0x3FA4]  }
0x2f: {  	lr =	sadd.s32 s0, s3;
	s0 =	sld [smem:$0x3F9B]  }
0x30: {  	s3 =	sld [smem:$0x3F9E]  }
0x31: {  	[smem:$0x3FA7] =	sst s10  }
0x32: {  	s10 =	sld [smem:$0x3FA5];
	_ =	sdelay $0x3  }
0x33: {  	p0 =	seq.s32 s10, $0x1;
	s10 =	sld [smem:$0x3FA7];
	_ =	sdelay $0x3  }
0x34: {  	[smem:$0x3FA7] =	sst s10  }
0x35: {  	s10 =	sld [smem:$0x3FA6];
	_ =	sdelay $0x3  }
0x36: {  	p1 =	seq.s32 s10, $0x1;
	s10 =	sld [smem:$0x3FA7];
	_ =	sdelay $0x3  }
0x37: {  	[smem:$0x3FA7] =	sst s10  }
0x38: {  	s10 =	sld [smem:$0x3FA8]  }
0x39: {  	_ = 	snop;
	(pc) =	sbr.ind lr, $3  }
0x3a: {  	_ = 	snop  }
0x3b: {  	_ = 	snop  }
0x3c: {  	p2 =	seq.s32 s10, $0x1;
	s10 =	sld [smem:$0x3FA7]  }
0x3d: {  	_ =	shalt  }
0x3e: {  	_ =	shalt  }
0x3f: {  	_ =	shalt  }
0x40: {  	_ =	shalt  }
0x41: {  	_ =	shalt  }
0x42: {  	_ =	shalt  }
0x43: {  	_ =	shalt  }
0x44: {  	_ =	shalt  }
0x45: {  	_ =	shalt  }
0x46: {  	_ =	shalt  }
0x47: {  	_ =	shalt  }
0x48: {  	_ =	shalt  }
0x49: {  	_ =	shalt  }
0x4a: {  	_ =	shalt  }
0x4b: {  	_ =	shalt  }
0x4c: {  	_ =	shalt  }
0x4d: {  	_ =	shalt  }
0x4e: {  	_ =	shalt  }
0x4f: {  	_ =	shalt  }
0x50: {  	_ =	shalt  }
0x51: {  	_ =	shalt  }
0x52: {  	_ =	shalt  }
0x53: {  	_ =	shalt  }
0x54: {  	_ =	shalt  }
0x55: {  	_ =	shalt  }
0x56: {  	_ =	shalt  }
0x57: {  	_ =	shalt  }
0x58: {  	_ =	shalt  }
0x59: {  	_ =	shalt  }
0x5a: {  	_ =	shalt  }
0x5b: {  	_ =	shalt  }
0x5c: {  	_ =	shalt  }
0x5d: {  	_ =	shalt  }
0x5e: {  	_ =	shalt  }
0x5f: {  	_ =	shalt  }
0x60: {  	_ =	shalt  }
0x61: {  	_ =	shalt  }
0x62: {  	_ =	shalt  }
0x63: {  	_ =	shalt  }
0x64: {  	_ =	shalt  }
0x65: {  	_ =	shalt  }
0x66: {  	_ =	shalt  }
0x67: {  	_ =	shalt  }
0x68: {  	_ =	shalt  }
0x69: {  	_ =	shalt  }
0x6a: {  	_ =	shalt  }
0x6b: {  	_ =	shalt  }
0x6c: {  	_ =	shalt  }
0x6d: {  	_ =	shalt  }
0x6e: {  	_ =	shalt  }
0x6f: {  	_ =	shalt  }
0x70: {  	_ =	shalt  }
0x71: {  	_ =	shalt  }
0x72: {  	_ =	shalt  }
0x73: {  	_ =	shalt  }
0x74: {  	_ =	shalt  }
0x75: {  	_ =	shalt  }
0x76: {  	_ =	shalt  }
0x77: {  	_ =	shalt  }
0x78: {  	_ =	shalt  }
0x79: {  	_ =	shalt  }
0x7a: {  	_ =	shalt  }
0x7b: {  	_ =	shalt  }
0x7c: {  	_ =	shalt  }
0x7d: {  	_ =	shalt  }
0x7e: {  	_ =	shalt  }
0x7f: {  	_ =	shalt  }
0x80: {  	_ =	shalt  }
0x81: {  	_ =	shalt  }
0x82: {  	_ =	shalt  }
0x83: {  	_ =	shalt  }
0x84: {  	_ =	shalt  }
0x85: {  	_ =	shalt  }
0x86: {  	_ =	shalt  }
0x87: {  	_ =	shalt  }
.Lfunc_end0:
.L_simem_size_0:
called_computation.2_lowered:
.L_overlay_start_0:
0x88: {  	s2 =	sld [smem:$0x3FD9]  }
0x89: {  	s3 =	sld [smem:$0x3FFE];
	_ =	sdelay $0x1  }
0x8a: {  	s1 =	srdreg.scid  }
0x8b: {  	s0 =	sand.u32 $0x1, s1  }
0x8c: {  	s17 =	sshll.u32 s0, $0xA;
	s2 =	sadd.s32 s3, s2  }
0x8d: {  	s2 =	sadd.s32 s2, s17  }
0x8e: {  	[smem:$0x3FB3] =	sst s2  }
0x8f: {  	_ = 	snop  }
0x90: {  	s2 =	sld [smem:$0x3FD0];
	(tm) =	ssettm $0x1  }
0x91: {  	s18 =	sld [smem:$0x3FFB];
	_ =	sdelay $0x3  }
0x92: {  	_ =	strace s18  }
0x93: {  	s3 =	sld [smem:$0x3FFC];
	_ =	sdelay $0x3  }
0x94: {  	_ =	strace s3  }
0x95: {  	s3 =	sld [smem:$0x3FFD];
	_ =	sdelay $0x3  }
0x96: {  	_ =	strace s3  }
0x97: {  	_ =	strace $0x8FFFFFFF  }
0x98: {  	s19 =	sld [smem:$0x3FDB];
	_ =	sdelay $0x1  }
0x99: {  	s4 =	simm.s32 $_scs_section_size  }
0x9a: {  	s5 =	simm.s32 $_size__tile_overlayer_lowered;
	s6 =	simm.s32 $_tile_overlayer_lowered  }
0x9b: {  	s22 =	simm.s32 $0x1BFF;
	s21 =	sshll.u32 s6, $0x1;
	s3 =	sadd.s32 s4, s19  }
0x9c: {  	s7 =	simm.s32 $0x0;
	s20 =	sshll.u32 s5, $0x1;
	s5 =	sadd.s32 s21, s3  }
0x9d: {  	[timem:s7], [sflag:s22] =	dma.local [hbm:s5], s20  }
0x9e: {  	_ =	swait.ge [sflag:s22], s20  }
0x9f: {  	s4 =	ssub.s32 $0x0, s20;
	[sflag:s22] =	ssyncset.done $0x0  }
0xa0: {  	[sflag:s22] =	ssyncadd.s32 s4;
	_ =	sdelay $0x1  }
0xa1: {  	s23 =	simm.s32 $0x1B8B  }
0xa2: {  	_ =	swait.ge [sflag:s23], $0x1  }
0xa3: {  	[sflag:s23] =	ssyncset.done $0x0  }
0xa4: {  	s25 =	simm.s32 $0x1B8E;
	s24 =	sld [smem:$0x3FFE];
	[sflag:s23] =	ssyncadd.s32 $0xFFFFFFFF  }
0xa5: {  	s26 =	simm.s32 $execute0_lowered;
	[smem:$0x3FD2] =	sst s25  }
0xa6: {  	s5 =	sshll.u32 s26, $0x1;
	_ =	strace $0x80000046;
	[dreg:$0x1] =	wrdreg $0xFFFFFFFF  }
0xa7: {  	s28 =	simm.s32 $_size_execute0_lowered;
	s3 =	sadd.s32 s3, s5;
	[dreg:$0x0] =	wrdreg $0x0  }
0xa8: {  	s5 =	sshll.u32 s28, $0x1;
	[dreg:$0x2] =	wrdreg s3  }
0xa9: {  	[dreg:$0x3] =	wrdreg s5  }
0xaa: {  	[dreg:$0x4] =	wrdreg $0xC0  }
0xab: {  	_ =	task [dreg:s7], $0x5FFFF  }
0xac: {  	[dreg:$0x1] =	wrdreg $0xFFFFFFFF  }
0xad: {  	[dreg:$0x0] =	wrdreg $0x60  }
0xae: {  	[dreg:$0x2] =	wrdreg s2  }
0xaf: {  	[dreg:$0x3] =	wrdreg s24  }
0xb0: {  	[dreg:$0x4] =	wrdreg $0xC  }
0xb1: {  	_ =	task.clear_ibuf [dreg:s7], $0x5FFFF;
	_ =	strace $0x90000046  }
0xb2: {  	s29 =	simm.s32 $0xC;
	_ =	strace $0x80000048  }
0xb3: {  	_ =	swait.ge [sflag:s29], $0x1  }
0xb4: {  	[sflag:s29] =	ssyncadd.s32 $0xFFFFFFFF  }
0xb5: {  	_ =	strace $0x90000048  }
0xb6: {  	_ =	sfence  }
0xb7: {  	s30 =	sld [smem:$0x0];
	_ =	sdelay $0x2  }
0xb8: {  	s31 =	sshll.u32 s1, $0xD;
	s1 =	sshrl.u32 s1, $0x2  }
0xb9: {  	s3 =	sand.u32 $0x4000, s31;
	s1 =	sadd.s32 s1, s30  }
0xba: {  	s0 =	sor.u32 s3, s0;
	s1 =	sshll.u32 s1, $0x11  }
0xbb: {  	s0 =	sor.u32 s1, s0  }
0xbc: {  	s0 =	sadd.s32 $0x8F2B, s0  }
0xbd: {  	[sflag:s0] =	ssyncadd.remote.s32 $0x1  }
0xbe: {  	_ =	sfence.sel $0xFFFF  }
0xbf: {  	[dreg:$0x0] =	wrdreg $0xFFFFFFFF;
	(pc) =	sbr.abs _section_cstart, $3  }
0xc0: {  	[dreg:$0x1] =	wrdreg $0xFFFFFFFF  }
0xc1: {  	_ =	task.clear_ibuf [dreg:s7], $0x2FFFF;
	_ =	strace $0x9FFFFFFF  }
0xc2: {  	(tm) =	ssettm $0x7FFFFFFF  }
0xc3: {  	_ =	shalt  }
tec
execute0_lowered:
.L_overlay_start_1:
0x0: {  	(tag) =	ssettag $0x1  }
0x1: {  	s1 =	rddreg [dreg:$0x0]  }
0x2: {  	s4 =	rddreg [dreg:$0x1]  }
0x3: {  	s0 =	rddreg [dreg:$0x2]  }
0x4: {  	s3 =	simm.s32 $0x0;
	s5 =	srdreg.scid;
	s2 =	stileid.u32  }
0x5: {  	s9 =	simm.s32 $0x3;
	s10 =	simm.s32 $0x1000;
	s11 =	simm.s32 $0x50  }
0x6: {  	s12 =	simm.s32 $0x2000;
	s13 =	simm.s32 $0x4800;
	s14 =	simm.s32 $0x1  }
0x7: {  	s15 =	simm.s32 $0x2;
	s16 =	simm.s32 $0x0;
	[smem:$0x7FF] =	sst s3  }
0x8: {  	s5 =	sand.u32 $0x1, s5;
	s6 =	sshll.u32 s2, $0xA;
	s8 =	smul.u32 $0xFA00, s2  }
0x9: {  	_ =	strace $0x80000047;
	s7 =	sshll.u32 s5, $0x9;
	s30 =	ssub.s32 $0x2, s5  }
0xa: {  	s5 =	smul.u32 $0x7D00, s5;
	s6 =	sor.u32 s7, s6;
	s31 =	sshrl.u32 s30, $0x1  }
0xb: {  	s8 =	sadd.s32 s8, s4;
	s6 =	sadd.s32 s6, s4;
	s7 =	ssub.s32 s30, s31  }
0xc: {  	s8 =	sadd.s32 s5, s8;
	s4 =	sadd.s32 $0xF200, s6;
	s5 =	sadd.s32 $0x23200, s6  }
0xd: {  	s6 =	smax.u32 s7, $0x1;
	s7 =	sadd.s32 $0x2F200, s8;
	s8 =	sadd.s32 $0x129200, s8  }
.LBB2_1:
0xe: {  	[tilespmem:s3], [sflag:$0x3] =	stream.linear.gather [hbm4b:s4+s3], $0xC80, $0x38;
	[tilespmem:$0x7000] =	vst v63  }
0xf: {  	_ =	swait.ge [sflag:s9], $0xC80  }
0x10: {  	[sflag:s9] =	ssyncset.done $0x0  }
0x11: {  	[sflag:s9] =	ssyncadd.s32 $0xFFFFF380  }
0x12: {  	[tilespmem:s10], [sflag:$0x3] =	stream.linear.gather [hbm4b:s5+s3], $0xC80, $0x38;
	[tilespmem:$0x7000] =	vst v63  }
0x13: {  	_ =	swait.ge [sflag:s9], $0xC80  }
0x14: {  	[sflag:s9] =	ssyncset.done $0x0  }
0x15: {  	s17 =	simm.s32 $0x0;
	[sflag:s9] =	ssyncadd.s32 $0xFFFFF380  }
0x16: {  	[tilespmem:s12], [sflag:$0x1] =	stream.indirect.gather [hbm4b:s1+s11], $0x80, s17, s11, $0xb8;
	[tilespmem:$0x7000] =	vst v63  }
0x17: {  	s31 =	simm.s32 $0x1000  }
0x18: {  	[tilespmem:s13], [sflag:$0x2] =	stream.indirect.gather [hbm4b:s1+s11], $0x80, s31, s11, $0xb8;
	[tilespmem:$0x7000] =	vst v63  }
0x19: {  	_ =	swait.ge [sflag:s14], $0x2800  }
0x1a: {  	[sflag:s14] =	ssyncset.done $0x0  }
0x1b: {  	[sflag:s14] =	ssyncadd.s32 $0xFFFFD800  }
0x1c: {  	_ =	swait.ge [sflag:s15], $0x2800  }
0x1d: {  	[sflag:s15] =	ssyncset.done $0x0  }
0x1e: {  	[sflag:s15] =	ssyncadd.s32 $0xFFFFD800  }
0x1f: {  	[hbm4b:s7+s3] =	stream.linear.scatter [tilespmem:s12], [sflag:$0x3], $0x2800, $0x38;
	[tilespmem:$0x7000] =	vst v63  }
0x20: {  	_ =	swait.ge [sflag:s9], $0x2800  }
0x21: {  	[sflag:s9] =	ssyncset.done $0x0  }
0x22: {  	[sflag:s9] =	ssyncadd.s32 $0xFFFFD800  }
0x23: {  	[hbm4b:s8+s3] =	stream.linear.scatter [tilespmem:s13], [sflag:$0x3], $0x2800, $0x38;
	[tilespmem:$0x7000] =	vst v63  }
0x24: {  	s19 =	simm.s32 $0x200;
	s20 =	simm.s32 $0x400;
	_ =	swait.ge [sflag:s9], $0x2800  }
0x25: {  	s18 =	sadd.s32 $0x500, s7;
	s17 =	sadd.s32 $0x500, s8;
	[sflag:s9] =	ssyncset.done $0x0  }
.LBB2_2:
0x26: {  	s21 =	sshra.s32 s19, $0x2  }
0x27: {  	[sflag:s9] =	ssyncadd.s32 $0xFFFFD800;
	s19 =	smov.u32 s20;
	s22 =	sadd.s32 $0x200, s20  }
0x28: {  	[tilespmem:s12], [sflag:$0x1] =	stream.indirect.gather [hbm4b:s1+s11], $0x80, s21, s11, $0xb8;
	[tilespmem:$0x7000] =	vst v63  }
0x29: {  	p0 =	sne.s32 s20, $0x3000;
	s20 =	sadd.s32 $0x1000, s21  }
0x2a: {  	[tilespmem:s13], [sflag:$0x2] =	stream.indirect.gather [hbm4b:s1+s11], $0x80, s20, s11, $0xb8;
	[tilespmem:$0x7000] =	vst v63  }
0x2b: {  	_ =	swait.ge [sflag:s14], $0x2800  }
0x2c: {  	[sflag:s14] =	ssyncset.done $0x0  }
0x2d: {  	[sflag:s14] =	ssyncadd.s32 $0xFFFFD800  }
0x2e: {  	_ =	swait.ge [sflag:s15], $0x2800  }
0x2f: {  	[sflag:s15] =	ssyncset.done $0x0  }
0x30: {  	[sflag:s15] =	ssyncadd.s32 $0xFFFFD800  }
0x31: {  	[hbm4b:s18+s3] =	stream.linear.scatter [tilespmem:s12], [sflag:$0x3], $0x2800, $0x38;
	[tilespmem:$0x7000] =	vst v63  }
0x32: {  	_ =	swait.ge [sflag:s9], $0x2800  }
.Ltmp0:
0x33: {  	[sflag:s9] =	ssyncset.done $0x0;
	(pc) =	sbr.rel @p0 .LBB2_2-.Ltmp0, $4  }
0x34: {  	[sflag:s9] =	ssyncadd.s32 $0xFFFFD800  }
0x35: {  	[hbm4b:s17+s3] =	stream.linear.scatter [tilespmem:s13], [sflag:$0x3], $0x2800, $0x38;
	[tilespmem:$0x7000] =	vst v63  }
0x36: {  	s20 =	smov.u32 s22;
	_ =	swait.ge [sflag:s9], $0x2800  }
0x37: {  	s18 =	sadd.s32 $0x500, s18;
	s17 =	sadd.s32 $0x500, s17;
	[sflag:s9] =	ssyncset.done $0x0  }
0x38: {  	s19 =	sshra.s32 s19, $0x2;
	[sflag:s9] =	ssyncadd.s32 $0xFFFFD800  }
0x39: {  	[tilespmem:s12], [sflag:$0x1] =	stream.indirect.gather [hbm4b:s1+s11], $0x80, s19, s11, $0xb8;
	[tilespmem:$0x7000] =	vst v63  }
0x3a: {  	s19 =	sadd.s32 $0x1000, s19  }
0x3b: {  	[tilespmem:s13], [sflag:$0x2] =	stream.indirect.gather [hbm4b:s1+s11], $0x80, s19, s11, $0xb8;
	[tilespmem:$0x7000] =	vst v63  }
0x3c: {  	_ =	swait.ge [sflag:s14], $0x2800  }
0x3d: {  	[sflag:s14] =	ssyncset.done $0x0  }
0x3e: {  	[sflag:s14] =	ssyncadd.s32 $0xFFFFD800  }
0x3f: {  	_ =	swait.ge [sflag:s15], $0x2800  }
0x40: {  	[sflag:s15] =	ssyncset.done $0x0  }
0x41: {  	[sflag:s15] =	ssyncadd.s32 $0xFFFFD800  }
0x42: {  	[hbm4b:s18+s3] =	stream.linear.scatter [tilespmem:s12], [sflag:$0x3], $0x2800, $0x38;
	[tilespmem:$0x7000] =	vst v63  }
0x43: {  	s16 =	sadd.s32 $0x1, s16;
	_ =	swait.ge [sflag:s9], $0x2800  }
0x44: {  	p0 =	sne.s32 s16, s6;
	[sflag:s9] =	ssyncset.done $0x0  }
.Ltmp1:
0x45: {  	[sflag:s9] =	ssyncadd.s32 $0xFFFFD800;
	(pc) =	sbr.rel @p0 .LBB2_1-.Ltmp1, $4  }
0x46: {  	[hbm4b:s17+s3] =	stream.linear.scatter [tilespmem:s13], [sflag:$0x3], $0x2800, $0x38;
	[tilespmem:$0x7000] =	vst v63  }
0x47: {  	_ =	swait.ge [sflag:s9], $0x2800  }
0x48: {  	[sflag:s9] =	ssyncset.done $0x0  }
0x49: {  	[sflag:s9] =	ssyncadd.s32 $0xFFFFD800  }
0x4a: {  	_ =	sfence.sel $0x180000  }
0x4b: {  	[bflag:$0x0] =	sbarrier.arrive $0xFFFF  }
0x4c: {  	p0 =	sne.s32 s2, $0x0;
	_ =	strace $0x90000047  }
0x4d: {  	s0 =	sadd.s32 @!p0 $0x100000, s0;
	[bflag:$0x2] =	sbarrier.arrive $0xFFFF  }
0x4e: {  	[sflag:s0] =	ssyncadd.tile.s32 @!p0 $0x1;
	_ =	shalt  }
.Lfunc_end2:
_tile_overlayer_lowered:
.L_overlay_start_2:
0x4f: {  	(tag) =	ssettag $0x2  }
0x50: {  	s0 =	rddreg [dreg:$0x0];
	s2 =	stileid.u32  }
0x51: {  	s1 =	rddreg [dreg:$0x1];
	p0 =	sne.s32 s2, $0x0  }
0x52: {  	s3 =	rddreg [dreg:$0x2];
	[bflag:$0x3] =	sbarrier.arrive $0xFFFF;
	s2 =	simm.s32 @!p0 $0x1C03  }
0x53: {  	[timem:s3], [sflag:s2] =	dma.local @!p0 [hbm:s0], s1  }
0x54: {  	s0 =	simm.s32 @!p0 $0x3  }
0x55: {  	_ =	swait.ge @!p0 [sflag:s0], s1  }
0x56: {  	s1 =	ssub.s32 @!p0 $0x0, s1;
	[sflag:s0] =	ssyncset.done @!p0 $0x0  }
0x57: {  	[sflag:s0] =	ssyncadd.s32 @!p0 s1  }
0x58: {  	[bflag:$0x3] =	sbarrier.arrive $0xFFFF  }
0x59: {  	_ =	shalt  }

// kernel: kernel.27.cloned.1.call-start
scs
__scs_entry_jumppad:
0x0: {  	(pc) =	sbr.rel $0x88, $3  }
0x1: {  	(tag) =	ssettag $0x0;
	lr =	simm.s32 $0x1  }
0x2: {  	[smem:$0x3F8C] =	sst lr;
	_ =	strace $0xD0000000  }
0x3: {  	_ = 	snop  }
0x4: {  	_ = 	snop  }
0x5: {  	_ = 	snop  }
0x6: {  	_ = 	snop  }
0x7: {  	_ = 	snop  }
__scs_overlays_trampoline_lowered:
0x8: {  	[smem:$0x3F9B] =	sst s0  }
0x9: {  	[smem:$0x3F9C] =	sst s1  }
0xa: {  	[smem:$0x3F9D] =	sst s2  }
0xb: {  	[smem:$0x3F9E] =	sst s3  }
0xc: {  	[smem:$0x3F9F] =	sst s4  }
0xd: {  	[smem:$0x3FA0] =	sst s5  }
0xe: {  	[smem:$0x3FA1] =	sst s6  }
0xf: {  	[smem:$0x3FA2] =	sst s7  }
0x10: {  	[smem:$0x3FA3] =	sst s8  }
0x11: {  	[smem:$0x3FA4] =	sst s9;
	s0 =	simm.s32 @!p0 $0x0  }
0x12: {  	s1 =	sld [smem:$0x3F8A];
	s0 =	simm.s32 @p0 $0x1  }
0x13: {  	[smem:$0x3FA5] =	sst s0;
	s0 =	simm.s32 @!p1 $0x0  }
0x14: {  	s2 =	sld [smem:$0x3F89];
	s0 =	simm.s32 @p1 $0x1  }
0x15: {  	[smem:$0x3FA6] =	sst s0;
	s0 =	simm.s32 @!p2 $0x0  }
0x16: {  	s3 =	sld [smem:$0x3FDB];
	s0 =	simm.s32 @p2 $0x1  }
0x17: {  	s4 =	simm.s32 $0x1BF5;
	[smem:$0x3FA8] =	sst s0  }
0x18: {  	s0 =	sld [smem:$0x3F8B];
	_ =	swait.ge [sflag:s4], $0x0  }
0x19: {  	s7 =	sld [smem:$0x3F8C]  }
0x1a: {  	s8 =	sadd.s32 $0xFFFFE003, lr  }
0x1b: {  	s9 =	sadd.s32 $0xFFFFFEF7, lr;
	s5 =	simm.s32 $0xFFFFFFFF;
	p2 =	slt.u32 s8, $0xFFFFF086  }
0x1c: {  	p1 =	slt.u32 s9, $0xF7A;
	s5 =	simm.s32 @!p2 $0x0  }
0x1d: {  	s5 =	simm.s32 @p1 $0x1;
	p0 =	seq.s32 s7, s2  }
0x1e: {  	s7 =	smul.u32 @!p0 $0xF7A, s2;
	p2 =	seq.s32 @!p0 s5, $0x0  }
0x1f: {  	s9 =	smul.u32 $0xF7A, s1;
	s8 =	simm.s32 @!p0 $0x1BF5;
	p2 =	por !p2, p0  }
0x20: {  	[sflag:s8] =	ssyncset.s32 @!p0 $0xFFFFF086;
	s6 =	sadd.s32 @!p0 s3, s7;
	s7 =	simm.s32 @!p0 $0x108  }
0x21: {  	s3 =	sadd.s32 s3, s9;
	s6 =	sadd.s32 @!p0 $0x88, s6;
	s7 =	simm.s32 @p2 $0x1082  }
0x22: {  	[simem:s7], [sflag:s8] =	dma.local @!p0 [hbm:s6], $0xF7A  }
0x23: {  	s9 =	sor.u32 $0xD0000000, s2;
	s6 =	simm.s32 $0x108;
	_ =	swait.ge @!p0 [sflag:s8], $0x0  }
0x24: {  	s3 =	sadd.s32 $0x88, s3;
	s6 =	simm.s32 @!p1 $0x1082;
	[sflag:s4] =	ssyncset.s32 $0xFFFFF086  }
0x25: {  	[simem:s6], [sflag:s4] =	dma.local [hbm:s3], $0xF7A  }
0x26: {  	[smem:$0x3F8C] =	sst s1;
	(tag) =	ssettag s2;
	_ =	strace s9  }
0x27: {  	s1 =	sld [smem:$0x3F9C]  }
0x28: {  	s2 =	sld [smem:$0x3F9D]  }
0x29: {  	s4 =	sld [smem:$0x3F9F]  }
0x2a: {  	p0 =	seq.s32 s5, $0x0;
	s5 =	sld [smem:$0x3FA0]  }
0x2b: {  	s6 =	sld [smem:$0x3FA1]  }
0x2c: {  	s7 =	sld [smem:$0x3FA2]  }
0x2d: {  	s3 =	simm.s32 $0x108;
	s8 =	sld [smem:$0x3FA3]  }
0x2e: {  	s3 =	simm.s32 @!p0 $0x1082;
	s9 =	sld [smem:$0x3FA4]  }
0x2f: {  	lr =	sadd.s32 s0, s3;
	s0 =	sld [smem:$0x3F9B]  }
0x30: {  	s3 =	sld [smem:$0x3F9E]  }
0x31: {  	[smem:$0x3FA7] =	sst s10  }
0x32: {  	s10 =	sld [smem:$0x3FA5];
	_ =	sdelay $0x3  }
0x33: {  	p0 =	seq.s32 s10, $0x1;
	s10 =	sld [smem:$0x3FA7];
	_ =	sdelay $0x3  }
0x34: {  	[smem:$0x3FA7] =	sst s10  }
0x35: {  	s10 =	sld [smem:$0x3FA6];
	_ =	sdelay $0x3  }
0x36: {  	p1 =	seq.s32 s10, $0x1;
	s10 =	sld [smem:$0x3FA7];
	_ =	sdelay $0x3  }
0x37: {  	[smem:$0x3FA7] =	sst s10  }
0x38: {  	s10 =	sld [smem:$0x3FA8]  }
0x39: {  	_ = 	snop;
	(pc) =	sbr.ind lr, $3  }
0x3a: {  	_ = 	snop  }
0x3b: {  	_ = 	snop  }
0x3c: {  	p2 =	seq.s32 s10, $0x1;
	s10 =	sld [smem:$0x3FA7]  }
0x3d: {  	_ =	shalt  }
0x3e: {  	_ =	shalt  }
0x3f: {  	_ =	shalt  }
0x40: {  	_ =	shalt  }
0x41: {  	_ =	shalt  }
0x42: {  	_ =	shalt  }
0x43: {  	_ =	shalt  }
0x44: {  	_ =	shalt  }
0x45: {  	_ =	shalt  }
0x46: {  	_ =	shalt  }
0x47: {  	_ =	shalt  }
0x48: {  	_ =	shalt  }
0x49: {  	_ =	shalt  }
0x4a: {  	_ =	shalt  }
0x4b: {  	_ =	shalt  }
0x4c: {  	_ =	shalt  }
0x4d: {  	_ =	shalt  }
0x4e: {  	_ =	shalt  }
0x4f: {  	_ =	shalt  }
0x50: {  	_ =	shalt  }
0x51: {  	_ =	shalt  }
0x52: {  	_ =	shalt  }
0x53: {  	_ =	shalt  }
0x54: {  	_ =	shalt  }
0x55: {  	_ =	shalt  }
0x56: {  	_ =	shalt  }
0x57: {  	_ =	shalt  }
0x58: {  	_ =	shalt  }
0x59: {  	_ =	shalt  }
0x5a: {  	_ =	shalt  }
0x5b: {  	_ =	shalt  }
0x5c: {  	_ =	shalt  }
0x5d: {  	_ =	shalt  }
0x5e: {  	_ =	shalt  }
0x5f: {  	_ =	shalt  }
0x60: {  	_ =	shalt  }
0x61: {  	_ =	shalt  }
0x62: {  	_ =	shalt  }
0x63: {  	_ =	shalt  }
0x64: {  	_ =	shalt  }
0x65: {  	_ =	shalt  }
0x66: {  	_ =	shalt  }
0x67: {  	_ =	shalt  }
0x68: {  	_ =	shalt  }
0x69: {  	_ =	shalt  }
0x6a: {  	_ =	shalt  }
0x6b: {  	_ =	shalt  }
0x6c: {  	_ =	shalt  }
0x6d: {  	_ =	shalt  }
0x6e: {  	_ =	shalt  }
0x6f: {  	_ =	shalt  }
0x70: {  	_ =	shalt  }
0x71: {  	_ =	shalt  }
0x72: {  	_ =	shalt  }
0x73: {  	_ =	shalt  }
0x74: {  	_ =	shalt  }
0x75: {  	_ =	shalt  }
0x76: {  	_ =	shalt  }
0x77: {  	_ =	shalt  }
0x78: {  	_ =	shalt  }
0x79: {  	_ =	shalt  }
0x7a: {  	_ =	shalt  }
0x7b: {  	_ =	shalt  }
0x7c: {  	_ =	shalt  }
0x7d: {  	_ =	shalt  }
0x7e: {  	_ =	shalt  }
0x7f: {  	_ =	shalt  }
0x80: {  	_ =	shalt  }
0x81: {  	_ =	shalt  }
0x82: {  	_ =	shalt  }
0x83: {  	_ =	shalt  }
0x84: {  	_ =	shalt  }
0x85: {  	_ =	shalt  }
0x86: {  	_ =	shalt  }
0x87: {  	_ =	shalt  }
.Lfunc_end0:
.L_simem_size_0:
called_computation.3_lowered:
.L_overlay_start_0:
0x88: {  	s2 =	sld [smem:$0x3FD9]  }
0x89: {  	s3 =	sld [smem:$0x3FFE];
	_ =	sdelay $0x1  }
0x8a: {  	s1 =	srdreg.scid  }
0x8b: {  	s0 =	sand.u32 $0x1, s1  }
0x8c: {  	s17 =	sshll.u32 s0, $0xA;
	s2 =	sadd.s32 s3, s2  }
0x8d: {  	s2 =	sadd.s32 s2, s17  }
0x8e: {  	[smem:$0x3FB3] =	sst s2  }
0x8f: {  	_ = 	snop  }
0x90: {  	s18 =	sld [smem:$0x3FD0];
	(tm) =	ssettm $0x1  }
0x91: {  	s19 =	sld [smem:$0x3FFB];
	_ =	sdelay $0x3  }
0x92: {  	_ =	strace s19  }
0x93: {  	s2 =	sld [smem:$0x3FFC];
	_ =	sdelay $0x3  }
0x94: {  	_ =	strace s2  }
0x95: {  	s2 =	sld [smem:$0x3FFD];
	_ =	sdelay $0x3  }
0x96: {  	_ =	strace s2  }
0x97: {  	_ =	strace $0x8FFFFFFF  }
0x98: {  	s20 =	sld [smem:$0x3FDB];
	_ =	sdelay $0x1  }
0x99: {  	s4 =	simm.s32 $_scs_section_size  }
0x9a: {  	s5 =	simm.s32 $_size__tile_overlayer_lowered;
	s6 =	simm.s32 $_tile_overlayer_lowered  }
0x9b: {  	s7 =	simm.s32 $0x1BFF;
	s21 =	sshll.u32 s6, $0x1;
	s4 =	sadd.s32 s4, s20  }
0x9c: {  	s22 =	simm.s32 $0x0;
	s5 =	sshll.u32 s5, $0x1;
	s6 =	sadd.s32 s21, s4  }
0x9d: {  	[timem:s22], [sflag:s7] =	dma.local [hbm:s6], s5  }
0x9e: {  	_ =	swait.ge [sflag:s7], s5  }
0x9f: {  	s5 =	ssub.s32 $0x0, s5;
	[sflag:s7] =	ssyncset.done $0x0  }
0xa0: {  	[sflag:s7] =	ssyncadd.s32 s5;
	_ =	sdelay $0x1  }
0xa1: {  	s23 =	simm.s32 $0x1B8B  }
0xa2: {  	_ =	swait.ge [sflag:s23], $0x1  }
0xa3: {  	[sflag:s23] =	ssyncset.done $0x0  }
0xa4: {  	[sflag:s23] =	ssyncadd.s32 $0xFFFFFFFF  }
0xa5: {  	s5 =	sld [smem:$0x0]  }
0xa6: {  	s6 =	sand.u32 $0xFFFFFFFE, s1  }
0xa7: {  	p0 =	sne.s32 s1, s6  }
0xa8: {  	s6 =	sshll.u32 @p0 s6, $0xE  }
0xa9: {  	s6 =	sadd.s32 @p0 $0x11B8D, s6;
	s7 =	sshll.u32 @p0 s5, $0x11  }
0xaa: {  	s6 =	sor.u32 @p0 s7, s6  }
0xab: {  	[sflag:s6] =	ssyncadd.remote.s32 @p0 $0x1;
	_ =	sdelay $0x1  }
0xac: {  	s6 =	simm.s32 @p0 $0x1B8D  }
0xad: {  	_ =	swait.eq @p0 [sflag:s6], $0x1  }
0xae: {  	[sflag:s6] =	ssyncadd.s32 @p0 $0xFFFFFFFF  }
0xaf: {  	s7 =	sshll.u32 @!p0 s1, $0xE  }
0xb0: {  	s7 =	sor.u32 @!p0 $0x4000, s7;
	s6 =	simm.s32 @!p0 $0x1B8D  }
0xb1: {  	s5 =	sshll.u32 @!p0 s5, $0x11;
	s7 =	sadd.s32 @!p0 $0x11B8D, s7;
	_ =	swait.eq @!p0 [sflag:s6], $0x1  }
0xb2: {  	s5 =	sor.u32 @!p0 s5, s7;
	[sflag:s6] =	ssyncadd.s32 @!p0 $0xFFFFFFFF  }
0xb3: {  	s25 =	simm.s32 $0x1B8E;
	s24 =	sld [smem:$0x3FFE];
	[sflag:s5] =	ssyncadd.remote.s32 @!p0 $0x1  }
0xb4: {  	s26 =	simm.s32 $execute0_lowered;
	[smem:$0x3FD2] =	sst s25  }
0xb5: {  	s6 =	sshll.u32 s26, $0x1;
	_ =	strace $0x80000049;
	[dreg:$0x1] =	wrdreg $0xFFFFFFFF  }
0xb6: {  	s28 =	simm.s32 $_size_execute0_lowered;
	s4 =	sadd.s32 s4, s6;
	[dreg:$0x0] =	wrdreg $0x0  }
0xb7: {  	s6 =	sshll.u32 s28, $0x1;
	[dreg:$0x2] =	wrdreg s4  }
0xb8: {  	[dreg:$0x3] =	wrdreg s6  }
0xb9: {  	[dreg:$0x4] =	wrdreg $0xC0  }
0xba: {  	_ =	task [dreg:s22], $0x5FFFF  }
0xbb: {  	[dreg:$0x1] =	wrdreg $0xFFFFFFFF  }
0xbc: {  	[dreg:$0x0] =	wrdreg $0x60  }
0xbd: {  	[dreg:$0x2] =	wrdreg s18  }
0xbe: {  	[dreg:$0x3] =	wrdreg s24  }
0xbf: {  	[dreg:$0x4] =	wrdreg $0xD  }
0xc0: {  	_ =	task.clear_ibuf [dreg:s22], $0x5FFFF;
	_ =	strace $0x90000049  }
0xc1: {  	s29 =	simm.s32 $0xD;
	_ =	strace $0x8000004B  }
0xc2: {  	_ =	swait.ge [sflag:s29], $0x1  }
0xc3: {  	[sflag:s29] =	ssyncadd.s32 $0xFFFFFFFF  }
0xc4: {  	_ =	strace $0x9000004B  }
0xc5: {  	_ =	sfence  }
0xc6: {  	s30 =	sld [smem:$0x0];
	_ =	sdelay $0x2  }
0xc7: {  	s31 =	sshll.u32 s1, $0xD;
	s1 =	sshrl.u32 s1, $0x2  }
0xc8: {  	s4 =	sand.u32 $0x4000, s31;
	s1 =	sadd.s32 s1, s30  }
0xc9: {  	s0 =	sor.u32 s4, s0;
	s1 =	sshll.u32 s1, $0x11  }
0xca: {  	s0 =	sor.u32 s1, s0  }
0xcb: {  	s0 =	sadd.s32 $0x8F2B, s0  }
0xcc: {  	[sflag:s0] =	ssyncadd.remote.s32 $0x1  }
0xcd: {  	_ =	sfence.sel $0xFFFF  }
0xce: {  	[dreg:$0x0] =	wrdreg $0xFFFFFFFF;
	(pc) =	sbr.abs _section_cstart, $3  }
0xcf: {  	[dreg:$0x1] =	wrdreg $0xFFFFFFFF  }
0xd0: {  	_ =	task.clear_ibuf [dreg:s22], $0x2FFFF;
	_ =	strace $0x9FFFFFFF  }
0xd1: {  	(tm) =	ssettm $0x7FFFFFFF  }
tec
execute0_lowered:
.L_overlay_start_1:
0x0: {  	(tag) =	ssettag $0x1  }
0x1: {  	s1 =	rddreg [dreg:$0x0]  }
0x2: {  	s4 =	rddreg [dreg:$0x1]  }
0x3: {  	s0 =	rddreg [dreg:$0x2]  }
0x4: {  	s3 =	simm.s32 $0x0;
	s5 =	srdreg.scid;
	s2 =	stileid.u32  }
0x5: {  	s9 =	simm.s32 $0x3;
	s10 =	simm.s32 $0x1000;
	s11 =	simm.s32 $0x50  }
0x6: {  	s12 =	simm.s32 $0x2000;
	s13 =	simm.s32 $0x4800;
	s14 =	simm.s32 $0x1  }
0x7: {  	s15 =	simm.s32 $0x2;
	s16 =	simm.s32 $0x0;
	[smem:$0x7FF] =	sst s3  }
0x8: {  	s5 =	sand.u32 $0x1, s5;
	s6 =	sshll.u32 s2, $0xA;
	s8 =	smul.u32 $0xFA00, s2  }
0x9: {  	_ =	strace $0x8000004A;
	s7 =	sshll.u32 s5, $0x9;
	s30 =	ssub.s32 $0x2, s5  }
0xa: {  	s5 =	smul.u32 $0x7D00, s5;
	s6 =	sor.u32 s7, s6;
	s31 =	sshrl.u32 s30, $0x1  }
0xb: {  	s8 =	sadd.s32 s8, s4;
	s6 =	sadd.s32 s6, s4;
	s7 =	ssub.s32 s30, s31  }
0xc: {  	s8 =	sadd.s32 s5, s8;
	s4 =	sadd.s32 $0x13200, s6;
	s5 =	sadd.s32 $0x27200, s6  }
0xd: {  	s6 =	smax.u32 s7, $0x1;
	s7 =	sadd.s32 $0x223200, s8;
	s8 =	sadd.s32 $0x31D200, s8  }
.LBB2_1:
0xe: {  	[tilespmem:s3], [sflag:$0x3] =	stream.linear.gather [hbm4b:s4+s3], $0xC80, $0x38;
	[tilespmem:$0x7000] =	vst v63  }
0xf: {  	_ =	swait.ge [sflag:s9], $0xC80  }
0x10: {  	[sflag:s9] =	ssyncset.done $0x0  }
0x11: {  	[sflag:s9] =	ssyncadd.s32 $0xFFFFF380  }
0x12: {  	[tilespmem:s10], [sflag:$0x3] =	stream.linear.gather [hbm4b:s5+s3], $0xC80, $0x38;
	[tilespmem:$0x7000] =	vst v63  }
0x13: {  	_ =	swait.ge [sflag:s9], $0xC80  }
0x14: {  	[sflag:s9] =	ssyncset.done $0x0  }
0x15: {  	s17 =	simm.s32 $0x0;
	[sflag:s9] =	ssyncadd.s32 $0xFFFFF380  }
0x16: {  	[tilespmem:s12], [sflag:$0x1] =	stream.indirect.gather [hbm4b:s1+s11], $0x80, s17, s11, $0xb8;
	[tilespmem:$0x7000] =	vst v63  }
0x17: {  	s31 =	simm.s32 $0x1000  }
0x18: {  	[tilespmem:s13], [sflag:$0x2] =	stream.indirect.gather [hbm4b:s1+s11], $0x80, s31, s11, $0xb8;
	[tilespmem:$0x7000] =	vst v63  }
0x19: {  	_ =	swait.ge [sflag:s14], $0x2800  }
0x1a: {  	[sflag:s14] =	ssyncset.done $0x0  }
0x1b: {  	[sflag:s14] =	ssyncadd.s32 $0xFFFFD800  }
0x1c: {  	_ =	swait.ge [sflag:s15], $0x2800  }
0x1d: {  	[sflag:s15] =	ssyncset.done $0x0  }
0x1e: {  	[sflag:s15] =	ssyncadd.s32 $0xFFFFD800  }
0x1f: {  	[hbm4b:s7+s3] =	stream.linear.scatter [tilespmem:s12], [sflag:$0x3], $0x2800, $0x38;
	[tilespmem:$0x7000] =	vst v63  }
0x20: {  	_ =	swait.ge [sflag:s9], $0x2800  }
0x21: {  	[sflag:s9] =	ssyncset.done $0x0  }
0x22: {  	[sflag:s9] =	ssyncadd.s32 $0xFFFFD800  }
0x23: {  	[hbm4b:s8+s3] =	stream.linear.scatter [tilespmem:s13], [sflag:$0x3], $0x2800, $0x38;
	[tilespmem:$0x7000] =	vst v63  }
0x24: {  	s19 =	simm.s32 $0x200;
	s20 =	simm.s32 $0x400;
	_ =	swait.ge [sflag:s9], $0x2800  }
0x25: {  	s18 =	sadd.s32 $0x500, s7;
	s17 =	sadd.s32 $0x500, s8;
	[sflag:s9] =	ssyncset.done $0x0  }
.LBB2_2:
0x26: {  	s21 =	sshra.s32 s19, $0x2  }
0x27: {  	[sflag:s9] =	ssyncadd.s32 $0xFFFFD800;
	s19 =	smov.u32 s20;
	s22 =	sadd.s32 $0x200, s20  }
0x28: {  	[tilespmem:s12], [sflag:$0x1] =	stream.indirect.gather [hbm4b:s1+s11], $0x80, s21, s11, $0xb8;
	[tilespmem:$0x7000] =	vst v63  }
0x29: {  	p0 =	sne.s32 s20, $0x3000;
	s20 =	sadd.s32 $0x1000, s21  }
0x2a: {  	[tilespmem:s13], [sflag:$0x2] =	stream.indirect.gather [hbm4b:s1+s11], $0x80, s20, s11, $0xb8;
	[tilespmem:$0x7000] =	vst v63  }
0x2b: {  	_ =	swait.ge [sflag:s14], $0x2800  }
0x2c: {  	[sflag:s14] =	ssyncset.done $0x0  }
0x2d: {  	[sflag:s14] =	ssyncadd.s32 $0xFFFFD800  }
0x2e: {  	_ =	swait.ge [sflag:s15], $0x2800  }
0x2f: {  	[sflag:s15] =	ssyncset.done $0x0  }
0x30: {  	[sflag:s15] =	ssyncadd.s32 $0xFFFFD800  }
0x31: {  	[hbm4b:s18+s3] =	stream.linear.scatter [tilespmem:s12], [sflag:$0x3], $0x2800, $0x38;
	[tilespmem:$0x7000] =	vst v63  }
0x32: {  	_ =	swait.ge [sflag:s9], $0x2800  }
.Ltmp0:
0x33: {  	[sflag:s9] =	ssyncset.done $0x0;
	(pc) =	sbr.rel @p0 .LBB2_2-.Ltmp0, $4  }
0x34: {  	[sflag:s9] =	ssyncadd.s32 $0xFFFFD800  }
0x35: {  	[hbm4b:s17+s3] =	stream.linear.scatter [tilespmem:s13], [sflag:$0x3], $0x2800, $0x38;
	[tilespmem:$0x7000] =	vst v63  }
0x36: {  	s20 =	smov.u32 s22;
	_ =	swait.ge [sflag:s9], $0x2800  }
0x37: {  	s18 =	sadd.s32 $0x500, s18;
	s17 =	sadd.s32 $0x500, s17;
	[sflag:s9] =	ssyncset.done $0x0  }
0x38: {  	s19 =	sshra.s32 s19, $0x2;
	[sflag:s9] =	ssyncadd.s32 $0xFFFFD800  }
0x39: {  	[tilespmem:s12], [sflag:$0x1] =	stream.indirect.gather [hbm4b:s1+s11], $0x80, s19, s11, $0xb8;
	[tilespmem:$0x7000] =	vst v63  }
0x3a: {  	s19 =	sadd.s32 $0x1000, s19  }
0x3b: {  	[tilespmem:s13], [sflag:$0x2] =	stream.indirect.gather [hbm4b:s1+s11], $0x80, s19, s11, $0xb8;
	[tilespmem:$0x7000] =	vst v63  }
0x3c: {  	_ =	swait.ge [sflag:s14], $0x2800  }
0x3d: {  	[sflag:s14] =	ssyncset.done $0x0  }
0x3e: {  	[sflag:s14] =	ssyncadd.s32 $0xFFFFD800  }
0x3f: {  	_ =	swait.ge [sflag:s15], $0x2800  }
0x40: {  	[sflag:s15] =	ssyncset.done $0x0  }
0x41: {  	[sflag:s15] =	ssyncadd.s32 $0xFFFFD800  }
0x42: {  	[hbm4b:s18+s3] =	stream.linear.scatter [tilespmem:s12], [sflag:$0x3], $0x2800, $0x38;
	[tilespmem:$0x7000] =	vst v63  }
0x43: {  	s16 =	sadd.s32 $0x1, s16;
	_ =	swait.ge [sflag:s9], $0x2800  }
0x44: {  	p0 =	sne.s32 s16, s6;
	[sflag:s9] =	ssyncset.done $0x0  }
.Ltmp1:
0x45: {  	[sflag:s9] =	ssyncadd.s32 $0xFFFFD800;
	(pc) =	sbr.rel @p0 .LBB2_1-.Ltmp1, $4  }
0x46: {  	[hbm4b:s17+s3] =	stream.linear.scatter [tilespmem:s13], [sflag:$0x3], $0x2800, $0x38;
	[tilespmem:$0x7000] =	vst v63  }
0x47: {  	_ =	swait.ge [sflag:s9], $0x2800  }
0x48: {  	[sflag:s9] =	ssyncset.done $0x0  }
0x49: {  	[sflag:s9] =	ssyncadd.s32 $0xFFFFD800  }
0x4a: {  	_ =	sfence.sel $0x180000  }
0x4b: {  	[bflag:$0x0] =	sbarrier.arrive $0xFFFF  }
0x4c: {  	p0 =	sne.s32 s2, $0x0;
	_ =	strace $0x9000004A  }
0x4d: {  	s0 =	sadd.s32 @!p0 $0x100000, s0;
	[bflag:$0x2] =	sbarrier.arrive $0xFFFF  }
0x4e: {  	[sflag:s0] =	ssyncadd.tile.s32 @!p0 $0x1;
	_ =	shalt  }
.Lfunc_end2:
_tile_overlayer_lowered:
.L_overlay_start_2:
0x4f: {  	(tag) =	ssettag $0x2  }
0x50: {  	s0 =	rddreg [dreg:$0x0];
	s2 =	stileid.u32  }
0x51: {  	s1 =	rddreg [dreg:$0x1];
	p0 =	sne.s32 s2, $0x0  }
0x52: {  	s3 =	rddreg [dreg:$0x2];
	[bflag:$0x3] =	sbarrier.arrive $0xFFFF;
	s2 =	simm.s32 @!p0 $0x1C03  }
0x53: {  	[timem:s3], [sflag:s2] =	dma.local @!p0 [hbm:s0], s1  }
0x54: {  	s0 =	simm.s32 @!p0 $0x3  }
0x55: {  	_ =	swait.ge @!p0 [sflag:s0], s1  }
0x56: {  	s1 =	ssub.s32 @!p0 $0x0, s1;
	[sflag:s0] =	ssyncset.done @!p0 $0x0  }
0x57: {  	[sflag:s0] =	ssyncadd.s32 @!p0 s1  }
0x58: {  	[bflag:$0x3] =	sbarrier.arrive $0xFFFF  }
0x59: {  	_ =	shalt  }

// kernel: kernel.30.cloned.1.call-start
scs
__scs_entry_jumppad:
0x0: {  	(pc) =	sbr.rel $0x88, $3  }
0x1: {  	(tag) =	ssettag $0x0;
	lr =	simm.s32 $0x1  }
0x2: {  	[smem:$0x3F8C] =	sst lr;
	_ =	strace $0xD0000000  }
0x3: {  	_ = 	snop  }
0x4: {  	_ = 	snop  }
0x5: {  	_ = 	snop  }
0x6: {  	_ = 	snop  }
0x7: {  	_ = 	snop  }
__scs_overlays_trampoline_lowered:
0x8: {  	[smem:$0x3F9B] =	sst s0  }
0x9: {  	[smem:$0x3F9C] =	sst s1  }
0xa: {  	[smem:$0x3F9D] =	sst s2  }
0xb: {  	[smem:$0x3F9E] =	sst s3  }
0xc: {  	[smem:$0x3F9F] =	sst s4  }
0xd: {  	[smem:$0x3FA0] =	sst s5  }
0xe: {  	[smem:$0x3FA1] =	sst s6  }
0xf: {  	[smem:$0x3FA2] =	sst s7  }
0x10: {  	[smem:$0x3FA3] =	sst s8  }
0x11: {  	[smem:$0x3FA4] =	sst s9;
	s0 =	simm.s32 @!p0 $0x0  }
0x12: {  	s1 =	sld [smem:$0x3F8A];
	s0 =	simm.s32 @p0 $0x1  }
0x13: {  	[smem:$0x3FA5] =	sst s0;
	s0 =	simm.s32 @!p1 $0x0  }
0x14: {  	s2 =	sld [smem:$0x3F89];
	s0 =	simm.s32 @p1 $0x1  }
0x15: {  	[smem:$0x3FA6] =	sst s0;
	s0 =	simm.s32 @!p2 $0x0  }
0x16: {  	s3 =	sld [smem:$0x3FDB];
	s0 =	simm.s32 @p2 $0x1  }
0x17: {  	s4 =	simm.s32 $0x1BF5;
	[smem:$0x3FA8] =	sst s0  }
0x18: {  	s0 =	sld [smem:$0x3F8B];
	_ =	swait.ge [sflag:s4], $0x0  }
0x19: {  	s7 =	sld [smem:$0x3F8C]  }
0x1a: {  	s8 =	sadd.s32 $0xFFFFE003, lr  }
0x1b: {  	s9 =	sadd.s32 $0xFFFFFEF7, lr;
	s5 =	simm.s32 $0xFFFFFFFF;
	p2 =	slt.u32 s8, $0xFFFFF086  }
0x1c: {  	p1 =	slt.u32 s9, $0xF7A;
	s5 =	simm.s32 @!p2 $0x0  }
0x1d: {  	s5 =	simm.s32 @p1 $0x1;
	p0 =	seq.s32 s7, s2  }
0x1e: {  	s7 =	smul.u32 @!p0 $0xF7A, s2;
	p2 =	seq.s32 @!p0 s5, $0x0  }
0x1f: {  	s9 =	smul.u32 $0xF7A, s1;
	s8 =	simm.s32 @!p0 $0x1BF5;
	p2 =	por !p2, p0  }
0x20: {  	[sflag:s8] =	ssyncset.s32 @!p0 $0xFFFFF086;
	s6 =	sadd.s32 @!p0 s3, s7;
	s7 =	simm.s32 @!p0 $0x108  }
0x21: {  	s3 =	sadd.s32 s3, s9;
	s6 =	sadd.s32 @!p0 $0x88, s6;
	s7 =	simm.s32 @p2 $0x1082  }
0x22: {  	[simem:s7], [sflag:s8] =	dma.local @!p0 [hbm:s6], $0xF7A  }
0x23: {  	s9 =	sor.u32 $0xD0000000, s2;
	s6 =	simm.s32 $0x108;
	_ =	swait.ge @!p0 [sflag:s8], $0x0  }
0x24: {  	s3 =	sadd.s32 $0x88, s3;
	s6 =	simm.s32 @!p1 $0x1082;
	[sflag:s4] =	ssyncset.s32 $0xFFFFF086  }
0x25: {  	[simem:s6], [sflag:s4] =	dma.local [hbm:s3], $0xF7A  }
0x26: {  	[smem:$0x3F8C] =	sst s1;
	(tag) =	ssettag s2;
	_ =	strace s9  }
0x27: {  	s1 =	sld [smem:$0x3F9C]  }
0x28: {  	s2 =	sld [smem:$0x3F9D]  }
0x29: {  	s4 =	sld [smem:$0x3F9F]  }
0x2a: {  	p0 =	seq.s32 s5, $0x0;
	s5 =	sld [smem:$0x3FA0]  }
0x2b: {  	s6 =	sld [smem:$0x3FA1]  }
0x2c: {  	s7 =	sld [smem:$0x3FA2]  }
0x2d: {  	s3 =	simm.s32 $0x108;
	s8 =	sld [smem:$0x3FA3]  }
0x2e: {  	s3 =	simm.s32 @!p0 $0x1082;
	s9 =	sld [smem:$0x3FA4]  }
0x2f: {  	lr =	sadd.s32 s0, s3;
	s0 =	sld [smem:$0x3F9B]  }
0x30: {  	s3 =	sld [smem:$0x3F9E]  }
0x31: {  	[smem:$0x3FA7] =	sst s10  }
0x32: {  	s10 =	sld [smem:$0x3FA5];
	_ =	sdelay $0x3  }
0x33: {  	p0 =	seq.s32 s10, $0x1;
	s10 =	sld [smem:$0x3FA7];
	_ =	sdelay $0x3  }
0x34: {  	[smem:$0x3FA7] =	sst s10  }
0x35: {  	s10 =	sld [smem:$0x3FA6];
	_ =	sdelay $0x3  }
0x36: {  	p1 =	seq.s32 s10, $0x1;
	s10 =	sld [smem:$0x3FA7];
	_ =	sdelay $0x3  }
0x37: {  	[smem:$0x3FA7] =	sst s10  }
0x38: {  	s10 =	sld [smem:$0x3FA8]  }
0x39: {  	_ = 	snop;
	(pc) =	sbr.ind lr, $3  }
0x3a: {  	_ = 	snop  }
0x3b: {  	_ = 	snop  }
0x3c: {  	p2 =	seq.s32 s10, $0x1;
	s10 =	sld [smem:$0x3FA7]  }
0x3d: {  	_ =	shalt  }
0x3e: {  	_ =	shalt  }
0x3f: {  	_ =	shalt  }
0x40: {  	_ =	shalt  }
0x41: {  	_ =	shalt  }
0x42: {  	_ =	shalt  }
0x43: {  	_ =	shalt  }
0x44: {  	_ =	shalt  }
0x45: {  	_ =	shalt  }
0x46: {  	_ =	shalt  }
0x47: {  	_ =	shalt  }
0x48: {  	_ =	shalt  }
0x49: {  	_ =	shalt  }
0x4a: {  	_ =	shalt  }
0x4b: {  	_ =	shalt  }
0x4c: {  	_ =	shalt  }
0x4d: {  	_ =	shalt  }
0x4e: {  	_ =	shalt  }
0x4f: {  	_ =	shalt  }
0x50: {  	_ =	shalt  }
0x51: {  	_ =	shalt  }
0x52: {  	_ =	shalt  }
0x53: {  	_ =	shalt  }
0x54: {  	_ =	shalt  }
0x55: {  	_ =	shalt  }
0x56: {  	_ =	shalt  }
0x57: {  	_ =	shalt  }
0x58: {  	_ =	shalt  }
0x59: {  	_ =	shalt  }
0x5a: {  	_ =	shalt  }
0x5b: {  	_ =	shalt  }
0x5c: {  	_ =	shalt  }
0x5d: {  	_ =	shalt  }
0x5e: {  	_ =	shalt  }
0x5f: {  	_ =	shalt  }
0x60: {  	_ =	shalt  }
0x61: {  	_ =	shalt  }
0x62: {  	_ =	shalt  }
0x63: {  	_ =	shalt  }
0x64: {  	_ =	shalt  }
0x65: {  	_ =	shalt  }
0x66: {  	_ =	shalt  }
0x67: {  	_ =	shalt  }
0x68: {  	_ =	shalt  }
0x69: {  	_ =	shalt  }
0x6a: {  	_ =	shalt  }
0x6b: {  	_ =	shalt  }
0x6c: {  	_ =	shalt  }
0x6d: {  	_ =	shalt  }
0x6e: {  	_ =	shalt  }
0x6f: {  	_ =	shalt  }
0x70: {  	_ =	shalt  }
0x71: {  	_ =	shalt  }
0x72: {  	_ =	shalt  }
0x73: {  	_ =	shalt  }
0x74: {  	_ =	shalt  }
0x75: {  	_ =	shalt  }
0x76: {  	_ =	shalt  }
0x77: {  	_ =	shalt  }
0x78: {  	_ =	shalt  }
0x79: {  	_ =	shalt  }
0x7a: {  	_ =	shalt  }
0x7b: {  	_ =	shalt  }
0x7c: {  	_ =	shalt  }
0x7d: {  	_ =	shalt  }
0x7e: {  	_ =	shalt  }
0x7f: {  	_ =	shalt  }
0x80: {  	_ =	shalt  }
0x81: {  	_ =	shalt  }
0x82: {  	_ =	shalt  }
0x83: {  	_ =	shalt  }
0x84: {  	_ =	shalt  }
0x85: {  	_ =	shalt  }
0x86: {  	_ =	shalt  }
0x87: {  	_ =	shalt  }
.Lfunc_end0:
.L_simem_size_0:
called_computation.4_lowered:
.L_overlay_start_0:
0x88: {  	s2 =	sld [smem:$0x3FD9]  }
0x89: {  	s3 =	sld [smem:$0x3FFE];
	_ =	sdelay $0x1  }
0x8a: {  	s1 =	srdreg.scid  }
0x8b: {  	s0 =	sand.u32 $0x1, s1  }
0x8c: {  	s17 =	sshll.u32 s0, $0xA;
	s2 =	sadd.s32 s3, s2  }
0x8d: {  	s2 =	sadd.s32 s2, s17  }
0x8e: {  	[smem:$0x3FB3] =	sst s2  }
0x8f: {  	_ = 	snop  }
0x90: {  	s18 =	sld [smem:$0x3FD0];
	(tm) =	ssettm $0x1  }
0x91: {  	s19 =	sld [smem:$0x3FFB];
	_ =	sdelay $0x3  }
0x92: {  	_ =	strace s19  }
0x93: {  	s2 =	sld [smem:$0x3FFC];
	_ =	sdelay $0x3  }
0x94: {  	_ =	strace s2  }
0x95: {  	s2 =	sld [smem:$0x3FFD];
	_ =	sdelay $0x3  }
0x96: {  	_ =	strace s2  }
0x97: {  	_ =	strace $0x8FFFFFFF  }
0x98: {  	s20 =	sld [smem:$0x3FDB];
	_ =	sdelay $0x1  }
0x99: {  	s4 =	simm.s32 $_scs_section_size  }
0x9a: {  	s5 =	simm.s32 $_size__tile_overlayer_lowered;
	s6 =	simm.s32 $_tile_overlayer_lowered  }
0x9b: {  	s7 =	simm.s32 $0x1BFF;
	s21 =	sshll.u32 s6, $0x1;
	s4 =	sadd.s32 s4, s20  }
0x9c: {  	s22 =	simm.s32 $0x0;
	s5 =	sshll.u32 s5, $0x1;
	s6 =	sadd.s32 s21, s4  }
0x9d: {  	[timem:s22], [sflag:s7] =	dma.local [hbm:s6], s5  }
0x9e: {  	_ =	swait.ge [sflag:s7], s5  }
0x9f: {  	s5 =	ssub.s32 $0x0, s5;
	[sflag:s7] =	ssyncset.done $0x0  }
0xa0: {  	[sflag:s7] =	ssyncadd.s32 s5;
	_ =	sdelay $0x1  }
0xa1: {  	s23 =	simm.s32 $0x1B8B  }
0xa2: {  	_ =	swait.ge [sflag:s23], $0x1  }
0xa3: {  	[sflag:s23] =	ssyncset.done $0x0  }
0xa4: {  	[sflag:s23] =	ssyncadd.s32 $0xFFFFFFFF  }
0xa5: {  	s5 =	sld [smem:$0x0]  }
0xa6: {  	s6 =	sand.u32 $0xFFFFFFFE, s1  }
0xa7: {  	p0 =	sne.s32 s1, s6  }
0xa8: {  	s6 =	sshll.u32 @p0 s6, $0xE  }
0xa9: {  	s6 =	sadd.s32 @p0 $0x11B8D, s6;
	s7 =	sshll.u32 @p0 s5, $0x11  }
0xaa: {  	s6 =	sor.u32 @p0 s7, s6  }
0xab: {  	[sflag:s6] =	ssyncadd.remote.s32 @p0 $0x1;
	_ =	sdelay $0x1  }
0xac: {  	s6 =	simm.s32 @p0 $0x1B8D  }
0xad: {  	_ =	swait.eq @p0 [sflag:s6], $0x1  }
0xae: {  	[sflag:s6] =	ssyncadd.s32 @p0 $0xFFFFFFFF  }
0xaf: {  	s7 =	sshll.u32 @!p0 s1, $0xE  }
0xb0: {  	s7 =	sor.u32 @!p0 $0x4000, s7;
	s6 =	simm.s32 @!p0 $0x1B8D  }
0xb1: {  	s5 =	sshll.u32 @!p0 s5, $0x11;
	s7 =	sadd.s32 @!p0 $0x11B8D, s7;
	_ =	swait.eq @!p0 [sflag:s6], $0x1  }
0xb2: {  	s5 =	sor.u32 @!p0 s5, s7;
	[sflag:s6] =	ssyncadd.s32 @!p0 $0xFFFFFFFF  }
0xb3: {  	s25 =	simm.s32 $0x1B8E;
	s24 =	sld [smem:$0x3FFE];
	[sflag:s5] =	ssyncadd.remote.s32 @!p0 $0x1  }
0xb4: {  	s26 =	simm.s32 $execute0_lowered;
	[smem:$0x3FD2] =	sst s25  }
0xb5: {  	s6 =	sshll.u32 s26, $0x1;
	_ =	strace $0x80000052;
	[dreg:$0x1] =	wrdreg $0xFFFFFFFF  }
0xb6: {  	s28 =	simm.s32 $_size_execute0_lowered;
	s4 =	sadd.s32 s4, s6;
	[dreg:$0x0] =	wrdreg $0x0  }
0xb7: {  	s6 =	sshll.u32 s28, $0x1;
	[dreg:$0x2] =	wrdreg s4  }
0xb8: {  	[dreg:$0x3] =	wrdreg s6  }
0xb9: {  	[dreg:$0x4] =	wrdreg $0xC0  }
0xba: {  	_ =	task [dreg:s22], $0x5FFFF  }
0xbb: {  	[dreg:$0x1] =	wrdreg $0xFFFFFFFF  }
0xbc: {  	[dreg:$0x0] =	wrdreg $0x60  }
0xbd: {  	[dreg:$0x2] =	wrdreg s18  }
0xbe: {  	[dreg:$0x3] =	wrdreg s24  }
0xbf: {  	[dreg:$0x4] =	wrdreg $0x9  }
0xc0: {  	_ =	task.clear_ibuf [dreg:s22], $0x5FFFF;
	_ =	strace $0x90000052  }
0xc1: {  	s29 =	simm.s32 $0x9;
	_ =	strace $0x80000054  }
0xc2: {  	_ =	swait.ge [sflag:s29], $0x1  }
0xc3: {  	[sflag:s29] =	ssyncadd.s32 $0xFFFFFFFF  }
0xc4: {  	_ =	strace $0x90000054  }
0xc5: {  	_ =	sfence  }
0xc6: {  	s30 =	sld [smem:$0x0];
	_ =	sdelay $0x2  }
0xc7: {  	s31 =	sshll.u32 s1, $0xD;
	s1 =	sshrl.u32 s1, $0x2  }
0xc8: {  	s4 =	sand.u32 $0x4000, s31;
	s1 =	sadd.s32 s1, s30  }
0xc9: {  	s0 =	sor.u32 s4, s0;
	s1 =	sshll.u32 s1, $0x11  }
0xca: {  	s0 =	sor.u32 s1, s0  }
0xcb: {  	s0 =	sadd.s32 $0x8F2B, s0  }
0xcc: {  	[sflag:s0] =	ssyncadd.remote.s32 $0x1  }
0xcd: {  	_ =	sfence.sel $0xFFFF  }
0xce: {  	[dreg:$0x0] =	wrdreg $0xFFFFFFFF;
	(pc) =	sbr.abs _section_cstart, $3  }
0xcf: {  	[dreg:$0x1] =	wrdreg $0xFFFFFFFF  }
0xd0: {  	_ =	task.clear_ibuf [dreg:s22], $0x2FFFF;
	_ =	strace $0x9FFFFFFF  }
0xd1: {  	(tm) =	ssettm $0x7FFFFFFF  }
tec
execute0_lowered:
.L_overlay_start_1:
0x0: {  	(tag) =	ssettag $0x1  }
0x1: {  	s1 =	rddreg [dreg:$0x0]  }
0x2: {  	s4 =	rddreg [dreg:$0x1]  }
0x3: {  	s0 =	rddreg [dreg:$0x2]  }
0x4: {  	s3 =	simm.s32 $0x0;
	s5 =	srdreg.scid;
	s2 =	stileid.u32  }
0x5: {  	s9 =	simm.s32 $0x3;
	s10 =	simm.s32 $0x1000;
	s11 =	simm.s32 $0x50  }
0x6: {  	s12 =	simm.s32 $0x2000;
	s13 =	simm.s32 $0x4800;
	s14 =	simm.s32 $0x1  }
0x7: {  	s15 =	simm.s32 $0x2;
	s16 =	simm.s32 $0x0;
	[smem:$0x7FF] =	sst s3  }
0x8: {  	s5 =	sand.u32 $0x1, s5;
	s6 =	sshll.u32 s2, $0xA;
	s8 =	smul.u32 $0xFA00, s2  }
0x9: {  	_ =	strace $0x80000053;
	s7 =	sshll.u32 s5, $0x9;
	s30 =	ssub.s32 $0x2, s5  }
0xa: {  	s5 =	smul.u32 $0x7D00, s5;
	s6 =	sor.u32 s7, s6;
	s31 =	sshrl.u32 s30, $0x1  }
0xb: {  	s8 =	sadd.s32 s8, s4;
	s6 =	sadd.s32 s6, s4;
	s7 =	ssub.s32 s30, s31  }
0xc: {  	s8 =	sadd.s32 s5, s8;
	s4 =	sadd.s32 $0x17200, s6;
	s5 =	sadd.s32 $0x2B200, s6  }
0xd: {  	s6 =	smax.u32 s7, $0x1;
	s7 =	sadd.s32 $0x7FF200, s8;
	s8 =	sadd.s32 $0x8F9200, s8  }
.LBB2_1:
0xe: {  	[tilespmem:s3], [sflag:$0x3] =	stream.linear.gather [hbm4b:s4+s3], $0xC80, $0x38;
	[tilespmem:$0x7000] =	vst v63  }
0xf: {  	_ =	swait.ge [sflag:s9], $0xC80  }
0x10: {  	[sflag:s9] =	ssyncset.done $0x0  }
0x11: {  	[sflag:s9] =	ssyncadd.s32 $0xFFFFF380  }
0x12: {  	[tilespmem:s10], [sflag:$0x3] =	stream.linear.gather [hbm4b:s5+s3], $0xC80, $0x38;
	[tilespmem:$0x7000] =	vst v63  }
0x13: {  	_ =	swait.ge [sflag:s9], $0xC80  }
0x14: {  	[sflag:s9] =	ssyncset.done $0x0  }
0x15: {  	s17 =	simm.s32 $0x0;
	[sflag:s9] =	ssyncadd.s32 $0xFFFFF380  }
0x16: {  	[tilespmem:s12], [sflag:$0x1] =	stream.indirect.gather [hbm4b:s1+s11], $0x80, s17, s11, $0xb8;
	[tilespmem:$0x7000] =	vst v63  }
0x17: {  	s31 =	simm.s32 $0x1000  }
0x18: {  	[tilespmem:s13], [sflag:$0x2] =	stream.indirect.gather [hbm4b:s1+s11], $0x80, s31, s11, $0xb8;
	[tilespmem:$0x7000] =	vst v63  }
0x19: {  	_ =	swait.ge [sflag:s14], $0x2800  }
0x1a: {  	[sflag:s14] =	ssyncset.done $0x0  }
0x1b: {  	[sflag:s14] =	ssyncadd.s32 $0xFFFFD800  }
0x1c: {  	_ =	swait.ge [sflag:s15], $0x2800  }
0x1d: {  	[sflag:s15] =	ssyncset.done $0x0  }
0x1e: {  	[sflag:s15] =	ssyncadd.s32 $0xFFFFD800  }
0x1f: {  	[hbm4b:s7+s3] =	stream.linear.scatter [tilespmem:s12], [sflag:$0x3], $0x2800, $0x38;
	[tilespmem:$0x7000] =	vst v63  }
0x20: {  	_ =	swait.ge [sflag:s9], $0x2800  }
0x21: {  	[sflag:s9] =	ssyncset.done $0x0  }
0x22: {  	[sflag:s9] =	ssyncadd.s32 $0xFFFFD800  }
0x23: {  	[hbm4b:s8+s3] =	stream.linear.scatter [tilespmem:s13], [sflag:$0x3], $0x2800, $0x38;
	[tilespmem:$0x7000] =	vst v63  }
0x24: {  	s19 =	simm.s32 $0x200;
	s20 =	simm.s32 $0x400;
	_ =	swait.ge [sflag:s9], $0x2800  }
0x25: {  	s18 =	sadd.s32 $0x500, s7;
	s17 =	sadd.s32 $0x500, s8;
	[sflag:s9] =	ssyncset.done $0x0  }
.LBB2_2:
0x26: {  	s21 =	sshra.s32 s19, $0x2  }
0x27: {  	[sflag:s9] =	ssyncadd.s32 $0xFFFFD800;
	s19 =	smov.u32 s20;
	s22 =	sadd.s32 $0x200, s20  }
0x28: {  	[tilespmem:s12], [sflag:$0x1] =	stream.indirect.gather [hbm4b:s1+s11], $0x80, s21, s11, $0xb8;
	[tilespmem:$0x7000] =	vst v63  }
0x29: {  	p0 =	sne.s32 s20, $0x3000;
	s20 =	sadd.s32 $0x1000, s21  }
0x2a: {  	[tilespmem:s13], [sflag:$0x2] =	stream.indirect.gather [hbm4b:s1+s11], $0x80, s20, s11, $0xb8;
	[tilespmem:$0x7000] =	vst v63  }
0x2b: {  	_ =	swait.ge [sflag:s14], $0x2800  }
0x2c: {  	[sflag:s14] =	ssyncset.done $0x0  }
0x2d: {  	[sflag:s14] =	ssyncadd.s32 $0xFFFFD800  }
0x2e: {  	_ =	swait.ge [sflag:s15], $0x2800  }
0x2f: {  	[sflag:s15] =	ssyncset.done $0x0  }
0x30: {  	[sflag:s15] =	ssyncadd.s32 $0xFFFFD800  }
0x31: {  	[hbm4b:s18+s3] =	stream.linear.scatter [tilespmem:s12], [sflag:$0x3], $0x2800, $0x38;
	[tilespmem:$0x7000] =	vst v63  }
0x32: {  	_ =	swait.ge [sflag:s9], $0x2800  }
.Ltmp0:
0x33: {  	[sflag:s9] =	ssyncset.done $0x0;
	(pc) =	sbr.rel @p0 .LBB2_2-.Ltmp0, $4  }
0x34: {  	[sflag:s9] =	ssyncadd.s32 $0xFFFFD800  }
0x35: {  	[hbm4b:s17+s3] =	stream.linear.scatter [tilespmem:s13], [sflag:$0x3], $0x2800, $0x38;
	[tilespmem:$0x7000] =	vst v63  }
0x36: {  	s20 =	smov.u32 s22;
	_ =	swait.ge [sflag:s9], $0x2800  }
0x37: {  	s18 =	sadd.s32 $0x500, s18;
	s17 =	sadd.s32 $0x500, s17;
	[sflag:s9] =	ssyncset.done $0x0  }
0x38: {  	s19 =	sshra.s32 s19, $0x2;
	[sflag:s9] =	ssyncadd.s32 $0xFFFFD800  }
0x39: {  	[tilespmem:s12], [sflag:$0x1] =	stream.indirect.gather [hbm4b:s1+s11], $0x80, s19, s11, $0xb8;
	[tilespmem:$0x7000] =	vst v63  }
0x3a: {  	s19 =	sadd.s32 $0x1000, s19  }
0x3b: {  	[tilespmem:s13], [sflag:$0x2] =	stream.indirect.gather [hbm4b:s1+s11], $0x80, s19, s11, $0xb8;
	[tilespmem:$0x7000] =	vst v63  }
0x3c: {  	_ =	swait.ge [sflag:s14], $0x2800  }
0x3d: {  	[sflag:s14] =	ssyncset.done $0x0  }
0x3e: {  	[sflag:s14] =	ssyncadd.s32 $0xFFFFD800  }
0x3f: {  	_ =	swait.ge [sflag:s15], $0x2800  }
0x40: {  	[sflag:s15] =	ssyncset.done $0x0  }
0x41: {  	[sflag:s15] =	ssyncadd.s32 $0xFFFFD800  }
0x42: {  	[hbm4b:s18+s3] =	stream.linear.scatter [tilespmem:s12], [sflag:$0x3], $0x2800, $0x38;
	[tilespmem:$0x7000] =	vst v63  }
0x43: {  	s16 =	sadd.s32 $0x1, s16;
	_ =	swait.ge [sflag:s9], $0x2800  }
0x44: {  	p0 =	sne.s32 s16, s6;
	[sflag:s9] =	ssyncset.done $0x0  }
.Ltmp1:
0x45: {  	[sflag:s9] =	ssyncadd.s32 $0xFFFFD800;
	(pc) =	sbr.rel @p0 .LBB2_1-.Ltmp1, $4  }
0x46: {  	[hbm4b:s17+s3] =	stream.linear.scatter [tilespmem:s13], [sflag:$0x3], $0x2800, $0x38;
	[tilespmem:$0x7000] =	vst v63  }
0x47: {  	_ =	swait.ge [sflag:s9], $0x2800  }
0x48: {  	[sflag:s9] =	ssyncset.done $0x0  }
0x49: {  	[sflag:s9] =	ssyncadd.s32 $0xFFFFD800  }
0x4a: {  	_ =	sfence.sel $0x180000  }
0x4b: {  	[bflag:$0x0] =	sbarrier.arrive $0xFFFF  }
0x4c: {  	p0 =	sne.s32 s2, $0x0;
	_ =	strace $0x90000053  }
0x4d: {  	s0 =	sadd.s32 @!p0 $0x100000, s0;
	[bflag:$0x2] =	sbarrier.arrive $0xFFFF  }
0x4e: {  	[sflag:s0] =	ssyncadd.tile.s32 @!p0 $0x1;
	_ =	shalt  }
.Lfunc_end2:
_tile_overlayer_lowered:
.L_overlay_start_2:
0x4f: {  	(tag) =	ssettag $0x2  }
0x50: {  	s0 =	rddreg [dreg:$0x0];
	s2 =	stileid.u32  }
0x51: {  	s1 =	rddreg [dreg:$0x1];
	p0 =	sne.s32 s2, $0x0  }
0x52: {  	s3 =	rddreg [dreg:$0x2];
	[bflag:$0x3] =	sbarrier.arrive $0xFFFF;
	s2 =	simm.s32 @!p0 $0x1C03  }
0x53: {  	[timem:s3], [sflag:s2] =	dma.local @!p0 [hbm:s0], s1  }
0x54: {  	s0 =	simm.s32 @!p0 $0x3  }
0x55: {  	_ =	swait.ge @!p0 [sflag:s0], s1  }
0x56: {  	s1 =	ssub.s32 @!p0 $0x0, s1;
	[sflag:s0] =	ssyncset.done @!p0 $0x0  }
0x57: {  	[sflag:s0] =	ssyncadd.s32 @!p0 s1  }
0x58: {  	[bflag:$0x3] =	sbarrier.arrive $0xFFFF  }
0x59: {  	_ =	shalt  }

// kernel: kernel.33.cloned.1.call-start
scs
__scs_entry_jumppad:
0x0: {  	(pc) =	sbr.rel $0x88, $3  }
0x1: {  	(tag) =	ssettag $0x0;
	lr =	simm.s32 $0x1  }
0x2: {  	[smem:$0x3F8C] =	sst lr;
	_ =	strace $0xD0000000  }
0x3: {  	_ = 	snop  }
0x4: {  	_ = 	snop  }
0x5: {  	_ = 	snop  }
0x6: {  	_ = 	snop  }
0x7: {  	_ = 	snop  }
__scs_overlays_trampoline_lowered:
0x8: {  	[smem:$0x3F9B] =	sst s0  }
0x9: {  	[smem:$0x3F9C] =	sst s1  }
0xa: {  	[smem:$0x3F9D] =	sst s2  }
0xb: {  	[smem:$0x3F9E] =	sst s3  }
0xc: {  	[smem:$0x3F9F] =	sst s4  }
0xd: {  	[smem:$0x3FA0] =	sst s5  }
0xe: {  	[smem:$0x3FA1] =	sst s6  }
0xf: {  	[smem:$0x3FA2] =	sst s7  }
0x10: {  	[smem:$0x3FA3] =	sst s8  }
0x11: {  	[smem:$0x3FA4] =	sst s9;
	s0 =	simm.s32 @!p0 $0x0  }
0x12: {  	s1 =	sld [smem:$0x3F8A];
	s0 =	simm.s32 @p0 $0x1  }
0x13: {  	[smem:$0x3FA5] =	sst s0;
	s0 =	simm.s32 @!p1 $0x0  }
0x14: {  	s2 =	sld [smem:$0x3F89];
	s0 =	simm.s32 @p1 $0x1  }
0x15: {  	[smem:$0x3FA6] =	sst s0;
	s0 =	simm.s32 @!p2 $0x0  }
0x16: {  	s3 =	sld [smem:$0x3FDB];
	s0 =	simm.s32 @p2 $0x1  }
0x17: {  	s4 =	simm.s32 $0x1BF5;
	[smem:$0x3FA8] =	sst s0  }
0x18: {  	s0 =	sld [smem:$0x3F8B];
	_ =	swait.ge [sflag:s4], $0x0  }
0x19: {  	s7 =	sld [smem:$0x3F8C]  }
0x1a: {  	s8 =	sadd.s32 $0xFFFFE003, lr  }
0x1b: {  	s9 =	sadd.s32 $0xFFFFFEF7, lr;
	s5 =	simm.s32 $0xFFFFFFFF;
	p2 =	slt.u32 s8, $0xFFFFF086  }
0x1c: {  	p1 =	slt.u32 s9, $0xF7A;
	s5 =	simm.s32 @!p2 $0x0  }
0x1d: {  	s5 =	simm.s32 @p1 $0x1;
	p0 =	seq.s32 s7, s2  }
0x1e: {  	s7 =	smul.u32 @!p0 $0xF7A, s2;
	p2 =	seq.s32 @!p0 s5, $0x0  }
0x1f: {  	s9 =	smul.u32 $0xF7A, s1;
	s8 =	simm.s32 @!p0 $0x1BF5;
	p2 =	por !p2, p0  }
0x20: {  	[sflag:s8] =	ssyncset.s32 @!p0 $0xFFFFF086;
	s6 =	sadd.s32 @!p0 s3, s7;
	s7 =	simm.s32 @!p0 $0x108  }
0x21: {  	s3 =	sadd.s32 s3, s9;
	s6 =	sadd.s32 @!p0 $0x88, s6;
	s7 =	simm.s32 @p2 $0x1082  }
0x22: {  	[simem:s7], [sflag:s8] =	dma.local @!p0 [hbm:s6], $0xF7A  }
0x23: {  	s9 =	sor.u32 $0xD0000000, s2;
	s6 =	simm.s32 $0x108;
	_ =	swait.ge @!p0 [sflag:s8], $0x0  }
0x24: {  	s3 =	sadd.s32 $0x88, s3;
	s6 =	simm.s32 @!p1 $0x1082;
	[sflag:s4] =	ssyncset.s32 $0xFFFFF086  }
0x25: {  	[simem:s6], [sflag:s4] =	dma.local [hbm:s3], $0xF7A  }
0x26: {  	[smem:$0x3F8C] =	sst s1;
	(tag) =	ssettag s2;
	_ =	strace s9  }
0x27: {  	s1 =	sld [smem:$0x3F9C]  }
0x28: {  	s2 =	sld [smem:$0x3F9D]  }
0x29: {  	s4 =	sld [smem:$0x3F9F]  }
0x2a: {  	p0 =	seq.s32 s5, $0x0;
	s5 =	sld [smem:$0x3FA0]  }
0x2b: {  	s6 =	sld [smem:$0x3FA1]  }
0x2c: {  	s7 =	sld [smem:$0x3FA2]  }
0x2d: {  	s3 =	simm.s32 $0x108;
	s8 =	sld [smem:$0x3FA3]  }
0x2e: {  	s3 =	simm.s32 @!p0 $0x1082;
	s9 =	sld [smem:$0x3FA4]  }
0x2f: {  	lr =	sadd.s32 s0, s3;
	s0 =	sld [smem:$0x3F9B]  }
0x30: {  	s3 =	sld [smem:$0x3F9E]  }
0x31: {  	[smem:$0x3FA7] =	sst s10  }
0x32: {  	s10 =	sld [smem:$0x3FA5];
	_ =	sdelay $0x3  }
0x33: {  	p0 =	seq.s32 s10, $0x1;
	s10 =	sld [smem:$0x3FA7];
	_ =	sdelay $0x3  }
0x34: {  	[smem:$0x3FA7] =	sst s10  }
0x35: {  	s10 =	sld [smem:$0x3FA6];
	_ =	sdelay $0x3  }
0x36: {  	p1 =	seq.s32 s10, $0x1;
	s10 =	sld [smem:$0x3FA7];
	_ =	sdelay $0x3  }
0x37: {  	[smem:$0x3FA7] =	sst s10  }
0x38: {  	s10 =	sld [smem:$0x3FA8]  }
0x39: {  	_ = 	snop;
	(pc) =	sbr.ind lr, $3  }
0x3a: {  	_ = 	snop  }
0x3b: {  	_ = 	snop  }
0x3c: {  	p2 =	seq.s32 s10, $0x1;
	s10 =	sld [smem:$0x3FA7]  }
0x3d: {  	_ =	shalt  }
0x3e: {  	_ =	shalt  }
0x3f: {  	_ =	shalt  }
0x40: {  	_ =	shalt  }
0x41: {  	_ =	shalt  }
0x42: {  	_ =	shalt  }
0x43: {  	_ =	shalt  }
0x44: {  	_ =	shalt  }
0x45: {  	_ =	shalt  }
0x46: {  	_ =	shalt  }
0x47: {  	_ =	shalt  }
0x48: {  	_ =	shalt  }
0x49: {  	_ =	shalt  }
0x4a: {  	_ =	shalt  }
0x4b: {  	_ =	shalt  }
0x4c: {  	_ =	shalt  }
0x4d: {  	_ =	shalt  }
0x4e: {  	_ =	shalt  }
0x4f: {  	_ =	shalt  }
0x50: {  	_ =	shalt  }
0x51: {  	_ =	shalt  }
0x52: {  	_ =	shalt  }
0x53: {  	_ =	shalt  }
0x54: {  	_ =	shalt  }
0x55: {  	_ =	shalt  }
0x56: {  	_ =	shalt  }
0x57: {  	_ =	shalt  }
0x58: {  	_ =	shalt  }
0x59: {  	_ =	shalt  }
0x5a: {  	_ =	shalt  }
0x5b: {  	_ =	shalt  }
0x5c: {  	_ =	shalt  }
0x5d: {  	_ =	shalt  }
0x5e: {  	_ =	shalt  }
0x5f: {  	_ =	shalt  }
0x60: {  	_ =	shalt  }
0x61: {  	_ =	shalt  }
0x62: {  	_ =	shalt  }
0x63: {  	_ =	shalt  }
0x64: {  	_ =	shalt  }
0x65: {  	_ =	shalt  }
0x66: {  	_ =	shalt  }
0x67: {  	_ =	shalt  }
0x68: {  	_ =	shalt  }
0x69: {  	_ =	shalt  }
0x6a: {  	_ =	shalt  }
0x6b: {  	_ =	shalt  }
0x6c: {  	_ =	shalt  }
0x6d: {  	_ =	shalt  }
0x6e: {  	_ =	shalt  }
0x6f: {  	_ =	shalt  }
0x70: {  	_ =	shalt  }
0x71: {  	_ =	shalt  }
0x72: {  	_ =	shalt  }
0x73: {  	_ =	shalt  }
0x74: {  	_ =	shalt  }
0x75: {  	_ =	shalt  }
0x76: {  	_ =	shalt  }
0x77: {  	_ =	shalt  }
0x78: {  	_ =	shalt  }
0x79: {  	_ =	shalt  }
0x7a: {  	_ =	shalt  }
0x7b: {  	_ =	shalt  }
0x7c: {  	_ =	shalt  }
0x7d: {  	_ =	shalt  }
0x7e: {  	_ =	shalt  }
0x7f: {  	_ =	shalt  }
0x80: {  	_ =	shalt  }
0x81: {  	_ =	shalt  }
0x82: {  	_ =	shalt  }
0x83: {  	_ =	shalt  }
0x84: {  	_ =	shalt  }
0x85: {  	_ =	shalt  }
0x86: {  	_ =	shalt  }
0x87: {  	_ =	shalt  }
.Lfunc_end0:
.L_simem_size_0:
called_computation.5_lowered:
.L_overlay_start_0:
0x88: {  	s2 =	sld [smem:$0x3FD9]  }
0x89: {  	s3 =	sld [smem:$0x3FFE];
	_ =	sdelay $0x1  }
0x8a: {  	s1 =	srdreg.scid  }
0x8b: {  	s0 =	sand.u32 $0x1, s1  }
0x8c: {  	s17 =	sshll.u32 s0, $0xA;
	s2 =	sadd.s32 s3, s2  }
0x8d: {  	s2 =	sadd.s32 s2, s17  }
0x8e: {  	[smem:$0x3FB3] =	sst s2  }
0x8f: {  	_ = 	snop  }
0x90: {  	(tm) =	ssettm $0x1  }
0x91: {  	s18 =	sld [smem:$0x3FFB];
	_ =	sdelay $0x3  }
0x92: {  	_ =	strace s18  }
0x93: {  	s2 =	sld [smem:$0x3FFC];
	_ =	sdelay $0x3  }
0x94: {  	_ =	strace s2  }
0x95: {  	s2 =	sld [smem:$0x3FFD];
	_ =	sdelay $0x3  }
0x96: {  	_ =	strace s2  }
0x97: {  	_ =	strace $0x8FFFFFFF  }
0x98: {  	s19 =	sld [smem:$0x3FDB];
	_ =	sdelay $0x1  }
0x99: {  	s20 =	simm.s32 $_scs_section_size  }
0x9a: {  	s4 =	simm.s32 $_size__tile_overlayer_lowered;
	s5 =	simm.s32 $_tile_overlayer_lowered  }
0x9b: {  	s6 =	simm.s32 $0x1BFF;
	s21 =	sshll.u32 s5, $0x1;
	s3 =	sadd.s32 s20, s19  }
0x9c: {  	s22 =	simm.s32 $0x0;
	s4 =	sshll.u32 s4, $0x1;
	s5 =	sadd.s32 s21, s3  }
0x9d: {  	[timem:s22], [sflag:s6] =	dma.local [hbm:s5], s4  }
0x9e: {  	_ =	swait.ge [sflag:s6], s4  }
0x9f: {  	s4 =	ssub.s32 $0x0, s4;
	[sflag:s6] =	ssyncset.done $0x0  }
0xa0: {  	[sflag:s6] =	ssyncadd.s32 s4;
	_ =	sdelay $0x1  }
0xa1: {  	s23 =	simm.s32 $0x1B8B  }
0xa2: {  	_ =	swait.ge [sflag:s23], $0x1  }
0xa3: {  	[sflag:s23] =	ssyncset.done $0x0  }
0xa4: {  	[sflag:s23] =	ssyncadd.s32 $0xFFFFFFFF  }
0xa5: {  	s4 =	sld [smem:$0x0]  }
0xa6: {  	s5 =	sand.u32 $0xFFFFFFFE, s1  }
0xa7: {  	p0 =	sne.s32 s1, s5  }
0xa8: {  	s5 =	sshll.u32 @p0 s5, $0xE  }
0xa9: {  	s5 =	sadd.s32 @p0 $0x11B8D, s5;
	s6 =	sshll.u32 @p0 s4, $0x11  }
0xaa: {  	s5 =	sor.u32 @p0 s6, s5  }
0xab: {  	[sflag:s5] =	ssyncadd.remote.s32 @p0 $0x1;
	_ =	sdelay $0x1  }
0xac: {  	s5 =	simm.s32 @p0 $0x1B8D  }
0xad: {  	_ =	swait.eq @p0 [sflag:s5], $0x1  }
0xae: {  	[sflag:s5] =	ssyncadd.s32 @p0 $0xFFFFFFFF  }
0xaf: {  	s6 =	sshll.u32 @!p0 s1, $0xE  }
0xb0: {  	s6 =	sor.u32 @!p0 $0x4000, s6;
	s5 =	simm.s32 @!p0 $0x1B8D  }
0xb1: {  	s4 =	sshll.u32 @!p0 s4, $0x11;
	s6 =	sadd.s32 @!p0 $0x11B8D, s6;
	_ =	swait.eq @!p0 [sflag:s5], $0x1  }
0xb2: {  	s4 =	sor.u32 @!p0 s4, s6;
	[sflag:s5] =	ssyncadd.s32 @!p0 $0xFFFFFFFF  }
0xb3: {  	s25 =	simm.s32 $0x1B8E;
	s24 =	sld [smem:$0x3FFE];
	[sflag:s4] =	ssyncadd.remote.s32 @!p0 $0x1  }
0xb4: {  	s26 =	simm.s32 $execute0_lowered;
	[smem:$0x3FD2] =	sst s25  }
0xb5: {  	s5 =	sshll.u32 s26, $0x1;
	_ =	strace $0x80000058;
	[dreg:$0x1] =	wrdreg $0xFFFFFFFF  }
0xb6: {  	s28 =	simm.s32 $_size_execute0_lowered;
	s3 =	sadd.s32 s3, s5;
	[dreg:$0x0] =	wrdreg $0x0  }
0xb7: {  	s5 =	sshll.u32 s28, $0x1;
	[dreg:$0x2] =	wrdreg s3  }
0xb8: {  	[dreg:$0x3] =	wrdreg s5  }
0xb9: {  	[dreg:$0x4] =	wrdreg $0xC0  }
0xba: {  	_ =	task [dreg:s22], $0x5FFFF  }
0xbb: {  	[dreg:$0x1] =	wrdreg $0xFFFFFFFF  }
0xbc: {  	[dreg:$0x0] =	wrdreg $0x60  }
0xbd: {  	[dreg:$0x2] =	wrdreg s24  }
0xbe: {  	[dreg:$0x3] =	wrdreg $0x98000  }
0xbf: {  	[dreg:$0x4] =	wrdreg $0xA  }
0xc0: {  	_ =	task.clear_ibuf [dreg:s22], $0x5FFFF;
	_ =	strace $0x90000058  }
0xc1: {  	s29 =	simm.s32 $0xA;
	_ =	strace $0x8000005A  }
0xc2: {  	_ =	swait.ge [sflag:s29], $0x1  }
0xc3: {  	[sflag:s29] =	ssyncadd.s32 $0xFFFFFFFF  }
0xc4: {  	_ =	strace $0x9000005A  }
0xc5: {  	_ =	sfence  }
0xc6: {  	s30 =	sld [smem:$0x0];
	_ =	sdelay $0x2  }
0xc7: {  	s31 =	sshll.u32 s1, $0xD;
	s1 =	sshrl.u32 s1, $0x2  }
0xc8: {  	s4 =	sand.u32 $0x4000, s31;
	s1 =	sadd.s32 s1, s30  }
0xc9: {  	s0 =	sor.u32 s4, s0;
	s1 =	sshll.u32 s1, $0x11  }
0xca: {  	s0 =	sor.u32 s1, s0  }
0xcb: {  	s0 =	sadd.s32 $0x8F2B, s0  }
0xcc: {  	[sflag:s0] =	ssyncadd.remote.s32 $0x1  }
0xcd: {  	_ =	sfence.sel $0xFFFF  }
0xce: {  	[dreg:$0x0] =	wrdreg $0xFFFFFFFF;
	(pc) =	sbr.abs _section_cstart, $3  }
0xcf: {  	[dreg:$0x1] =	wrdreg $0xFFFFFFFF  }
0xd0: {  	_ =	task.clear_ibuf [dreg:s22], $0x2FFFF;
	_ =	strace $0x9FFFFFFF  }
0xd1: {  	(tm) =	ssettm $0x7FFFFFFF  }
tec
execute0_lowered:
.L_overlay_start_1:
0x0: {  	(tag) =	ssettag $0x1  }
0x1: {  	s7 =	rddreg [dreg:$0x0]  }
0x2: {  	s1 =	rddreg [dreg:$0x1]  }
0x3: {  	s0 =	rddreg [dreg:$0x2]  }
0x4: {  	s3 =	simm.s32 $0x0;
	s2 =	stileid.u32;
	s6 =	srdreg.scid  }
0x5: {  	s18 =	simm.s32 $0x50;
	s19 =	simm.s32 $0x4800;
	s20 =	simm.s32 $0x2000  }
0x6: {  	s21 =	simm.s32 $0x1;
	s22 =	simm.s32 $0x7000;
	s4 =	sadd.s32 $0x299A00, s7  }
0x7: {  	[smem:$0x7FF] =	sst s3;
	s5 =	sadd.s32 $0x19FA00, s7;
	s23 =	smul.u32 $0x2780, s2  }
0x8: {  	s8 =	sand.u32 $0x1, s6;
	s6 =	sadd.s32 $0x9F3200, s7;
	s12 =	sadd.s32 $0x7200, s7  }
0x9: {  	s13 =	sadd.s32 $0x1B200, s7;
	s11 =	smul.u32 $0x4F000, s2;
	s28 =	sshll.u32 s2, $0x1  }
0xa: {  	s30 =	sshll.u32 s2, $0x6;
	s9 =	smul.u32 $0x27800, s8;
	s26 =	ssub.s32 $0x2, s8  }
0xb: {  	_ =	strace $0x80000059;
	s10 =	sadd.s32 s23, s7;
	s15 =	sshrl.u32 s26, $0x1  }
0xc: {  	s29 =	sshrl.u32 s11, $0x2;
	s14 =	sadd.s32 s9, s7;
	s9 =	sor.u32 s8, s28  }
0xd: {  	s15 =	ssub.s32 s26, s15;
	s16 =	sadd.s32 s29, s1;
	s8 =	sadd.s32 $0x129200, s10  }
0xe: {  	s7 =	smul.u32 $0x7D0, s9;
	s31 =	sshll.u32 s9, $0x9;
	s9 =	sor.u32 $0x1C02, s30  }
0xf: {  	s24 =	sadd.s32 $0x393A00, s14;
	s14 =	smax.u32 s15, $0x1;
	s15 =	sshrl.u32 s16, $0x3  }
0x10: {  	s16 =	simm.s32 $0x2;
	s10 =	sadd.s32 s12, s31;
	s17 =	sor.u32 $0x4000, s31  }
0x11: {  	s11 =	sadd.s32 s13, s31;
	s23 =	sadd.s32 s23, s24;
	s24 =	simm.s32 $0x0  }
0x12: {  	s12 =	sadd.s32 s12, s17;
	s13 =	sadd.s32 s13, s17;
	s17 =	simm.s32 $0x1000  }
.LBB2_1:
0x13: {  	[spmem:s15], [sflag:s9] =	dma.local [hbm:s8], $0x2780  }
0x14: {  	_ =	swait.ge [sflag:s16], $0x2780  }
0x15: {  	[sflag:s16] =	ssyncset.done $0x0  }
0x16: {  	[sflag:s16] =	ssyncadd.s32 $0xFFFFD880  }
0x17: {  	[bflag:$0x0] =	sbarrier.arrive $0xFFFF  }
0x18: {  	[tilespmem:s3], [sflag:$0x2] =	stream.linear.gather [hbm4b:s10+s3], $0xC80, $0x38;
	[tilespmem:$0x1D400] =	vst v63  }
0x19: {  	_ =	swait.ge [sflag:s16], $0xC80  }
0x1a: {  	[sflag:s16] =	ssyncset.done $0x0  }
0x1b: {  	[sflag:s16] =	ssyncadd.s32 $0xFFFFF380  }
0x1c: {  	[tilespmem:s17], [sflag:$0x2] =	stream.linear.gather [hbm4b:s11+s3], $0xC80, $0x38;
	[tilespmem:$0x1D400] =	vst v63  }
0x1d: {  	_ =	swait.ge [sflag:s16], $0xC80  }
0x1e: {  	[sflag:s16] =	ssyncset.done $0x0  }
0x1f: {  	s25 =	simm.s32 $0x0;
	[sflag:s16] =	ssyncadd.s32 $0xFFFFF380  }
.LBB2_2:
0x20: {  	s26 =	sshll.u32 s25, $0x7  }
0x21: {  	s29 =	smul.u32 $0x50, s25;
	s28 =	sadd.s32 $0x1000, s26  }
0x22: {  	[tilespmem:s19], [sflag:$0x1] =	stream.indirect.gather [hbm4b:s6+s18], $0x80, s28, s18, $0xb8;
	[tilespmem:$0x1D400] =	vst v63  }
0x23: {  	s28 =	sadd.s32 s7, s29  }
0x24: {  	s28 =	sshll.u32 s28, $0x4  }
0x25: {  	s29 =	simm.s32 $0x0;
	s28 =	sadd.s32 s4, s28  }
0x26: {  	[tilespmem:s20], [sflag:$0x2] =	stream.linear.gather [hbm4b:s28+s29], $0x2800, $0x38;
	[tilespmem:$0x1D400] =	vst v63  }
0x27: {  	_ =	swait.ge [sflag:s16], $0x2800  }
0x28: {  	[sflag:s16] =	ssyncset.done $0x0  }
0x29: {  	[sflag:s16] =	ssyncadd.s32 $0xFFFFD800  }
0x2a: {  	_ =	swait.ge [sflag:s21], $0x2800  }
0x2b: {  	[sflag:s21] =	ssyncset.done $0x0  }
0x2c: {  	s28 =	simm.s32 $0x0;
	[sflag:s21] =	ssyncadd.s32 $0xFFFFD800  }
0x2d: {  	v1 =	vld [tilespmem:s28+$0x2030]  }
0x2e: {  	v2 =	vld [tilespmem:s28+$0x4870]  }
0x2f: {  	v4 =	vld [tilespmem:s28+$0x2000]  }
0x30: {  	v7 =	vld [tilespmem:s28+$0x2010]  }
0x31: {  	v0 =	vld [tilespmem:s28+$0x2020]  }
0x32: {  	v8 =	vld [tilespmem:s28+$0x4800]  }
0x33: {  	v9 =	vld [tilespmem:s28+$0x4810]  }
0x34: {  	v10 =	vld [tilespmem:s28+$0x4820]  }
0x35: {  	v6 =	vld [tilespmem:s28+$0x4830]  }
0x36: {  	v5 =	vld [tilespmem:s28+$0x4840];
	v2 =	vmul.f32 v2, v1  }
0x37: {  	v3 =	vld [tilespmem:s28+$0x4850];
	v8 =	vmul.f32 v8, v4  }
0x38: {  	s29 =	simm.s32 $0x80;
	v4 =	vld [tilespmem:s28+$0x4860];
	v7 =	vmul.f32 v9, v7;
	[tilespmem:s28+$0x7070] =	vst v2  }
0x39: {  	s30 =	simm.s32 $0x400;
	v2 =	vld [tilespmem:s29+$0x2030];
	[tilespmem:s28+$0x7000] =	vst v8;
	v8 =	vmul.f32 v10, v0  }
.LBB2_3:
0x3a: {  	p0 =	sne.s32 s30, $0x9E00;
	v9 =	vld [tilespmem:s29+$0x4870];
	[tilespmem:s28+$0x7010] =	vst v7;
	v6 =	vmul.f32 v6, v1  }
0x3b: {  	v7 =	vld [tilespmem:s29+$0x2000];
	[tilespmem:s28+$0x7020] =	vst v8;
	v5 =	vmul.f32 v5, v0  }
0x3c: {  	v8 =	vld [tilespmem:s29+$0x2010];
	[tilespmem:s28+$0x7030] =	vst v6;
	v6 =	vmul.f32 v3, v1  }
0x3d: {  	[tilespmem:s28+$0x7040] =	vst v5;
	v3 =	vmul.f32 v4, v0;
	v0 =	vld [tilespmem:s29+$0x2020]  }
0x3e: {  	v4 =	vld [tilespmem:s29+$0x4800];
	[tilespmem:s28+$0x7050] =	vst v6;
	v1 =	vmov v2  }
0x3f: {  	v2 =	vld [tilespmem:s29+$0x4810];
	v5 =	vmul.f32 v9, v1;
	[tilespmem:s28+$0x7060] =	vst v3;
	s28 =	smov.u32 s29  }
0x40: {  	v9 =	vld [tilespmem:s28+$0x4820]  }
.Ltmp0:
0x41: {  	v6 =	vld [tilespmem:s28+$0x4830];
	[tilespmem:s28+$0x7070] =	vst v5;
	(pc) =	sbr.rel @p0 .LBB2_3-.Ltmp0, $4  }
0x42: {  	v5 =	vld [tilespmem:s28+$0x4840]  }
0x43: {  	v10 =	vmul.f32 v4, v7;
	v3 =	vld [tilespmem:s28+$0x4850]  }
0x44: {  	s29 =	sshra.s32 s30, $0x2;
	v7 =	vmul.f32 v2, v8;
	v4 =	vld [tilespmem:s28+$0x4860]  }
0x45: {  	s30 =	sadd.s32 $0x200, s30;
	v2 =	vld [tilespmem:s29+$0x2030];
	[tilespmem:s28+$0x7000] =	vst v10;
	v8 =	vmul.f32 v9, v0  }
0x46: {  	v9 =	vld [tilespmem:s29+$0x4870];
	[tilespmem:s28+$0x7010] =	vst v7;
	v6 =	vmul.f32 v6, v1  }
0x47: {  	v7 =	vld [tilespmem:s29+$0x2000];
	[tilespmem:s28+$0x7020] =	vst v8;
	v5 =	vmul.f32 v5, v0  }
0x48: {  	v8 =	vld [tilespmem:s29+$0x2010];
	[tilespmem:s28+$0x7030] =	vst v6;
	v52 =	vmul.f32 v3, v1  }
0x49: {  	v6 =	vld [tilespmem:s29+$0x2020];
	[tilespmem:s28+$0x7040] =	vst v5;
	v54 =	vmul.f32 v4, v0  }
0x4a: {  	v53 =	vld [tilespmem:s29+$0x4800];
	[tilespmem:s28+$0x7050] =	vst v52  }
0x4b: {  	v1 =	vld [tilespmem:s29+$0x4810];
	[tilespmem:s28+$0x7060] =	vst v54  }
0x4c: {  	v56 =	vld [tilespmem:s29+$0x4820]  }
0x4d: {  	v5 =	vld [tilespmem:s29+$0x4830]  }
0x4e: {  	v55 =	vmul.f32 v9, v2;
	v57 =	vld [tilespmem:s29+$0x4840]  }
0x4f: {  	v58 =	vld [tilespmem:s29+$0x4850];
	v3 =	vmul.f32 v53, v7  }
0x50: {  	v59 =	vld [tilespmem:s29+$0x4860];
	[tilespmem:s29+$0x7070] =	vst v55;
	v1 =	vmul.f32 v1, v8  }
0x51: {  	[tilespmem:s29+$0x7000] =	vst v3;
	v60 =	vmul.f32 v56, v6  }
0x52: {  	v61 =	vmul.f32 v5, v2;
	[tilespmem:s29+$0x7010] =	vst v1  }
0x53: {  	v0 =	vmul.f32 v57, v6;
	[tilespmem:s29+$0x7020] =	vst v60  }
0x54: {  	v62 =	vmul.f32 v58, v2;
	[tilespmem:s29+$0x7030] =	vst v61  }
0x55: {  	s25 =	sadd.s32 $0x1, s25;
	v63 =	vmul.f32 v59, v6;
	[tilespmem:s29+$0x7040] =	vst v0  }
0x56: {  	p0 =	sne.s32 s25, $0x19;
	[tilespmem:s29+$0x7050] =	vst v62  }
.Ltmp1:
0x57: {  	[tilespmem:s29+$0x7060] =	vst v63;
	(pc) =	sbr.rel @p0 .LBB2_2-.Ltmp1, $4  }
0x58: {  	[spmem:s1] =	stream.indirect.scatter.add.f32 [tilespmem:s22], [sflag:$0x2], $0x80, s26, s18, $0xb8;
	[tilespmem:$0x1D400] =	vst v63  }
0x59: {  	_ =	swait.ge [sflag:s16], $0x2800  }
0x5a: {  	[sflag:s16] =	ssyncset.done $0x0  }
0x5b: {  	[sflag:s16] =	ssyncadd.s32 $0xFFFFD800  }
0x5c: {  	s25 =	simm.s32 $0x0  }
0x5d: {  	[tilespmem:s25], [sflag:$0x2] =	stream.linear.gather [hbm4b:s12+s25], $0xC80, $0x38;
	[tilespmem:$0x1D400] =	vst v63  }
0x5e: {  	_ =	swait.ge [sflag:s16], $0xC80  }
0x5f: {  	[sflag:s16] =	ssyncset.done $0x0  }
0x60: {  	[sflag:s16] =	ssyncadd.s32 $0xFFFFF380  }
0x61: {  	[tilespmem:s17], [sflag:$0x2] =	stream.linear.gather [hbm4b:s13+s25], $0xC80, $0x38;
	[tilespmem:$0x1D400] =	vst v63  }
0x62: {  	_ =	swait.ge [sflag:s16], $0xC80  }
0x63: {  	[sflag:s16] =	ssyncset.done $0x0  }
0x64: {  	s26 =	simm.s32 $0x0;
	[sflag:s16] =	ssyncadd.s32 $0xFFFFF380  }
.LBB2_6:
0x65: {  	s28 =	sshll.u32 s26, $0x7  }
0x66: {  	s30 =	smul.u32 $0x50, s26;
	s29 =	sadd.s32 $0x1000, s28  }
0x67: {  	[tilespmem:s19], [sflag:$0x1] =	stream.indirect.gather [hbm4b:s6+s18], $0x80, s29, s18, $0xb8;
	[tilespmem:$0x1D400] =	vst v63  }
0x68: {  	s29 =	sadd.s32 s7, s30  }
0x69: {  	s29 =	sshll.u32 s29, $0x4  }
0x6a: {  	s29 =	sadd.s32 s5, s29  }
0x6b: {  	[tilespmem:s20], [sflag:$0x2] =	stream.linear.gather [hbm4b:s29+s25], $0x2800, $0x38;
	[tilespmem:$0x1D400] =	vst v63  }
0x6c: {  	_ =	swait.ge [sflag:s16], $0x2800  }
0x6d: {  	[sflag:s16] =	ssyncset.done $0x0  }
0x6e: {  	[sflag:s16] =	ssyncadd.s32 $0xFFFFD800  }
0x6f: {  	_ =	swait.ge [sflag:s21], $0x2800  }
0x70: {  	[sflag:s21] =	ssyncset.done $0x0  }
0x71: {  	s29 =	simm.s32 $0x0;
	[sflag:s21] =	ssyncadd.s32 $0xFFFFD800  }
0x72: {  	v1 =	vld [tilespmem:s29+$0x2030]  }
0x73: {  	v2 =	vld [tilespmem:s29+$0x4870]  }
0x74: {  	v4 =	vld [tilespmem:s29+$0x2000]  }
0x75: {  	v7 =	vld [tilespmem:s29+$0x2010]  }
0x76: {  	v0 =	vld [tilespmem:s29+$0x2020]  }
0x77: {  	v8 =	vld [tilespmem:s29+$0x4800]  }
0x78: {  	v9 =	vld [tilespmem:s29+$0x4810]  }
0x79: {  	v10 =	vld [tilespmem:s29+$0x4820]  }
0x7a: {  	v6 =	vld [tilespmem:s29+$0x4830]  }
0x7b: {  	v5 =	vld [tilespmem:s29+$0x4840];
	v2 =	vmul.f32 v2, v1  }
0x7c: {  	v3 =	vld [tilespmem:s29+$0x4850];
	v8 =	vmul.f32 v8, v4  }
0x7d: {  	s30 =	simm.s32 $0x80;
	v4 =	vld [tilespmem:s29+$0x4860];
	v7 =	vmul.f32 v9, v7;
	[tilespmem:s29+$0x7070] =	vst v2  }
0x7e: {  	s31 =	simm.s32 $0x400;
	v2 =	vld [tilespmem:s30+$0x2030];
	[tilespmem:s29+$0x7000] =	vst v8;
	v8 =	vmul.f32 v10, v0  }
.LBB2_7:
0x7f: {  	p0 =	sne.s32 s31, $0x9E00;
	v9 =	vld [tilespmem:s30+$0x4870];
	[tilespmem:s29+$0x7010] =	vst v7;
	v6 =	vmul.f32 v6, v1  }
0x80: {  	v7 =	vld [tilespmem:s30+$0x2000];
	[tilespmem:s29+$0x7020] =	vst v8;
	v5 =	vmul.f32 v5, v0  }
0x81: {  	v8 =	vld [tilespmem:s30+$0x2010];
	[tilespmem:s29+$0x7030] =	vst v6;
	v6 =	vmul.f32 v3, v1  }
0x82: {  	[tilespmem:s29+$0x7040] =	vst v5;
	v3 =	vmul.f32 v4, v0;
	v0 =	vld [tilespmem:s30+$0x2020]  }
0x83: {  	v4 =	vld [tilespmem:s30+$0x4800];
	[tilespmem:s29+$0x7050] =	vst v6;
	v1 =	vmov v2  }
0x84: {  	v2 =	vld [tilespmem:s30+$0x4810];
	v5 =	vmul.f32 v9, v1;
	[tilespmem:s29+$0x7060] =	vst v3;
	s29 =	smov.u32 s30  }
0x85: {  	v9 =	vld [tilespmem:s29+$0x4820]  }
.Ltmp2:
0x86: {  	v6 =	vld [tilespmem:s29+$0x4830];
	[tilespmem:s29+$0x7070] =	vst v5;
	(pc) =	sbr.rel @p0 .LBB2_7-.Ltmp2, $4  }
0x87: {  	v5 =	vld [tilespmem:s29+$0x4840]  }
0x88: {  	v10 =	vmul.f32 v4, v7;
	v3 =	vld [tilespmem:s29+$0x4850]  }
0x89: {  	s30 =	sshra.s32 s31, $0x2;
	v7 =	vmul.f32 v2, v8;
	v4 =	vld [tilespmem:s29+$0x4860]  }
0x8a: {  	s31 =	sadd.s32 $0x200, s31;
	v2 =	vld [tilespmem:s30+$0x2030];
	[tilespmem:s29+$0x7000] =	vst v10;
	v8 =	vmul.f32 v9, v0  }
0x8b: {  	v9 =	vld [tilespmem:s30+$0x4870];
	[tilespmem:s29+$0x7010] =	vst v7;
	v6 =	vmul.f32 v6, v1  }
0x8c: {  	v7 =	vld [tilespmem:s30+$0x2000];
	[tilespmem:s29+$0x7020] =	vst v8;
	v5 =	vmul.f32 v5, v0  }
0x8d: {  	v8 =	vld [tilespmem:s30+$0x2010];
	[tilespmem:s29+$0x7030] =	vst v6;
	v52 =	vmul.f32 v3, v1  }
0x8e: {  	v6 =	vld [tilespmem:s30+$0x2020];
	[tilespmem:s29+$0x7040] =	vst v5;
	v54 =	vmul.f32 v4, v0  }
0x8f: {  	v53 =	vld [tilespmem:s30+$0x4800];
	[tilespmem:s29+$0x7050] =	vst v52  }
0x90: {  	v1 =	vld [tilespmem:s30+$0x4810];
	[tilespmem:s29+$0x7060] =	vst v54  }
0x91: {  	v56 =	vld [tilespmem:s30+$0x4820]  }
0x92: {  	v5 =	vld [tilespmem:s30+$0x4830]  }
0x93: {  	v55 =	vmul.f32 v9, v2;
	v57 =	vld [tilespmem:s30+$0x4840]  }
0x94: {  	v58 =	vld [tilespmem:s30+$0x4850];
	v3 =	vmul.f32 v53, v7  }
0x95: {  	v59 =	vld [tilespmem:s30+$0x4860];
	[tilespmem:s30+$0x7070] =	vst v55;
	v1 =	vmul.f32 v1, v8  }
0x96: {  	[tilespmem:s30+$0x7000] =	vst v3;
	v60 =	vmul.f32 v56, v6  }
0x97: {  	v61 =	vmul.f32 v5, v2;
	[tilespmem:s30+$0x7010] =	vst v1  }
0x98: {  	v0 =	vmul.f32 v57, v6;
	[tilespmem:s30+$0x7020] =	vst v60  }
0x99: {  	v62 =	vmul.f32 v58, v2;
	[tilespmem:s30+$0x7030] =	vst v61  }
0x9a: {  	s26 =	sadd.s32 $0x1, s26;
	v63 =	vmul.f32 v59, v6;
	[tilespmem:s30+$0x7040] =	vst v0  }
0x9b: {  	p0 =	sne.s32 s26, $0x19;
	[tilespmem:s30+$0x7050] =	vst v62  }
.Ltmp3:
0x9c: {  	[tilespmem:s30+$0x7060] =	vst v63;
	(pc) =	sbr.rel @p0 .LBB2_6-.Ltmp3, $4  }
0x9d: {  	[spmem:s1] =	stream.indirect.scatter.add.f32 [tilespmem:s22], [sflag:$0x2], $0x80, s28, s18, $0xb8;
	[tilespmem:$0x1D400] =	vst v63  }
0x9e: {  	_ =	swait.ge [sflag:s16], $0x2800  }
0x9f: {  	[sflag:s16] =	ssyncset.done $0x0  }
0xa0: {  	[sflag:s16] =	ssyncadd.s32 $0xFFFFD800  }
0xa1: {  	s24 =	sadd.s32 $0x1, s24  }
0xa2: {  	p0 =	sne.s32 s24, s14  }
.Ltmp4:
0xa3: {  	[bflag:$0x0] =	sbarrier.arrive $0xFFFF;
	(pc) =	sbr.rel @p0 .LBB2_1-.Ltmp4, $4  }
0xa4: {  	[hbm:s23], [sflag:s9] =	dma.local [spmem:s15], $0x2780  }
0xa5: {  	_ =	swait.ge [sflag:s16], $0x2780  }
0xa6: {  	[sflag:s16] =	ssyncset.done $0x0  }
0xa7: {  	[sflag:s16] =	ssyncadd.s32 $0xFFFFD880  }
0xa8: {  	_ =	sfence.sel $0x180000  }
0xa9: {  	[bflag:$0x0] =	sbarrier.arrive $0xFFFF  }
0xaa: {  	p0 =	sne.s32 s2, $0x0;
	_ =	strace $0x90000059  }
0xab: {  	s0 =	sadd.s32 @!p0 $0x100000, s0;
	[bflag:$0x2] =	sbarrier.arrive $0xFFFF  }
0xac: {  	[sflag:s0] =	ssyncadd.tile.s32 @!p0 $0x1;
	_ =	shalt  }
.Lfunc_end2:
_tile_overlayer_lowered:
.L_overlay_start_2:
0xad: {  	(tag) =	ssettag $0x2  }
0xae: {  	s0 =	rddreg [dreg:$0x0];
	s2 =	stileid.u32  }
0xaf: {  	s1 =	rddreg [dreg:$0x1];
	p0 =	sne.s32 s2, $0x0  }
0xb0: {  	s3 =	rddreg [dreg:$0x2];
	[bflag:$0x3] =	sbarrier.arrive $0xFFFF;
	s2 =	simm.s32 @!p0 $0x1C02  }
0xb1: {  	[timem:s3], [sflag:s2] =	dma.local @!p0 [hbm:s0], s1  }
0xb2: {  	s0 =	simm.s32 @!p0 $0x2  }
0xb3: {  	_ =	swait.ge @!p0 [sflag:s0], s1  }
0xb4: {  	s1 =	ssub.s32 @!p0 $0x0, s1;
	[sflag:s0] =	ssyncset.done @!p0 $0x0  }
0xb5: {  	[sflag:s0] =	ssyncadd.s32 @!p0 s1  }
0xb6: {  	[bflag:$0x3] =	sbarrier.arrive $0xFFFF  }
0xb7: {  	_ =	shalt  }

// kernel: kernel.36.cloned.1.call-start
scs
__scs_entry_jumppad:
0x0: {  	(pc) =	sbr.rel $0x88, $3  }
0x1: {  	(tag) =	ssettag $0x0;
	lr =	simm.s32 $0x1  }
0x2: {  	[smem:$0x3F8C] =	sst lr;
	_ =	strace $0xD0000000  }
0x3: {  	_ = 	snop  }
0x4: {  	_ = 	snop  }
0x5: {  	_ = 	snop  }
0x6: {  	_ = 	snop  }
0x7: {  	_ = 	snop  }
__scs_overlays_trampoline_lowered:
0x8: {  	[smem:$0x3F9B] =	sst s0  }
0x9: {  	[smem:$0x3F9C] =	sst s1  }
0xa: {  	[smem:$0x3F9D] =	sst s2  }
0xb: {  	[smem:$0x3F9E] =	sst s3  }
0xc: {  	[smem:$0x3F9F] =	sst s4  }
0xd: {  	[smem:$0x3FA0] =	sst s5  }
0xe: {  	[smem:$0x3FA1] =	sst s6  }
0xf: {  	[smem:$0x3FA2] =	sst s7  }
0x10: {  	[smem:$0x3FA3] =	sst s8  }
0x11: {  	[smem:$0x3FA4] =	sst s9;
	s0 =	simm.s32 @!p0 $0x0  }
0x12: {  	s1 =	sld [smem:$0x3F8A];
	s0 =	simm.s32 @p0 $0x1  }
0x13: {  	[smem:$0x3FA5] =	sst s0;
	s0 =	simm.s32 @!p1 $0x0  }
0x14: {  	s2 =	sld [smem:$0x3F89];
	s0 =	simm.s32 @p1 $0x1  }
0x15: {  	[smem:$0x3FA6] =	sst s0;
	s0 =	simm.s32 @!p2 $0x0  }
0x16: {  	s3 =	sld [smem:$0x3FDB];
	s0 =	simm.s32 @p2 $0x1  }
0x17: {  	s4 =	simm.s32 $0x1BF5;
	[smem:$0x3FA8] =	sst s0  }
0x18: {  	s0 =	sld [smem:$0x3F8B];
	_ =	swait.ge [sflag:s4], $0x0  }
0x19: {  	s7 =	sld [smem:$0x3F8C]  }
0x1a: {  	s8 =	sadd.s32 $0xFFFFE003, lr  }
0x1b: {  	s9 =	sadd.s32 $0xFFFFFEF7, lr;
	s5 =	simm.s32 $0xFFFFFFFF;
	p2 =	slt.u32 s8, $0xFFFFF086  }
0x1c: {  	p1 =	slt.u32 s9, $0xF7A;
	s5 =	simm.s32 @!p2 $0x0  }
0x1d: {  	s5 =	simm.s32 @p1 $0x1;
	p0 =	seq.s32 s7, s2  }
0x1e: {  	s7 =	smul.u32 @!p0 $0xF7A, s2;
	p2 =	seq.s32 @!p0 s5, $0x0  }
0x1f: {  	s9 =	smul.u32 $0xF7A, s1;
	s8 =	simm.s32 @!p0 $0x1BF5;
	p2 =	por !p2, p0  }
0x20: {  	[sflag:s8] =	ssyncset.s32 @!p0 $0xFFFFF086;
	s6 =	sadd.s32 @!p0 s3, s7;
	s7 =	simm.s32 @!p0 $0x108  }
0x21: {  	s3 =	sadd.s32 s3, s9;
	s6 =	sadd.s32 @!p0 $0x88, s6;
	s7 =	simm.s32 @p2 $0x1082  }
0x22: {  	[simem:s7], [sflag:s8] =	dma.local @!p0 [hbm:s6], $0xF7A  }
0x23: {  	s9 =	sor.u32 $0xD0000000, s2;
	s6 =	simm.s32 $0x108;
	_ =	swait.ge @!p0 [sflag:s8], $0x0  }
0x24: {  	s3 =	sadd.s32 $0x88, s3;
	s6 =	simm.s32 @!p1 $0x1082;
	[sflag:s4] =	ssyncset.s32 $0xFFFFF086  }
0x25: {  	[simem:s6], [sflag:s4] =	dma.local [hbm:s3], $0xF7A  }
0x26: {  	[smem:$0x3F8C] =	sst s1;
	(tag) =	ssettag s2;
	_ =	strace s9  }
0x27: {  	s1 =	sld [smem:$0x3F9C]  }
0x28: {  	s2 =	sld [smem:$0x3F9D]  }
0x29: {  	s4 =	sld [smem:$0x3F9F]  }
0x2a: {  	p0 =	seq.s32 s5, $0x0;
	s5 =	sld [smem:$0x3FA0]  }
0x2b: {  	s6 =	sld [smem:$0x3FA1]  }
0x2c: {  	s7 =	sld [smem:$0x3FA2]  }
0x2d: {  	s3 =	simm.s32 $0x108;
	s8 =	sld [smem:$0x3FA3]  }
0x2e: {  	s3 =	simm.s32 @!p0 $0x1082;
	s9 =	sld [smem:$0x3FA4]  }
0x2f: {  	lr =	sadd.s32 s0, s3;
	s0 =	sld [smem:$0x3F9B]  }
0x30: {  	s3 =	sld [smem:$0x3F9E]  }
0x31: {  	[smem:$0x3FA7] =	sst s10  }
0x32: {  	s10 =	sld [smem:$0x3FA5];
	_ =	sdelay $0x3  }
0x33: {  	p0 =	seq.s32 s10, $0x1;
	s10 =	sld [smem:$0x3FA7];
	_ =	sdelay $0x3  }
0x34: {  	[smem:$0x3FA7] =	sst s10  }
0x35: {  	s10 =	sld [smem:$0x3FA6];
	_ =	sdelay $0x3  }
0x36: {  	p1 =	seq.s32 s10, $0x1;
	s10 =	sld [smem:$0x3FA7];
	_ =	sdelay $0x3  }
0x37: {  	[smem:$0x3FA7] =	sst s10  }
0x38: {  	s10 =	sld [smem:$0x3FA8]  }
0x39: {  	_ = 	snop;
	(pc) =	sbr.ind lr, $3  }
0x3a: {  	_ = 	snop  }
0x3b: {  	_ = 	snop  }
0x3c: {  	p2 =	seq.s32 s10, $0x1;
	s10 =	sld [smem:$0x3FA7]  }
0x3d: {  	_ =	shalt  }
0x3e: {  	_ =	shalt  }
0x3f: {  	_ =	shalt  }
0x40: {  	_ =	shalt  }
0x41: {  	_ =	shalt  }
0x42: {  	_ =	shalt  }
0x43: {  	_ =	shalt  }
0x44: {  	_ =	shalt  }
0x45: {  	_ =	shalt  }
0x46: {  	_ =	shalt  }
0x47: {  	_ =	shalt  }
0x48: {  	_ =	shalt  }
0x49: {  	_ =	shalt  }
0x4a: {  	_ =	shalt  }
0x4b: {  	_ =	shalt  }
0x4c: {  	_ =	shalt  }
0x4d: {  	_ =	shalt  }
0x4e: {  	_ =	shalt  }
0x4f: {  	_ =	shalt  }
0x50: {  	_ =	shalt  }
0x51: {  	_ =	shalt  }
0x52: {  	_ =	shalt  }
0x53: {  	_ =	shalt  }
0x54: {  	_ =	shalt  }
0x55: {  	_ =	shalt  }
0x56: {  	_ =	shalt  }
0x57: {  	_ =	shalt  }
0x58: {  	_ =	shalt  }
0x59: {  	_ =	shalt  }
0x5a: {  	_ =	shalt  }
0x5b: {  	_ =	shalt  }
0x5c: {  	_ =	shalt  }
0x5d: {  	_ =	shalt  }
0x5e: {  	_ =	shalt  }
0x5f: {  	_ =	shalt  }
0x60: {  	_ =	shalt  }
0x61: {  	_ =	shalt  }
0x62: {  	_ =	shalt  }
0x63: {  	_ =	shalt  }
0x64: {  	_ =	shalt  }
0x65: {  	_ =	shalt  }
0x66: {  	_ =	shalt  }
0x67: {  	_ =	shalt  }
0x68: {  	_ =	shalt  }
0x69: {  	_ =	shalt  }
0x6a: {  	_ =	shalt  }
0x6b: {  	_ =	shalt  }
0x6c: {  	_ =	shalt  }
0x6d: {  	_ =	shalt  }
0x6e: {  	_ =	shalt  }
0x6f: {  	_ =	shalt  }
0x70: {  	_ =	shalt  }
0x71: {  	_ =	shalt  }
0x72: {  	_ =	shalt  }
0x73: {  	_ =	shalt  }
0x74: {  	_ =	shalt  }
0x75: {  	_ =	shalt  }
0x76: {  	_ =	shalt  }
0x77: {  	_ =	shalt  }
0x78: {  	_ =	shalt  }
0x79: {  	_ =	shalt  }
0x7a: {  	_ =	shalt  }
0x7b: {  	_ =	shalt  }
0x7c: {  	_ =	shalt  }
0x7d: {  	_ =	shalt  }
0x7e: {  	_ =	shalt  }
0x7f: {  	_ =	shalt  }
0x80: {  	_ =	shalt  }
0x81: {  	_ =	shalt  }
0x82: {  	_ =	shalt  }
0x83: {  	_ =	shalt  }
0x84: {  	_ =	shalt  }
0x85: {  	_ =	shalt  }
0x86: {  	_ =	shalt  }
0x87: {  	_ =	shalt  }
.Lfunc_end0:
.L_simem_size_0:
called_computation.6_lowered:
.L_overlay_start_0:
0x88: {  	s2 =	sld [smem:$0x3FD9]  }
0x89: {  	s3 =	sld [smem:$0x3FFE];
	_ =	sdelay $0x1  }
0x8a: {  	s1 =	srdreg.scid  }
0x8b: {  	s0 =	sand.u32 $0x1, s1  }
0x8c: {  	s17 =	sshll.u32 s0, $0xA;
	s2 =	sadd.s32 s3, s2  }
0x8d: {  	s2 =	sadd.s32 s2, s17  }
0x8e: {  	[smem:$0x3FB3] =	sst s2  }
0x8f: {  	_ = 	snop  }
0x90: {  	(tm) =	ssettm $0x1  }
0x91: {  	s18 =	sld [smem:$0x3FFB];
	_ =	sdelay $0x3  }
0x92: {  	_ =	strace s18  }
0x93: {  	s2 =	sld [smem:$0x3FFC];
	_ =	sdelay $0x3  }
0x94: {  	_ =	strace s2  }
0x95: {  	s2 =	sld [smem:$0x3FFD];
	_ =	sdelay $0x3  }
0x96: {  	_ =	strace s2  }
0x97: {  	_ =	strace $0x8FFFFFFF  }
0x98: {  	s19 =	sld [smem:$0x3FDB];
	_ =	sdelay $0x1  }
0x99: {  	s20 =	simm.s32 $_scs_section_size  }
0x9a: {  	s4 =	simm.s32 $_size__tile_overlayer_lowered;
	s5 =	simm.s32 $_tile_overlayer_lowered  }
0x9b: {  	s6 =	simm.s32 $0x1BFF;
	s21 =	sshll.u32 s5, $0x1;
	s3 =	sadd.s32 s20, s19  }
0x9c: {  	s22 =	simm.s32 $0x0;
	s4 =	sshll.u32 s4, $0x1;
	s5 =	sadd.s32 s21, s3  }
0x9d: {  	[timem:s22], [sflag:s6] =	dma.local [hbm:s5], s4  }
0x9e: {  	_ =	swait.ge [sflag:s6], s4  }
0x9f: {  	s4 =	ssub.s32 $0x0, s4;
	[sflag:s6] =	ssyncset.done $0x0  }
0xa0: {  	[sflag:s6] =	ssyncadd.s32 s4;
	_ =	sdelay $0x1  }
0xa1: {  	s23 =	simm.s32 $0x1B8B  }
0xa2: {  	_ =	swait.ge [sflag:s23], $0x1  }
0xa3: {  	[sflag:s23] =	ssyncset.done $0x0  }
0xa4: {  	[sflag:s23] =	ssyncadd.s32 $0xFFFFFFFF  }
0xa5: {  	s4 =	sld [smem:$0x0]  }
0xa6: {  	s5 =	sand.u32 $0xFFFFFFFE, s1  }
0xa7: {  	p0 =	sne.s32 s1, s5  }
0xa8: {  	s5 =	sshll.u32 @p0 s5, $0xE  }
0xa9: {  	s5 =	sadd.s32 @p0 $0x11B8D, s5;
	s6 =	sshll.u32 @p0 s4, $0x11  }
0xaa: {  	s5 =	sor.u32 @p0 s6, s5  }
0xab: {  	[sflag:s5] =	ssyncadd.remote.s32 @p0 $0x1;
	_ =	sdelay $0x1  }
0xac: {  	s5 =	simm.s32 @p0 $0x1B8D  }
0xad: {  	_ =	swait.eq @p0 [sflag:s5], $0x1  }
0xae: {  	[sflag:s5] =	ssyncadd.s32 @p0 $0xFFFFFFFF  }
0xaf: {  	s6 =	sshll.u32 @!p0 s1, $0xE  }
0xb0: {  	s6 =	sor.u32 @!p0 $0x4000, s6;
	s5 =	simm.s32 @!p0 $0x1B8D  }
0xb1: {  	s4 =	sshll.u32 @!p0 s4, $0x11;
	s6 =	sadd.s32 @!p0 $0x11B8D, s6;
	_ =	swait.eq @!p0 [sflag:s5], $0x1  }
0xb2: {  	s4 =	sor.u32 @!p0 s4, s6;
	[sflag:s5] =	ssyncadd.s32 @!p0 $0xFFFFFFFF  }
0xb3: {  	s25 =	simm.s32 $0x1B8E;
	s24 =	sld [smem:$0x3FFE];
	[sflag:s4] =	ssyncadd.remote.s32 @!p0 $0x1  }
0xb4: {  	s26 =	simm.s32 $execute0_lowered;
	[smem:$0x3FD2] =	sst s25  }
0xb5: {  	s5 =	sshll.u32 s26, $0x1;
	_ =	strace $0x80000055;
	[dreg:$0x1] =	wrdreg $0xFFFFFFFF  }
0xb6: {  	s28 =	simm.s32 $_size_execute0_lowered;
	s3 =	sadd.s32 s3, s5;
	[dreg:$0x0] =	wrdreg $0x0  }
0xb7: {  	s5 =	sshll.u32 s28, $0x1;
	[dreg:$0x2] =	wrdreg s3  }
0xb8: {  	[dreg:$0x3] =	wrdreg s5  }
0xb9: {  	[dreg:$0x4] =	wrdreg $0xC0  }
0xba: {  	_ =	task [dreg:s22], $0x5FFFF  }
0xbb: {  	[dreg:$0x1] =	wrdreg $0xFFFFFFFF  }
0xbc: {  	[dreg:$0x0] =	wrdreg $0x60  }
0xbd: {  	[dreg:$0x2] =	wrdreg s24  }
0xbe: {  	[dreg:$0x3] =	wrdreg $0x98000  }
0xbf: {  	[dreg:$0x4] =	wrdreg $0xC  }
0xc0: {  	_ =	task.clear_ibuf [dreg:s22], $0x5FFFF;
	_ =	strace $0x90000055  }
0xc1: {  	s29 =	simm.s32 $0xC;
	_ =	strace $0x80000057  }
0xc2: {  	_ =	swait.ge [sflag:s29], $0x1  }
0xc3: {  	[sflag:s29] =	ssyncadd.s32 $0xFFFFFFFF  }
0xc4: {  	_ =	strace $0x90000057  }
0xc5: {  	_ =	sfence  }
0xc6: {  	s30 =	sld [smem:$0x0];
	_ =	sdelay $0x2  }
0xc7: {  	s31 =	sshll.u32 s1, $0xD;
	s1 =	sshrl.u32 s1, $0x2  }
0xc8: {  	s4 =	sand.u32 $0x4000, s31;
	s1 =	sadd.s32 s1, s30  }
0xc9: {  	s0 =	sor.u32 s4, s0;
	s1 =	sshll.u32 s1, $0x11  }
0xca: {  	s0 =	sor.u32 s1, s0  }
0xcb: {  	s0 =	sadd.s32 $0x8F2B, s0  }
0xcc: {  	[sflag:s0] =	ssyncadd.remote.s32 $0x1  }
0xcd: {  	_ =	sfence.sel $0xFFFF  }
0xce: {  	[dreg:$0x0] =	wrdreg $0xFFFFFFFF;
	(pc) =	sbr.abs _section_cstart, $3  }
0xcf: {  	[dreg:$0x1] =	wrdreg $0xFFFFFFFF  }
0xd0: {  	_ =	task.clear_ibuf [dreg:s22], $0x2FFFF;
	_ =	strace $0x9FFFFFFF  }
0xd1: {  	(tm) =	ssettm $0x7FFFFFFF  }
tec
execute0_lowered:
.L_overlay_start_1:
0x0: {  	(tag) =	ssettag $0x1  }
0x1: {  	s7 =	rddreg [dreg:$0x0]  }
0x2: {  	s1 =	rddreg [dreg:$0x1]  }
0x3: {  	s0 =	rddreg [dreg:$0x2];
	s2 =	simm.s32 $0x0  }
0x4: {  	s3 =	stileid.u32;
	s8 =	srdreg.scid;
	s19 =	simm.s32 $0x4800  }
0x5: {  	s20 =	simm.s32 $0x2000;
	s21 =	simm.s32 $0x1;
	s22 =	simm.s32 $0x7000  }
0x6: {  	[smem:$0x7FF] =	sst s2;
	s4 =	sadd.s32 $0xA1A400, s7;
	s5 =	sadd.s32 $0x2F200, s7  }
0x7: {  	s6 =	sadd.s32 $0x9F3200, s7;
	s23 =	smul.u32 $0x2780, s3;
	s8 =	sand.u32 $0x1, s8  }
0x8: {  	s12 =	sadd.s32 $0x7200, s7;
	s13 =	sadd.s32 $0x1B200, s7;
	s14 =	smul.u32 $0x4F000, s3  }
0x9: {  	s26 =	sshll.u32 s3, $0x1;
	s30 =	sshll.u32 s3, $0x6;
	_ =	strace $0x80000056  }
0xa: {  	s9 =	smul.u32 $0x27800, s8;
	s11 =	ssub.s32 $0x2, s8;
	s8 =	sor.u32 s8, s26  }
0xb: {  	s10 =	sadd.s32 s23, s7;
	s25 =	sshrl.u32 s11, $0x1;
	s28 =	sshrl.u32 s14, $0x2  }
0xc: {  	s29 =	sshll.u32 s8, $0x9;
	s15 =	sadd.s32 s9, s7;
	s16 =	ssub.s32 s11, s25  }
0xd: {  	s7 =	smul.u32 $0x7D0, s8;
	s17 =	sadd.s32 s28, s1;
	s8 =	sadd.s32 $0x129200, s10  }
0xe: {  	s31 =	sor.u32 $0x8000, s29;
	s9 =	sor.u32 $0x1C02, s30;
	s18 =	sor.u32 $0xC000, s29  }
0xf: {  	s10 =	sadd.s32 s12, s31;
	s11 =	sadd.s32 s13, s31;
	s12 =	sadd.s32 s12, s18  }
0x10: {  	s13 =	sadd.s32 s13, s18;
	s24 =	sadd.s32 $0x150A00, s15;
	s14 =	smax.u32 s16, $0x1  }
0x11: {  	s15 =	sshrl.u32 s17, $0x3;
	s16 =	simm.s32 $0x2;
	s17 =	simm.s32 $0x1000  }
0x12: {  	s18 =	simm.s32 $0x50;
	s23 =	sadd.s32 s23, s24;
	s24 =	simm.s32 $0x0  }
.LBB2_1:
0x13: {  	[spmem:s15], [sflag:s9] =	dma.local [hbm:s8], $0x2780  }
0x14: {  	_ =	swait.ge [sflag:s16], $0x2780  }
0x15: {  	[sflag:s16] =	ssyncset.done $0x0  }
0x16: {  	[sflag:s16] =	ssyncadd.s32 $0xFFFFD880  }
0x17: {  	[bflag:$0x0] =	sbarrier.arrive $0xFFFF  }
0x18: {  	[tilespmem:s2], [sflag:$0x2] =	stream.linear.gather [hbm4b:s10+s2], $0xC80, $0x38;
	[tilespmem:$0x1D400] =	vst v63  }
0x19: {  	_ =	swait.ge [sflag:s16], $0xC80  }
0x1a: {  	[sflag:s16] =	ssyncset.done $0x0  }
0x1b: {  	[sflag:s16] =	ssyncadd.s32 $0xFFFFF380  }
0x1c: {  	[tilespmem:s17], [sflag:$0x2] =	stream.linear.gather [hbm4b:s11+s2], $0xC80, $0x38;
	[tilespmem:$0x1D400] =	vst v63  }
0x1d: {  	_ =	swait.ge [sflag:s16], $0xC80  }
0x1e: {  	[sflag:s16] =	ssyncset.done $0x0  }
0x1f: {  	s25 =	simm.s32 $0x0;
	[sflag:s16] =	ssyncadd.s32 $0xFFFFF380  }
.LBB2_2:
0x20: {  	s26 =	sshll.u32 s25, $0x7  }
0x21: {  	s29 =	smul.u32 $0x50, s25;
	s28 =	sadd.s32 $0x1000, s26  }
0x22: {  	[tilespmem:s19], [sflag:$0x1] =	stream.indirect.gather [hbm4b:s6+s18], $0x80, s28, s18, $0xb8;
	[tilespmem:$0x1D400] =	vst v63  }
0x23: {  	s28 =	sadd.s32 s7, s29  }
0x24: {  	s28 =	sshll.u32 s28, $0x4  }
0x25: {  	s29 =	simm.s32 $0x0;
	s28 =	sadd.s32 s4, s28  }
0x26: {  	[tilespmem:s20], [sflag:$0x2] =	stream.linear.gather [hbm4b:s28+s29], $0x2800, $0x38;
	[tilespmem:$0x1D400] =	vst v63  }
0x27: {  	_ =	swait.ge [sflag:s16], $0x2800  }
0x28: {  	[sflag:s16] =	ssyncset.done $0x0  }
0x29: {  	[sflag:s16] =	ssyncadd.s32 $0xFFFFD800  }
0x2a: {  	_ =	swait.ge [sflag:s21], $0x2800  }
0x2b: {  	[sflag:s21] =	ssyncset.done $0x0  }
0x2c: {  	s28 =	simm.s32 $0x0;
	[sflag:s21] =	ssyncadd.s32 $0xFFFFD800  }
0x2d: {  	v1 =	vld [tilespmem:s28+$0x2030]  }
0x2e: {  	v2 =	vld [tilespmem:s28+$0x4870]  }
0x2f: {  	v4 =	vld [tilespmem:s28+$0x2000]  }
0x30: {  	v7 =	vld [tilespmem:s28+$0x2010]  }
0x31: {  	v0 =	vld [tilespmem:s28+$0x2020]  }
0x32: {  	v8 =	vld [tilespmem:s28+$0x4800]  }
0x33: {  	v9 =	vld [tilespmem:s28+$0x4810]  }
0x34: {  	v10 =	vld [tilespmem:s28+$0x4820]  }
0x35: {  	v6 =	vld [tilespmem:s28+$0x4830]  }
0x36: {  	v5 =	vld [tilespmem:s28+$0x4840];
	v2 =	vmul.f32 v2, v1  }
0x37: {  	v3 =	vld [tilespmem:s28+$0x4850];
	v8 =	vmul.f32 v8, v4  }
0x38: {  	s29 =	simm.s32 $0x80;
	v4 =	vld [tilespmem:s28+$0x4860];
	v7 =	vmul.f32 v9, v7;
	[tilespmem:s28+$0x7070] =	vst v2  }
0x39: {  	s30 =	simm.s32 $0x400;
	v2 =	vld [tilespmem:s29+$0x2030];
	[tilespmem:s28+$0x7000] =	vst v8;
	v8 =	vmul.f32 v10, v0  }
.LBB2_3:
0x3a: {  	p0 =	sne.s32 s30, $0x9E00;
	v9 =	vld [tilespmem:s29+$0x4870];
	[tilespmem:s28+$0x7010] =	vst v7;
	v6 =	vmul.f32 v6, v1  }
0x3b: {  	v7 =	vld [tilespmem:s29+$0x2000];
	[tilespmem:s28+$0x7020] =	vst v8;
	v5 =	vmul.f32 v5, v0  }
0x3c: {  	v8 =	vld [tilespmem:s29+$0x2010];
	[tilespmem:s28+$0x7030] =	vst v6;
	v6 =	vmul.f32 v3, v1  }
0x3d: {  	[tilespmem:s28+$0x7040] =	vst v5;
	v3 =	vmul.f32 v4, v0;
	v0 =	vld [tilespmem:s29+$0x2020]  }
0x3e: {  	v4 =	vld [tilespmem:s29+$0x4800];
	[tilespmem:s28+$0x7050] =	vst v6;
	v1 =	vmov v2  }
0x3f: {  	v2 =	vld [tilespmem:s29+$0x4810];
	v5 =	vmul.f32 v9, v1;
	[tilespmem:s28+$0x7060] =	vst v3;
	s28 =	smov.u32 s29  }
0x40: {  	v9 =	vld [tilespmem:s28+$0x4820]  }
.Ltmp0:
0x41: {  	v6 =	vld [tilespmem:s28+$0x4830];
	[tilespmem:s28+$0x7070] =	vst v5;
	(pc) =	sbr.rel @p0 .LBB2_3-.Ltmp0, $4  }
0x42: {  	v5 =	vld [tilespmem:s28+$0x4840]  }
0x43: {  	v10 =	vmul.f32 v4, v7;
	v3 =	vld [tilespmem:s28+$0x4850]  }
0x44: {  	s29 =	sshra.s32 s30, $0x2;
	v7 =	vmul.f32 v2, v8;
	v4 =	vld [tilespmem:s28+$0x4860]  }
0x45: {  	s30 =	sadd.s32 $0x200, s30;
	v2 =	vld [tilespmem:s29+$0x2030];
	[tilespmem:s28+$0x7000] =	vst v10;
	v8 =	vmul.f32 v9, v0  }
0x46: {  	v9 =	vld [tilespmem:s29+$0x4870];
	[tilespmem:s28+$0x7010] =	vst v7;
	v6 =	vmul.f32 v6, v1  }
0x47: {  	v7 =	vld [tilespmem:s29+$0x2000];
	[tilespmem:s28+$0x7020] =	vst v8;
	v5 =	vmul.f32 v5, v0  }
0x48: {  	v8 =	vld [tilespmem:s29+$0x2010];
	[tilespmem:s28+$0x7030] =	vst v6;
	v52 =	vmul.f32 v3, v1  }
0x49: {  	v6 =	vld [tilespmem:s29+$0x2020];
	[tilespmem:s28+$0x7040] =	vst v5;
	v54 =	vmul.f32 v4, v0  }
0x4a: {  	v53 =	vld [tilespmem:s29+$0x4800];
	[tilespmem:s28+$0x7050] =	vst v52  }
0x4b: {  	v1 =	vld [tilespmem:s29+$0x4810];
	[tilespmem:s28+$0x7060] =	vst v54  }
0x4c: {  	v56 =	vld [tilespmem:s29+$0x4820]  }
0x4d: {  	v5 =	vld [tilespmem:s29+$0x4830]  }
0x4e: {  	v55 =	vmul.f32 v9, v2;
	v57 =	vld [tilespmem:s29+$0x4840]  }
0x4f: {  	v58 =	vld [tilespmem:s29+$0x4850];
	v3 =	vmul.f32 v53, v7  }
0x50: {  	v59 =	vld [tilespmem:s29+$0x4860];
	[tilespmem:s29+$0x7070] =	vst v55;
	v1 =	vmul.f32 v1, v8  }
0x51: {  	[tilespmem:s29+$0x7000] =	vst v3;
	v60 =	vmul.f32 v56, v6  }
0x52: {  	v61 =	vmul.f32 v5, v2;
	[tilespmem:s29+$0x7010] =	vst v1  }
0x53: {  	v0 =	vmul.f32 v57, v6;
	[tilespmem:s29+$0x7020] =	vst v60  }
0x54: {  	v62 =	vmul.f32 v58, v2;
	[tilespmem:s29+$0x7030] =	vst v61  }
0x55: {  	s25 =	sadd.s32 $0x1, s25;
	v63 =	vmul.f32 v59, v6;
	[tilespmem:s29+$0x7040] =	vst v0  }
0x56: {  	p0 =	sne.s32 s25, $0x19;
	[tilespmem:s29+$0x7050] =	vst v62  }
.Ltmp1:
0x57: {  	[tilespmem:s29+$0x7060] =	vst v63;
	(pc) =	sbr.rel @p0 .LBB2_2-.Ltmp1, $4  }
0x58: {  	[spmem:s1] =	stream.indirect.scatter.add.f32 [tilespmem:s22], [sflag:$0x2], $0x80, s26, s18, $0xb8;
	[tilespmem:$0x1D400] =	vst v63  }
0x59: {  	_ =	swait.ge [sflag:s16], $0x2800  }
0x5a: {  	[sflag:s16] =	ssyncset.done $0x0  }
0x5b: {  	[sflag:s16] =	ssyncadd.s32 $0xFFFFD800  }
0x5c: {  	s25 =	simm.s32 $0x0  }
0x5d: {  	[tilespmem:s25], [sflag:$0x2] =	stream.linear.gather [hbm4b:s12+s25], $0xC80, $0x38;
	[tilespmem:$0x1D400] =	vst v63  }
0x5e: {  	_ =	swait.ge [sflag:s16], $0xC80  }
0x5f: {  	[sflag:s16] =	ssyncset.done $0x0  }
0x60: {  	[sflag:s16] =	ssyncadd.s32 $0xFFFFF380  }
0x61: {  	[tilespmem:s17], [sflag:$0x2] =	stream.linear.gather [hbm4b:s13+s25], $0xC80, $0x38;
	[tilespmem:$0x1D400] =	vst v63  }
0x62: {  	_ =	swait.ge [sflag:s16], $0xC80  }
0x63: {  	[sflag:s16] =	ssyncset.done $0x0  }
0x64: {  	s26 =	simm.s32 $0x0;
	[sflag:s16] =	ssyncadd.s32 $0xFFFFF380  }
.LBB2_6:
0x65: {  	s28 =	sshll.u32 s26, $0x7  }
0x66: {  	s30 =	smul.u32 $0x50, s26;
	s29 =	sadd.s32 $0x1000, s28  }
0x67: {  	[tilespmem:s19], [sflag:$0x1] =	stream.indirect.gather [hbm4b:s6+s18], $0x80, s29, s18, $0xb8;
	[tilespmem:$0x1D400] =	vst v63  }
0x68: {  	s29 =	sadd.s32 s7, s30  }
0x69: {  	s29 =	sshll.u32 s29, $0x4  }
0x6a: {  	s29 =	sadd.s32 s5, s29  }
0x6b: {  	[tilespmem:s20], [sflag:$0x2] =	stream.linear.gather [hbm4b:s29+s25], $0x2800, $0x38;
	[tilespmem:$0x1D400] =	vst v63  }
0x6c: {  	_ =	swait.ge [sflag:s16], $0x2800  }
0x6d: {  	[sflag:s16] =	ssyncset.done $0x0  }
0x6e: {  	[sflag:s16] =	ssyncadd.s32 $0xFFFFD800  }
0x6f: {  	_ =	swait.ge [sflag:s21], $0x2800  }
0x70: {  	[sflag:s21] =	ssyncset.done $0x0  }
0x71: {  	s29 =	simm.s32 $0x0;
	[sflag:s21] =	ssyncadd.s32 $0xFFFFD800  }
0x72: {  	v1 =	vld [tilespmem:s29+$0x2030]  }
0x73: {  	v2 =	vld [tilespmem:s29+$0x4870]  }
0x74: {  	v4 =	vld [tilespmem:s29+$0x2000]  }
0x75: {  	v7 =	vld [tilespmem:s29+$0x2010]  }
0x76: {  	v0 =	vld [tilespmem:s29+$0x2020]  }
0x77: {  	v8 =	vld [tilespmem:s29+$0x4800]  }
0x78: {  	v9 =	vld [tilespmem:s29+$0x4810]  }
0x79: {  	v10 =	vld [tilespmem:s29+$0x4820]  }
0x7a: {  	v6 =	vld [tilespmem:s29+$0x4830]  }
0x7b: {  	v5 =	vld [tilespmem:s29+$0x4840];
	v2 =	vmul.f32 v2, v1  }
0x7c: {  	v3 =	vld [tilespmem:s29+$0x4850];
	v8 =	vmul.f32 v8, v4  }
0x7d: {  	s30 =	simm.s32 $0x80;
	v4 =	vld [tilespmem:s29+$0x4860];
	v7 =	vmul.f32 v9, v7;
	[tilespmem:s29+$0x7070] =	vst v2  }
0x7e: {  	s31 =	simm.s32 $0x400;
	v2 =	vld [tilespmem:s30+$0x2030];
	[tilespmem:s29+$0x7000] =	vst v8;
	v8 =	vmul.f32 v10, v0  }
.LBB2_7:
0x7f: {  	p0 =	sne.s32 s31, $0x9E00;
	v9 =	vld [tilespmem:s30+$0x4870];
	[tilespmem:s29+$0x7010] =	vst v7;
	v6 =	vmul.f32 v6, v1  }
0x80: {  	v7 =	vld [tilespmem:s30+$0x2000];
	[tilespmem:s29+$0x7020] =	vst v8;
	v5 =	vmul.f32 v5, v0  }
0x81: {  	v8 =	vld [tilespmem:s30+$0x2010];
	[tilespmem:s29+$0x7030] =	vst v6;
	v6 =	vmul.f32 v3, v1  }
0x82: {  	[tilespmem:s29+$0x7040] =	vst v5;
	v3 =	vmul.f32 v4, v0;
	v0 =	vld [tilespmem:s30+$0x2020]  }
0x83: {  	v4 =	vld [tilespmem:s30+$0x4800];
	[tilespmem:s29+$0x7050] =	vst v6;
	v1 =	vmov v2  }
0x84: {  	v2 =	vld [tilespmem:s30+$0x4810];
	v5 =	vmul.f32 v9, v1;
	[tilespmem:s29+$0x7060] =	vst v3;
	s29 =	smov.u32 s30  }
0x85: {  	v9 =	vld [tilespmem:s29+$0x4820]  }
.Ltmp2:
0x86: {  	v6 =	vld [tilespmem:s29+$0x4830];
	[tilespmem:s29+$0x7070] =	vst v5;
	(pc) =	sbr.rel @p0 .LBB2_7-.Ltmp2, $4  }
0x87: {  	v5 =	vld [tilespmem:s29+$0x4840]  }
0x88: {  	v10 =	vmul.f32 v4, v7;
	v3 =	vld [tilespmem:s29+$0x4850]  }
0x89: {  	s30 =	sshra.s32 s31, $0x2;
	v7 =	vmul.f32 v2, v8;
	v4 =	vld [tilespmem:s29+$0x4860]  }
0x8a: {  	s31 =	sadd.s32 $0x200, s31;
	v2 =	vld [tilespmem:s30+$0x2030];
	[tilespmem:s29+$0x7000] =	vst v10;
	v8 =	vmul.f32 v9, v0  }
0x8b: {  	v9 =	vld [tilespmem:s30+$0x4870];
	[tilespmem:s29+$0x7010] =	vst v7;
	v6 =	vmul.f32 v6, v1  }
0x8c: {  	v7 =	vld [tilespmem:s30+$0x2000];
	[tilespmem:s29+$0x7020] =	vst v8;
	v5 =	vmul.f32 v5, v0  }
0x8d: {  	v8 =	vld [tilespmem:s30+$0x2010];
	[tilespmem:s29+$0x7030] =	vst v6;
	v52 =	vmul.f32 v3, v1  }
0x8e: {  	v6 =	vld [tilespmem:s30+$0x2020];
	[tilespmem:s29+$0x7040] =	vst v5;
	v54 =	vmul.f32 v4, v0  }
0x8f: {  	v53 =	vld [tilespmem:s30+$0x4800];
	[tilespmem:s29+$0x7050] =	vst v52  }
0x90: {  	v1 =	vld [tilespmem:s30+$0x4810];
	[tilespmem:s29+$0x7060] =	vst v54  }
0x91: {  	v56 =	vld [tilespmem:s30+$0x4820]  }
0x92: {  	v5 =	vld [tilespmem:s30+$0x4830]  }
0x93: {  	v55 =	vmul.f32 v9, v2;
	v57 =	vld [tilespmem:s30+$0x4840]  }
0x94: {  	v58 =	vld [tilespmem:s30+$0x4850];
	v3 =	vmul.f32 v53, v7  }
0x95: {  	v59 =	vld [tilespmem:s30+$0x4860];
	[tilespmem:s30+$0x7070] =	vst v55;
	v1 =	vmul.f32 v1, v8  }
0x96: {  	[tilespmem:s30+$0x7000] =	vst v3;
	v60 =	vmul.f32 v56, v6  }
0x97: {  	v61 =	vmul.f32 v5, v2;
	[tilespmem:s30+$0x7010] =	vst v1  }
0x98: {  	v0 =	vmul.f32 v57, v6;
	[tilespmem:s30+$0x7020] =	vst v60  }
0x99: {  	v62 =	vmul.f32 v58, v2;
	[tilespmem:s30+$0x7030] =	vst v61  }
0x9a: {  	s26 =	sadd.s32 $0x1, s26;
	v63 =	vmul.f32 v59, v6;
	[tilespmem:s30+$0x7040] =	vst v0  }
0x9b: {  	p0 =	sne.s32 s26, $0x19;
	[tilespmem:s30+$0x7050] =	vst v62  }
.Ltmp3:
0x9c: {  	[tilespmem:s30+$0x7060] =	vst v63;
	(pc) =	sbr.rel @p0 .LBB2_6-.Ltmp3, $4  }
0x9d: {  	[spmem:s1] =	stream.indirect.scatter.add.f32 [tilespmem:s22], [sflag:$0x2], $0x80, s28, s18, $0xb8;
	[tilespmem:$0x1D400] =	vst v63  }
0x9e: {  	_ =	swait.ge [sflag:s16], $0x2800  }
0x9f: {  	[sflag:s16] =	ssyncset.done $0x0  }
0xa0: {  	[sflag:s16] =	ssyncadd.s32 $0xFFFFD800  }
0xa1: {  	s24 =	sadd.s32 $0x1, s24  }
0xa2: {  	p0 =	sne.s32 s24, s14  }
.Ltmp4:
0xa3: {  	[bflag:$0x0] =	sbarrier.arrive $0xFFFF;
	(pc) =	sbr.rel @p0 .LBB2_1-.Ltmp4, $4  }
0xa4: {  	[hbm:s23], [sflag:s9] =	dma.local [spmem:s15], $0x2780  }
0xa5: {  	_ =	swait.ge [sflag:s16], $0x2780  }
0xa6: {  	[sflag:s16] =	ssyncset.done $0x0  }
0xa7: {  	[sflag:s16] =	ssyncadd.s32 $0xFFFFD880  }
0xa8: {  	_ =	sfence.sel $0x180000  }
0xa9: {  	[bflag:$0x0] =	sbarrier.arrive $0xFFFF  }
0xaa: {  	p0 =	sne.s32 s3, $0x0;
	_ =	strace $0x90000056  }
0xab: {  	s0 =	sadd.s32 @!p0 $0x100000, s0;
	[bflag:$0x2] =	sbarrier.arrive $0xFFFF  }
0xac: {  	[sflag:s0] =	ssyncadd.tile.s32 @!p0 $0x1;
	_ =	shalt  }
.Lfunc_end2:
_tile_overlayer_lowered:
.L_overlay_start_2:
0xad: {  	(tag) =	ssettag $0x2  }
0xae: {  	s0 =	rddreg [dreg:$0x0];
	s2 =	stileid.u32  }
0xaf: {  	s1 =	rddreg [dreg:$0x1];
	p0 =	sne.s32 s2, $0x0  }
0xb0: {  	s3 =	rddreg [dreg:$0x2];
	[bflag:$0x3] =	sbarrier.arrive $0xFFFF;
	s2 =	simm.s32 @!p0 $0x1C02  }
0xb1: {  	[timem:s3], [sflag:s2] =	dma.local @!p0 [hbm:s0], s1  }
0xb2: {  	s0 =	simm.s32 @!p0 $0x2  }
0xb3: {  	_ =	swait.ge @!p0 [sflag:s0], s1  }
0xb4: {  	s1 =	ssub.s32 @!p0 $0x0, s1;
	[sflag:s0] =	ssyncset.done @!p0 $0x0  }
0xb5: {  	[sflag:s0] =	ssyncadd.s32 @!p0 s1  }
0xb6: {  	[bflag:$0x3] =	sbarrier.arrive $0xFFFF  }
0xb7: {  	_ =	shalt  }

// kernel: kernel.39.cloned.1.call-start
scs
__scs_entry_jumppad:
0x0: {  	(pc) =	sbr.rel $0x88, $3  }
0x1: {  	(tag) =	ssettag $0x0;
	lr =	simm.s32 $0x1  }
0x2: {  	[smem:$0x3F8C] =	sst lr;
	_ =	strace $0xD0000000  }
0x3: {  	_ = 	snop  }
0x4: {  	_ = 	snop  }
0x5: {  	_ = 	snop  }
0x6: {  	_ = 	snop  }
0x7: {  	_ = 	snop  }
__scs_overlays_trampoline_lowered:
0x8: {  	[smem:$0x3F9B] =	sst s0  }
0x9: {  	[smem:$0x3F9C] =	sst s1  }
0xa: {  	[smem:$0x3F9D] =	sst s2  }
0xb: {  	[smem:$0x3F9E] =	sst s3  }
0xc: {  	[smem:$0x3F9F] =	sst s4  }
0xd: {  	[smem:$0x3FA0] =	sst s5  }
0xe: {  	[smem:$0x3FA1] =	sst s6  }
0xf: {  	[smem:$0x3FA2] =	sst s7  }
0x10: {  	[smem:$0x3FA3] =	sst s8  }
0x11: {  	[smem:$0x3FA4] =	sst s9;
	s0 =	simm.s32 @!p0 $0x0  }
0x12: {  	s1 =	sld [smem:$0x3F8A];
	s0 =	simm.s32 @p0 $0x1  }
0x13: {  	[smem:$0x3FA5] =	sst s0;
	s0 =	simm.s32 @!p1 $0x0  }
0x14: {  	s2 =	sld [smem:$0x3F89];
	s0 =	simm.s32 @p1 $0x1  }
0x15: {  	[smem:$0x3FA6] =	sst s0;
	s0 =	simm.s32 @!p2 $0x0  }
0x16: {  	s3 =	sld [smem:$0x3FDB];
	s0 =	simm.s32 @p2 $0x1  }
0x17: {  	s4 =	simm.s32 $0x1BF5;
	[smem:$0x3FA8] =	sst s0  }
0x18: {  	s0 =	sld [smem:$0x3F8B];
	_ =	swait.ge [sflag:s4], $0x0  }
0x19: {  	s7 =	sld [smem:$0x3F8C]  }
0x1a: {  	s8 =	sadd.s32 $0xFFFFE003, lr  }
0x1b: {  	s9 =	sadd.s32 $0xFFFFFEF7, lr;
	s5 =	simm.s32 $0xFFFFFFFF;
	p2 =	slt.u32 s8, $0xFFFFF086  }
0x1c: {  	p1 =	slt.u32 s9, $0xF7A;
	s5 =	simm.s32 @!p2 $0x0  }
0x1d: {  	s5 =	simm.s32 @p1 $0x1;
	p0 =	seq.s32 s7, s2  }
0x1e: {  	s7 =	smul.u32 @!p0 $0xF7A, s2;
	p2 =	seq.s32 @!p0 s5, $0x0  }
0x1f: {  	s9 =	smul.u32 $0xF7A, s1;
	s8 =	simm.s32 @!p0 $0x1BF5;
	p2 =	por !p2, p0  }
0x20: {  	[sflag:s8] =	ssyncset.s32 @!p0 $0xFFFFF086;
	s6 =	sadd.s32 @!p0 s3, s7;
	s7 =	simm.s32 @!p0 $0x108  }
0x21: {  	s3 =	sadd.s32 s3, s9;
	s6 =	sadd.s32 @!p0 $0x88, s6;
	s7 =	simm.s32 @p2 $0x1082  }
0x22: {  	[simem:s7], [sflag:s8] =	dma.local @!p0 [hbm:s6], $0xF7A  }
0x23: {  	s9 =	sor.u32 $0xD0000000, s2;
	s6 =	simm.s32 $0x108;
	_ =	swait.ge @!p0 [sflag:s8], $0x0  }
0x24: {  	s3 =	sadd.s32 $0x88, s3;
	s6 =	simm.s32 @!p1 $0x1082;
	[sflag:s4] =	ssyncset.s32 $0xFFFFF086  }
0x25: {  	[simem:s6], [sflag:s4] =	dma.local [hbm:s3], $0xF7A  }
0x26: {  	[smem:$0x3F8C] =	sst s1;
	(tag) =	ssettag s2;
	_ =	strace s9  }
0x27: {  	s1 =	sld [smem:$0x3F9C]  }
0x28: {  	s2 =	sld [smem:$0x3F9D]  }
0x29: {  	s4 =	sld [smem:$0x3F9F]  }
0x2a: {  	p0 =	seq.s32 s5, $0x0;
	s5 =	sld [smem:$0x3FA0]  }
0x2b: {  	s6 =	sld [smem:$0x3FA1]  }
0x2c: {  	s7 =	sld [smem:$0x3FA2]  }
0x2d: {  	s3 =	simm.s32 $0x108;
	s8 =	sld [smem:$0x3FA3]  }
0x2e: {  	s3 =	simm.s32 @!p0 $0x1082;
	s9 =	sld [smem:$0x3FA4]  }
0x2f: {  	lr =	sadd.s32 s0, s3;
	s0 =	sld [smem:$0x3F9B]  }
0x30: {  	s3 =	sld [smem:$0x3F9E]  }
0x31: {  	[smem:$0x3FA7] =	sst s10  }
0x32: {  	s10 =	sld [smem:$0x3FA5];
	_ =	sdelay $0x3  }
0x33: {  	p0 =	seq.s32 s10, $0x1;
	s10 =	sld [smem:$0x3FA7];
	_ =	sdelay $0x3  }
0x34: {  	[smem:$0x3FA7] =	sst s10  }
0x35: {  	s10 =	sld [smem:$0x3FA6];
	_ =	sdelay $0x3  }
0x36: {  	p1 =	seq.s32 s10, $0x1;
	s10 =	sld [smem:$0x3FA7];
	_ =	sdelay $0x3  }
0x37: {  	[smem:$0x3FA7] =	sst s10  }
0x38: {  	s10 =	sld [smem:$0x3FA8]  }
0x39: {  	_ = 	snop;
	(pc) =	sbr.ind lr, $3  }
0x3a: {  	_ = 	snop  }
0x3b: {  	_ = 	snop  }
0x3c: {  	p2 =	seq.s32 s10, $0x1;
	s10 =	sld [smem:$0x3FA7]  }
0x3d: {  	_ =	shalt  }
0x3e: {  	_ =	shalt  }
0x3f: {  	_ =	shalt  }
0x40: {  	_ =	shalt  }
0x41: {  	_ =	shalt  }
0x42: {  	_ =	shalt  }
0x43: {  	_ =	shalt  }
0x44: {  	_ =	shalt  }
0x45: {  	_ =	shalt  }
0x46: {  	_ =	shalt  }
0x47: {  	_ =	shalt  }
0x48: {  	_ =	shalt  }
0x49: {  	_ =	shalt  }
0x4a: {  	_ =	shalt  }
0x4b: {  	_ =	shalt  }
0x4c: {  	_ =	shalt  }
0x4d: {  	_ =	shalt  }
0x4e: {  	_ =	shalt  }
0x4f: {  	_ =	shalt  }
0x50: {  	_ =	shalt  }
0x51: {  	_ =	shalt  }
0x52: {  	_ =	shalt  }
0x53: {  	_ =	shalt  }
0x54: {  	_ =	shalt  }
0x55: {  	_ =	shalt  }
0x56: {  	_ =	shalt  }
0x57: {  	_ =	shalt  }
0x58: {  	_ =	shalt  }
0x59: {  	_ =	shalt  }
0x5a: {  	_ =	shalt  }
0x5b: {  	_ =	shalt  }
0x5c: {  	_ =	shalt  }
0x5d: {  	_ =	shalt  }
0x5e: {  	_ =	shalt  }
0x5f: {  	_ =	shalt  }
0x60: {  	_ =	shalt  }
0x61: {  	_ =	shalt  }
0x62: {  	_ =	shalt  }
0x63: {  	_ =	shalt  }
0x64: {  	_ =	shalt  }
0x65: {  	_ =	shalt  }
0x66: {  	_ =	shalt  }
0x67: {  	_ =	shalt  }
0x68: {  	_ =	shalt  }
0x69: {  	_ =	shalt  }
0x6a: {  	_ =	shalt  }
0x6b: {  	_ =	shalt  }
0x6c: {  	_ =	shalt  }
0x6d: {  	_ =	shalt  }
0x6e: {  	_ =	shalt  }
0x6f: {  	_ =	shalt  }
0x70: {  	_ =	shalt  }
0x71: {  	_ =	shalt  }
0x72: {  	_ =	shalt  }
0x73: {  	_ =	shalt  }
0x74: {  	_ =	shalt  }
0x75: {  	_ =	shalt  }
0x76: {  	_ =	shalt  }
0x77: {  	_ =	shalt  }
0x78: {  	_ =	shalt  }
0x79: {  	_ =	shalt  }
0x7a: {  	_ =	shalt  }
0x7b: {  	_ =	shalt  }
0x7c: {  	_ =	shalt  }
0x7d: {  	_ =	shalt  }
0x7e: {  	_ =	shalt  }
0x7f: {  	_ =	shalt  }
0x80: {  	_ =	shalt  }
0x81: {  	_ =	shalt  }
0x82: {  	_ =	shalt  }
0x83: {  	_ =	shalt  }
0x84: {  	_ =	shalt  }
0x85: {  	_ =	shalt  }
0x86: {  	_ =	shalt  }
0x87: {  	_ =	shalt  }
.Lfunc_end0:
.L_simem_size_0:
called_computation.7_lowered:
.L_overlay_start_0:
0x88: {  	s2 =	sld [smem:$0x3FD9]  }
0x89: {  	s3 =	sld [smem:$0x3FFE];
	_ =	sdelay $0x1  }
0x8a: {  	s1 =	srdreg.scid  }
0x8b: {  	s0 =	sand.u32 $0x1, s1  }
0x8c: {  	s17 =	sshll.u32 s0, $0xA;
	s2 =	sadd.s32 s3, s2  }
0x8d: {  	s2 =	sadd.s32 s2, s17  }
0x8e: {  	[smem:$0x3FB3] =	sst s2  }
0x8f: {  	_ = 	snop  }
0x90: {  	(tm) =	ssettm $0x1  }
0x91: {  	s18 =	sld [smem:$0x3FFB];
	_ =	sdelay $0x3  }
0x92: {  	_ =	strace s18  }
0x93: {  	s2 =	sld [smem:$0x3FFC];
	_ =	sdelay $0x3  }
0x94: {  	_ =	strace s2  }
0x95: {  	s2 =	sld [smem:$0x3FFD];
	_ =	sdelay $0x3  }
0x96: {  	_ =	strace s2  }
0x97: {  	_ =	strace $0x8FFFFFFF  }
0x98: {  	s19 =	sld [smem:$0x3FDB];
	_ =	sdelay $0x1  }
0x99: {  	s20 =	simm.s32 $_scs_section_size  }
0x9a: {  	s4 =	simm.s32 $_size__tile_overlayer_lowered;
	s5 =	simm.s32 $_tile_overlayer_lowered  }
0x9b: {  	s6 =	simm.s32 $0x1BFF;
	s21 =	sshll.u32 s5, $0x1;
	s3 =	sadd.s32 s20, s19  }
0x9c: {  	s22 =	simm.s32 $0x0;
	s4 =	sshll.u32 s4, $0x1;
	s5 =	sadd.s32 s21, s3  }
0x9d: {  	[timem:s22], [sflag:s6] =	dma.local [hbm:s5], s4  }
0x9e: {  	_ =	swait.ge [sflag:s6], s4  }
0x9f: {  	s4 =	ssub.s32 $0x0, s4;
	[sflag:s6] =	ssyncset.done $0x0  }
0xa0: {  	[sflag:s6] =	ssyncadd.s32 s4;
	_ =	sdelay $0x1  }
0xa1: {  	s23 =	simm.s32 $0x1B8B  }
0xa2: {  	_ =	swait.ge [sflag:s23], $0x1  }
0xa3: {  	[sflag:s23] =	ssyncset.done $0x0  }
0xa4: {  	[sflag:s23] =	ssyncadd.s32 $0xFFFFFFFF  }
0xa5: {  	s4 =	sld [smem:$0x0]  }
0xa6: {  	s5 =	sand.u32 $0xFFFFFFFE, s1  }
0xa7: {  	p0 =	sne.s32 s1, s5  }
0xa8: {  	s5 =	sshll.u32 @p0 s5, $0xE  }
0xa9: {  	s5 =	sadd.s32 @p0 $0x11B8D, s5;
	s6 =	sshll.u32 @p0 s4, $0x11  }
0xaa: {  	s5 =	sor.u32 @p0 s6, s5  }
0xab: {  	[sflag:s5] =	ssyncadd.remote.s32 @p0 $0x1;
	_ =	sdelay $0x1  }
0xac: {  	s5 =	simm.s32 @p0 $0x1B8D  }
0xad: {  	_ =	swait.eq @p0 [sflag:s5], $0x1  }
0xae: {  	[sflag:s5] =	ssyncadd.s32 @p0 $0xFFFFFFFF  }
0xaf: {  	s6 =	sshll.u32 @!p0 s1, $0xE  }
0xb0: {  	s6 =	sor.u32 @!p0 $0x4000, s6;
	s5 =	simm.s32 @!p0 $0x1B8D  }
0xb1: {  	s4 =	sshll.u32 @!p0 s4, $0x11;
	s6 =	sadd.s32 @!p0 $0x11B8D, s6;
	_ =	swait.eq @!p0 [sflag:s5], $0x1  }
0xb2: {  	s4 =	sor.u32 @!p0 s4, s6;
	[sflag:s5] =	ssyncadd.s32 @!p0 $0xFFFFFFFF  }
0xb3: {  	s25 =	simm.s32 $0x1B8E;
	s24 =	sld [smem:$0x3FFE];
	[sflag:s4] =	ssyncadd.remote.s32 @!p0 $0x1  }
0xb4: {  	s26 =	simm.s32 $execute0_lowered;
	[smem:$0x3FD2] =	sst s25  }
0xb5: {  	s5 =	sshll.u32 s26, $0x1;
	_ =	strace $0x8000005B;
	[dreg:$0x1] =	wrdreg $0xFFFFFFFF  }
0xb6: {  	s28 =	simm.s32 $_size_execute0_lowered;
	s3 =	sadd.s32 s3, s5;
	[dreg:$0x0] =	wrdreg $0x0  }
0xb7: {  	s5 =	sshll.u32 s28, $0x1;
	[dreg:$0x2] =	wrdreg s3  }
0xb8: {  	[dreg:$0x3] =	wrdreg s5  }
0xb9: {  	[dreg:$0x4] =	wrdreg $0xC0  }
0xba: {  	_ =	task [dreg:s22], $0x5FFFF  }
0xbb: {  	[dreg:$0x1] =	wrdreg $0xFFFFFFFF  }
0xbc: {  	[dreg:$0x0] =	wrdreg $0x60  }
0xbd: {  	[dreg:$0x2] =	wrdreg s24  }
0xbe: {  	[dreg:$0x3] =	wrdreg $0x98000  }
0xbf: {  	[dreg:$0x4] =	wrdreg $0x9  }
0xc0: {  	_ =	task.clear_ibuf [dreg:s22], $0x5FFFF;
	_ =	strace $0x9000005B  }
0xc1: {  	s29 =	simm.s32 $0x9;
	_ =	strace $0x8000005D  }
0xc2: {  	_ =	swait.ge [sflag:s29], $0x1  }
0xc3: {  	[sflag:s29] =	ssyncadd.s32 $0xFFFFFFFF  }
0xc4: {  	_ =	strace $0x9000005D  }
0xc5: {  	_ =	sfence  }
0xc6: {  	s30 =	sld [smem:$0x0];
	_ =	sdelay $0x2  }
0xc7: {  	s31 =	sshll.u32 s1, $0xD;
	s1 =	sshrl.u32 s1, $0x2  }
0xc8: {  	s4 =	sand.u32 $0x4000, s31;
	s1 =	sadd.s32 s1, s30  }
0xc9: {  	s0 =	sor.u32 s4, s0;
	s1 =	sshll.u32 s1, $0x11  }
0xca: {  	s0 =	sor.u32 s1, s0  }
0xcb: {  	s0 =	sadd.s32 $0x8F2B, s0  }
0xcc: {  	[sflag:s0] =	ssyncadd.remote.s32 $0x1  }
0xcd: {  	_ =	sfence.sel $0xFFFF  }
0xce: {  	[dreg:$0x0] =	wrdreg $0xFFFFFFFF;
	(pc) =	sbr.abs _section_cstart, $3  }
0xcf: {  	[dreg:$0x1] =	wrdreg $0xFFFFFFFF  }
0xd0: {  	_ =	task.clear_ibuf [dreg:s22], $0x2FFFF;
	_ =	strace $0x9FFFFFFF  }
0xd1: {  	(tm) =	ssettm $0x7FFFFFFF  }
tec
execute0_lowered:
.L_overlay_start_1:
0x0: {  	(tag) =	ssettag $0x1  }
0x1: {  	s6 =	rddreg [dreg:$0x0]  }
0x2: {  	s1 =	rddreg [dreg:$0x1]  }
0x3: {  	s0 =	rddreg [dreg:$0x2];
	s3 =	simm.s32 $0x0  }
0x4: {  	s4 =	srdreg.scid;
	s2 =	stileid.u32;
	s16 =	simm.s32 $0x4800  }
0x5: {  	s17 =	simm.s32 $0x2000;
	s18 =	simm.s32 $0x1;
	s19 =	simm.s32 $0x7000  }
0x6: {  	[smem:$0x7FF] =	sst s3;
	s7 =	sand.u32 $0x1, s4;
	s20 =	smul.u32 $0x2780, s2  }
0x7: {  	s5 =	sshll.u32 s2, $0x1;
	s4 =	sadd.s32 $0x3E2A00, s6;
	s28 =	smul.u32 $0x4F000, s2  }
0x8: {  	s31 =	sshll.u32 s2, $0x6;
	_ =	strace $0x8000005C;
	s8 =	sor.u32 s7, s5  }
0x9: {  	s5 =	sadd.s32 $0x9F3200, s6;
	s10 =	smul.u32 $0x27800, s7;
	s7 =	ssub.s32 $0x2, s7  }
0xa: {  	s9 =	sshll.u32 s8, $0x9;
	s12 =	sadd.s32 s20, s6;
	s29 =	sshrl.u32 s7, $0x1  }
0xb: {  	s30 =	sshrl.u32 s28, $0x2;
	s11 =	sadd.s32 s9, s6;
	s13 =	sadd.s32 s10, s6  }
0xc: {  	s14 =	ssub.s32 s7, s29;
	s6 =	smul.u32 $0x7D0, s8;
	s15 =	sadd.s32 s30, s1  }
0xd: {  	s7 =	sadd.s32 $0x129200, s12;
	s8 =	sor.u32 $0x1C02, s31;
	s9 =	sadd.s32 $0x17200, s11  }
0xe: {  	s10 =	sadd.s32 $0x2B200, s11;
	s21 =	sadd.s32 $0x4DCA00, s13;
	s11 =	smax.u32 s14, $0x1  }
0xf: {  	s12 =	sshrl.u32 s15, $0x3;
	s13 =	simm.s32 $0x2;
	s14 =	simm.s32 $0x1000  }
0x10: {  	s15 =	simm.s32 $0x50;
	s20 =	sadd.s32 s20, s21;
	s21 =	simm.s32 $0x0  }
.LBB2_1:
0x11: {  	[spmem:s12], [sflag:s8] =	dma.local [hbm:s7], $0x2780  }
0x12: {  	_ =	swait.ge [sflag:s13], $0x2780  }
0x13: {  	[sflag:s13] =	ssyncset.done $0x0  }
0x14: {  	[sflag:s13] =	ssyncadd.s32 $0xFFFFD880  }
0x15: {  	[bflag:$0x0] =	sbarrier.arrive $0xFFFF  }
0x16: {  	[tilespmem:s3], [sflag:$0x2] =	stream.linear.gather [hbm4b:s9+s3], $0xC80, $0x38;
	[tilespmem:$0x1D400] =	vst v63  }
0x17: {  	_ =	swait.ge [sflag:s13], $0xC80  }
0x18: {  	[sflag:s13] =	ssyncset.done $0x0  }
0x19: {  	[sflag:s13] =	ssyncadd.s32 $0xFFFFF380  }
0x1a: {  	[tilespmem:s14], [sflag:$0x2] =	stream.linear.gather [hbm4b:s10+s3], $0xC80, $0x38;
	[tilespmem:$0x1D400] =	vst v63  }
0x1b: {  	_ =	swait.ge [sflag:s13], $0xC80  }
0x1c: {  	[sflag:s13] =	ssyncset.done $0x0  }
0x1d: {  	s22 =	simm.s32 $0x0;
	[sflag:s13] =	ssyncadd.s32 $0xFFFFF380  }
.LBB2_2:
0x1e: {  	s23 =	sshll.u32 s22, $0x7  }
0x1f: {  	s25 =	smul.u32 $0x50, s22;
	s24 =	sadd.s32 $0x1000, s23  }
0x20: {  	[tilespmem:s16], [sflag:$0x1] =	stream.indirect.gather [hbm4b:s5+s15], $0x80, s24, s15, $0xb8;
	[tilespmem:$0x1D400] =	vst v63  }
0x21: {  	s30 =	sadd.s32 s6, s25  }
0x22: {  	s24 =	sshll.u32 s30, $0x4  }
0x23: {  	s31 =	simm.s32 $0x0;
	s24 =	sadd.s32 s4, s24  }
0x24: {  	[tilespmem:s17], [sflag:$0x2] =	stream.linear.gather [hbm4b:s24+s31], $0x2800, $0x38;
	[tilespmem:$0x1D400] =	vst v63  }
0x25: {  	_ =	swait.ge [sflag:s13], $0x2800  }
0x26: {  	[sflag:s13] =	ssyncset.done $0x0  }
0x27: {  	[sflag:s13] =	ssyncadd.s32 $0xFFFFD800  }
0x28: {  	_ =	swait.ge [sflag:s18], $0x2800  }
0x29: {  	[sflag:s18] =	ssyncset.done $0x0  }
0x2a: {  	s24 =	simm.s32 $0x0;
	[sflag:s18] =	ssyncadd.s32 $0xFFFFD800  }
0x2b: {  	v1 =	vld [tilespmem:s24+$0x2030]  }
0x2c: {  	v2 =	vld [tilespmem:s24+$0x4870]  }
0x2d: {  	v4 =	vld [tilespmem:s24+$0x2000]  }
0x2e: {  	v7 =	vld [tilespmem:s24+$0x2010]  }
0x2f: {  	v0 =	vld [tilespmem:s24+$0x2020]  }
0x30: {  	v8 =	vld [tilespmem:s24+$0x4800]  }
0x31: {  	v9 =	vld [tilespmem:s24+$0x4810]  }
0x32: {  	v10 =	vld [tilespmem:s24+$0x4820]  }
0x33: {  	v6 =	vld [tilespmem:s24+$0x4830]  }
0x34: {  	v5 =	vld [tilespmem:s24+$0x4840];
	v2 =	vmul.f32 v2, v1  }
0x35: {  	v3 =	vld [tilespmem:s24+$0x4850];
	v8 =	vmul.f32 v8, v4  }
0x36: {  	s25 =	simm.s32 $0x80;
	v4 =	vld [tilespmem:s24+$0x4860];
	v7 =	vmul.f32 v9, v7;
	[tilespmem:s24+$0x7070] =	vst v2  }
0x37: {  	s26 =	simm.s32 $0x400;
	v2 =	vld [tilespmem:s25+$0x2030];
	[tilespmem:s24+$0x7000] =	vst v8;
	v8 =	vmul.f32 v10, v0  }
.LBB2_3:
0x38: {  	p0 =	sne.s32 s26, $0x9E00;
	v9 =	vld [tilespmem:s25+$0x4870];
	[tilespmem:s24+$0x7010] =	vst v7;
	v6 =	vmul.f32 v6, v1  }
0x39: {  	v7 =	vld [tilespmem:s25+$0x2000];
	[tilespmem:s24+$0x7020] =	vst v8;
	v5 =	vmul.f32 v5, v0  }
0x3a: {  	v8 =	vld [tilespmem:s25+$0x2010];
	[tilespmem:s24+$0x7030] =	vst v6;
	v6 =	vmul.f32 v3, v1  }
0x3b: {  	[tilespmem:s24+$0x7040] =	vst v5;
	v3 =	vmul.f32 v4, v0;
	v0 =	vld [tilespmem:s25+$0x2020]  }
0x3c: {  	v4 =	vld [tilespmem:s25+$0x4800];
	[tilespmem:s24+$0x7050] =	vst v6;
	v1 =	vmov v2  }
0x3d: {  	v2 =	vld [tilespmem:s25+$0x4810];
	v5 =	vmul.f32 v9, v1;
	[tilespmem:s24+$0x7060] =	vst v3;
	s24 =	smov.u32 s25  }
0x3e: {  	v9 =	vld [tilespmem:s24+$0x4820]  }
.Ltmp0:
0x3f: {  	v6 =	vld [tilespmem:s24+$0x4830];
	[tilespmem:s24+$0x7070] =	vst v5;
	(pc) =	sbr.rel @p0 .LBB2_3-.Ltmp0, $4  }
0x40: {  	v5 =	vld [tilespmem:s24+$0x4840]  }
0x41: {  	v10 =	vmul.f32 v4, v7;
	v3 =	vld [tilespmem:s24+$0x4850]  }
0x42: {  	s25 =	sshra.s32 s26, $0x2;
	v7 =	vmul.f32 v2, v8;
	v4 =	vld [tilespmem:s24+$0x4860]  }
0x43: {  	s26 =	sadd.s32 $0x200, s26;
	v2 =	vld [tilespmem:s25+$0x2030];
	[tilespmem:s24+$0x7000] =	vst v10;
	v8 =	vmul.f32 v9, v0  }
0x44: {  	v9 =	vld [tilespmem:s25+$0x4870];
	[tilespmem:s24+$0x7010] =	vst v7;
	v6 =	vmul.f32 v6, v1  }
0x45: {  	v7 =	vld [tilespmem:s25+$0x2000];
	[tilespmem:s24+$0x7020] =	vst v8;
	v5 =	vmul.f32 v5, v0  }
0x46: {  	v8 =	vld [tilespmem:s25+$0x2010];
	[tilespmem:s24+$0x7030] =	vst v6;
	v52 =	vmul.f32 v3, v1  }
0x47: {  	v6 =	vld [tilespmem:s25+$0x2020];
	[tilespmem:s24+$0x7040] =	vst v5;
	v54 =	vmul.f32 v4, v0  }
0x48: {  	v53 =	vld [tilespmem:s25+$0x4800];
	[tilespmem:s24+$0x7050] =	vst v52  }
0x49: {  	v1 =	vld [tilespmem:s25+$0x4810];
	[tilespmem:s24+$0x7060] =	vst v54  }
0x4a: {  	v56 =	vld [tilespmem:s25+$0x4820]  }
0x4b: {  	v5 =	vld [tilespmem:s25+$0x4830]  }
0x4c: {  	v55 =	vmul.f32 v9, v2;
	v57 =	vld [tilespmem:s25+$0x4840]  }
0x4d: {  	v58 =	vld [tilespmem:s25+$0x4850];
	v3 =	vmul.f32 v53, v7  }
0x4e: {  	v59 =	vld [tilespmem:s25+$0x4860];
	[tilespmem:s25+$0x7070] =	vst v55;
	v1 =	vmul.f32 v1, v8  }
0x4f: {  	[tilespmem:s25+$0x7000] =	vst v3;
	v60 =	vmul.f32 v56, v6  }
0x50: {  	v61 =	vmul.f32 v5, v2;
	[tilespmem:s25+$0x7010] =	vst v1  }
0x51: {  	v0 =	vmul.f32 v57, v6;
	[tilespmem:s25+$0x7020] =	vst v60  }
0x52: {  	v62 =	vmul.f32 v58, v2;
	[tilespmem:s25+$0x7030] =	vst v61  }
0x53: {  	s22 =	sadd.s32 $0x1, s22;
	v63 =	vmul.f32 v59, v6;
	[tilespmem:s25+$0x7040] =	vst v0  }
0x54: {  	p0 =	sne.s32 s22, $0x19;
	[tilespmem:s25+$0x7050] =	vst v62  }
.Ltmp1:
0x55: {  	[tilespmem:s25+$0x7060] =	vst v63;
	(pc) =	sbr.rel @p0 .LBB2_2-.Ltmp1, $4  }
0x56: {  	[spmem:s1] =	stream.indirect.scatter.add.f32 [tilespmem:s19], [sflag:$0x2], $0x80, s23, s15, $0xb8;
	[tilespmem:$0x1D400] =	vst v63  }
0x57: {  	_ =	swait.ge [sflag:s13], $0x2800  }
0x58: {  	[sflag:s13] =	ssyncset.done $0x0  }
0x59: {  	[sflag:s13] =	ssyncadd.s32 $0xFFFFD800  }
0x5a: {  	s21 =	sadd.s32 $0x1, s21  }
0x5b: {  	p0 =	sne.s32 s21, s11  }
.Ltmp2:
0x5c: {  	[bflag:$0x0] =	sbarrier.arrive $0xFFFF;
	(pc) =	sbr.rel @p0 .LBB2_1-.Ltmp2, $4  }
0x5d: {  	[hbm:s20], [sflag:s8] =	dma.local [spmem:s12], $0x2780  }
0x5e: {  	_ =	swait.ge [sflag:s13], $0x2780  }
0x5f: {  	[sflag:s13] =	ssyncset.done $0x0  }
0x60: {  	[sflag:s13] =	ssyncadd.s32 $0xFFFFD880  }
0x61: {  	_ =	sfence.sel $0x180000  }
0x62: {  	[bflag:$0x0] =	sbarrier.arrive $0xFFFF  }
0x63: {  	p0 =	sne.s32 s2, $0x0;
	_ =	strace $0x9000005C  }
0x64: {  	s0 =	sadd.s32 @!p0 $0x100000, s0;
	[bflag:$0x2] =	sbarrier.arrive $0xFFFF  }
0x65: {  	[sflag:s0] =	ssyncadd.tile.s32 @!p0 $0x1;
	_ =	shalt  }
.Lfunc_end2:
_tile_overlayer_lowered:
.L_overlay_start_2:
0x66: {  	(tag) =	ssettag $0x2  }
0x67: {  	s0 =	rddreg [dreg:$0x0];
	s2 =	stileid.u32  }
0x68: {  	s1 =	rddreg [dreg:$0x1];
	p0 =	sne.s32 s2, $0x0  }
0x69: {  	s3 =	rddreg [dreg:$0x2];
	[bflag:$0x3] =	sbarrier.arrive $0xFFFF;
	s2 =	simm.s32 @!p0 $0x1C02  }
0x6a: {  	[timem:s3], [sflag:s2] =	dma.local @!p0 [hbm:s0], s1  }
0x6b: {  	s0 =	simm.s32 @!p0 $0x2  }
0x6c: {  	_ =	swait.ge @!p0 [sflag:s0], s1  }
0x6d: {  	s1 =	ssub.s32 @!p0 $0x0, s1;
	[sflag:s0] =	ssyncset.done @!p0 $0x0  }
0x6e: {  	[sflag:s0] =	ssyncadd.s32 @!p0 s1  }
0x6f: {  	[bflag:$0x3] =	sbarrier.arrive $0xFFFF  }
0x70: {  	_ =	shalt  }

</sc_bundles>
